<compile_context>
chip_gen: v7x
topology: tpu7x:2x2x1
jax: 0.10.2.dev20260603
libtpu: 0.0.44.dev20260713+nightly
codegen_flags: <defaults>
</compile_context>

<pallas_src>
import functools

import jax
import jax.numpy as jnp
from jax import lax
from jax.experimental import pallas as pl
from jax.experimental.pallas import tpu as pltpu
from jax.experimental.pallas import tpu_sc as plsc

B_ROWS, SEQ = 4096, 192
D = 48
DPAD = 128
NUM_CORES, NUM_SUBCORES = 2, 16
NW = NUM_CORES * NUM_SUBCORES
IPW = B_ROWS // NW
L = 16

NBUF = 4
GA = 3
MBUF = 4

_mesh = plsc.VectorSubcoreMesh(core_axis_name="c", subcore_axis_name="s")


@functools.partial(
    pl.kernel,
    out_type=jax.ShapeDtypeStruct((SEQ, D, B_ROWS), jnp.float32),
    mesh=_mesh,
    scratch_types=[
        pltpu.VMEM((SEQ, IPW), jnp.int32),
        pltpu.VMEM((NBUF, IPW, DPAD), jnp.float32),
        pltpu.VMEM((MBUF, D, IPW), jnp.float32),
        pltpu.SemaphoreType.DMA,
        pltpu.SemaphoreType.DMA,
    ],
    compiler_params=pltpu.CompilerParams(needs_layout_passes=False),
)
def _gather_t_kernel(table_hbm, idxt_hbm, out_hbm, idx_v, raw, stg, gsem, wsem):
    wid = lax.axis_index("s") * NUM_CORES + lax.axis_index("c")
    i0 = wid * IPW
    pltpu.sync_copy(idxt_hbm.at[wid], idx_v)

    lane = lax.iota(jnp.int32, L)
    row_ids = [lane + (v * L) for v in range(IPW // L)]

    def start_gather(j, b):
        pltpu.async_copy(table_hbm.at[idx_v.at[j]], raw.at[b], gsem)

    for b in range(GA):
        start_gather(b, b)

    @pl.loop(0, SEQ, step=NBUF)
    def _(j0):
        for b in range(NBUF):
            j = j0 + b
            pltpu.make_async_copy(
                table_hbm.at[pl.ds(0, IPW)], raw.at[b], gsem
            ).wait()

            @pl.when(j + GA < SEQ)
            def _():
                start_gather(j + GA, (b + GA) % NBUF)

            @pl.when(j >= MBUF)
            def _():
                pltpu.make_async_copy(
                    stg.at[b], out_hbm.at[0, :, pl.ds(0, IPW)], wsem
                ).wait()

            @pl.loop(0, L, unroll=2)
            def _(d):
                diag = lax.bitwise_and(lane + d, jnp.full((L,), L - 1, jnp.int32))
                colsets = [diag + (u * L) for u in range(D // L)]
                vecs = [
                    plsc.load_gather(raw.at[b], [row_ids[v], colsets[u]])
                    for v in range(IPW // L)
                    for u in range(D // L)
                ]
                n = 0
                for v in range(IPW // L):
                    for u in range(D // L):
                        plsc.store_scatter(
                            stg.at[b], [colsets[u], row_ids[v]], vecs[n]
                        )
                        n += 1

            pltpu.async_copy(stg.at[b], out_hbm.at[j, :, pl.ds(i0, IPW)], wsem)

    for _ in range(MBUF):
        pltpu.make_async_copy(
            stg.at[0], out_hbm.at[0, :, pl.ds(0, IPW)], wsem
        ).wait()


def kernel(camera_indices, table):
    table_p = jnp.pad(table, ((0, 0), (0, DPAD - D)))
    idx_blk = (
        camera_indices.astype(jnp.int32)
        .reshape(NW, IPW, SEQ)
        .transpose(0, 2, 1)
    )
    out_t = _gather_t_kernel(table_p, idx_blk)
    return out_t.transpose(2, 0, 1)

# --- scband reference (transcript-rebuilt; emitter-appended) ---
"""Pipeline reference for scband-nerfacto-model-6038724018410 (READ-ONLY COPY).

The authoritative reference and input builder live on the scoring server;
editing this copy changes nothing except your own understanding.
"""

import jax, jax.numpy as jnp
import numpy as np

NUM_IMAGES = 100000
EMBED_DIM = 48

def setup_inputs(seed: int = 0) -> dict:
    key = jax.random.key(seed)
    k_idx, k_tab = jax.random.split(key)
    camera_indices = jax.random.randint(k_idx, (4096, 192), 0, NUM_IMAGES, dtype=jnp.int64 if jax.config.jax_enable_x64 else jnp.int32)
    # embedding table initialized ~ N(0, 0.01) per nn.init.normal_(weight, 0, 0.01)
    table = jax.random.normal(k_tab, (NUM_IMAGES, EMBED_DIM), dtype=jnp.float32) * 0.01
    return {"camera_indices": camera_indices, "table": table}

def reference(camera_indices, table):
    # AppearanceEmbedding.forward: return self.embedding(camera_indices)
    return jnp.take(table, camera_indices, axis=0)

if __name__ == "__main__":
    import jax
    _d = setup_inputs()
    print(jax.jit(kernel)(*tuple(_d.values())))

</pallas_src>

<mosaic_0001>
#map = affine_map<(d0, d1) -> (0, 0)>
#map1 = affine_map<(d0, d1) -> (0, 0, 0)>
module attributes {stable_mosaic.version = 14 : i64} {
  func.func @_gather_t_kernel(%arg0: i32, %arg1: i32, %arg2: memref<100000x128xf32, #tpu.memory_space<hbm>>, %arg3: memref<32x192x128xi32, #tpu.memory_space<hbm>>, %arg4: memref<192x48x4096xf32, #tpu.memory_space<hbm>>, %arg5: memref<192x128xi32, #tpu.memory_space<vmem>>, %arg6: memref<4x128x128xf32, #tpu.memory_space<vmem>>, %arg7: memref<4x48x128xf32, #tpu.memory_space<vmem>>, %arg8: memref<!tpu.dma_semaphore, #tpu.memory_space<semaphore_mem>>, %arg9: memref<!tpu.dma_semaphore, #tpu.memory_space<semaphore_mem>>) attributes {dimension_semantics = [#tpu.dimension_semantics<core_parallel>, #tpu.dimension_semantics<subcore_parallel>], iteration_bounds = array<i64: 2, 16>, scalar_prefetch = 0 : i64, scratch_operands = 5 : i64, tpu.core_type = #tpu.core_type<sc_vector_subcore>, window_params = [{transform_indices = #map}, {transform_indices = #map1}, {transform_indices = #map1}]} {
    %mul3A = arith.constant 2 : i32
    %mul3A_0 = arith.muli %arg1, %mul3A : i32
    %add3A = arith.addi %mul3A_0, %arg0 : i32
    %mul3A_1 = arith.constant 128 : i32
    %mul3A_2 = arith.muli %add3A, %mul3A_1 : i32
    "tpu.region"() ({
      %run_scoped3A = tpu.sem_alloc : memref<!tpu.dma_semaphore, #tpu.memory_space<semaphore_mem>>
      %dma_start3A_137 = arith.constant 0 : i32
      %dma_start3A_138 = arith.constant 0 : i32
      %dma_start3A_139 = tpu.memref_slice %arg3[%add3A, %dma_start3A_137, %dma_start3A_138] : memref<32x192x128xi32, #tpu.memory_space<hbm>> -> memref<1x192x128xi32, #tpu.memory_space<hbm>>
      %dma_start3A_140 = tpu.memref_squeeze %dma_start3A_139 : memref<1x192x128xi32, #tpu.memory_space<hbm>> -> memref<192x128xi32, #tpu.memory_space<hbm>>
      %dma_start3A_141 = arith.constant 0 : i32
      %dma_start3A_142 = arith.constant 0 : i32
      %dma_start3A_143 = tpu.memref_slice %arg3[%add3A, %dma_start3A_141, %dma_start3A_142] : memref<32x192x128xi32, #tpu.memory_space<hbm>> -> memref<1x192x128xi32, #tpu.memory_space<hbm>>
      %dma_start3A_144 = tpu.memref_squeeze %dma_start3A_143 : memref<1x192x128xi32, #tpu.memory_space<hbm>> -> memref<192x128xi32, #tpu.memory_space<hbm>>
      tpu.enqueue_dma source(%dma_start3A_144 : memref<192x128xi32, #tpu.memory_space<hbm>>) target(%arg5 : memref<192x128xi32, #tpu.memory_space<vmem>>) target_semaphore(%run_scoped3A : memref<!tpu.dma_semaphore, #tpu.memory_space<semaphore_mem>>)
      %dma_wait3A_145 = arith.constant 0 : i32
      %dma_wait3A_146 = arith.constant 0 : i32
      %dma_wait3A_147 = tpu.memref_slice %arg3[%add3A, %dma_wait3A_145, %dma_wait3A_146] : memref<32x192x128xi32, #tpu.memory_space<hbm>> -> memref<1x192x128xi32, #tpu.memory_space<hbm>>
      %dma_wait3A_148 = tpu.memref_squeeze %dma_wait3A_147 : memref<1x192x128xi32, #tpu.memory_space<hbm>> -> memref<192x128xi32, #tpu.memory_space<hbm>>
      %dma_wait3A_149 = arith.constant 0 : i32
      %dma_wait3A_150 = arith.constant 0 : i32
      %dma_wait3A_151 = tpu.memref_slice %arg3[%add3A, %dma_wait3A_149, %dma_wait3A_150] : memref<32x192x128xi32, #tpu.memory_space<hbm>> -> memref<1x192x128xi32, #tpu.memory_space<hbm>>
      %dma_wait3A_152 = tpu.memref_squeeze %dma_wait3A_151 : memref<1x192x128xi32, #tpu.memory_space<hbm>> -> memref<192x128xi32, #tpu.memory_space<hbm>>
      tpu.wait_dma2 semaphore(%run_scoped3A : memref<!tpu.dma_semaphore, #tpu.memory_space<semaphore_mem>>) src(%dma_wait3A_152 : memref<192x128xi32, #tpu.memory_space<hbm>>) dst(%arg5 : memref<192x128xi32, #tpu.memory_space<vmem>>)
      tpu.yield
    }) : () -> ()
    %iota3A = tpu.iota {dimensions = array<i32: 0>} : vector<16xi32>
    %add3A_3 = arith.constant 0 : i32
    %add3A_4 = vector.broadcast %add3A_3 : i32 to vector<16xi32>
    %add3A_5 = arith.addi %iota3A, %add3A_4 : vector<16xi32>
    %add3A_6 = arith.constant 16 : i32
    %add3A_7 = vector.broadcast %add3A_6 : i32 to vector<16xi32>
    %add3A_8 = arith.addi %iota3A, %add3A_7 : vector<16xi32>
    %add3A_9 = arith.constant 32 : i32
    %add3A_10 = vector.broadcast %add3A_9 : i32 to vector<16xi32>
    %add3A_11 = arith.addi %iota3A, %add3A_10 : vector<16xi32>
    %add3A_12 = arith.constant 48 : i32
    %add3A_13 = vector.broadcast %add3A_12 : i32 to vector<16xi32>
    %add3A_14 = arith.addi %iota3A, %add3A_13 : vector<16xi32>
    %add3A_15 = arith.constant 64 : i32
    %add3A_16 = vector.broadcast %add3A_15 : i32 to vector<16xi32>
    %add3A_17 = arith.addi %iota3A, %add3A_16 : vector<16xi32>
    %add3A_18 = arith.constant 80 : i32
    %add3A_19 = vector.broadcast %add3A_18 : i32 to vector<16xi32>
    %add3A_20 = arith.addi %iota3A, %add3A_19 : vector<16xi32>
    %add3A_21 = arith.constant 96 : i32
    %add3A_22 = vector.broadcast %add3A_21 : i32 to vector<16xi32>
    %add3A_23 = arith.addi %iota3A, %add3A_22 : vector<16xi32>
    %add3A_24 = arith.constant 112 : i32
    %add3A_25 = vector.broadcast %add3A_24 : i32 to vector<16xi32>
    %add3A_26 = arith.addi %iota3A, %add3A_25 : vector<16xi32>
    %dma_start3A = arith.constant 0 : i32
    %dma_start3A_27 = arith.constant 0 : i32
    %dma_start3A_28 = arith.constant 0 : i32
    %dma_start3A_29 = arith.constant 0 : i32
    %dma_start3A_30 = tpu.memref_slice %arg6[%dma_start3A_27, %dma_start3A_28, %dma_start3A_29] : memref<4x128x128xf32, #tpu.memory_space<vmem>> -> memref<1x128x128xf32, #tpu.memory_space<vmem>>
    %dma_start3A_31 = tpu.memref_squeeze %dma_start3A_30 : memref<1x128x128xf32, #tpu.memory_space<vmem>> -> memref<128x128xf32, #tpu.memory_space<vmem>>
    %dma_start3A_32 = arith.constant 0 : i32
    %dma_start3A_33 = tpu.memref_slice %arg5[%dma_start3A, %dma_start3A_32] : memref<192x128xi32, #tpu.memory_space<vmem>> -> memref<1x128xi32, #tpu.memory_space<vmem>>
    %dma_start3A_34 = tpu.memref_squeeze %dma_start3A_33 : memref<1x128xi32, #tpu.memory_space<vmem>> -> memref<128xi32, #tpu.memory_space<vmem>>
    %dma_start3A_35 = arith.constant 0 : i32
    %dma_start3A_36 = arith.constant 0 : i32
    %dma_start3A_37 = tpu.memref_slice %arg2[%dma_start3A_35, %dma_start3A_36] : memref<100000x128xf32, #tpu.memory_space<hbm>> -> memref<100000x128xf32, #tpu.memory_space<hbm>>
    tpu.enqueue_indirect_dma source(%dma_start3A_37 : memref<100000x128xf32, #tpu.memory_space<hbm>>) target(%dma_start3A_31 : memref<128x128xf32, #tpu.memory_space<vmem>>) offsets(%dma_start3A_34 : memref<128xi32, #tpu.memory_space<vmem>>) semaphore(%arg8 : memref<!tpu.dma_semaphore, #tpu.memory_space<semaphore_mem>>)
    %dma_start3A_38 = arith.constant 1 : i32
    %dma_start3A_39 = arith.constant 1 : i32
    %dma_start3A_40 = arith.constant 0 : i32
    %dma_start3A_41 = arith.constant 0 : i32
    %dma_start3A_42 = tpu.memref_slice %arg6[%dma_start3A_39, %dma_start3A_40, %dma_start3A_41] : memref<4x128x128xf32, #tpu.memory_space<vmem>> -> memref<1x128x128xf32, #tpu.memory_space<vmem>>
    %dma_start3A_43 = tpu.memref_squeeze %dma_start3A_42 : memref<1x128x128xf32, #tpu.memory_space<vmem>> -> memref<128x128xf32, #tpu.memory_space<vmem>>
    %dma_start3A_44 = arith.constant 0 : i32
    %dma_start3A_45 = tpu.memref_slice %arg5[%dma_start3A_38, %dma_start3A_44] : memref<192x128xi32, #tpu.memory_space<vmem>> -> memref<1x128xi32, #tpu.memory_space<vmem>>
    %dma_start3A_46 = tpu.memref_squeeze %dma_start3A_45 : memref<1x128xi32, #tpu.memory_space<vmem>> -> memref<128xi32, #tpu.memory_space<vmem>>
    %dma_start3A_47 = arith.constant 0 : i32
    %dma_start3A_48 = arith.constant 0 : i32
    %dma_start3A_49 = tpu.memref_slice %arg2[%dma_start3A_47, %dma_start3A_48] : memref<100000x128xf32, #tpu.memory_space<hbm>> -> memref<100000x128xf32, #tpu.memory_space<hbm>>
    tpu.enqueue_indirect_dma source(%dma_start3A_49 : memref<100000x128xf32, #tpu.memory_space<hbm>>) target(%dma_start3A_43 : memref<128x128xf32, #tpu.memory_space<vmem>>) offsets(%dma_start3A_46 : memref<128xi32, #tpu.memory_space<vmem>>) semaphore(%arg8 : memref<!tpu.dma_semaphore, #tpu.memory_space<semaphore_mem>>)
    %dma_start3A_50 = arith.constant 2 : i32
    %dma_start3A_51 = arith.constant 2 : i32
    %dma_start3A_52 = arith.constant 0 : i32
    %dma_start3A_53 = arith.constant 0 : i32
    %dma_start3A_54 = tpu.memref_slice %arg6[%dma_start3A_51, %dma_start3A_52, %dma_start3A_53] : memref<4x128x128xf32, #tpu.memory_space<vmem>> -> memref<1x128x128xf32, #tpu.memory_space<vmem>>
    %dma_start3A_55 = tpu.memref_squeeze %dma_start3A_54 : memref<1x128x128xf32, #tpu.memory_space<vmem>> -> memref<128x128xf32, #tpu.memory_space<vmem>>
    %dma_start3A_56 = arith.constant 0 : i32
    %dma_start3A_57 = tpu.memref_slice %arg5[%dma_start3A_50, %dma_start3A_56] : memref<192x128xi32, #tpu.memory_space<vmem>> -> memref<1x128xi32, #tpu.memory_space<vmem>>
    %dma_start3A_58 = tpu.memref_squeeze %dma_start3A_57 : memref<1x128xi32, #tpu.memory_space<vmem>> -> memref<128xi32, #tpu.memory_space<vmem>>
    %dma_start3A_59 = arith.constant 0 : i32
    %dma_start3A_60 = arith.constant 0 : i32
    %dma_start3A_61 = tpu.memref_slice %arg2[%dma_start3A_59, %dma_start3A_60] : memref<100000x128xf32, #tpu.memory_space<hbm>> -> memref<100000x128xf32, #tpu.memory_space<hbm>>
    tpu.enqueue_indirect_dma source(%dma_start3A_61 : memref<100000x128xf32, #tpu.memory_space<hbm>>) target(%dma_start3A_55 : memref<128x128xf32, #tpu.memory_space<vmem>>) offsets(%dma_start3A_58 : memref<128xi32, #tpu.memory_space<vmem>>) semaphore(%arg8 : memref<!tpu.dma_semaphore, #tpu.memory_space<semaphore_mem>>)
    %scan3A = arith.constant 0 : i32
    %scan3A_62 = arith.constant 48 : i32
    %scan3A_63 = arith.addi %scan3A, %scan3A_62 : i32
    %scan3A_64 = arith.constant 1 : i32
    scf.for %scan3A_137 = %scan3A to %scan3A_63 step %scan3A_64  : i32 {
      %mul3A_138 = arith.constant 4 : i32
      %mul3A_139 = arith.muli %scan3A_137, %mul3A_138 : i32
      %add3A_140 = arith.constant 0 : i32
      %add3A_141 = arith.addi %add3A_140, %mul3A_139 : i32
      %add3A_142 = arith.constant 0 : i32
      %add3A_143 = arith.addi %add3A_141, %add3A_142 : i32
      %dma_wait3A_144 = arith.constant 0 : i32
      %dma_wait3A_145 = arith.constant 0 : i32
      %dma_wait3A_146 = arith.constant 0 : i32
      %dma_wait3A_147 = tpu.memref_slice %arg6[%dma_wait3A_144, %dma_wait3A_145, %dma_wait3A_146] : memref<4x128x128xf32, #tpu.memory_space<vmem>> -> memref<1x128x128xf32, #tpu.memory_space<vmem>>
      %dma_wait3A_148 = tpu.memref_squeeze %dma_wait3A_147 : memref<1x128x128xf32, #tpu.memory_space<vmem>> -> memref<128x128xf32, #tpu.memory_space<vmem>>
      %dma_wait3A_149 = arith.constant 0 : i32
      %dma_wait3A_150 = arith.constant 0 : i32
      %dma_wait3A_151 = tpu.memref_slice %arg2[%dma_wait3A_149, %dma_wait3A_150] : memref<100000x128xf32, #tpu.memory_space<hbm>> -> memref<128x128xf32, #tpu.memory_space<hbm>>
      %dma_wait3A_152 = arith.constant 0 : i32
      %dma_wait3A_153 = arith.constant 0 : i32
      %dma_wait3A_154 = tpu.memref_slice %arg6[%dma_wait3A_144, %dma_wait3A_152, %dma_wait3A_153] : memref<4x128x128xf32, #tpu.memory_space<vmem>> -> memref<1x128x128xf32, #tpu.memory_space<vmem>>
      %dma_wait3A_155 = tpu.memref_squeeze %dma_wait3A_154 : memref<1x128x128xf32, #tpu.memory_space<vmem>> -> memref<128x128xf32, #tpu.memory_space<vmem>>
      %dma_wait3A_156 = arith.constant 0 : i32
      %dma_wait3A_157 = arith.constant 0 : i32
      %dma_wait3A_158 = tpu.memref_slice %arg2[%dma_wait3A_156, %dma_wait3A_157] : memref<100000x128xf32, #tpu.memory_space<hbm>> -> memref<128x128xf32, #tpu.memory_space<hbm>>
      tpu.wait_dma2 semaphore(%arg8 : memref<!tpu.dma_semaphore, #tpu.memory_space<semaphore_mem>>) src(%dma_wait3A_158 : memref<128x128xf32, #tpu.memory_space<hbm>>) dst(%dma_wait3A_155 : memref<128x128xf32, #tpu.memory_space<vmem>>)
      %add3A_159 = arith.constant 3 : i32
      %add3A_160 = arith.addi %add3A_143, %add3A_159 : i32
      %lt3A = arith.constant 192 : i32
      %lt3A_161 = arith.cmpi slt, %add3A_160, %lt3A : i32
      %convert_element_type3A = arith.extui %lt3A_161 : i1 to i32
      %cond3A = arith.constant 0 : i32
      %cond3A_162 = arith.cmpi ne, %convert_element_type3A, %cond3A : i32
      scf.if %cond3A_162 {
        %add3A_334 = arith.constant 3 : i32
        %add3A_335 = arith.addi %add3A_143, %add3A_334 : i32
        %dma_start3A_336 = arith.constant 3 : i32
        %dma_start3A_337 = arith.constant 0 : i32
        %dma_start3A_338 = arith.constant 0 : i32
        %dma_start3A_339 = tpu.memref_slice %arg6[%dma_start3A_336, %dma_start3A_337, %dma_start3A_338] : memref<4x128x128xf32, #tpu.memory_space<vmem>> -> memref<1x128x128xf32, #tpu.memory_space<vmem>>
        %dma_start3A_340 = tpu.memref_squeeze %dma_start3A_339 : memref<1x128x128xf32, #tpu.memory_space<vmem>> -> memref<128x128xf32, #tpu.memory_space<vmem>>
        %dma_start3A_341 = arith.constant 0 : i32
        %dma_start3A_342 = tpu.memref_slice %arg5[%add3A_335, %dma_start3A_341] : memref<192x128xi32, #tpu.memory_space<vmem>> -> memref<1x128xi32, #tpu.memory_space<vmem>>
        %dma_start3A_343 = tpu.memref_squeeze %dma_start3A_342 : memref<1x128xi32, #tpu.memory_space<vmem>> -> memref<128xi32, #tpu.memory_space<vmem>>
        %dma_start3A_344 = arith.constant 0 : i32
        %dma_start3A_345 = arith.constant 0 : i32
        %dma_start3A_346 = tpu.memref_slice %arg2[%dma_start3A_344, %dma_start3A_345] : memref<100000x128xf32, #tpu.memory_space<hbm>> -> memref<100000x128xf32, #tpu.memory_space<hbm>>
        tpu.enqueue_indirect_dma source(%dma_start3A_346 : memref<100000x128xf32, #tpu.memory_space<hbm>>) target(%dma_start3A_340 : memref<128x128xf32, #tpu.memory_space<vmem>>) offsets(%dma_start3A_343 : memref<128xi32, #tpu.memory_space<vmem>>) semaphore(%arg8 : memref<!tpu.dma_semaphore, #tpu.memory_space<semaphore_mem>>)
      } else {
      }
      %ge3A = arith.constant 4 : i32
      %ge3A_163 = arith.cmpi sge, %add3A_143, %ge3A : i32
      %convert_element_type3A_164 = arith.extui %ge3A_163 : i1 to i32
      %cond3A_165 = arith.constant 0 : i32
      %cond3A_166 = arith.cmpi ne, %convert_element_type3A_164, %cond3A_165 : i32
      scf.if %cond3A_166 {
        %dma_wait3A_334 = arith.constant 0 : i32
        %dma_wait3A_335 = arith.constant 0 : i32
        %dma_wait3A_336 = arith.constant 0 : i32
        %dma_wait3A_337 = arith.constant 0 : i32
        %dma_wait3A_338 = tpu.memref_slice %arg7[%dma_wait3A_334, %dma_wait3A_336, %dma_wait3A_337] : memref<4x48x128xf32, #tpu.memory_space<vmem>> -> memref<1x48x128xf32, #tpu.memory_space<vmem>>
        %dma_wait3A_339 = tpu.memref_squeeze %dma_wait3A_338 : memref<1x48x128xf32, #tpu.memory_space<vmem>> -> memref<48x128xf32, #tpu.memory_space<vmem>>
        %dma_wait3A_340 = arith.constant 0 : i32
        %dma_wait3A_341 = arith.constant 0 : i32
        %dma_wait3A_342 = tpu.memref_slice %arg4[%dma_wait3A_335, %dma_wait3A_340, %dma_wait3A_341] : memref<192x48x4096xf32, #tpu.memory_space<hbm>> -> memref<1x48x128xf32, #tpu.memory_space<hbm>>
        %dma_wait3A_343 = tpu.memref_squeeze %dma_wait3A_342 : memref<1x48x128xf32, #tpu.memory_space<hbm>> -> memref<48x128xf32, #tpu.memory_space<hbm>>
        %dma_wait3A_344 = arith.constant 0 : i32
        %dma_wait3A_345 = arith.constant 0 : i32
        %dma_wait3A_346 = tpu.memref_slice %arg4[%dma_wait3A_335, %dma_wait3A_344, %dma_wait3A_345] : memref<192x48x4096xf32, #tpu.memory_space<hbm>> -> memref<1x48x128xf32, #tpu.memory_space<hbm>>
        %dma_wait3A_347 = tpu.memref_squeeze %dma_wait3A_346 : memref<1x48x128xf32, #tpu.memory_space<hbm>> -> memref<48x128xf32, #tpu.memory_space<hbm>>
        %dma_wait3A_348 = arith.constant 0 : i32
        %dma_wait3A_349 = arith.constant 0 : i32
        %dma_wait3A_350 = tpu.memref_slice %arg7[%dma_wait3A_334, %dma_wait3A_348, %dma_wait3A_349] : memref<4x48x128xf32, #tpu.memory_space<vmem>> -> memref<1x48x128xf32, #tpu.memory_space<vmem>>
        %dma_wait3A_351 = tpu.memref_squeeze %dma_wait3A_350 : memref<1x48x128xf32, #tpu.memory_space<vmem>> -> memref<48x128xf32, #tpu.memory_space<vmem>>
        tpu.wait_dma2 semaphore(%arg9 : memref<!tpu.dma_semaphore, #tpu.memory_space<semaphore_mem>>) src(%dma_wait3A_351 : memref<48x128xf32, #tpu.memory_space<vmem>>) dst(%dma_wait3A_347 : memref<48x128xf32, #tpu.memory_space<hbm>>)
      } else {
      }
      %scan3A_167 = arith.constant 0 : i32
      %scan3A_168 = arith.constant 16 : i32
      %scan3A_169 = arith.addi %scan3A_167, %scan3A_168 : i32
      %scan3A_170 = arith.constant 2 : i32
      scf.for %scan3A_334 = %scan3A_167 to %scan3A_169 step %scan3A_170  : i32 {
        %mul3A_335 = arith.constant 1 : i32
        %mul3A_336 = arith.muli %scan3A_334, %mul3A_335 : i32
        %add3A_337 = arith.constant 0 : i32
        %add3A_338 = arith.addi %add3A_337, %mul3A_336 : i32
        %add3A_339 = vector.broadcast %add3A_338 : i32 to vector<16xi32>
        %add3A_340 = arith.addi %iota3A, %add3A_339 : vector<16xi32>
        %broadcast_in_dim3A = arith.constant 15 : i32
        %broadcast_in_dim3A_341 = vector.broadcast %broadcast_in_dim3A : i32 to vector<16xi32>
        %and3A = arith.andi %add3A_340, %broadcast_in_dim3A_341 : vector<16xi32>
        %add3A_342 = arith.constant 0 : i32
        %add3A_343 = vector.broadcast %add3A_342 : i32 to vector<16xi32>
        %add3A_344 = arith.addi %and3A, %add3A_343 : vector<16xi32>
        %add3A_345 = arith.constant 16 : i32
        %add3A_346 = vector.broadcast %add3A_345 : i32 to vector<16xi32>
        %add3A_347 = arith.addi %and3A, %add3A_346 : vector<16xi32>
        %add3A_348 = arith.constant 32 : i32
        %add3A_349 = vector.broadcast %add3A_348 : i32 to vector<16xi32>
        %add3A_350 = arith.addi %and3A, %add3A_349 : vector<16xi32>
        %gather3A = arith.constant 0 : i32
        %gather3A_351 = arith.constant 0 : i32
        %gather3A_352 = arith.constant 0 : i32
        %gather3A_353 = tpu.memref_slice %arg6[%gather3A, %gather3A_351, %gather3A_352] : memref<4x128x128xf32, #tpu.memory_space<vmem>> -> memref<1x128x128xf32, #tpu.memory_space<vmem>>
        %gather3A_354 = tpu.memref_squeeze %gather3A_353 : memref<1x128x128xf32, #tpu.memory_space<vmem>> -> memref<128x128xf32, #tpu.memory_space<vmem>>
        %gather3A_355 = tpu.vector_load_idx %gather3A_354[%add3A_5, %add3A_344] : memref<128x128xf32, #tpu.memory_space<vmem>>[vector<16xi32>, vector<16xi32>], vector<16xf32>,
        %gather3A_356 = arith.constant 0 : i32
        %gather3A_357 = arith.constant 0 : i32
        %gather3A_358 = arith.constant 0 : i32
        %gather3A_359 = tpu.memref_slice %arg6[%gather3A_356, %gather3A_357, %gather3A_358] : memref<4x128x128xf32, #tpu.memory_space<vmem>> -> memref<1x128x128xf32, #tpu.memory_space<vmem>>
        %gather3A_360 = tpu.memref_squeeze %gather3A_359 : memref<1x128x128xf32, #tpu.memory_space<vmem>> -> memref<128x128xf32, #tpu.memory_space<vmem>>
        %gather3A_361 = tpu.vector_load_idx %gather3A_360[%add3A_5, %add3A_347] : memref<128x128xf32, #tpu.memory_space<vmem>>[vector<16xi32>, vector<16xi32>], vector<16xf32>,
        %gather3A_362 = arith.constant 0 : i32
        %gather3A_363 = arith.constant 0 : i32
        %gather3A_364 = arith.constant 0 : i32
        %gather3A_365 = tpu.memref_slice %arg6[%gather3A_362, %gather3A_363, %gather3A_364] : memref<4x128x128xf32, #tpu.memory_space<vmem>> -> memref<1x128x128xf32, #tpu.memory_space<vmem>>
        %gather3A_366 = tpu.memref_squeeze %gather3A_365 : memref<1x128x128xf32, #tpu.memory_space<vmem>> -> memref<128x128xf32, #tpu.memory_space<vmem>>
        %gather3A_367 = tpu.vector_load_idx %gather3A_366[%add3A_5, %add3A_350] : memref<128x128xf32, #tpu.memory_space<vmem>>[vector<16xi32>, vector<16xi32>], vector<16xf32>,
        %gather3A_368 = arith.constant 0 : i32
        %gather3A_369 = arith.constant 0 : i32
        %gather3A_370 = arith.constant 0 : i32
        %gather3A_371 = tpu.memref_slice %arg6[%gather3A_368, %gather3A_369, %gather3A_370] : memref<4x128x128xf32, #tpu.memory_space<vmem>> -> memref<1x128x128xf32, #tpu.memory_space<vmem>>
        %gather3A_372 = tpu.memref_squeeze %gather3A_371 : memref<1x128x128xf32, #tpu.memory_space<vmem>> -> memref<128x128xf32, #tpu.memory_space<vmem>>
        %gather3A_373 = tpu.vector_load_idx %gather3A_372[%add3A_8, %add3A_344] : memref<128x128xf32, #tpu.memory_space<vmem>>[vector<16xi32>, vector<16xi32>], vector<16xf32>,
        %gather3A_374 = arith.constant 0 : i32
        %gather3A_375 = arith.constant 0 : i32
        %gather3A_376 = arith.constant 0 : i32
        %gather3A_377 = tpu.memref_slice %arg6[%gather3A_374, %gather3A_375, %gather3A_376] : memref<4x128x128xf32, #tpu.memory_space<vmem>> -> memref<1x128x128xf32, #tpu.memory_space<vmem>>
        %gather3A_378 = tpu.memref_squeeze %gather3A_377 : memref<1x128x128xf32, #tpu.memory_space<vmem>> -> memref<128x128xf32, #tpu.memory_space<vmem>>
        %gather3A_379 = tpu.vector_load_idx %gather3A_378[%add3A_8, %add3A_347] : memref<128x128xf32, #tpu.memory_space<vmem>>[vector<16xi32>, vector<16xi32>], vector<16xf32>,
        %gather3A_380 = arith.constant 0 : i32
        %gather3A_381 = arith.constant 0 : i32
        %gather3A_382 = arith.constant 0 : i32
        %gather3A_383 = tpu.memref_slice %arg6[%gather3A_380, %gather3A_381, %gather3A_382] : memref<4x128x128xf32, #tpu.memory_space<vmem>> -> memref<1x128x128xf32, #tpu.memory_space<vmem>>
        %gather3A_384 = tpu.memref_squeeze %gather3A_383 : memref<1x128x128xf32, #tpu.memory_space<vmem>> -> memref<128x128xf32, #tpu.memory_space<vmem>>
        %gather3A_385 = tpu.vector_load_idx %gather3A_384[%add3A_8, %add3A_350] : memref<128x128xf32, #tpu.memory_space<vmem>>[vector<16xi32>, vector<16xi32>], vector<16xf32>,
        %gather3A_386 = arith.constant 0 : i32
        %gather3A_387 = arith.constant 0 : i32
        %gather3A_388 = arith.constant 0 : i32
        %gather3A_389 = tpu.memref_slice %arg6[%gather3A_386, %gather3A_387, %gather3A_388] : memref<4x128x128xf32, #tpu.memory_space<vmem>> -> memref<1x128x128xf32, #tpu.memory_space<vmem>>
        %gather3A_390 = tpu.memref_squeeze %gather3A_389 : memref<1x128x128xf32, #tpu.memory_space<vmem>> -> memref<128x128xf32, #tpu.memory_space<vmem>>
        %gather3A_391 = tpu.vector_load_idx %gather3A_390[%add3A_11, %add3A_344] : memref<128x128xf32, #tpu.memory_space<vmem>>[vector<16xi32>, vector<16xi32>], vector<16xf32>,
        %gather3A_392 = arith.constant 0 : i32
        %gather3A_393 = arith.constant 0 : i32
        %gather3A_394 = arith.constant 0 : i32
        %gather3A_395 = tpu.memref_slice %arg6[%gather3A_392, %gather3A_393, %gather3A_394] : memref<4x128x128xf32, #tpu.memory_space<vmem>> -> memref<1x128x128xf32, #tpu.memory_space<vmem>>
        %gather3A_396 = tpu.memref_squeeze %gather3A_395 : memref<1x128x128xf32, #tpu.memory_space<vmem>> -> memref<128x128xf32, #tpu.memory_space<vmem>>
        %gather3A_397 = tpu.vector_load_idx %gather3A_396[%add3A_11, %add3A_347] : memref<128x128xf32, #tpu.memory_space<vmem>>[vector<16xi32>, vector<16xi32>], vector<16xf32>,
        %gather3A_398 = arith.constant 0 : i32
        %gather3A_399 = arith.constant 0 : i32
        %gather3A_400 = arith.constant 0 : i32
        %gather3A_401 = tpu.memref_slice %arg6[%gather3A_398, %gather3A_399, %gather3A_400] : memref<4x128x128xf32, #tpu.memory_space<vmem>> -> memref<1x128x128xf32, #tpu.memory_space<vmem>>
        %gather3A_402 = tpu.memref_squeeze %gather3A_401 : memref<1x128x128xf32, #tpu.memory_space<vmem>> -> memref<128x128xf32, #tpu.memory_space<vmem>>
        %gather3A_403 = tpu.vector_load_idx %gather3A_402[%add3A_11, %add3A_350] : memref<128x128xf32, #tpu.memory_space<vmem>>[vector<16xi32>, vector<16xi32>], vector<16xf32>,
        %gather3A_404 = arith.constant 0 : i32
        %gather3A_405 = arith.constant 0 : i32
        %gather3A_406 = arith.constant 0 : i32
        %gather3A_407 = tpu.memref_slice %arg6[%gather3A_404, %gather3A_405, %gather3A_406] : memref<4x128x128xf32, #tpu.memory_space<vmem>> -> memref<1x128x128xf32, #tpu.memory_space<vmem>>
        %gather3A_408 = tpu.memref_squeeze %gather3A_407 : memref<1x128x128xf32, #tpu.memory_space<vmem>> -> memref<128x128xf32, #tpu.memory_space<vmem>>
        %gather3A_409 = tpu.vector_load_idx %gather3A_408[%add3A_14, %add3A_344] : memref<128x128xf32, #tpu.memory_space<vmem>>[vector<16xi32>, vector<16xi32>], vector<16xf32>,
        %gather3A_410 = arith.constant 0 : i32
        %gather3A_411 = arith.constant 0 : i32
        %gather3A_412 = arith.constant 0 : i32
        %gather3A_413 = tpu.memref_slice %arg6[%gather3A_410, %gather3A_411, %gather3A_412] : memref<4x128x128xf32, #tpu.memory_space<vmem>> -> memref<1x128x128xf32, #tpu.memory_space<vmem>>
        %gather3A_414 = tpu.memref_squeeze %gather3A_413 : memref<1x128x128xf32, #tpu.memory_space<vmem>> -> memref<128x128xf32, #tpu.memory_space<vmem>>
        %gather3A_415 = tpu.vector_load_idx %gather3A_414[%add3A_14, %add3A_347] : memref<128x128xf32, #tpu.memory_space<vmem>>[vector<16xi32>, vector<16xi32>], vector<16xf32>,
        %gather3A_416 = arith.constant 0 : i32
        %gather3A_417 = arith.constant 0 : i32
        %gather3A_418 = arith.constant 0 : i32
        %gather3A_419 = tpu.memref_slice %arg6[%gather3A_416, %gather3A_417, %gather3A_418] : memref<4x128x128xf32, #tpu.memory_space<vmem>> -> memref<1x128x128xf32, #tpu.memory_space<vmem>>
        %gather3A_420 = tpu.memref_squeeze %gather3A_419 : memref<1x128x128xf32, #tpu.memory_space<vmem>> -> memref<128x128xf32, #tpu.memory_space<vmem>>
        %gather3A_421 = tpu.vector_load_idx %gather3A_420[%add3A_14, %add3A_350] : memref<128x128xf32, #tpu.memory_space<vmem>>[vector<16xi32>, vector<16xi32>], vector<16xf32>,
        %gather3A_422 = arith.constant 0 : i32
        %gather3A_423 = arith.constant 0 : i32
        %gather3A_424 = arith.constant 0 : i32
        %gather3A_425 = tpu.memref_slice %arg6[%gather3A_422, %gather3A_423, %gather3A_424] : memref<4x128x128xf32, #tpu.memory_space<vmem>> -> memref<1x128x128xf32, #tpu.memory_space<vmem>>
        %gather3A_426 = tpu.memref_squeeze %gather3A_425 : memref<1x128x128xf32, #tpu.memory_space<vmem>> -> memref<128x128xf32, #tpu.memory_space<vmem>>
        %gather3A_427 = tpu.vector_load_idx %gather3A_426[%add3A_17, %add3A_344] : memref<128x128xf32, #tpu.memory_space<vmem>>[vector<16xi32>, vector<16xi32>], vector<16xf32>,
        %gather3A_428 = arith.constant 0 : i32
        %gather3A_429 = arith.constant 0 : i32
        %gather3A_430 = arith.constant 0 : i32
        %gather3A_431 = tpu.memref_slice %arg6[%gather3A_428, %gather3A_429, %gather3A_430] : memref<4x128x128xf32, #tpu.memory_space<vmem>> -> memref<1x128x128xf32, #tpu.memory_space<vmem>>
        %gather3A_432 = tpu.memref_squeeze %gather3A_431 : memref<1x128x128xf32, #tpu.memory_space<vmem>> -> memref<128x128xf32, #tpu.memory_space<vmem>>
        %gather3A_433 = tpu.vector_load_idx %gather3A_432[%add3A_17, %add3A_347] : memref<128x128xf32, #tpu.memory_space<vmem>>[vector<16xi32>, vector<16xi32>], vector<16xf32>,
        %gather3A_434 = arith.constant 0 : i32
        %gather3A_435 = arith.constant 0 : i32
        %gather3A_436 = arith.constant 0 : i32
        %gather3A_437 = tpu.memref_slice %arg6[%gather3A_434, %gather3A_435, %gather3A_436] : memref<4x128x128xf32, #tpu.memory_space<vmem>> -> memref<1x128x128xf32, #tpu.memory_space<vmem>>
        %gather3A_438 = tpu.memref_squeeze %gather3A_437 : memref<1x128x128xf32, #tpu.memory_space<vmem>> -> memref<128x128xf32, #tpu.memory_space<vmem>>
        %gather3A_439 = tpu.vector_load_idx %gather3A_438[%add3A_17, %add3A_350] : memref<128x128xf32, #tpu.memory_space<vmem>>[vector<16xi32>, vector<16xi32>], vector<16xf32>,
        %gather3A_440 = arith.constant 0 : i32
        %gather3A_441 = arith.constant 0 : i32
        %gather3A_442 = arith.constant 0 : i32
        %gather3A_443 = tpu.memref_slice %arg6[%gather3A_440, %gather3A_441, %gather3A_442] : memref<4x128x128xf32, #tpu.memory_space<vmem>> -> memref<1x128x128xf32, #tpu.memory_space<vmem>>
        %gather3A_444 = tpu.memref_squeeze %gather3A_443 : memref<1x128x128xf32, #tpu.memory_space<vmem>> -> memref<128x128xf32, #tpu.memory_space<vmem>>
        %gather3A_445 = tpu.vector_load_idx %gather3A_444[%add3A_20, %add3A_344] : memref<128x128xf32, #tpu.memory_space<vmem>>[vector<16xi32>, vector<16xi32>], vector<16xf32>,
        %gather3A_446 = arith.constant 0 : i32
        %gather3A_447 = arith.constant 0 : i32
        %gather3A_448 = arith.constant 0 : i32
        %gather3A_449 = tpu.memref_slice %arg6[%gather3A_446, %gather3A_447, %gather3A_448] : memref<4x128x128xf32, #tpu.memory_space<vmem>> -> memref<1x128x128xf32, #tpu.memory_space<vmem>>
        %gather3A_450 = tpu.memref_squeeze %gather3A_449 : memref<1x128x128xf32, #tpu.memory_space<vmem>> -> memref<128x128xf32, #tpu.memory_space<vmem>>
        %gather3A_451 = tpu.vector_load_idx %gather3A_450[%add3A_20, %add3A_347] : memref<128x128xf32, #tpu.memory_space<vmem>>[vector<16xi32>, vector<16xi32>], vector<16xf32>,
        %gather3A_452 = arith.constant 0 : i32
        %gather3A_453 = arith.constant 0 : i32
        %gather3A_454 = arith.constant 0 : i32
        %gather3A_455 = tpu.memref_slice %arg6[%gather3A_452, %gather3A_453, %gather3A_454] : memref<4x128x128xf32, #tpu.memory_space<vmem>> -> memref<1x128x128xf32, #tpu.memory_space<vmem>>
        %gather3A_456 = tpu.memref_squeeze %gather3A_455 : memref<1x128x128xf32, #tpu.memory_space<vmem>> -> memref<128x128xf32, #tpu.memory_space<vmem>>
        %gather3A_457 = tpu.vector_load_idx %gather3A_456[%add3A_20, %add3A_350] : memref<128x128xf32, #tpu.memory_space<vmem>>[vector<16xi32>, vector<16xi32>], vector<16xf32>,
        %gather3A_458 = arith.constant 0 : i32
        %gather3A_459 = arith.constant 0 : i32
        %gather3A_460 = arith.constant 0 : i32
        %gather3A_461 = tpu.memref_slice %arg6[%gather3A_458, %gather3A_459, %gather3A_460] : memref<4x128x128xf32, #tpu.memory_space<vmem>> -> memref<1x128x128xf32, #tpu.memory_space<vmem>>
        %gather3A_462 = tpu.memref_squeeze %gather3A_461 : memref<1x128x128xf32, #tpu.memory_space<vmem>> -> memref<128x128xf32, #tpu.memory_space<vmem>>
        %gather3A_463 = tpu.vector_load_idx %gather3A_462[%add3A_23, %add3A_344] : memref<128x128xf32, #tpu.memory_space<vmem>>[vector<16xi32>, vector<16xi32>], vector<16xf32>,
        %gather3A_464 = arith.constant 0 : i32
        %gather3A_465 = arith.constant 0 : i32
        %gather3A_466 = arith.constant 0 : i32
        %gather3A_467 = tpu.memref_slice %arg6[%gather3A_464, %gather3A_465, %gather3A_466] : memref<4x128x128xf32, #tpu.memory_space<vmem>> -> memref<1x128x128xf32, #tpu.memory_space<vmem>>
        %gather3A_468 = tpu.memref_squeeze %gather3A_467 : memref<1x128x128xf32, #tpu.memory_space<vmem>> -> memref<128x128xf32, #tpu.memory_space<vmem>>
        %gather3A_469 = tpu.vector_load_idx %gather3A_468[%add3A_23, %add3A_347] : memref<128x128xf32, #tpu.memory_space<vmem>>[vector<16xi32>, vector<16xi32>], vector<16xf32>,
        %gather3A_470 = arith.constant 0 : i32
        %gather3A_471 = arith.constant 0 : i32
        %gather3A_472 = arith.constant 0 : i32
        %gather3A_473 = tpu.memref_slice %arg6[%gather3A_470, %gather3A_471, %gather3A_472] : memref<4x128x128xf32, #tpu.memory_space<vmem>> -> memref<1x128x128xf32, #tpu.memory_space<vmem>>
        %gather3A_474 = tpu.memref_squeeze %gather3A_473 : memref<1x128x128xf32, #tpu.memory_space<vmem>> -> memref<128x128xf32, #tpu.memory_space<vmem>>
        %gather3A_475 = tpu.vector_load_idx %gather3A_474[%add3A_23, %add3A_350] : memref<128x128xf32, #tpu.memory_space<vmem>>[vector<16xi32>, vector<16xi32>], vector<16xf32>,
        %gather3A_476 = arith.constant 0 : i32
        %gather3A_477 = arith.constant 0 : i32
        %gather3A_478 = arith.constant 0 : i32
        %gather3A_479 = tpu.memref_slice %arg6[%gather3A_476, %gather3A_477, %gather3A_478] : memref<4x128x128xf32, #tpu.memory_space<vmem>> -> memref<1x128x128xf32, #tpu.memory_space<vmem>>
        %gather3A_480 = tpu.memref_squeeze %gather3A_479 : memref<1x128x128xf32, #tpu.memory_space<vmem>> -> memref<128x128xf32, #tpu.memory_space<vmem>>
        %gather3A_481 = tpu.vector_load_idx %gather3A_480[%add3A_26, %add3A_344] : memref<128x128xf32, #tpu.memory_space<vmem>>[vector<16xi32>, vector<16xi32>], vector<16xf32>,
        %gather3A_482 = arith.constant 0 : i32
        %gather3A_483 = arith.constant 0 : i32
        %gather3A_484 = arith.constant 0 : i32
        %gather3A_485 = tpu.memref_slice %arg6[%gather3A_482, %gather3A_483, %gather3A_484] : memref<4x128x128xf32, #tpu.memory_space<vmem>> -> memref<1x128x128xf32, #tpu.memory_space<vmem>>
        %gather3A_486 = tpu.memref_squeeze %gather3A_485 : memref<1x128x128xf32, #tpu.memory_space<vmem>> -> memref<128x128xf32, #tpu.memory_space<vmem>>
        %gather3A_487 = tpu.vector_load_idx %gather3A_486[%add3A_26, %add3A_347] : memref<128x128xf32, #tpu.memory_space<vmem>>[vector<16xi32>, vector<16xi32>], vector<16xf32>,
        %gather3A_488 = arith.constant 0 : i32
        %gather3A_489 = arith.constant 0 : i32
        %gather3A_490 = arith.constant 0 : i32
        %gather3A_491 = tpu.memref_slice %arg6[%gather3A_488, %gather3A_489, %gather3A_490] : memref<4x128x128xf32, #tpu.memory_space<vmem>> -> memref<1x128x128xf32, #tpu.memory_space<vmem>>
        %gather3A_492 = tpu.memref_squeeze %gather3A_491 : memref<1x128x128xf32, #tpu.memory_space<vmem>> -> memref<128x128xf32, #tpu.memory_space<vmem>>
        %gather3A_493 = tpu.vector_load_idx %gather3A_492[%add3A_26, %add3A_350] : memref<128x128xf32, #tpu.memory_space<vmem>>[vector<16xi32>, vector<16xi32>], vector<16xf32>,
        %scatter3A = arith.constant 0 : i32
        %scatter3A_494 = arith.constant 0 : i32
        %scatter3A_495 = arith.constant 0 : i32
        %scatter3A_496 = tpu.memref_slice %arg7[%scatter3A, %scatter3A_494, %scatter3A_495] : memref<4x48x128xf32, #tpu.memory_space<vmem>> -> memref<1x48x128xf32, #tpu.memory_space<vmem>>
        %scatter3A_497 = tpu.memref_squeeze %scatter3A_496 : memref<1x48x128xf32, #tpu.memory_space<vmem>> -> memref<48x128xf32, #tpu.memory_space<vmem>>
        tpu.vector_store_idx %scatter3A_497[%add3A_344, %add3A_5], %gather3A_355 : memref<48x128xf32, #tpu.memory_space<vmem>>[vector<16xi32>, vector<16xi32>], vector<16xf32>,
        %scatter3A_498 = arith.constant 0 : i32
        %scatter3A_499 = arith.constant 0 : i32
        %scatter3A_500 = arith.constant 0 : i32
        %scatter3A_501 = tpu.memref_slice %arg7[%scatter3A_498, %scatter3A_499, %scatter3A_500] : memref<4x48x128xf32, #tpu.memory_space<vmem>> -> memref<1x48x128xf32, #tpu.memory_space<vmem>>
        %scatter3A_502 = tpu.memref_squeeze %scatter3A_501 : memref<1x48x128xf32, #tpu.memory_space<vmem>> -> memref<48x128xf32, #tpu.memory_space<vmem>>
        tpu.vector_store_idx %scatter3A_502[%add3A_347, %add3A_5], %gather3A_361 : memref<48x128xf32, #tpu.memory_space<vmem>>[vector<16xi32>, vector<16xi32>], vector<16xf32>,
        %scatter3A_503 = arith.constant 0 : i32
        %scatter3A_504 = arith.constant 0 : i32
        %scatter3A_505 = arith.constant 0 : i32
        %scatter3A_506 = tpu.memref_slice %arg7[%scatter3A_503, %scatter3A_504, %scatter3A_505] : memref<4x48x128xf32, #tpu.memory_space<vmem>> -> memref<1x48x128xf32, #tpu.memory_space<vmem>>
        %scatter3A_507 = tpu.memref_squeeze %scatter3A_506 : memref<1x48x128xf32, #tpu.memory_space<vmem>> -> memref<48x128xf32, #tpu.memory_space<vmem>>
        tpu.vector_store_idx %scatter3A_507[%add3A_350, %add3A_5], %gather3A_367 : memref<48x128xf32, #tpu.memory_space<vmem>>[vector<16xi32>, vector<16xi32>], vector<16xf32>,
        %scatter3A_508 = arith.constant 0 : i32
        %scatter3A_509 = arith.constant 0 : i32
        %scatter3A_510 = arith.constant 0 : i32
        %scatter3A_511 = tpu.memref_slice %arg7[%scatter3A_508, %scatter3A_509, %scatter3A_510] : memref<4x48x128xf32, #tpu.memory_space<vmem>> -> memref<1x48x128xf32, #tpu.memory_space<vmem>>
        %scatter3A_512 = tpu.memref_squeeze %scatter3A_511 : memref<1x48x128xf32, #tpu.memory_space<vmem>> -> memref<48x128xf32, #tpu.memory_space<vmem>>
        tpu.vector_store_idx %scatter3A_512[%add3A_344, %add3A_8], %gather3A_373 : memref<48x128xf32, #tpu.memory_space<vmem>>[vector<16xi32>, vector<16xi32>], vector<16xf32>,
        %scatter3A_513 = arith.constant 0 : i32
        %scatter3A_514 = arith.constant 0 : i32
        %scatter3A_515 = arith.constant 0 : i32
        %scatter3A_516 = tpu.memref_slice %arg7[%scatter3A_513, %scatter3A_514, %scatter3A_515] : memref<4x48x128xf32, #tpu.memory_space<vmem>> -> memref<1x48x128xf32, #tpu.memory_space<vmem>>
        %scatter3A_517 = tpu.memref_squeeze %scatter3A_516 : memref<1x48x128xf32, #tpu.memory_space<vmem>> -> memref<48x128xf32, #tpu.memory_space<vmem>>
        tpu.vector_store_idx %scatter3A_517[%add3A_347, %add3A_8], %gather3A_379 : memref<48x128xf32, #tpu.memory_space<vmem>>[vector<16xi32>, vector<16xi32>], vector<16xf32>,
        %scatter3A_518 = arith.constant 0 : i32
        %scatter3A_519 = arith.constant 0 : i32
        %scatter3A_520 = arith.constant 0 : i32
        %scatter3A_521 = tpu.memref_slice %arg7[%scatter3A_518, %scatter3A_519, %scatter3A_520] : memref<4x48x128xf32, #tpu.memory_space<vmem>> -> memref<1x48x128xf32, #tpu.memory_space<vmem>>
        %scatter3A_522 = tpu.memref_squeeze %scatter3A_521 : memref<1x48x128xf32, #tpu.memory_space<vmem>> -> memref<48x128xf32, #tpu.memory_space<vmem>>
        tpu.vector_store_idx %scatter3A_522[%add3A_350, %add3A_8], %gather3A_385 : memref<48x128xf32, #tpu.memory_space<vmem>>[vector<16xi32>, vector<16xi32>], vector<16xf32>,
        %scatter3A_523 = arith.constant 0 : i32
        %scatter3A_524 = arith.constant 0 : i32
        %scatter3A_525 = arith.constant 0 : i32
        %scatter3A_526 = tpu.memref_slice %arg7[%scatter3A_523, %scatter3A_524, %scatter3A_525] : memref<4x48x128xf32, #tpu.memory_space<vmem>> -> memref<1x48x128xf32, #tpu.memory_space<vmem>>
        %scatter3A_527 = tpu.memref_squeeze %scatter3A_526 : memref<1x48x128xf32, #tpu.memory_space<vmem>> -> memref<48x128xf32, #tpu.memory_space<vmem>>
        tpu.vector_store_idx %scatter3A_527[%add3A_344, %add3A_11], %gather3A_391 : memref<48x128xf32, #tpu.memory_space<vmem>>[vector<16xi32>, vector<16xi32>], vector<16xf32>,
        %scatter3A_528 = arith.constant 0 : i32
        %scatter3A_529 = arith.constant 0 : i32
        %scatter3A_530 = arith.constant 0 : i32
        %scatter3A_531 = tpu.memref_slice %arg7[%scatter3A_528, %scatter3A_529, %scatter3A_530] : memref<4x48x128xf32, #tpu.memory_space<vmem>> -> memref<1x48x128xf32, #tpu.memory_space<vmem>>
        %scatter3A_532 = tpu.memref_squeeze %scatter3A_531 : memref<1x48x128xf32, #tpu.memory_space<vmem>> -> memref<48x128xf32, #tpu.memory_space<vmem>>
        tpu.vector_store_idx %scatter3A_532[%add3A_347, %add3A_11], %gather3A_397 : memref<48x128xf32, #tpu.memory_space<vmem>>[vector<16xi32>, vector<16xi32>], vector<16xf32>,
        %scatter3A_533 = arith.constant 0 : i32
        %scatter3A_534 = arith.constant 0 : i32
        %scatter3A_535 = arith.constant 0 : i32
        %scatter3A_536 = tpu.memref_slice %arg7[%scatter3A_533, %scatter3A_534, %scatter3A_535] : memref<4x48x128xf32, #tpu.memory_space<vmem>> -> memref<1x48x128xf32, #tpu.memory_space<vmem>>
        %scatter3A_537 = tpu.memref_squeeze %scatter3A_536 : memref<1x48x128xf32, #tpu.memory_space<vmem>> -> memref<48x128xf32, #tpu.memory_space<vmem>>
        tpu.vector_store_idx %scatter3A_537[%add3A_350, %add3A_11], %gather3A_403 : memref<48x128xf32, #tpu.memory_space<vmem>>[vector<16xi32>, vector<16xi32>], vector<16xf32>,
        %scatter3A_538 = arith.constant 0 : i32
        %scatter3A_539 = arith.constant 0 : i32
        %scatter3A_540 = arith.constant 0 : i32
        %scatter3A_541 = tpu.memref_slice %arg7[%scatter3A_538, %scatter3A_539, %scatter3A_540] : memref<4x48x128xf32, #tpu.memory_space<vmem>> -> memref<1x48x128xf32, #tpu.memory_space<vmem>>
        %scatter3A_542 = tpu.memref_squeeze %scatter3A_541 : memref<1x48x128xf32, #tpu.memory_space<vmem>> -> memref<48x128xf32, #tpu.memory_space<vmem>>
        tpu.vector_store_idx %scatter3A_542[%add3A_344, %add3A_14], %gather3A_409 : memref<48x128xf32, #tpu.memory_space<vmem>>[vector<16xi32>, vector<16xi32>], vector<16xf32>,
        %scatter3A_543 = arith.constant 0 : i32
        %scatter3A_544 = arith.constant 0 : i32
        %scatter3A_545 = arith.constant 0 : i32
        %scatter3A_546 = tpu.memref_slice %arg7[%scatter3A_543, %scatter3A_544, %scatter3A_545] : memref<4x48x128xf32, #tpu.memory_space<vmem>> -> memref<1x48x128xf32, #tpu.memory_space<vmem>>
        %scatter3A_547 = tpu.memref_squeeze %scatter3A_546 : memref<1x48x128xf32, #tpu.memory_space<vmem>> -> memref<48x128xf32, #tpu.memory_space<vmem>>
        tpu.vector_store_idx %scatter3A_547[%add3A_347, %add3A_14], %gather3A_415 : memref<48x128xf32, #tpu.memory_space<vmem>>[vector<16xi32>, vector<16xi32>], vector<16xf32>,
        %scatter3A_548 = arith.constant 0 : i32
        %scatter3A_549 = arith.constant 0 : i32
        %scatter3A_550 = arith.constant 0 : i32
        %scatter3A_551 = tpu.memref_slice %arg7[%scatter3A_548, %scatter3A_549, %scatter3A_550] : memref<4x48x128xf32, #tpu.memory_space<vmem>> -> memref<1x48x128xf32, #tpu.memory_space<vmem>>
        %scatter3A_552 = tpu.memref_squeeze %scatter3A_551 : memref<1x48x128xf32, #tpu.memory_space<vmem>> -> memref<48x128xf32, #tpu.memory_space<vmem>>
        tpu.vector_store_idx %scatter3A_552[%add3A_350, %add3A_14], %gather3A_421 : memref<48x128xf32, #tpu.memory_space<vmem>>[vector<16xi32>, vector<16xi32>], vector<16xf32>,
        %scatter3A_553 = arith.constant 0 : i32
        %scatter3A_554 = arith.constant 0 : i32
        %scatter3A_555 = arith.constant 0 : i32
        %scatter3A_556 = tpu.memref_slice %arg7[%scatter3A_553, %scatter3A_554, %scatter3A_555] : memref<4x48x128xf32, #tpu.memory_space<vmem>> -> memref<1x48x128xf32, #tpu.memory_space<vmem>>
        %scatter3A_557 = tpu.memref_squeeze %scatter3A_556 : memref<1x48x128xf32, #tpu.memory_space<vmem>> -> memref<48x128xf32, #tpu.memory_space<vmem>>
        tpu.vector_store_idx %scatter3A_557[%add3A_344, %add3A_17], %gather3A_427 : memref<48x128xf32, #tpu.memory_space<vmem>>[vector<16xi32>, vector<16xi32>], vector<16xf32>,
        %scatter3A_558 = arith.constant 0 : i32
        %scatter3A_559 = arith.constant 0 : i32
        %scatter3A_560 = arith.constant 0 : i32
        %scatter3A_561 = tpu.memref_slice %arg7[%scatter3A_558, %scatter3A_559, %scatter3A_560] : memref<4x48x128xf32, #tpu.memory_space<vmem>> -> memref<1x48x128xf32, #tpu.memory_space<vmem>>
        %scatter3A_562 = tpu.memref_squeeze %scatter3A_561 : memref<1x48x128xf32, #tpu.memory_space<vmem>> -> memref<48x128xf32, #tpu.memory_space<vmem>>
        tpu.vector_store_idx %scatter3A_562[%add3A_347, %add3A_17], %gather3A_433 : memref<48x128xf32, #tpu.memory_space<vmem>>[vector<16xi32>, vector<16xi32>], vector<16xf32>,
        %scatter3A_563 = arith.constant 0 : i32
        %scatter3A_564 = arith.constant 0 : i32
        %scatter3A_565 = arith.constant 0 : i32
        %scatter3A_566 = tpu.memref_slice %arg7[%scatter3A_563, %scatter3A_564, %scatter3A_565] : memref<4x48x128xf32, #tpu.memory_space<vmem>> -> memref<1x48x128xf32, #tpu.memory_space<vmem>>
        %scatter3A_567 = tpu.memref_squeeze %scatter3A_566 : memref<1x48x128xf32, #tpu.memory_space<vmem>> -> memref<48x128xf32, #tpu.memory_space<vmem>>
        tpu.vector_store_idx %scatter3A_567[%add3A_350, %add3A_17], %gather3A_439 : memref<48x128xf32, #tpu.memory_space<vmem>>[vector<16xi32>, vector<16xi32>], vector<16xf32>,
        %scatter3A_568 = arith.constant 0 : i32
        %scatter3A_569 = arith.constant 0 : i32
        %scatter3A_570 = arith.constant 0 : i32
        %scatter3A_571 = tpu.memref_slice %arg7[%scatter3A_568, %scatter3A_569, %scatter3A_570] : memref<4x48x128xf32, #tpu.memory_space<vmem>> -> memref<1x48x128xf32, #tpu.memory_space<vmem>>
        %scatter3A_572 = tpu.memref_squeeze %scatter3A_571 : memref<1x48x128xf32, #tpu.memory_space<vmem>> -> memref<48x128xf32, #tpu.memory_space<vmem>>
        tpu.vector_store_idx %scatter3A_572[%add3A_344, %add3A_20], %gather3A_445 : memref<48x128xf32, #tpu.memory_space<vmem>>[vector<16xi32>, vector<16xi32>], vector<16xf32>,
        %scatter3A_573 = arith.constant 0 : i32
        %scatter3A_574 = arith.constant 0 : i32
        %scatter3A_575 = arith.constant 0 : i32
        %scatter3A_576 = tpu.memref_slice %arg7[%scatter3A_573, %scatter3A_574, %scatter3A_575] : memref<4x48x128xf32, #tpu.memory_space<vmem>> -> memref<1x48x128xf32, #tpu.memory_space<vmem>>
        %scatter3A_577 = tpu.memref_squeeze %scatter3A_576 : memref<1x48x128xf32, #tpu.memory_space<vmem>> -> memref<48x128xf32, #tpu.memory_space<vmem>>
        tpu.vector_store_idx %scatter3A_577[%add3A_347, %add3A_20], %gather3A_451 : memref<48x128xf32, #tpu.memory_space<vmem>>[vector<16xi32>, vector<16xi32>], vector<16xf32>,
        %scatter3A_578 = arith.constant 0 : i32
        %scatter3A_579 = arith.constant 0 : i32
        %scatter3A_580 = arith.constant 0 : i32
        %scatter3A_581 = tpu.memref_slice %arg7[%scatter3A_578, %scatter3A_579, %scatter3A_580] : memref<4x48x128xf32, #tpu.memory_space<vmem>> -> memref<1x48x128xf32, #tpu.memory_space<vmem>>
        %scatter3A_582 = tpu.memref_squeeze %scatter3A_581 : memref<1x48x128xf32, #tpu.memory_space<vmem>> -> memref<48x128xf32, #tpu.memory_space<vmem>>
        tpu.vector_store_idx %scatter3A_582[%add3A_350, %add3A_20], %gather3A_457 : memref<48x128xf32, #tpu.memory_space<vmem>>[vector<16xi32>, vector<16xi32>], vector<16xf32>,
        %scatter3A_583 = arith.constant 0 : i32
        %scatter3A_584 = arith.constant 0 : i32
        %scatter3A_585 = arith.constant 0 : i32
        %scatter3A_586 = tpu.memref_slice %arg7[%scatter3A_583, %scatter3A_584, %scatter3A_585] : memref<4x48x128xf32, #tpu.memory_space<vmem>> -> memref<1x48x128xf32, #tpu.memory_space<vmem>>
        %scatter3A_587 = tpu.memref_squeeze %scatter3A_586 : memref<1x48x128xf32, #tpu.memory_space<vmem>> -> memref<48x128xf32, #tpu.memory_space<vmem>>
        tpu.vector_store_idx %scatter3A_587[%add3A_344, %add3A_23], %gather3A_463 : memref<48x128xf32, #tpu.memory_space<vmem>>[vector<16xi32>, vector<16xi32>], vector<16xf32>,
        %scatter3A_588 = arith.constant 0 : i32
        %scatter3A_589 = arith.constant 0 : i32
        %scatter3A_590 = arith.constant 0 : i32
        %scatter3A_591 = tpu.memref_slice %arg7[%scatter3A_588, %scatter3A_589, %scatter3A_590] : memref<4x48x128xf32, #tpu.memory_space<vmem>> -> memref<1x48x128xf32, #tpu.memory_space<vmem>>
        %scatter3A_592 = tpu.memref_squeeze %scatter3A_591 : memref<1x48x128xf32, #tpu.memory_space<vmem>> -> memref<48x128xf32, #tpu.memory_space<vmem>>
        tpu.vector_store_idx %scatter3A_592[%add3A_347, %add3A_23], %gather3A_469 : memref<48x128xf32, #tpu.memory_space<vmem>>[vector<16xi32>, vector<16xi32>], vector<16xf32>,
        %scatter3A_593 = arith.constant 0 : i32
        %scatter3A_594 = arith.constant 0 : i32
        %scatter3A_595 = arith.constant 0 : i32
        %scatter3A_596 = tpu.memref_slice %arg7[%scatter3A_593, %scatter3A_594, %scatter3A_595] : memref<4x48x128xf32, #tpu.memory_space<vmem>> -> memref<1x48x128xf32, #tpu.memory_space<vmem>>
        %scatter3A_597 = tpu.memref_squeeze %scatter3A_596 : memref<1x48x128xf32, #tpu.memory_space<vmem>> -> memref<48x128xf32, #tpu.memory_space<vmem>>
        tpu.vector_store_idx %scatter3A_597[%add3A_350, %add3A_23], %gather3A_475 : memref<48x128xf32, #tpu.memory_space<vmem>>[vector<16xi32>, vector<16xi32>], vector<16xf32>,
        %scatter3A_598 = arith.constant 0 : i32
        %scatter3A_599 = arith.constant 0 : i32
        %scatter3A_600 = arith.constant 0 : i32
        %scatter3A_601 = tpu.memref_slice %arg7[%scatter3A_598, %scatter3A_599, %scatter3A_600] : memref<4x48x128xf32, #tpu.memory_space<vmem>> -> memref<1x48x128xf32, #tpu.memory_space<vmem>>
        %scatter3A_602 = tpu.memref_squeeze %scatter3A_601 : memref<1x48x128xf32, #tpu.memory_space<vmem>> -> memref<48x128xf32, #tpu.memory_space<vmem>>
        tpu.vector_store_idx %scatter3A_602[%add3A_344, %add3A_26], %gather3A_481 : memref<48x128xf32, #tpu.memory_space<vmem>>[vector<16xi32>, vector<16xi32>], vector<16xf32>,
        %scatter3A_603 = arith.constant 0 : i32
        %scatter3A_604 = arith.constant 0 : i32
        %scatter3A_605 = arith.constant 0 : i32
        %scatter3A_606 = tpu.memref_slice %arg7[%scatter3A_603, %scatter3A_604, %scatter3A_605] : memref<4x48x128xf32, #tpu.memory_space<vmem>> -> memref<1x48x128xf32, #tpu.memory_space<vmem>>
        %scatter3A_607 = tpu.memref_squeeze %scatter3A_606 : memref<1x48x128xf32, #tpu.memory_space<vmem>> -> memref<48x128xf32, #tpu.memory_space<vmem>>
        tpu.vector_store_idx %scatter3A_607[%add3A_347, %add3A_26], %gather3A_487 : memref<48x128xf32, #tpu.memory_space<vmem>>[vector<16xi32>, vector<16xi32>], vector<16xf32>,
        %scatter3A_608 = arith.constant 0 : i32
        %scatter3A_609 = arith.constant 0 : i32
        %scatter3A_610 = arith.constant 0 : i32
        %scatter3A_611 = tpu.memref_slice %arg7[%scatter3A_608, %scatter3A_609, %scatter3A_610] : memref<4x48x128xf32, #tpu.memory_space<vmem>> -> memref<1x48x128xf32, #tpu.memory_space<vmem>>
        %scatter3A_612 = tpu.memref_squeeze %scatter3A_611 : memref<1x48x128xf32, #tpu.memory_space<vmem>> -> memref<48x128xf32, #tpu.memory_space<vmem>>
        tpu.vector_store_idx %scatter3A_612[%add3A_350, %add3A_26], %gather3A_493 : memref<48x128xf32, #tpu.memory_space<vmem>>[vector<16xi32>, vector<16xi32>], vector<16xf32>,
        %scan3A_613 = arith.constant 1 : i32
        %scan3A_614 = arith.addi %scan3A_334, %scan3A_613 : i32
        %mul3A_615 = arith.constant 1 : i32
        %mul3A_616 = arith.muli %scan3A_614, %mul3A_615 : i32
        %add3A_617 = arith.constant 0 : i32
        %add3A_618 = arith.addi %add3A_617, %mul3A_616 : i32
        %add3A_619 = vector.broadcast %add3A_618 : i32 to vector<16xi32>
        %add3A_620 = arith.addi %iota3A, %add3A_619 : vector<16xi32>
        %broadcast_in_dim3A_621 = arith.constant 15 : i32
        %broadcast_in_dim3A_622 = vector.broadcast %broadcast_in_dim3A_621 : i32 to vector<16xi32>
        %and3A_623 = arith.andi %add3A_620, %broadcast_in_dim3A_622 : vector<16xi32>
        %add3A_624 = arith.constant 0 : i32
        %add3A_625 = vector.broadcast %add3A_624 : i32 to vector<16xi32>
        %add3A_626 = arith.addi %and3A_623, %add3A_625 : vector<16xi32>
        %add3A_627 = arith.constant 16 : i32
        %add3A_628 = vector.broadcast %add3A_627 : i32 to vector<16xi32>
        %add3A_629 = arith.addi %and3A_623, %add3A_628 : vector<16xi32>
        %add3A_630 = arith.constant 32 : i32
        %add3A_631 = vector.broadcast %add3A_630 : i32 to vector<16xi32>
        %add3A_632 = arith.addi %and3A_623, %add3A_631 : vector<16xi32>
        %gather3A_633 = arith.constant 0 : i32
        %gather3A_634 = arith.constant 0 : i32
        %gather3A_635 = arith.constant 0 : i32
        %gather3A_636 = tpu.memref_slice %arg6[%gather3A_633, %gather3A_634, %gather3A_635] : memref<4x128x128xf32, #tpu.memory_space<vmem>> -> memref<1x128x128xf32, #tpu.memory_space<vmem>>
        %gather3A_637 = tpu.memref_squeeze %gather3A_636 : memref<1x128x128xf32, #tpu.memory_space<vmem>> -> memref<128x128xf32, #tpu.memory_space<vmem>>
        %gather3A_638 = tpu.vector_load_idx %gather3A_637[%add3A_5, %add3A_626] : memref<128x128xf32, #tpu.memory_space<vmem>>[vector<16xi32>, vector<16xi32>], vector<16xf32>,
        %gather3A_639 = arith.constant 0 : i32
        %gather3A_640 = arith.constant 0 : i32
        %gather3A_641 = arith.constant 0 : i32
        %gather3A_642 = tpu.memref_slice %arg6[%gather3A_639, %gather3A_640, %gather3A_641] : memref<4x128x128xf32, #tpu.memory_space<vmem>> -> memref<1x128x128xf32, #tpu.memory_space<vmem>>
        %gather3A_643 = tpu.memref_squeeze %gather3A_642 : memref<1x128x128xf32, #tpu.memory_space<vmem>> -> memref<128x128xf32, #tpu.memory_space<vmem>>
        %gather3A_644 = tpu.vector_load_idx %gather3A_643[%add3A_5, %add3A_629] : memref<128x128xf32, #tpu.memory_space<vmem>>[vector<16xi32>, vector<16xi32>], vector<16xf32>,
        %gather3A_645 = arith.constant 0 : i32
        %gather3A_646 = arith.constant 0 : i32
        %gather3A_647 = arith.constant 0 : i32
        %gather3A_648 = tpu.memref_slice %arg6[%gather3A_645, %gather3A_646, %gather3A_647] : memref<4x128x128xf32, #tpu.memory_space<vmem>> -> memref<1x128x128xf32, #tpu.memory_space<vmem>>
        %gather3A_649 = tpu.memref_squeeze %gather3A_648 : memref<1x128x128xf32, #tpu.memory_space<vmem>> -> memref<128x128xf32, #tpu.memory_space<vmem>>
        %gather3A_650 = tpu.vector_load_idx %gather3A_649[%add3A_5, %add3A_632] : memref<128x128xf32, #tpu.memory_space<vmem>>[vector<16xi32>, vector<16xi32>], vector<16xf32>,
        %gather3A_651 = arith.constant 0 : i32
        %gather3A_652 = arith.constant 0 : i32
        %gather3A_653 = arith.constant 0 : i32
        %gather3A_654 = tpu.memref_slice %arg6[%gather3A_651, %gather3A_652, %gather3A_653] : memref<4x128x128xf32, #tpu.memory_space<vmem>> -> memref<1x128x128xf32, #tpu.memory_space<vmem>>
        %gather3A_655 = tpu.memref_squeeze %gather3A_654 : memref<1x128x128xf32, #tpu.memory_space<vmem>> -> memref<128x128xf32, #tpu.memory_space<vmem>>
        %gather3A_656 = tpu.vector_load_idx %gather3A_655[%add3A_8, %add3A_626] : memref<128x128xf32, #tpu.memory_space<vmem>>[vector<16xi32>, vector<16xi32>], vector<16xf32>,
        %gather3A_657 = arith.constant 0 : i32
        %gather3A_658 = arith.constant 0 : i32
        %gather3A_659 = arith.constant 0 : i32
        %gather3A_660 = tpu.memref_slice %arg6[%gather3A_657, %gather3A_658, %gather3A_659] : memref<4x128x128xf32, #tpu.memory_space<vmem>> -> memref<1x128x128xf32, #tpu.memory_space<vmem>>
        %gather3A_661 = tpu.memref_squeeze %gather3A_660 : memref<1x128x128xf32, #tpu.memory_space<vmem>> -> memref<128x128xf32, #tpu.memory_space<vmem>>
        %gather3A_662 = tpu.vector_load_idx %gather3A_661[%add3A_8, %add3A_629] : memref<128x128xf32, #tpu.memory_space<vmem>>[vector<16xi32>, vector<16xi32>], vector<16xf32>,
        %gather3A_663 = arith.constant 0 : i32
        %gather3A_664 = arith.constant 0 : i32
        %gather3A_665 = arith.constant 0 : i32
        %gather3A_666 = tpu.memref_slice %arg6[%gather3A_663, %gather3A_664, %gather3A_665] : memref<4x128x128xf32, #tpu.memory_space<vmem>> -> memref<1x128x128xf32, #tpu.memory_space<vmem>>
        %gather3A_667 = tpu.memref_squeeze %gather3A_666 : memref<1x128x128xf32, #tpu.memory_space<vmem>> -> memref<128x128xf32, #tpu.memory_space<vmem>>
        %gather3A_668 = tpu.vector_load_idx %gather3A_667[%add3A_8, %add3A_632] : memref<128x128xf32, #tpu.memory_space<vmem>>[vector<16xi32>, vector<16xi32>], vector<16xf32>,
        %gather3A_669 = arith.constant 0 : i32
        %gather3A_670 = arith.constant 0 : i32
        %gather3A_671 = arith.constant 0 : i32
        %gather3A_672 = tpu.memref_slice %arg6[%gather3A_669, %gather3A_670, %gather3A_671] : memref<4x128x128xf32, #tpu.memory_space<vmem>> -> memref<1x128x128xf32, #tpu.memory_space<vmem>>
        %gather3A_673 = tpu.memref_squeeze %gather3A_672 : memref<1x128x128xf32, #tpu.memory_space<vmem>> -> memref<128x128xf32, #tpu.memory_space<vmem>>
        %gather3A_674 = tpu.vector_load_idx %gather3A_673[%add3A_11, %add3A_626] : memref<128x128xf32, #tpu.memory_space<vmem>>[vector<16xi32>, vector<16xi32>], vector<16xf32>,
        %gather3A_675 = arith.constant 0 : i32
        %gather3A_676 = arith.constant 0 : i32
        %gather3A_677 = arith.constant 0 : i32
        %gather3A_678 = tpu.memref_slice %arg6[%gather3A_675, %gather3A_676, %gather3A_677] : memref<4x128x128xf32, #tpu.memory_space<vmem>> -> memref<1x128x128xf32, #tpu.memory_space<vmem>>
        %gather3A_679 = tpu.memref_squeeze %gather3A_678 : memref<1x128x128xf32, #tpu.memory_space<vmem>> -> memref<128x128xf32, #tpu.memory_space<vmem>>
        %gather3A_680 = tpu.vector_load_idx %gather3A_679[%add3A_11, %add3A_629] : memref<128x128xf32, #tpu.memory_space<vmem>>[vector<16xi32>, vector<16xi32>], vector<16xf32>,
        %gather3A_681 = arith.constant 0 : i32
        %gather3A_682 = arith.constant 0 : i32
        %gather3A_683 = arith.constant 0 : i32
        %gather3A_684 = tpu.memref_slice %arg6[%gather3A_681, %gather3A_682, %gather3A_683] : memref<4x128x128xf32, #tpu.memory_space<vmem>> -> memref<1x128x128xf32, #tpu.memory_space<vmem>>
        %gather3A_685 = tpu.memref_squeeze %gather3A_684 : memref<1x128x128xf32, #tpu.memory_space<vmem>> -> memref<128x128xf32, #tpu.memory_space<vmem>>
        %gather3A_686 = tpu.vector_load_idx %gather3A_685[%add3A_11, %add3A_632] : memref<128x128xf32, #tpu.memory_space<vmem>>[vector<16xi32>, vector<16xi32>], vector<16xf32>,
        %gather3A_687 = arith.constant 0 : i32
        %gather3A_688 = arith.constant 0 : i32
        %gather3A_689 = arith.constant 0 : i32
        %gather3A_690 = tpu.memref_slice %arg6[%gather3A_687, %gather3A_688, %gather3A_689] : memref<4x128x128xf32, #tpu.memory_space<vmem>> -> memref<1x128x128xf32, #tpu.memory_space<vmem>>
        %gather3A_691 = tpu.memref_squeeze %gather3A_690 : memref<1x128x128xf32, #tpu.memory_space<vmem>> -> memref<128x128xf32, #tpu.memory_space<vmem>>
        %gather3A_692 = tpu.vector_load_idx %gather3A_691[%add3A_14, %add3A_626] : memref<128x128xf32, #tpu.memory_space<vmem>>[vector<16xi32>, vector<16xi32>], vector<16xf32>,
        %gather3A_693 = arith.constant 0 : i32
        %gather3A_694 = arith.constant 0 : i32
        %gather3A_695 = arith.constant 0 : i32
        %gather3A_696 = tpu.memref_slice %arg6[%gather3A_693, %gather3A_694, %gather3A_695] : memref<4x128x128xf32, #tpu.memory_space<vmem>> -> memref<1x128x128xf32, #tpu.memory_space<vmem>>
        %gather3A_697 = tpu.memref_squeeze %gather3A_696 : memref<1x128x128xf32, #tpu.memory_space<vmem>> -> memref<128x128xf32, #tpu.memory_space<vmem>>
        %gather3A_698 = tpu.vector_load_idx %gather3A_697[%add3A_14, %add3A_629] : memref<128x128xf32, #tpu.memory_space<vmem>>[vector<16xi32>, vector<16xi32>], vector<16xf32>,
        %gather3A_699 = arith.constant 0 : i32
        %gather3A_700 = arith.constant 0 : i32
        %gather3A_701 = arith.constant 0 : i32
        %gather3A_702 = tpu.memref_slice %arg6[%gather3A_699, %gather3A_700, %gather3A_701] : memref<4x128x128xf32, #tpu.memory_space<vmem>> -> memref<1x128x128xf32, #tpu.memory_space<vmem>>
        %gather3A_703 = tpu.memref_squeeze %gather3A_702 : memref<1x128x128xf32, #tpu.memory_space<vmem>> -> memref<128x128xf32, #tpu.memory_space<vmem>>
        %gather3A_704 = tpu.vector_load_idx %gather3A_703[%add3A_14, %add3A_632] : memref<128x128xf32, #tpu.memory_space<vmem>>[vector<16xi32>, vector<16xi32>], vector<16xf32>,
        %gather3A_705 = arith.constant 0 : i32
        %gather3A_706 = arith.constant 0 : i32
        %gather3A_707 = arith.constant 0 : i32
        %gather3A_708 = tpu.memref_slice %arg6[%gather3A_705, %gather3A_706, %gather3A_707] : memref<4x128x128xf32, #tpu.memory_space<vmem>> -> memref<1x128x128xf32, #tpu.memory_space<vmem>>
        %gather3A_709 = tpu.memref_squeeze %gather3A_708 : memref<1x128x128xf32, #tpu.memory_space<vmem>> -> memref<128x128xf32, #tpu.memory_space<vmem>>
        %gather3A_710 = tpu.vector_load_idx %gather3A_709[%add3A_17, %add3A_626] : memref<128x128xf32, #tpu.memory_space<vmem>>[vector<16xi32>, vector<16xi32>], vector<16xf32>,
        %gather3A_711 = arith.constant 0 : i32
        %gather3A_712 = arith.constant 0 : i32
        %gather3A_713 = arith.constant 0 : i32
        %gather3A_714 = tpu.memref_slice %arg6[%gather3A_711, %gather3A_712, %gather3A_713] : memref<4x128x128xf32, #tpu.memory_space<vmem>> -> memref<1x128x128xf32, #tpu.memory_space<vmem>>
        %gather3A_715 = tpu.memref_squeeze %gather3A_714 : memref<1x128x128xf32, #tpu.memory_space<vmem>> -> memref<128x128xf32, #tpu.memory_space<vmem>>
        %gather3A_716 = tpu.vector_load_idx %gather3A_715[%add3A_17, %add3A_629] : memref<128x128xf32, #tpu.memory_space<vmem>>[vector<16xi32>, vector<16xi32>], vector<16xf32>,
        %gather3A_717 = arith.constant 0 : i32
        %gather3A_718 = arith.constant 0 : i32
        %gather3A_719 = arith.constant 0 : i32
        %gather3A_720 = tpu.memref_slice %arg6[%gather3A_717, %gather3A_718, %gather3A_719] : memref<4x128x128xf32, #tpu.memory_space<vmem>> -> memref<1x128x128xf32, #tpu.memory_space<vmem>>
        %gather3A_721 = tpu.memref_squeeze %gather3A_720 : memref<1x128x128xf32, #tpu.memory_space<vmem>> -> memref<128x128xf32, #tpu.memory_space<vmem>>
        %gather3A_722 = tpu.vector_load_idx %gather3A_721[%add3A_17, %add3A_632] : memref<128x128xf32, #tpu.memory_space<vmem>>[vector<16xi32>, vector<16xi32>], vector<16xf32>,
        %gather3A_723 = arith.constant 0 : i32
        %gather3A_724 = arith.constant 0 : i32
        %gather3A_725 = arith.constant 0 : i32
        %gather3A_726 = tpu.memref_slice %arg6[%gather3A_723, %gather3A_724, %gather3A_725] : memref<4x128x128xf32, #tpu.memory_space<vmem>> -> memref<1x128x128xf32, #tpu.memory_space<vmem>>
        %gather3A_727 = tpu.memref_squeeze %gather3A_726 : memref<1x128x128xf32, #tpu.memory_space<vmem>> -> memref<128x128xf32, #tpu.memory_space<vmem>>
        %gather3A_728 = tpu.vector_load_idx %gather3A_727[%add3A_20, %add3A_626] : memref<128x128xf32, #tpu.memory_space<vmem>>[vector<16xi32>, vector<16xi32>], vector<16xf32>,
        %gather3A_729 = arith.constant 0 : i32
        %gather3A_730 = arith.constant 0 : i32
        %gather3A_731 = arith.constant 0 : i32
        %gather3A_732 = tpu.memref_slice %arg6[%gather3A_729, %gather3A_730, %gather3A_731] : memref<4x128x128xf32, #tpu.memory_space<vmem>> -> memref<1x128x128xf32, #tpu.memory_space<vmem>>
        %gather3A_733 = tpu.memref_squeeze %gather3A_732 : memref<1x128x128xf32, #tpu.memory_space<vmem>> -> memref<128x128xf32, #tpu.memory_space<vmem>>
        %gather3A_734 = tpu.vector_load_idx %gather3A_733[%add3A_20, %add3A_629] : memref<128x128xf32, #tpu.memory_space<vmem>>[vector<16xi32>, vector<16xi32>], vector<16xf32>,
        %gather3A_735 = arith.constant 0 : i32
        %gather3A_736 = arith.constant 0 : i32
        %gather3A_737 = arith.constant 0 : i32
        %gather3A_738 = tpu.memref_slice %arg6[%gather3A_735, %gather3A_736, %gather3A_737] : memref<4x128x128xf32, #tpu.memory_space<vmem>> -> memref<1x128x128xf32, #tpu.memory_space<vmem>>
        %gather3A_739 = tpu.memref_squeeze %gather3A_738 : memref<1x128x128xf32, #tpu.memory_space<vmem>> -> memref<128x128xf32, #tpu.memory_space<vmem>>
        %gather3A_740 = tpu.vector_load_idx %gather3A_739[%add3A_20, %add3A_632] : memref<128x128xf32, #tpu.memory_space<vmem>>[vector<16xi32>, vector<16xi32>], vector<16xf32>,
        %gather3A_741 = arith.constant 0 : i32
        %gather3A_742 = arith.constant 0 : i32
        %gather3A_743 = arith.constant 0 : i32
        %gather3A_744 = tpu.memref_slice %arg6[%gather3A_741, %gather3A_742, %gather3A_743] : memref<4x128x128xf32, #tpu.memory_space<vmem>> -> memref<1x128x128xf32, #tpu.memory_space<vmem>>
        %gather3A_745 = tpu.memref_squeeze %gather3A_744 : memref<1x128x128xf32, #tpu.memory_space<vmem>> -> memref<128x128xf32, #tpu.memory_space<vmem>>
        %gather3A_746 = tpu.vector_load_idx %gather3A_745[%add3A_23, %add3A_626] : memref<128x128xf32, #tpu.memory_space<vmem>>[vector<16xi32>, vector<16xi32>], vector<16xf32>,
        %gather3A_747 = arith.constant 0 : i32
        %gather3A_748 = arith.constant 0 : i32
        %gather3A_749 = arith.constant 0 : i32
        %gather3A_750 = tpu.memref_slice %arg6[%gather3A_747, %gather3A_748, %gather3A_749] : memref<4x128x128xf32, #tpu.memory_space<vmem>> -> memref<1x128x128xf32, #tpu.memory_space<vmem>>
        %gather3A_751 = tpu.memref_squeeze %gather3A_750 : memref<1x128x128xf32, #tpu.memory_space<vmem>> -> memref<128x128xf32, #tpu.memory_space<vmem>>
        %gather3A_752 = tpu.vector_load_idx %gather3A_751[%add3A_23, %add3A_629] : memref<128x128xf32, #tpu.memory_space<vmem>>[vector<16xi32>, vector<16xi32>], vector<16xf32>,
        %gather3A_753 = arith.constant 0 : i32
        %gather3A_754 = arith.constant 0 : i32
        %gather3A_755 = arith.constant 0 : i32
        %gather3A_756 = tpu.memref_slice %arg6[%gather3A_753, %gather3A_754, %gather3A_755] : memref<4x128x128xf32, #tpu.memory_space<vmem>> -> memref<1x128x128xf32, #tpu.memory_space<vmem>>
        %gather3A_757 = tpu.memref_squeeze %gather3A_756 : memref<1x128x128xf32, #tpu.memory_space<vmem>> -> memref<128x128xf32, #tpu.memory_space<vmem>>
        %gather3A_758 = tpu.vector_load_idx %gather3A_757[%add3A_23, %add3A_632] : memref<128x128xf32, #tpu.memory_space<vmem>>[vector<16xi32>, vector<16xi32>], vector<16xf32>,
        %gather3A_759 = arith.constant 0 : i32
        %gather3A_760 = arith.constant 0 : i32
        %gather3A_761 = arith.constant 0 : i32
        %gather3A_762 = tpu.memref_slice %arg6[%gather3A_759, %gather3A_760, %gather3A_761] : memref<4x128x128xf32, #tpu.memory_space<vmem>> -> memref<1x128x128xf32, #tpu.memory_space<vmem>>
        %gather3A_763 = tpu.memref_squeeze %gather3A_762 : memref<1x128x128xf32, #tpu.memory_space<vmem>> -> memref<128x128xf32, #tpu.memory_space<vmem>>
        %gather3A_764 = tpu.vector_load_idx %gather3A_763[%add3A_26, %add3A_626] : memref<128x128xf32, #tpu.memory_space<vmem>>[vector<16xi32>, vector<16xi32>], vector<16xf32>,
        %gather3A_765 = arith.constant 0 : i32
        %gather3A_766 = arith.constant 0 : i32
        %gather3A_767 = arith.constant 0 : i32
        %gather3A_768 = tpu.memref_slice %arg6[%gather3A_765, %gather3A_766, %gather3A_767] : memref<4x128x128xf32, #tpu.memory_space<vmem>> -> memref<1x128x128xf32, #tpu.memory_space<vmem>>
        %gather3A_769 = tpu.memref_squeeze %gather3A_768 : memref<1x128x128xf32, #tpu.memory_space<vmem>> -> memref<128x128xf32, #tpu.memory_space<vmem>>
        %gather3A_770 = tpu.vector_load_idx %gather3A_769[%add3A_26, %add3A_629] : memref<128x128xf32, #tpu.memory_space<vmem>>[vector<16xi32>, vector<16xi32>], vector<16xf32>,
        %gather3A_771 = arith.constant 0 : i32
        %gather3A_772 = arith.constant 0 : i32
        %gather3A_773 = arith.constant 0 : i32
        %gather3A_774 = tpu.memref_slice %arg6[%gather3A_771, %gather3A_772, %gather3A_773] : memref<4x128x128xf32, #tpu.memory_space<vmem>> -> memref<1x128x128xf32, #tpu.memory_space<vmem>>
        %gather3A_775 = tpu.memref_squeeze %gather3A_774 : memref<1x128x128xf32, #tpu.memory_space<vmem>> -> memref<128x128xf32, #tpu.memory_space<vmem>>
        %gather3A_776 = tpu.vector_load_idx %gather3A_775[%add3A_26, %add3A_632] : memref<128x128xf32, #tpu.memory_space<vmem>>[vector<16xi32>, vector<16xi32>], vector<16xf32>,
        %scatter3A_777 = arith.constant 0 : i32
        %scatter3A_778 = arith.constant 0 : i32
        %scatter3A_779 = arith.constant 0 : i32
        %scatter3A_780 = tpu.memref_slice %arg7[%scatter3A_777, %scatter3A_778, %scatter3A_779] : memref<4x48x128xf32, #tpu.memory_space<vmem>> -> memref<1x48x128xf32, #tpu.memory_space<vmem>>
        %scatter3A_781 = tpu.memref_squeeze %scatter3A_780 : memref<1x48x128xf32, #tpu.memory_space<vmem>> -> memref<48x128xf32, #tpu.memory_space<vmem>>
        tpu.vector_store_idx %scatter3A_781[%add3A_626, %add3A_5], %gather3A_638 : memref<48x128xf32, #tpu.memory_space<vmem>>[vector<16xi32>, vector<16xi32>], vector<16xf32>,
        %scatter3A_782 = arith.constant 0 : i32
        %scatter3A_783 = arith.constant 0 : i32
        %scatter3A_784 = arith.constant 0 : i32
        %scatter3A_785 = tpu.memref_slice %arg7[%scatter3A_782, %scatter3A_783, %scatter3A_784] : memref<4x48x128xf32, #tpu.memory_space<vmem>> -> memref<1x48x128xf32, #tpu.memory_space<vmem>>
        %scatter3A_786 = tpu.memref_squeeze %scatter3A_785 : memref<1x48x128xf32, #tpu.memory_space<vmem>> -> memref<48x128xf32, #tpu.memory_space<vmem>>
        tpu.vector_store_idx %scatter3A_786[%add3A_629, %add3A_5], %gather3A_644 : memref<48x128xf32, #tpu.memory_space<vmem>>[vector<16xi32>, vector<16xi32>], vector<16xf32>,
        %scatter3A_787 = arith.constant 0 : i32
        %scatter3A_788 = arith.constant 0 : i32
        %scatter3A_789 = arith.constant 0 : i32
        %scatter3A_790 = tpu.memref_slice %arg7[%scatter3A_787, %scatter3A_788, %scatter3A_789] : memref<4x48x128xf32, #tpu.memory_space<vmem>> -> memref<1x48x128xf32, #tpu.memory_space<vmem>>
        %scatter3A_791 = tpu.memref_squeeze %scatter3A_790 : memref<1x48x128xf32, #tpu.memory_space<vmem>> -> memref<48x128xf32, #tpu.memory_space<vmem>>
        tpu.vector_store_idx %scatter3A_791[%add3A_632, %add3A_5], %gather3A_650 : memref<48x128xf32, #tpu.memory_space<vmem>>[vector<16xi32>, vector<16xi32>], vector<16xf32>,
        %scatter3A_792 = arith.constant 0 : i32
        %scatter3A_793 = arith.constant 0 : i32
        %scatter3A_794 = arith.constant 0 : i32
        %scatter3A_795 = tpu.memref_slice %arg7[%scatter3A_792, %scatter3A_793, %scatter3A_794] : memref<4x48x128xf32, #tpu.memory_space<vmem>> -> memref<1x48x128xf32, #tpu.memory_space<vmem>>
        %scatter3A_796 = tpu.memref_squeeze %scatter3A_795 : memref<1x48x128xf32, #tpu.memory_space<vmem>> -> memref<48x128xf32, #tpu.memory_space<vmem>>
        tpu.vector_store_idx %scatter3A_796[%add3A_626, %add3A_8], %gather3A_656 : memref<48x128xf32, #tpu.memory_space<vmem>>[vector<16xi32>, vector<16xi32>], vector<16xf32>,
        %scatter3A_797 = arith.constant 0 : i32
        %scatter3A_798 = arith.constant 0 : i32
        %scatter3A_799 = arith.constant 0 : i32
        %scatter3A_800 = tpu.memref_slice %arg7[%scatter3A_797, %scatter3A_798, %scatter3A_799] : memref<4x48x128xf32, #tpu.memory_space<vmem>> -> memref<1x48x128xf32, #tpu.memory_space<vmem>>
        %scatter3A_801 = tpu.memref_squeeze %scatter3A_800 : memref<1x48x128xf32, #tpu.memory_space<vmem>> -> memref<48x128xf32, #tpu.memory_space<vmem>>
        tpu.vector_store_idx %scatter3A_801[%add3A_629, %add3A_8], %gather3A_662 : memref<48x128xf32, #tpu.memory_space<vmem>>[vector<16xi32>, vector<16xi32>], vector<16xf32>,
        %scatter3A_802 = arith.constant 0 : i32
        %scatter3A_803 = arith.constant 0 : i32
        %scatter3A_804 = arith.constant 0 : i32
        %scatter3A_805 = tpu.memref_slice %arg7[%scatter3A_802, %scatter3A_803, %scatter3A_804] : memref<4x48x128xf32, #tpu.memory_space<vmem>> -> memref<1x48x128xf32, #tpu.memory_space<vmem>>
        %scatter3A_806 = tpu.memref_squeeze %scatter3A_805 : memref<1x48x128xf32, #tpu.memory_space<vmem>> -> memref<48x128xf32, #tpu.memory_space<vmem>>
        tpu.vector_store_idx %scatter3A_806[%add3A_632, %add3A_8], %gather3A_668 : memref<48x128xf32, #tpu.memory_space<vmem>>[vector<16xi32>, vector<16xi32>], vector<16xf32>,
        %scatter3A_807 = arith.constant 0 : i32
        %scatter3A_808 = arith.constant 0 : i32
        %scatter3A_809 = arith.constant 0 : i32
        %scatter3A_810 = tpu.memref_slice %arg7[%scatter3A_807, %scatter3A_808, %scatter3A_809] : memref<4x48x128xf32, #tpu.memory_space<vmem>> -> memref<1x48x128xf32, #tpu.memory_space<vmem>>
        %scatter3A_811 = tpu.memref_squeeze %scatter3A_810 : memref<1x48x128xf32, #tpu.memory_space<vmem>> -> memref<48x128xf32, #tpu.memory_space<vmem>>
        tpu.vector_store_idx %scatter3A_811[%add3A_626, %add3A_11], %gather3A_674 : memref<48x128xf32, #tpu.memory_space<vmem>>[vector<16xi32>, vector<16xi32>], vector<16xf32>,
        %scatter3A_812 = arith.constant 0 : i32
        %scatter3A_813 = arith.constant 0 : i32
        %scatter3A_814 = arith.constant 0 : i32
        %scatter3A_815 = tpu.memref_slice %arg7[%scatter3A_812, %scatter3A_813, %scatter3A_814] : memref<4x48x128xf32, #tpu.memory_space<vmem>> -> memref<1x48x128xf32, #tpu.memory_space<vmem>>
        %scatter3A_816 = tpu.memref_squeeze %scatter3A_815 : memref<1x48x128xf32, #tpu.memory_space<vmem>> -> memref<48x128xf32, #tpu.memory_space<vmem>>
        tpu.vector_store_idx %scatter3A_816[%add3A_629, %add3A_11], %gather3A_680 : memref<48x128xf32, #tpu.memory_space<vmem>>[vector<16xi32>, vector<16xi32>], vector<16xf32>,
        %scatter3A_817 = arith.constant 0 : i32
        %scatter3A_818 = arith.constant 0 : i32
        %scatter3A_819 = arith.constant 0 : i32
        %scatter3A_820 = tpu.memref_slice %arg7[%scatter3A_817, %scatter3A_818, %scatter3A_819] : memref<4x48x128xf32, #tpu.memory_space<vmem>> -> memref<1x48x128xf32, #tpu.memory_space<vmem>>
        %scatter3A_821 = tpu.memref_squeeze %scatter3A_820 : memref<1x48x128xf32, #tpu.memory_space<vmem>> -> memref<48x128xf32, #tpu.memory_space<vmem>>
        tpu.vector_store_idx %scatter3A_821[%add3A_632, %add3A_11], %gather3A_686 : memref<48x128xf32, #tpu.memory_space<vmem>>[vector<16xi32>, vector<16xi32>], vector<16xf32>,
        %scatter3A_822 = arith.constant 0 : i32
        %scatter3A_823 = arith.constant 0 : i32
        %scatter3A_824 = arith.constant 0 : i32
        %scatter3A_825 = tpu.memref_slice %arg7[%scatter3A_822, %scatter3A_823, %scatter3A_824] : memref<4x48x128xf32, #tpu.memory_space<vmem>> -> memref<1x48x128xf32, #tpu.memory_space<vmem>>
        %scatter3A_826 = tpu.memref_squeeze %scatter3A_825 : memref<1x48x128xf32, #tpu.memory_space<vmem>> -> memref<48x128xf32, #tpu.memory_space<vmem>>
        tpu.vector_store_idx %scatter3A_826[%add3A_626, %add3A_14], %gather3A_692 : memref<48x128xf32, #tpu.memory_space<vmem>>[vector<16xi32>, vector<16xi32>], vector<16xf32>,
        %scatter3A_827 = arith.constant 0 : i32
        %scatter3A_828 = arith.constant 0 : i32
        %scatter3A_829 = arith.constant 0 : i32
        %scatter3A_830 = tpu.memref_slice %arg7[%scatter3A_827, %scatter3A_828, %scatter3A_829] : memref<4x48x128xf32, #tpu.memory_space<vmem>> -> memref<1x48x128xf32, #tpu.memory_space<vmem>>
        %scatter3A_831 = tpu.memref_squeeze %scatter3A_830 : memref<1x48x128xf32, #tpu.memory_space<vmem>> -> memref<48x128xf32, #tpu.memory_space<vmem>>
        tpu.vector_store_idx %scatter3A_831[%add3A_629, %add3A_14], %gather3A_698 : memref<48x128xf32, #tpu.memory_space<vmem>>[vector<16xi32>, vector<16xi32>], vector<16xf32>,
        %scatter3A_832 = arith.constant 0 : i32
        %scatter3A_833 = arith.constant 0 : i32
        %scatter3A_834 = arith.constant 0 : i32
        %scatter3A_835 = tpu.memref_slice %arg7[%scatter3A_832, %scatter3A_833, %scatter3A_834] : memref<4x48x128xf32, #tpu.memory_space<vmem>> -> memref<1x48x128xf32, #tpu.memory_space<vmem>>
        %scatter3A_836 = tpu.memref_squeeze %scatter3A_835 : memref<1x48x128xf32, #tpu.memory_space<vmem>> -> memref<48x128xf32, #tpu.memory_space<vmem>>
        tpu.vector_store_idx %scatter3A_836[%add3A_632, %add3A_14], %gather3A_704 : memref<48x128xf32, #tpu.memory_space<vmem>>[vector<16xi32>, vector<16xi32>], vector<16xf32>,
        %scatter3A_837 = arith.constant 0 : i32
        %scatter3A_838 = arith.constant 0 : i32
        %scatter3A_839 = arith.constant 0 : i32
        %scatter3A_840 = tpu.memref_slice %arg7[%scatter3A_837, %scatter3A_838, %scatter3A_839] : memref<4x48x128xf32, #tpu.memory_space<vmem>> -> memref<1x48x128xf32, #tpu.memory_space<vmem>>
        %scatter3A_841 = tpu.memref_squeeze %scatter3A_840 : memref<1x48x128xf32, #tpu.memory_space<vmem>> -> memref<48x128xf32, #tpu.memory_space<vmem>>
        tpu.vector_store_idx %scatter3A_841[%add3A_626, %add3A_17], %gather3A_710 : memref<48x128xf32, #tpu.memory_space<vmem>>[vector<16xi32>, vector<16xi32>], vector<16xf32>,
        %scatter3A_842 = arith.constant 0 : i32
        %scatter3A_843 = arith.constant 0 : i32
        %scatter3A_844 = arith.constant 0 : i32
        %scatter3A_845 = tpu.memref_slice %arg7[%scatter3A_842, %scatter3A_843, %scatter3A_844] : memref<4x48x128xf32, #tpu.memory_space<vmem>> -> memref<1x48x128xf32, #tpu.memory_space<vmem>>
        %scatter3A_846 = tpu.memref_squeeze %scatter3A_845 : memref<1x48x128xf32, #tpu.memory_space<vmem>> -> memref<48x128xf32, #tpu.memory_space<vmem>>
        tpu.vector_store_idx %scatter3A_846[%add3A_629, %add3A_17], %gather3A_716 : memref<48x128xf32, #tpu.memory_space<vmem>>[vector<16xi32>, vector<16xi32>], vector<16xf32>,
        %scatter3A_847 = arith.constant 0 : i32
        %scatter3A_848 = arith.constant 0 : i32
        %scatter3A_849 = arith.constant 0 : i32
        %scatter3A_850 = tpu.memref_slice %arg7[%scatter3A_847, %scatter3A_848, %scatter3A_849] : memref<4x48x128xf32, #tpu.memory_space<vmem>> -> memref<1x48x128xf32, #tpu.memory_space<vmem>>
        %scatter3A_851 = tpu.memref_squeeze %scatter3A_850 : memref<1x48x128xf32, #tpu.memory_space<vmem>> -> memref<48x128xf32, #tpu.memory_space<vmem>>
        tpu.vector_store_idx %scatter3A_851[%add3A_632, %add3A_17], %gather3A_722 : memref<48x128xf32, #tpu.memory_space<vmem>>[vector<16xi32>, vector<16xi32>], vector<16xf32>,
        %scatter3A_852 = arith.constant 0 : i32
        %scatter3A_853 = arith.constant 0 : i32
        %scatter3A_854 = arith.constant 0 : i32
        %scatter3A_855 = tpu.memref_slice %arg7[%scatter3A_852, %scatter3A_853, %scatter3A_854] : memref<4x48x128xf32, #tpu.memory_space<vmem>> -> memref<1x48x128xf32, #tpu.memory_space<vmem>>
        %scatter3A_856 = tpu.memref_squeeze %scatter3A_855 : memref<1x48x128xf32, #tpu.memory_space<vmem>> -> memref<48x128xf32, #tpu.memory_space<vmem>>
        tpu.vector_store_idx %scatter3A_856[%add3A_626, %add3A_20], %gather3A_728 : memref<48x128xf32, #tpu.memory_space<vmem>>[vector<16xi32>, vector<16xi32>], vector<16xf32>,
        %scatter3A_857 = arith.constant 0 : i32
        %scatter3A_858 = arith.constant 0 : i32
        %scatter3A_859 = arith.constant 0 : i32
        %scatter3A_860 = tpu.memref_slice %arg7[%scatter3A_857, %scatter3A_858, %scatter3A_859] : memref<4x48x128xf32, #tpu.memory_space<vmem>> -> memref<1x48x128xf32, #tpu.memory_space<vmem>>
        %scatter3A_861 = tpu.memref_squeeze %scatter3A_860 : memref<1x48x128xf32, #tpu.memory_space<vmem>> -> memref<48x128xf32, #tpu.memory_space<vmem>>
        tpu.vector_store_idx %scatter3A_861[%add3A_629, %add3A_20], %gather3A_734 : memref<48x128xf32, #tpu.memory_space<vmem>>[vector<16xi32>, vector<16xi32>], vector<16xf32>,
        %scatter3A_862 = arith.constant 0 : i32
        %scatter3A_863 = arith.constant 0 : i32
        %scatter3A_864 = arith.constant 0 : i32
        %scatter3A_865 = tpu.memref_slice %arg7[%scatter3A_862, %scatter3A_863, %scatter3A_864] : memref<4x48x128xf32, #tpu.memory_space<vmem>> -> memref<1x48x128xf32, #tpu.memory_space<vmem>>
        %scatter3A_866 = tpu.memref_squeeze %scatter3A_865 : memref<1x48x128xf32, #tpu.memory_space<vmem>> -> memref<48x128xf32, #tpu.memory_space<vmem>>
        tpu.vector_store_idx %scatter3A_866[%add3A_632, %add3A_20], %gather3A_740 : memref<48x128xf32, #tpu.memory_space<vmem>>[vector<16xi32>, vector<16xi32>], vector<16xf32>,
        %scatter3A_867 = arith.constant 0 : i32
        %scatter3A_868 = arith.constant 0 : i32
        %scatter3A_869 = arith.constant 0 : i32
        %scatter3A_870 = tpu.memref_slice %arg7[%scatter3A_867, %scatter3A_868, %scatter3A_869] : memref<4x48x128xf32, #tpu.memory_space<vmem>> -> memref<1x48x128xf32, #tpu.memory_space<vmem>>
        %scatter3A_871 = tpu.memref_squeeze %scatter3A_870 : memref<1x48x128xf32, #tpu.memory_space<vmem>> -> memref<48x128xf32, #tpu.memory_space<vmem>>
        tpu.vector_store_idx %scatter3A_871[%add3A_626, %add3A_23], %gather3A_746 : memref<48x128xf32, #tpu.memory_space<vmem>>[vector<16xi32>, vector<16xi32>], vector<16xf32>,
        %scatter3A_872 = arith.constant 0 : i32
        %scatter3A_873 = arith.constant 0 : i32
        %scatter3A_874 = arith.constant 0 : i32
        %scatter3A_875 = tpu.memref_slice %arg7[%scatter3A_872, %scatter3A_873, %scatter3A_874] : memref<4x48x128xf32, #tpu.memory_space<vmem>> -> memref<1x48x128xf32, #tpu.memory_space<vmem>>
        %scatter3A_876 = tpu.memref_squeeze %scatter3A_875 : memref<1x48x128xf32, #tpu.memory_space<vmem>> -> memref<48x128xf32, #tpu.memory_space<vmem>>
        tpu.vector_store_idx %scatter3A_876[%add3A_629, %add3A_23], %gather3A_752 : memref<48x128xf32, #tpu.memory_space<vmem>>[vector<16xi32>, vector<16xi32>], vector<16xf32>,
        %scatter3A_877 = arith.constant 0 : i32
        %scatter3A_878 = arith.constant 0 : i32
        %scatter3A_879 = arith.constant 0 : i32
        %scatter3A_880 = tpu.memref_slice %arg7[%scatter3A_877, %scatter3A_878, %scatter3A_879] : memref<4x48x128xf32, #tpu.memory_space<vmem>> -> memref<1x48x128xf32, #tpu.memory_space<vmem>>
        %scatter3A_881 = tpu.memref_squeeze %scatter3A_880 : memref<1x48x128xf32, #tpu.memory_space<vmem>> -> memref<48x128xf32, #tpu.memory_space<vmem>>
        tpu.vector_store_idx %scatter3A_881[%add3A_632, %add3A_23], %gather3A_758 : memref<48x128xf32, #tpu.memory_space<vmem>>[vector<16xi32>, vector<16xi32>], vector<16xf32>,
        %scatter3A_882 = arith.constant 0 : i32
        %scatter3A_883 = arith.constant 0 : i32
        %scatter3A_884 = arith.constant 0 : i32
        %scatter3A_885 = tpu.memref_slice %arg7[%scatter3A_882, %scatter3A_883, %scatter3A_884] : memref<4x48x128xf32, #tpu.memory_space<vmem>> -> memref<1x48x128xf32, #tpu.memory_space<vmem>>
        %scatter3A_886 = tpu.memref_squeeze %scatter3A_885 : memref<1x48x128xf32, #tpu.memory_space<vmem>> -> memref<48x128xf32, #tpu.memory_space<vmem>>
        tpu.vector_store_idx %scatter3A_886[%add3A_626, %add3A_26], %gather3A_764 : memref<48x128xf32, #tpu.memory_space<vmem>>[vector<16xi32>, vector<16xi32>], vector<16xf32>,
        %scatter3A_887 = arith.constant 0 : i32
        %scatter3A_888 = arith.constant 0 : i32
        %scatter3A_889 = arith.constant 0 : i32
        %scatter3A_890 = tpu.memref_slice %arg7[%scatter3A_887, %scatter3A_888, %scatter3A_889] : memref<4x48x128xf32, #tpu.memory_space<vmem>> -> memref<1x48x128xf32, #tpu.memory_space<vmem>>
        %scatter3A_891 = tpu.memref_squeeze %scatter3A_890 : memref<1x48x128xf32, #tpu.memory_space<vmem>> -> memref<48x128xf32, #tpu.memory_space<vmem>>
        tpu.vector_store_idx %scatter3A_891[%add3A_629, %add3A_26], %gather3A_770 : memref<48x128xf32, #tpu.memory_space<vmem>>[vector<16xi32>, vector<16xi32>], vector<16xf32>,
        %scatter3A_892 = arith.constant 0 : i32
        %scatter3A_893 = arith.constant 0 : i32
        %scatter3A_894 = arith.constant 0 : i32
        %scatter3A_895 = tpu.memref_slice %arg7[%scatter3A_892, %scatter3A_893, %scatter3A_894] : memref<4x48x128xf32, #tpu.memory_space<vmem>> -> memref<1x48x128xf32, #tpu.memory_space<vmem>>
        %scatter3A_896 = tpu.memref_squeeze %scatter3A_895 : memref<1x48x128xf32, #tpu.memory_space<vmem>> -> memref<48x128xf32, #tpu.memory_space<vmem>>
        tpu.vector_store_idx %scatter3A_896[%add3A_632, %add3A_26], %gather3A_776 : memref<48x128xf32, #tpu.memory_space<vmem>>[vector<16xi32>, vector<16xi32>], vector<16xf32>,
      }
      %scan3A_171 = arith.constant 16 : i32
      %dma_start3A_172 = arith.constant 0 : i32
      %dma_start3A_173 = arith.constant 0 : i32
      %dma_start3A_174 = arith.constant 0 : i32
      %dma_start3A_175 = tpu.memref_slice %arg7[%dma_start3A_172, %dma_start3A_173, %dma_start3A_174] : memref<4x48x128xf32, #tpu.memory_space<vmem>> -> memref<1x48x128xf32, #tpu.memory_space<vmem>>
      %dma_start3A_176 = tpu.memref_squeeze %dma_start3A_175 : memref<1x48x128xf32, #tpu.memory_space<vmem>> -> memref<48x128xf32, #tpu.memory_space<vmem>>
      %dma_start3A_177 = arith.constant 0 : i32
      %dma_start3A_178 = tpu.memref_slice %arg4[%add3A_143, %dma_start3A_177, %mul3A_2] : memref<192x48x4096xf32, #tpu.memory_space<hbm>> -> memref<1x48x128xf32, #tpu.memory_space<hbm>>
      %dma_start3A_179 = tpu.memref_squeeze %dma_start3A_178 : memref<1x48x128xf32, #tpu.memory_space<hbm>> -> memref<48x128xf32, #tpu.memory_space<hbm>>
      %dma_start3A_180 = arith.constant 0 : i32
      %dma_start3A_181 = tpu.memref_slice %arg4[%add3A_143, %dma_start3A_180, %mul3A_2] : memref<192x48x4096xf32, #tpu.memory_space<hbm>> -> memref<1x48x128xf32, #tpu.memory_space<hbm>>
      %dma_start3A_182 = tpu.memref_squeeze %dma_start3A_181 : memref<1x48x128xf32, #tpu.memory_space<hbm>> -> memref<48x128xf32, #tpu.memory_space<hbm>>
      %dma_start3A_183 = arith.constant 0 : i32
      %dma_start3A_184 = arith.constant 0 : i32
      %dma_start3A_185 = tpu.memref_slice %arg7[%dma_start3A_172, %dma_start3A_183, %dma_start3A_184] : memref<4x48x128xf32, #tpu.memory_space<vmem>> -> memref<1x48x128xf32, #tpu.memory_space<vmem>>
      %dma_start3A_186 = tpu.memref_squeeze %dma_start3A_185 : memref<1x48x128xf32, #tpu.memory_space<vmem>> -> memref<48x128xf32, #tpu.memory_space<vmem>>
      tpu.enqueue_dma source(%dma_start3A_186 : memref<48x128xf32, #tpu.memory_space<vmem>>) target(%dma_start3A_182 : memref<48x128xf32, #tpu.memory_space<hbm>>) target_semaphore(%arg9 : memref<!tpu.dma_semaphore, #tpu.memory_space<semaphore_mem>>)
      %add3A_187 = arith.constant 1 : i32
      %add3A_188 = arith.addi %add3A_141, %add3A_187 : i32
      %dma_wait3A_189 = arith.constant 1 : i32
      %dma_wait3A_190 = arith.constant 0 : i32
      %dma_wait3A_191 = arith.constant 0 : i32
      %dma_wait3A_192 = tpu.memref_slice %arg6[%dma_wait3A_189, %dma_wait3A_190, %dma_wait3A_191] : memref<4x128x128xf32, #tpu.memory_space<vmem>> -> memref<1x128x128xf32, #tpu.memory_space<vmem>>
      %dma_wait3A_193 = tpu.memref_squeeze %dma_wait3A_192 : memref<1x128x128xf32, #tpu.memory_space<vmem>> -> memref<128x128xf32, #tpu.memory_space<vmem>>
      %dma_wait3A_194 = arith.constant 0 : i32
      %dma_wait3A_195 = arith.constant 0 : i32
      %dma_wait3A_196 = tpu.memref_slice %arg2[%dma_wait3A_194, %dma_wait3A_195] : memref<100000x128xf32, #tpu.memory_space<hbm>> -> memref<128x128xf32, #tpu.memory_space<hbm>>
      %dma_wait3A_197 = arith.constant 0 : i32
      %dma_wait3A_198 = arith.constant 0 : i32
      %dma_wait3A_199 = tpu.memref_slice %arg6[%dma_wait3A_189, %dma_wait3A_197, %dma_wait3A_198] : memref<4x128x128xf32, #tpu.memory_space<vmem>> -> memref<1x128x128xf32, #tpu.memory_space<vmem>>
      %dma_wait3A_200 = tpu.memref_squeeze %dma_wait3A_199 : memref<1x128x128xf32, #tpu.memory_space<vmem>> -> memref<128x128xf32, #tpu.memory_space<vmem>>
      %dma_wait3A_201 = arith.constant 0 : i32
      %dma_wait3A_202 = arith.constant 0 : i32
      %dma_wait3A_203 = tpu.memref_slice %arg2[%dma_wait3A_201, %dma_wait3A_202] : memref<100000x128xf32, #tpu.memory_space<hbm>> -> memref<128x128xf32, #tpu.memory_space<hbm>>
      tpu.wait_dma2 semaphore(%arg8 : memref<!tpu.dma_semaphore, #tpu.memory_space<semaphore_mem>>) src(%dma_wait3A_203 : memref<128x128xf32, #tpu.memory_space<hbm>>) dst(%dma_wait3A_200 : memref<128x128xf32, #tpu.memory_space<vmem>>)
      %add3A_204 = arith.constant 3 : i32
      %add3A_205 = arith.addi %add3A_188, %add3A_204 : i32
      %lt3A_206 = arith.constant 192 : i32
      %lt3A_207 = arith.cmpi slt, %add3A_205, %lt3A_206 : i32
      %convert_element_type3A_208 = arith.extui %lt3A_207 : i1 to i32
      %cond3A_209 = arith.constant 0 : i32
      %cond3A_210 = arith.cmpi ne, %convert_element_type3A_208, %cond3A_209 : i32
      scf.if %cond3A_210 {
        %add3A_334 = arith.constant 3 : i32
        %add3A_335 = arith.addi %add3A_188, %add3A_334 : i32
        %dma_start3A_336 = arith.constant 0 : i32
        %dma_start3A_337 = arith.constant 0 : i32
        %dma_start3A_338 = arith.constant 0 : i32
        %dma_start3A_339 = tpu.memref_slice %arg6[%dma_start3A_336, %dma_start3A_337, %dma_start3A_338] : memref<4x128x128xf32, #tpu.memory_space<vmem>> -> memref<1x128x128xf32, #tpu.memory_space<vmem>>
        %dma_start3A_340 = tpu.memref_squeeze %dma_start3A_339 : memref<1x128x128xf32, #tpu.memory_space<vmem>> -> memref<128x128xf32, #tpu.memory_space<vmem>>
        %dma_start3A_341 = arith.constant 0 : i32
        %dma_start3A_342 = tpu.memref_slice %arg5[%add3A_335, %dma_start3A_341] : memref<192x128xi32, #tpu.memory_space<vmem>> -> memref<1x128xi32, #tpu.memory_space<vmem>>
        %dma_start3A_343 = tpu.memref_squeeze %dma_start3A_342 : memref<1x128xi32, #tpu.memory_space<vmem>> -> memref<128xi32, #tpu.memory_space<vmem>>
        %dma_start3A_344 = arith.constant 0 : i32
        %dma_start3A_345 = arith.constant 0 : i32
        %dma_start3A_346 = tpu.memref_slice %arg2[%dma_start3A_344, %dma_start3A_345] : memref<100000x128xf32, #tpu.memory_space<hbm>> -> memref<100000x128xf32, #tpu.memory_space<hbm>>
        tpu.enqueue_indirect_dma source(%dma_start3A_346 : memref<100000x128xf32, #tpu.memory_space<hbm>>) target(%dma_start3A_340 : memref<128x128xf32, #tpu.memory_space<vmem>>) offsets(%dma_start3A_343 : memref<128xi32, #tpu.memory_space<vmem>>) semaphore(%arg8 : memref<!tpu.dma_semaphore, #tpu.memory_space<semaphore_mem>>)
      } else {
      }
      %ge3A_211 = arith.constant 4 : i32
      %ge3A_212 = arith.cmpi sge, %add3A_188, %ge3A_211 : i32
      %convert_element_type3A_213 = arith.extui %ge3A_212 : i1 to i32
      %cond3A_214 = arith.constant 0 : i32
      %cond3A_215 = arith.cmpi ne, %convert_element_type3A_213, %cond3A_214 : i32
      scf.if %cond3A_215 {
        %dma_wait3A_334 = arith.constant 1 : i32
        %dma_wait3A_335 = arith.constant 0 : i32
        %dma_wait3A_336 = arith.constant 0 : i32
        %dma_wait3A_337 = arith.constant 0 : i32
        %dma_wait3A_338 = tpu.memref_slice %arg7[%dma_wait3A_334, %dma_wait3A_336, %dma_wait3A_337] : memref<4x48x128xf32, #tpu.memory_space<vmem>> -> memref<1x48x128xf32, #tpu.memory_space<vmem>>
        %dma_wait3A_339 = tpu.memref_squeeze %dma_wait3A_338 : memref<1x48x128xf32, #tpu.memory_space<vmem>> -> memref<48x128xf32, #tpu.memory_space<vmem>>
        %dma_wait3A_340 = arith.constant 0 : i32
        %dma_wait3A_341 = arith.constant 0 : i32
        %dma_wait3A_342 = tpu.memref_slice %arg4[%dma_wait3A_335, %dma_wait3A_340, %dma_wait3A_341] : memref<192x48x4096xf32, #tpu.memory_space<hbm>> -> memref<1x48x128xf32, #tpu.memory_space<hbm>>
        %dma_wait3A_343 = tpu.memref_squeeze %dma_wait3A_342 : memref<1x48x128xf32, #tpu.memory_space<hbm>> -> memref<48x128xf32, #tpu.memory_space<hbm>>
        %dma_wait3A_344 = arith.constant 0 : i32
        %dma_wait3A_345 = arith.constant 0 : i32
        %dma_wait3A_346 = tpu.memref_slice %arg4[%dma_wait3A_335, %dma_wait3A_344, %dma_wait3A_345] : memref<192x48x4096xf32, #tpu.memory_space<hbm>> -> memref<1x48x128xf32, #tpu.memory_space<hbm>>
        %dma_wait3A_347 = tpu.memref_squeeze %dma_wait3A_346 : memref<1x48x128xf32, #tpu.memory_space<hbm>> -> memref<48x128xf32, #tpu.memory_space<hbm>>
        %dma_wait3A_348 = arith.constant 0 : i32
        %dma_wait3A_349 = arith.constant 0 : i32
        %dma_wait3A_350 = tpu.memref_slice %arg7[%dma_wait3A_334, %dma_wait3A_348, %dma_wait3A_349] : memref<4x48x128xf32, #tpu.memory_space<vmem>> -> memref<1x48x128xf32, #tpu.memory_space<vmem>>
        %dma_wait3A_351 = tpu.memref_squeeze %dma_wait3A_350 : memref<1x48x128xf32, #tpu.memory_space<vmem>> -> memref<48x128xf32, #tpu.memory_space<vmem>>
        tpu.wait_dma2 semaphore(%arg9 : memref<!tpu.dma_semaphore, #tpu.memory_space<semaphore_mem>>) src(%dma_wait3A_351 : memref<48x128xf32, #tpu.memory_space<vmem>>) dst(%dma_wait3A_347 : memref<48x128xf32, #tpu.memory_space<hbm>>)
      } else {
      }
      %scan3A_216 = arith.constant 0 : i32
      %scan3A_217 = arith.constant 16 : i32
      %scan3A_218 = arith.addi %scan3A_216, %scan3A_217 : i32
      %scan3A_219 = arith.constant 2 : i32
      scf.for %scan3A_334 = %scan3A_216 to %scan3A_218 step %scan3A_219  : i32 {
        %mul3A_335 = arith.constant 1 : i32
        %mul3A_336 = arith.muli %scan3A_334, %mul3A_335 : i32
        %add3A_337 = arith.constant 0 : i32
        %add3A_338 = arith.addi %add3A_337, %mul3A_336 : i32
        %add3A_339 = vector.broadcast %add3A_338 : i32 to vector<16xi32>
        %add3A_340 = arith.addi %iota3A, %add3A_339 : vector<16xi32>
        %broadcast_in_dim3A = arith.constant 15 : i32
        %broadcast_in_dim3A_341 = vector.broadcast %broadcast_in_dim3A : i32 to vector<16xi32>
        %and3A = arith.andi %add3A_340, %broadcast_in_dim3A_341 : vector<16xi32>
        %add3A_342 = arith.constant 0 : i32
        %add3A_343 = vector.broadcast %add3A_342 : i32 to vector<16xi32>
        %add3A_344 = arith.addi %and3A, %add3A_343 : vector<16xi32>
        %add3A_345 = arith.constant 16 : i32
        %add3A_346 = vector.broadcast %add3A_345 : i32 to vector<16xi32>
        %add3A_347 = arith.addi %and3A, %add3A_346 : vector<16xi32>
        %add3A_348 = arith.constant 32 : i32
        %add3A_349 = vector.broadcast %add3A_348 : i32 to vector<16xi32>
        %add3A_350 = arith.addi %and3A, %add3A_349 : vector<16xi32>
        %gather3A = arith.constant 1 : i32
        %gather3A_351 = arith.constant 0 : i32
        %gather3A_352 = arith.constant 0 : i32
        %gather3A_353 = tpu.memref_slice %arg6[%gather3A, %gather3A_351, %gather3A_352] : memref<4x128x128xf32, #tpu.memory_space<vmem>> -> memref<1x128x128xf32, #tpu.memory_space<vmem>>
        %gather3A_354 = tpu.memref_squeeze %gather3A_353 : memref<1x128x128xf32, #tpu.memory_space<vmem>> -> memref<128x128xf32, #tpu.memory_space<vmem>>
        %gather3A_355 = tpu.vector_load_idx %gather3A_354[%add3A_5, %add3A_344] : memref<128x128xf32, #tpu.memory_space<vmem>>[vector<16xi32>, vector<16xi32>], vector<16xf32>,
        %gather3A_356 = arith.constant 1 : i32
        %gather3A_357 = arith.constant 0 : i32
        %gather3A_358 = arith.constant 0 : i32
        %gather3A_359 = tpu.memref_slice %arg6[%gather3A_356, %gather3A_357, %gather3A_358] : memref<4x128x128xf32, #tpu.memory_space<vmem>> -> memref<1x128x128xf32, #tpu.memory_space<vmem>>
        %gather3A_360 = tpu.memref_squeeze %gather3A_359 : memref<1x128x128xf32, #tpu.memory_space<vmem>> -> memref<128x128xf32, #tpu.memory_space<vmem>>
        %gather3A_361 = tpu.vector_load_idx %gather3A_360[%add3A_5, %add3A_347] : memref<128x128xf32, #tpu.memory_space<vmem>>[vector<16xi32>, vector<16xi32>], vector<16xf32>,
        %gather3A_362 = arith.constant 1 : i32
        %gather3A_363 = arith.constant 0 : i32
        %gather3A_364 = arith.constant 0 : i32
        %gather3A_365 = tpu.memref_slice %arg6[%gather3A_362, %gather3A_363, %gather3A_364] : memref<4x128x128xf32, #tpu.memory_space<vmem>> -> memref<1x128x128xf32, #tpu.memory_space<vmem>>
        %gather3A_366 = tpu.memref_squeeze %gather3A_365 : memref<1x128x128xf32, #tpu.memory_space<vmem>> -> memref<128x128xf32, #tpu.memory_space<vmem>>
        %gather3A_367 = tpu.vector_load_idx %gather3A_366[%add3A_5, %add3A_350] : memref<128x128xf32, #tpu.memory_space<vmem>>[vector<16xi32>, vector<16xi32>], vector<16xf32>,
        %gather3A_368 = arith.constant 1 : i32
        %gather3A_369 = arith.constant 0 : i32
        %gather3A_370 = arith.constant 0 : i32
        %gather3A_371 = tpu.memref_slice %arg6[%gather3A_368, %gather3A_369, %gather3A_370] : memref<4x128x128xf32, #tpu.memory_space<vmem>> -> memref<1x128x128xf32, #tpu.memory_space<vmem>>
        %gather3A_372 = tpu.memref_squeeze %gather3A_371 : memref<1x128x128xf32, #tpu.memory_space<vmem>> -> memref<128x128xf32, #tpu.memory_space<vmem>>
        %gather3A_373 = tpu.vector_load_idx %gather3A_372[%add3A_8, %add3A_344] : memref<128x128xf32, #tpu.memory_space<vmem>>[vector<16xi32>, vector<16xi32>], vector<16xf32>,
        %gather3A_374 = arith.constant 1 : i32
        %gather3A_375 = arith.constant 0 : i32
        %gather3A_376 = arith.constant 0 : i32
        %gather3A_377 = tpu.memref_slice %arg6[%gather3A_374, %gather3A_375, %gather3A_376] : memref<4x128x128xf32, #tpu.memory_space<vmem>> -> memref<1x128x128xf32, #tpu.memory_space<vmem>>
        %gather3A_378 = tpu.memref_squeeze %gather3A_377 : memref<1x128x128xf32, #tpu.memory_space<vmem>> -> memref<128x128xf32, #tpu.memory_space<vmem>>
        %gather3A_379 = tpu.vector_load_idx %gather3A_378[%add3A_8, %add3A_347] : memref<128x128xf32, #tpu.memory_space<vmem>>[vector<16xi32>, vector<16xi32>], vector<16xf32>,
        %gather3A_380 = arith.constant 1 : i32
        %gather3A_381 = arith.constant 0 : i32
        %gather3A_382 = arith.constant 0 : i32
        %gather3A_383 = tpu.memref_slice %arg6[%gather3A_380, %gather3A_381, %gather3A_382] : memref<4x128x128xf32, #tpu.memory_space<vmem>> -> memref<1x128x128xf32, #tpu.memory_space<vmem>>
        %gather3A_384 = tpu.memref_squeeze %gather3A_383 : memref<1x128x128xf32, #tpu.memory_space<vmem>> -> memref<128x128xf32, #tpu.memory_space<vmem>>
        %gather3A_385 = tpu.vector_load_idx %gather3A_384[%add3A_8, %add3A_350] : memref<128x128xf32, #tpu.memory_space<vmem>>[vector<16xi32>, vector<16xi32>], vector<16xf32>,
        %gather3A_386 = arith.constant 1 : i32
        %gather3A_387 = arith.constant 0 : i32
        %gather3A_388 = arith.constant 0 : i32
        %gather3A_389 = tpu.memref_slice %arg6[%gather3A_386, %gather3A_387, %gather3A_388] : memref<4x128x128xf32, #tpu.memory_space<vmem>> -> memref<1x128x128xf32, #tpu.memory_space<vmem>>
        %gather3A_390 = tpu.memref_squeeze %gather3A_389 : memref<1x128x128xf32, #tpu.memory_space<vmem>> -> memref<128x128xf32, #tpu.memory_space<vmem>>
        %gather3A_391 = tpu.vector_load_idx %gather3A_390[%add3A_11, %add3A_344] : memref<128x128xf32, #tpu.memory_space<vmem>>[vector<16xi32>, vector<16xi32>], vector<16xf32>,
        %gather3A_392 = arith.constant 1 : i32
        %gather3A_393 = arith.constant 0 : i32
        %gather3A_394 = arith.constant 0 : i32
        %gather3A_395 = tpu.memref_slice %arg6[%gather3A_392, %gather3A_393, %gather3A_394] : memref<4x128x128xf32, #tpu.memory_space<vmem>> -> memref<1x128x128xf32, #tpu.memory_space<vmem>>
        %gather3A_396 = tpu.memref_squeeze %gather3A_395 : memref<1x128x128xf32, #tpu.memory_space<vmem>> -> memref<128x128xf32, #tpu.memory_space<vmem>>
        %gather3A_397 = tpu.vector_load_idx %gather3A_396[%add3A_11, %add3A_347] : memref<128x128xf32, #tpu.memory_space<vmem>>[vector<16xi32>, vector<16xi32>], vector<16xf32>,
        %gather3A_398 = arith.constant 1 : i32
        %gather3A_399 = arith.constant 0 : i32
        %gather3A_400 = arith.constant 0 : i32
        %gather3A_401 = tpu.memref_slice %arg6[%gather3A_398, %gather3A_399, %gather3A_400] : memref<4x128x128xf32, #tpu.memory_space<vmem>> -> memref<1x128x128xf32, #tpu.memory_space<vmem>>
        %gather3A_402 = tpu.memref_squeeze %gather3A_401 : memref<1x128x128xf32, #tpu.memory_space<vmem>> -> memref<128x128xf32, #tpu.memory_space<vmem>>
        %gather3A_403 = tpu.vector_load_idx %gather3A_402[%add3A_11, %add3A_350] : memref<128x128xf32, #tpu.memory_space<vmem>>[vector<16xi32>, vector<16xi32>], vector<16xf32>,
        %gather3A_404 = arith.constant 1 : i32
        %gather3A_405 = arith.constant 0 : i32
        %gather3A_406 = arith.constant 0 : i32
        %gather3A_407 = tpu.memref_slice %arg6[%gather3A_404, %gather3A_405, %gather3A_406] : memref<4x128x128xf32, #tpu.memory_space<vmem>> -> memref<1x128x128xf32, #tpu.memory_space<vmem>>
        %gather3A_408 = tpu.memref_squeeze %gather3A_407 : memref<1x128x128xf32, #tpu.memory_space<vmem>> -> memref<128x128xf32, #tpu.memory_space<vmem>>
        %gather3A_409 = tpu.vector_load_idx %gather3A_408[%add3A_14, %add3A_344] : memref<128x128xf32, #tpu.memory_space<vmem>>[vector<16xi32>, vector<16xi32>], vector<16xf32>,
        %gather3A_410 = arith.constant 1 : i32
        %gather3A_411 = arith.constant 0 : i32
        %gather3A_412 = arith.constant 0 : i32
        %gather3A_413 = tpu.memref_slice %arg6[%gather3A_410, %gather3A_411, %gather3A_412] : memref<4x128x128xf32, #tpu.memory_space<vmem>> -> memref<1x128x128xf32, #tpu.memory_space<vmem>>
        %gather3A_414 = tpu.memref_squeeze %gather3A_413 : memref<1x128x128xf32, #tpu.memory_space<vmem>> -> memref<128x128xf32, #tpu.memory_space<vmem>>
        %gather3A_415 = tpu.vector_load_idx %gather3A_414[%add3A_14, %add3A_347] : memref<128x128xf32, #tpu.memory_space<vmem>>[vector<16xi32>, vector<16xi32>], vector<16xf32>,
        %gather3A_416 = arith.constant 1 : i32
        %gather3A_417 = arith.constant 0 : i32
        %gather3A_418 = arith.constant 0 : i32
        %gather3A_419 = tpu.memref_slice %arg6[%gather3A_416, %gather3A_417, %gather3A_418] : memref<4x128x128xf32, #tpu.memory_space<vmem>> -> memref<1x128x128xf32, #tpu.memory_space<vmem>>
        %gather3A_420 = tpu.memref_squeeze %gather3A_419 : memref<1x128x128xf32, #tpu.memory_space<vmem>> -> memref<128x128xf32, #tpu.memory_space<vmem>>
        %gather3A_421 = tpu.vector_load_idx %gather3A_420[%add3A_14, %add3A_350] : memref<128x128xf32, #tpu.memory_space<vmem>>[vector<16xi32>, vector<16xi32>], vector<16xf32>,
        %gather3A_422 = arith.constant 1 : i32
        %gather3A_423 = arith.constant 0 : i32
        %gather3A_424 = arith.constant 0 : i32
        %gather3A_425 = tpu.memref_slice %arg6[%gather3A_422, %gather3A_423, %gather3A_424] : memref<4x128x128xf32, #tpu.memory_space<vmem>> -> memref<1x128x128xf32, #tpu.memory_space<vmem>>
        %gather3A_426 = tpu.memref_squeeze %gather3A_425 : memref<1x128x128xf32, #tpu.memory_space<vmem>> -> memref<128x128xf32, #tpu.memory_space<vmem>>
        %gather3A_427 = tpu.vector_load_idx %gather3A_426[%add3A_17, %add3A_344] : memref<128x128xf32, #tpu.memory_space<vmem>>[vector<16xi32>, vector<16xi32>], vector<16xf32>,
        %gather3A_428 = arith.constant 1 : i32
        %gather3A_429 = arith.constant 0 : i32
        %gather3A_430 = arith.constant 0 : i32
        %gather3A_431 = tpu.memref_slice %arg6[%gather3A_428, %gather3A_429, %gather3A_430] : memref<4x128x128xf32, #tpu.memory_space<vmem>> -> memref<1x128x128xf32, #tpu.memory_space<vmem>>
        %gather3A_432 = tpu.memref_squeeze %gather3A_431 : memref<1x128x128xf32, #tpu.memory_space<vmem>> -> memref<128x128xf32, #tpu.memory_space<vmem>>
        %gather3A_433 = tpu.vector_load_idx %gather3A_432[%add3A_17, %add3A_347] : memref<128x128xf32, #tpu.memory_space<vmem>>[vector<16xi32>, vector<16xi32>], vector<16xf32>,
        %gather3A_434 = arith.constant 1 : i32
        %gather3A_435 = arith.constant 0 : i32
        %gather3A_436 = arith.constant 0 : i32
        %gather3A_437 = tpu.memref_slice %arg6[%gather3A_434, %gather3A_435, %gather3A_436] : memref<4x128x128xf32, #tpu.memory_space<vmem>> -> memref<1x128x128xf32, #tpu.memory_space<vmem>>
        %gather3A_438 = tpu.memref_squeeze %gather3A_437 : memref<1x128x128xf32, #tpu.memory_space<vmem>> -> memref<128x128xf32, #tpu.memory_space<vmem>>
        %gather3A_439 = tpu.vector_load_idx %gather3A_438[%add3A_17, %add3A_350] : memref<128x128xf32, #tpu.memory_space<vmem>>[vector<16xi32>, vector<16xi32>], vector<16xf32>,
        %gather3A_440 = arith.constant 1 : i32
        %gather3A_441 = arith.constant 0 : i32
        %gather3A_442 = arith.constant 0 : i32
        %gather3A_443 = tpu.memref_slice %arg6[%gather3A_440, %gather3A_441, %gather3A_442] : memref<4x128x128xf32, #tpu.memory_space<vmem>> -> memref<1x128x128xf32, #tpu.memory_space<vmem>>
        %gather3A_444 = tpu.memref_squeeze %gather3A_443 : memref<1x128x128xf32, #tpu.memory_space<vmem>> -> memref<128x128xf32, #tpu.memory_space<vmem>>
        %gather3A_445 = tpu.vector_load_idx %gather3A_444[%add3A_20, %add3A_344] : memref<128x128xf32, #tpu.memory_space<vmem>>[vector<16xi32>, vector<16xi32>], vector<16xf32>,
        %gather3A_446 = arith.constant 1 : i32
        %gather3A_447 = arith.constant 0 : i32
        %gather3A_448 = arith.constant 0 : i32
        %gather3A_449 = tpu.memref_slice %arg6[%gather3A_446, %gather3A_447, %gather3A_448] : memref<4x128x128xf32, #tpu.memory_space<vmem>> -> memref<1x128x128xf32, #tpu.memory_space<vmem>>
        %gather3A_450 = tpu.memref_squeeze %gather3A_449 : memref<1x128x128xf32, #tpu.memory_space<vmem>> -> memref<128x128xf32, #tpu.memory_space<vmem>>
        %gather3A_451 = tpu.vector_load_idx %gather3A_450[%add3A_20, %add3A_347] : memref<128x128xf32, #tpu.memory_space<vmem>>[vector<16xi32>, vector<16xi32>], vector<16xf32>,
        %gather3A_452 = arith.constant 1 : i32
        %gather3A_453 = arith.constant 0 : i32
        %gather3A_454 = arith.constant 0 : i32
        %gather3A_455 = tpu.memref_slice %arg6[%gather3A_452, %gather3A_453, %gather3A_454] : memref<4x128x128xf32, #tpu.memory_space<vmem>> -> memref<1x128x128xf32, #tpu.memory_space<vmem>>
        %gather3A_456 = tpu.memref_squeeze %gather3A_455 : memref<1x128x128xf32, #tpu.memory_space<vmem>> -> memref<128x128xf32, #tpu.memory_space<vmem>>
        %gather3A_457 = tpu.vector_load_idx %gather3A_456[%add3A_20, %add3A_350] : memref<128x128xf32, #tpu.memory_space<vmem>>[vector<16xi32>, vector<16xi32>], vector<16xf32>,
        %gather3A_458 = arith.constant 1 : i32
        %gather3A_459 = arith.constant 0 : i32
        %gather3A_460 = arith.constant 0 : i32
        %gather3A_461 = tpu.memref_slice %arg6[%gather3A_458, %gather3A_459, %gather3A_460] : memref<4x128x128xf32, #tpu.memory_space<vmem>> -> memref<1x128x128xf32, #tpu.memory_space<vmem>>
        %gather3A_462 = tpu.memref_squeeze %gather3A_461 : memref<1x128x128xf32, #tpu.memory_space<vmem>> -> memref<128x128xf32, #tpu.memory_space<vmem>>
        %gather3A_463 = tpu.vector_load_idx %gather3A_462[%add3A_23, %add3A_344] : memref<128x128xf32, #tpu.memory_space<vmem>>[vector<16xi32>, vector<16xi32>], vector<16xf32>,
        %gather3A_464 = arith.constant 1 : i32
        %gather3A_465 = arith.constant 0 : i32
        %gather3A_466 = arith.constant 0 : i32
        %gather3A_467 = tpu.memref_slice %arg6[%gather3A_464, %gather3A_465, %gather3A_466] : memref<4x128x128xf32, #tpu.memory_space<vmem>> -> memref<1x128x128xf32, #tpu.memory_space<vmem>>
        %gather3A_468 = tpu.memref_squeeze %gather3A_467 : memref<1x128x128xf32, #tpu.memory_space<vmem>> -> memref<128x128xf32, #tpu.memory_space<vmem>>
        %gather3A_469 = tpu.vector_load_idx %gather3A_468[%add3A_23, %add3A_347] : memref<128x128xf32, #tpu.memory_space<vmem>>[vector<16xi32>, vector<16xi32>], vector<16xf32>,
        %gather3A_470 = arith.constant 1 : i32
        %gather3A_471 = arith.constant 0 : i32
        %gather3A_472 = arith.constant 0 : i32
        %gather3A_473 = tpu.memref_slice %arg6[%gather3A_470, %gather3A_471, %gather3A_472] : memref<4x128x128xf32, #tpu.memory_space<vmem>> -> memref<1x128x128xf32, #tpu.memory_space<vmem>>
        %gather3A_474 = tpu.memref_squeeze %gather3A_473 : memref<1x128x128xf32, #tpu.memory_space<vmem>> -> memref<128x128xf32, #tpu.memory_space<vmem>>
        %gather3A_475 = tpu.vector_load_idx %gather3A_474[%add3A_23, %add3A_350] : memref<128x128xf32, #tpu.memory_space<vmem>>[vector<16xi32>, vector<16xi32>], vector<16xf32>,
        %gather3A_476 = arith.constant 1 : i32
        %gather3A_477 = arith.constant 0 : i32
        %gather3A_478 = arith.constant 0 : i32
        %gather3A_479 = tpu.memref_slice %arg6[%gather3A_476, %gather3A_477, %gather3A_478] : memref<4x128x128xf32, #tpu.memory_space<vmem>> -> memref<1x128x128xf32, #tpu.memory_space<vmem>>
        %gather3A_480 = tpu.memref_squeeze %gather3A_479 : memref<1x128x128xf32, #tpu.memory_space<vmem>> -> memref<128x128xf32, #tpu.memory_space<vmem>>
        %gather3A_481 = tpu.vector_load_idx %gather3A_480[%add3A_26, %add3A_344] : memref<128x128xf32, #tpu.memory_space<vmem>>[vector<16xi32>, vector<16xi32>], vector<16xf32>,
        %gather3A_482 = arith.constant 1 : i32
        %gather3A_483 = arith.constant 0 : i32
        %gather3A_484 = arith.constant 0 : i32
        %gather3A_485 = tpu.memref_slice %arg6[%gather3A_482, %gather3A_483, %gather3A_484] : memref<4x128x128xf32, #tpu.memory_space<vmem>> -> memref<1x128x128xf32, #tpu.memory_space<vmem>>
        %gather3A_486 = tpu.memref_squeeze %gather3A_485 : memref<1x128x128xf32, #tpu.memory_space<vmem>> -> memref<128x128xf32, #tpu.memory_space<vmem>>
        %gather3A_487 = tpu.vector_load_idx %gather3A_486[%add3A_26, %add3A_347] : memref<128x128xf32, #tpu.memory_space<vmem>>[vector<16xi32>, vector<16xi32>], vector<16xf32>,
        %gather3A_488 = arith.constant 1 : i32
        %gather3A_489 = arith.constant 0 : i32
        %gather3A_490 = arith.constant 0 : i32
        %gather3A_491 = tpu.memref_slice %arg6[%gather3A_488, %gather3A_489, %gather3A_490] : memref<4x128x128xf32, #tpu.memory_space<vmem>> -> memref<1x128x128xf32, #tpu.memory_space<vmem>>
        %gather3A_492 = tpu.memref_squeeze %gather3A_491 : memref<1x128x128xf32, #tpu.memory_space<vmem>> -> memref<128x128xf32, #tpu.memory_space<vmem>>
        %gather3A_493 = tpu.vector_load_idx %gather3A_492[%add3A_26, %add3A_350] : memref<128x128xf32, #tpu.memory_space<vmem>>[vector<16xi32>, vector<16xi32>], vector<16xf32>,
        %scatter3A = arith.constant 1 : i32
        %scatter3A_494 = arith.constant 0 : i32
        %scatter3A_495 = arith.constant 0 : i32
        %scatter3A_496 = tpu.memref_slice %arg7[%scatter3A, %scatter3A_494, %scatter3A_495] : memref<4x48x128xf32, #tpu.memory_space<vmem>> -> memref<1x48x128xf32, #tpu.memory_space<vmem>>
        %scatter3A_497 = tpu.memref_squeeze %scatter3A_496 : memref<1x48x128xf32, #tpu.memory_space<vmem>> -> memref<48x128xf32, #tpu.memory_space<vmem>>
        tpu.vector_store_idx %scatter3A_497[%add3A_344, %add3A_5], %gather3A_355 : memref<48x128xf32, #tpu.memory_space<vmem>>[vector<16xi32>, vector<16xi32>], vector<16xf32>,
        %scatter3A_498 = arith.constant 1 : i32
        %scatter3A_499 = arith.constant 0 : i32
        %scatter3A_500 = arith.constant 0 : i32
        %scatter3A_501 = tpu.memref_slice %arg7[%scatter3A_498, %scatter3A_499, %scatter3A_500] : memref<4x48x128xf32, #tpu.memory_space<vmem>> -> memref<1x48x128xf32, #tpu.memory_space<vmem>>
        %scatter3A_502 = tpu.memref_squeeze %scatter3A_501 : memref<1x48x128xf32, #tpu.memory_space<vmem>> -> memref<48x128xf32, #tpu.memory_space<vmem>>
        tpu.vector_store_idx %scatter3A_502[%add3A_347, %add3A_5], %gather3A_361 : memref<48x128xf32, #tpu.memory_space<vmem>>[vector<16xi32>, vector<16xi32>], vector<16xf32>,
        %scatter3A_503 = arith.constant 1 : i32
        %scatter3A_504 = arith.constant 0 : i32
        %scatter3A_505 = arith.constant 0 : i32
        %scatter3A_506 = tpu.memref_slice %arg7[%scatter3A_503, %scatter3A_504, %scatter3A_505] : memref<4x48x128xf32, #tpu.memory_space<vmem>> -> memref<1x48x128xf32, #tpu.memory_space<vmem>>
        %scatter3A_507 = tpu.memref_squeeze %scatter3A_506 : memref<1x48x128xf32, #tpu.memory_space<vmem>> -> memref<48x128xf32, #tpu.memory_space<vmem>>
        tpu.vector_store_idx %scatter3A_507[%add3A_350, %add3A_5], %gather3A_367 : memref<48x128xf32, #tpu.memory_space<vmem>>[vector<16xi32>, vector<16xi32>], vector<16xf32>,
        %scatter3A_508 = arith.constant 1 : i32
        %scatter3A_509 = arith.constant 0 : i32
        %scatter3A_510 = arith.constant 0 : i32
        %scatter3A_511 = tpu.memref_slice %arg7[%scatter3A_508, %scatter3A_509, %scatter3A_510] : memref<4x48x128xf32, #tpu.memory_space<vmem>> -> memref<1x48x128xf32, #tpu.memory_space<vmem>>
        %scatter3A_512 = tpu.memref_squeeze %scatter3A_511 : memref<1x48x128xf32, #tpu.memory_space<vmem>> -> memref<48x128xf32, #tpu.memory_space<vmem>>
        tpu.vector_store_idx %scatter3A_512[%add3A_344, %add3A_8], %gather3A_373 : memref<48x128xf32, #tpu.memory_space<vmem>>[vector<16xi32>, vector<16xi32>], vector<16xf32>,
        %scatter3A_513 = arith.constant 1 : i32
        %scatter3A_514 = arith.constant 0 : i32
        %scatter3A_515 = arith.constant 0 : i32
        %scatter3A_516 = tpu.memref_slice %arg7[%scatter3A_513, %scatter3A_514, %scatter3A_515] : memref<4x48x128xf32, #tpu.memory_space<vmem>> -> memref<1x48x128xf32, #tpu.memory_space<vmem>>
        %scatter3A_517 = tpu.memref_squeeze %scatter3A_516 : memref<1x48x128xf32, #tpu.memory_space<vmem>> -> memref<48x128xf32, #tpu.memory_space<vmem>>
        tpu.vector_store_idx %scatter3A_517[%add3A_347, %add3A_8], %gather3A_379 : memref<48x128xf32, #tpu.memory_space<vmem>>[vector<16xi32>, vector<16xi32>], vector<16xf32>,
        %scatter3A_518 = arith.constant 1 : i32
        %scatter3A_519 = arith.constant 0 : i32
        %scatter3A_520 = arith.constant 0 : i32
        %scatter3A_521 = tpu.memref_slice %arg7[%scatter3A_518, %scatter3A_519, %scatter3A_520] : memref<4x48x128xf32, #tpu.memory_space<vmem>> -> memref<1x48x128xf32, #tpu.memory_space<vmem>>
        %scatter3A_522 = tpu.memref_squeeze %scatter3A_521 : memref<1x48x128xf32, #tpu.memory_space<vmem>> -> memref<48x128xf32, #tpu.memory_space<vmem>>
        tpu.vector_store_idx %scatter3A_522[%add3A_350, %add3A_8], %gather3A_385 : memref<48x128xf32, #tpu.memory_space<vmem>>[vector<16xi32>, vector<16xi32>], vector<16xf32>,
        %scatter3A_523 = arith.constant 1 : i32
        %scatter3A_524 = arith.constant 0 : i32
        %scatter3A_525 = arith.constant 0 : i32
        %scatter3A_526 = tpu.memref_slice %arg7[%scatter3A_523, %scatter3A_524, %scatter3A_525] : memref<4x48x128xf32, #tpu.memory_space<vmem>> -> memref<1x48x128xf32, #tpu.memory_space<vmem>>
        %scatter3A_527 = tpu.memref_squeeze %scatter3A_526 : memref<1x48x128xf32, #tpu.memory_space<vmem>> -> memref<48x128xf32, #tpu.memory_space<vmem>>
        tpu.vector_store_idx %scatter3A_527[%add3A_344, %add3A_11], %gather3A_391 : memref<48x128xf32, #tpu.memory_space<vmem>>[vector<16xi32>, vector<16xi32>], vector<16xf32>,
        %scatter3A_528 = arith.constant 1 : i32
        %scatter3A_529 = arith.constant 0 : i32
        %scatter3A_530 = arith.constant 0 : i32
        %scatter3A_531 = tpu.memref_slice %arg7[%scatter3A_528, %scatter3A_529, %scatter3A_530] : memref<4x48x128xf32, #tpu.memory_space<vmem>> -> memref<1x48x128xf32, #tpu.memory_space<vmem>>
        %scatter3A_532 = tpu.memref_squeeze %scatter3A_531 : memref<1x48x128xf32, #tpu.memory_space<vmem>> -> memref<48x128xf32, #tpu.memory_space<vmem>>
        tpu.vector_store_idx %scatter3A_532[%add3A_347, %add3A_11], %gather3A_397 : memref<48x128xf32, #tpu.memory_space<vmem>>[vector<16xi32>, vector<16xi32>], vector<16xf32>,
        %scatter3A_533 = arith.constant 1 : i32
        %scatter3A_534 = arith.constant 0 : i32
        %scatter3A_535 = arith.constant 0 : i32
        %scatter3A_536 = tpu.memref_slice %arg7[%scatter3A_533, %scatter3A_534, %scatter3A_535] : memref<4x48x128xf32, #tpu.memory_space<vmem>> -> memref<1x48x128xf32, #tpu.memory_space<vmem>>
        %scatter3A_537 = tpu.memref_squeeze %scatter3A_536 : memref<1x48x128xf32, #tpu.memory_space<vmem>> -> memref<48x128xf32, #tpu.memory_space<vmem>>
        tpu.vector_store_idx %scatter3A_537[%add3A_350, %add3A_11], %gather3A_403 : memref<48x128xf32, #tpu.memory_space<vmem>>[vector<16xi32>, vector<16xi32>], vector<16xf32>,
        %scatter3A_538 = arith.constant 1 : i32
        %scatter3A_539 = arith.constant 0 : i32
        %scatter3A_540 = arith.constant 0 : i32
        %scatter3A_541 = tpu.memref_slice %arg7[%scatter3A_538, %scatter3A_539, %scatter3A_540] : memref<4x48x128xf32, #tpu.memory_space<vmem>> -> memref<1x48x128xf32, #tpu.memory_space<vmem>>
        %scatter3A_542 = tpu.memref_squeeze %scatter3A_541 : memref<1x48x128xf32, #tpu.memory_space<vmem>> -> memref<48x128xf32, #tpu.memory_space<vmem>>
        tpu.vector_store_idx %scatter3A_542[%add3A_344, %add3A_14], %gather3A_409 : memref<48x128xf32, #tpu.memory_space<vmem>>[vector<16xi32>, vector<16xi32>], vector<16xf32>,
        %scatter3A_543 = arith.constant 1 : i32
        %scatter3A_544 = arith.constant 0 : i32
        %scatter3A_545 = arith.constant 0 : i32
        %scatter3A_546 = tpu.memref_slice %arg7[%scatter3A_543, %scatter3A_544, %scatter3A_545] : memref<4x48x128xf32, #tpu.memory_space<vmem>> -> memref<1x48x128xf32, #tpu.memory_space<vmem>>
        %scatter3A_547 = tpu.memref_squeeze %scatter3A_546 : memref<1x48x128xf32, #tpu.memory_space<vmem>> -> memref<48x128xf32, #tpu.memory_space<vmem>>
        tpu.vector_store_idx %scatter3A_547[%add3A_347, %add3A_14], %gather3A_415 : memref<48x128xf32, #tpu.memory_space<vmem>>[vector<16xi32>, vector<16xi32>], vector<16xf32>,
        %scatter3A_548 = arith.constant 1 : i32
        %scatter3A_549 = arith.constant 0 : i32
        %scatter3A_550 = arith.constant 0 : i32
        %scatter3A_551 = tpu.memref_slice %arg7[%scatter3A_548, %scatter3A_549, %scatter3A_550] : memref<4x48x128xf32, #tpu.memory_space<vmem>> -> memref<1x48x128xf32, #tpu.memory_space<vmem>>
        %scatter3A_552 = tpu.memref_squeeze %scatter3A_551 : memref<1x48x128xf32, #tpu.memory_space<vmem>> -> memref<48x128xf32, #tpu.memory_space<vmem>>
        tpu.vector_store_idx %scatter3A_552[%add3A_350, %add3A_14], %gather3A_421 : memref<48x128xf32, #tpu.memory_space<vmem>>[vector<16xi32>, vector<16xi32>], vector<16xf32>,
        %scatter3A_553 = arith.constant 1 : i32
        %scatter3A_554 = arith.constant 0 : i32
        %scatter3A_555 = arith.constant 0 : i32
        %scatter3A_556 = tpu.memref_slice %arg7[%scatter3A_553, %scatter3A_554, %scatter3A_555] : memref<4x48x128xf32, #tpu.memory_space<vmem>> -> memref<1x48x128xf32, #tpu.memory_space<vmem>>
        %scatter3A_557 = tpu.memref_squeeze %scatter3A_556 : memref<1x48x128xf32, #tpu.memory_space<vmem>> -> memref<48x128xf32, #tpu.memory_space<vmem>>
        tpu.vector_store_idx %scatter3A_557[%add3A_344, %add3A_17], %gather3A_427 : memref<48x128xf32, #tpu.memory_space<vmem>>[vector<16xi32>, vector<16xi32>], vector<16xf32>,
        %scatter3A_558 = arith.constant 1 : i32
        %scatter3A_559 = arith.constant 0 : i32
        %scatter3A_560 = arith.constant 0 : i32
        %scatter3A_561 = tpu.memref_slice %arg7[%scatter3A_558, %scatter3A_559, %scatter3A_560] : memref<4x48x128xf32, #tpu.memory_space<vmem>> -> memref<1x48x128xf32, #tpu.memory_space<vmem>>
        %scatter3A_562 = tpu.memref_squeeze %scatter3A_561 : memref<1x48x128xf32, #tpu.memory_space<vmem>> -> memref<48x128xf32, #tpu.memory_space<vmem>>
        tpu.vector_store_idx %scatter3A_562[%add3A_347, %add3A_17], %gather3A_433 : memref<48x128xf32, #tpu.memory_space<vmem>>[vector<16xi32>, vector<16xi32>], vector<16xf32>,
        %scatter3A_563 = arith.constant 1 : i32
        %scatter3A_564 = arith.constant 0 : i32
        %scatter3A_565 = arith.constant 0 : i32
        %scatter3A_566 = tpu.memref_slice %arg7[%scatter3A_563, %scatter3A_564, %scatter3A_565] : memref<4x48x128xf32, #tpu.memory_space<vmem>> -> memref<1x48x128xf32, #tpu.memory_space<vmem>>
        %scatter3A_567 = tpu.memref_squeeze %scatter3A_566 : memref<1x48x128xf32, #tpu.memory_space<vmem>> -> memref<48x128xf32, #tpu.memory_space<vmem>>
        tpu.vector_store_idx %scatter3A_567[%add3A_350, %add3A_17], %gather3A_439 : memref<48x128xf32, #tpu.memory_space<vmem>>[vector<16xi32>, vector<16xi32>], vector<16xf32>,
        %scatter3A_568 = arith.constant 1 : i32
        %scatter3A_569 = arith.constant 0 : i32
        %scatter3A_570 = arith.constant 0 : i32
        %scatter3A_571 = tpu.memref_slice %arg7[%scatter3A_568, %scatter3A_569, %scatter3A_570] : memref<4x48x128xf32, #tpu.memory_space<vmem>> -> memref<1x48x128xf32, #tpu.memory_space<vmem>>
        %scatter3A_572 = tpu.memref_squeeze %scatter3A_571 : memref<1x48x128xf32, #tpu.memory_space<vmem>> -> memref<48x128xf32, #tpu.memory_space<vmem>>
        tpu.vector_store_idx %scatter3A_572[%add3A_344, %add3A_20], %gather3A_445 : memref<48x128xf32, #tpu.memory_space<vmem>>[vector<16xi32>, vector<16xi32>], vector<16xf32>,
        %scatter3A_573 = arith.constant 1 : i32
        %scatter3A_574 = arith.constant 0 : i32
        %scatter3A_575 = arith.constant 0 : i32
        %scatter3A_576 = tpu.memref_slice %arg7[%scatter3A_573, %scatter3A_574, %scatter3A_575] : memref<4x48x128xf32, #tpu.memory_space<vmem>> -> memref<1x48x128xf32, #tpu.memory_space<vmem>>
        %scatter3A_577 = tpu.memref_squeeze %scatter3A_576 : memref<1x48x128xf32, #tpu.memory_space<vmem>> -> memref<48x128xf32, #tpu.memory_space<vmem>>
        tpu.vector_store_idx %scatter3A_577[%add3A_347, %add3A_20], %gather3A_451 : memref<48x128xf32, #tpu.memory_space<vmem>>[vector<16xi32>, vector<16xi32>], vector<16xf32>,
        %scatter3A_578 = arith.constant 1 : i32
        %scatter3A_579 = arith.constant 0 : i32
        %scatter3A_580 = arith.constant 0 : i32
        %scatter3A_581 = tpu.memref_slice %arg7[%scatter3A_578, %scatter3A_579, %scatter3A_580] : memref<4x48x128xf32, #tpu.memory_space<vmem>> -> memref<1x48x128xf32, #tpu.memory_space<vmem>>
        %scatter3A_582 = tpu.memref_squeeze %scatter3A_581 : memref<1x48x128xf32, #tpu.memory_space<vmem>> -> memref<48x128xf32, #tpu.memory_space<vmem>>
        tpu.vector_store_idx %scatter3A_582[%add3A_350, %add3A_20], %gather3A_457 : memref<48x128xf32, #tpu.memory_space<vmem>>[vector<16xi32>, vector<16xi32>], vector<16xf32>,
        %scatter3A_583 = arith.constant 1 : i32
        %scatter3A_584 = arith.constant 0 : i32
        %scatter3A_585 = arith.constant 0 : i32
        %scatter3A_586 = tpu.memref_slice %arg7[%scatter3A_583, %scatter3A_584, %scatter3A_585] : memref<4x48x128xf32, #tpu.memory_space<vmem>> -> memref<1x48x128xf32, #tpu.memory_space<vmem>>
        %scatter3A_587 = tpu.memref_squeeze %scatter3A_586 : memref<1x48x128xf32, #tpu.memory_space<vmem>> -> memref<48x128xf32, #tpu.memory_space<vmem>>
        tpu.vector_store_idx %scatter3A_587[%add3A_344, %add3A_23], %gather3A_463 : memref<48x128xf32, #tpu.memory_space<vmem>>[vector<16xi32>, vector<16xi32>], vector<16xf32>,
        %scatter3A_588 = arith.constant 1 : i32
        %scatter3A_589 = arith.constant 0 : i32
        %scatter3A_590 = arith.constant 0 : i32
        %scatter3A_591 = tpu.memref_slice %arg7[%scatter3A_588, %scatter3A_589, %scatter3A_590] : memref<4x48x128xf32, #tpu.memory_space<vmem>> -> memref<1x48x128xf32, #tpu.memory_space<vmem>>
        %scatter3A_592 = tpu.memref_squeeze %scatter3A_591 : memref<1x48x128xf32, #tpu.memory_space<vmem>> -> memref<48x128xf32, #tpu.memory_space<vmem>>
        tpu.vector_store_idx %scatter3A_592[%add3A_347, %add3A_23], %gather3A_469 : memref<48x128xf32, #tpu.memory_space<vmem>>[vector<16xi32>, vector<16xi32>], vector<16xf32>,
        %scatter3A_593 = arith.constant 1 : i32
        %scatter3A_594 = arith.constant 0 : i32
        %scatter3A_595 = arith.constant 0 : i32
        %scatter3A_596 = tpu.memref_slice %arg7[%scatter3A_593, %scatter3A_594, %scatter3A_595] : memref<4x48x128xf32, #tpu.memory_space<vmem>> -> memref<1x48x128xf32, #tpu.memory_space<vmem>>
        %scatter3A_597 = tpu.memref_squeeze %scatter3A_596 : memref<1x48x128xf32, #tpu.memory_space<vmem>> -> memref<48x128xf32, #tpu.memory_space<vmem>>
        tpu.vector_store_idx %scatter3A_597[%add3A_350, %add3A_23], %gather3A_475 : memref<48x128xf32, #tpu.memory_space<vmem>>[vector<16xi32>, vector<16xi32>], vector<16xf32>,
        %scatter3A_598 = arith.constant 1 : i32
        %scatter3A_599 = arith.constant 0 : i32
        %scatter3A_600 = arith.constant 0 : i32
        %scatter3A_601 = tpu.memref_slice %arg7[%scatter3A_598, %scatter3A_599, %scatter3A_600] : memref<4x48x128xf32, #tpu.memory_space<vmem>> -> memref<1x48x128xf32, #tpu.memory_space<vmem>>
        %scatter3A_602 = tpu.memref_squeeze %scatter3A_601 : memref<1x48x128xf32, #tpu.memory_space<vmem>> -> memref<48x128xf32, #tpu.memory_space<vmem>>
        tpu.vector_store_idx %scatter3A_602[%add3A_344, %add3A_26], %gather3A_481 : memref<48x128xf32, #tpu.memory_space<vmem>>[vector<16xi32>, vector<16xi32>], vector<16xf32>,
        %scatter3A_603 = arith.constant 1 : i32
        %scatter3A_604 = arith.constant 0 : i32
        %scatter3A_605 = arith.constant 0 : i32
        %scatter3A_606 = tpu.memref_slice %arg7[%scatter3A_603, %scatter3A_604, %scatter3A_605] : memref<4x48x128xf32, #tpu.memory_space<vmem>> -> memref<1x48x128xf32, #tpu.memory_space<vmem>>
        %scatter3A_607 = tpu.memref_squeeze %scatter3A_606 : memref<1x48x128xf32, #tpu.memory_space<vmem>> -> memref<48x128xf32, #tpu.memory_space<vmem>>
        tpu.vector_store_idx %scatter3A_607[%add3A_347, %add3A_26], %gather3A_487 : memref<48x128xf32, #tpu.memory_space<vmem>>[vector<16xi32>, vector<16xi32>], vector<16xf32>,
        %scatter3A_608 = arith.constant 1 : i32
        %scatter3A_609 = arith.constant 0 : i32
        %scatter3A_610 = arith.constant 0 : i32
        %scatter3A_611 = tpu.memref_slice %arg7[%scatter3A_608, %scatter3A_609, %scatter3A_610] : memref<4x48x128xf32, #tpu.memory_space<vmem>> -> memref<1x48x128xf32, #tpu.memory_space<vmem>>
        %scatter3A_612 = tpu.memref_squeeze %scatter3A_611 : memref<1x48x128xf32, #tpu.memory_space<vmem>> -> memref<48x128xf32, #tpu.memory_space<vmem>>
        tpu.vector_store_idx %scatter3A_612[%add3A_350, %add3A_26], %gather3A_493 : memref<48x128xf32, #tpu.memory_space<vmem>>[vector<16xi32>, vector<16xi32>], vector<16xf32>,
        %scan3A_613 = arith.constant 1 : i32
        %scan3A_614 = arith.addi %scan3A_334, %scan3A_613 : i32
        %mul3A_615 = arith.constant 1 : i32
        %mul3A_616 = arith.muli %scan3A_614, %mul3A_615 : i32
        %add3A_617 = arith.constant 0 : i32
        %add3A_618 = arith.addi %add3A_617, %mul3A_616 : i32
        %add3A_619 = vector.broadcast %add3A_618 : i32 to vector<16xi32>
        %add3A_620 = arith.addi %iota3A, %add3A_619 : vector<16xi32>
        %broadcast_in_dim3A_621 = arith.constant 15 : i32
        %broadcast_in_dim3A_622 = vector.broadcast %broadcast_in_dim3A_621 : i32 to vector<16xi32>
        %and3A_623 = arith.andi %add3A_620, %broadcast_in_dim3A_622 : vector<16xi32>
        %add3A_624 = arith.constant 0 : i32
        %add3A_625 = vector.broadcast %add3A_624 : i32 to vector<16xi32>
        %add3A_626 = arith.addi %and3A_623, %add3A_625 : vector<16xi32>
        %add3A_627 = arith.constant 16 : i32
        %add3A_628 = vector.broadcast %add3A_627 : i32 to vector<16xi32>
        %add3A_629 = arith.addi %and3A_623, %add3A_628 : vector<16xi32>
        %add3A_630 = arith.constant 32 : i32
        %add3A_631 = vector.broadcast %add3A_630 : i32 to vector<16xi32>
        %add3A_632 = arith.addi %and3A_623, %add3A_631 : vector<16xi32>
        %gather3A_633 = arith.constant 1 : i32
        %gather3A_634 = arith.constant 0 : i32
        %gather3A_635 = arith.constant 0 : i32
        %gather3A_636 = tpu.memref_slice %arg6[%gather3A_633, %gather3A_634, %gather3A_635] : memref<4x128x128xf32, #tpu.memory_space<vmem>> -> memref<1x128x128xf32, #tpu.memory_space<vmem>>
        %gather3A_637 = tpu.memref_squeeze %gather3A_636 : memref<1x128x128xf32, #tpu.memory_space<vmem>> -> memref<128x128xf32, #tpu.memory_space<vmem>>
        %gather3A_638 = tpu.vector_load_idx %gather3A_637[%add3A_5, %add3A_626] : memref<128x128xf32, #tpu.memory_space<vmem>>[vector<16xi32>, vector<16xi32>], vector<16xf32>,
        %gather3A_639 = arith.constant 1 : i32
        %gather3A_640 = arith.constant 0 : i32
        %gather3A_641 = arith.constant 0 : i32
        %gather3A_642 = tpu.memref_slice %arg6[%gather3A_639, %gather3A_640, %gather3A_641] : memref<4x128x128xf32, #tpu.memory_space<vmem>> -> memref<1x128x128xf32, #tpu.memory_space<vmem>>
        %gather3A_643 = tpu.memref_squeeze %gather3A_642 : memref<1x128x128xf32, #tpu.memory_space<vmem>> -> memref<128x128xf32, #tpu.memory_space<vmem>>
        %gather3A_644 = tpu.vector_load_idx %gather3A_643[%add3A_5, %add3A_629] : memref<128x128xf32, #tpu.memory_space<vmem>>[vector<16xi32>, vector<16xi32>], vector<16xf32>,
        %gather3A_645 = arith.constant 1 : i32
        %gather3A_646 = arith.constant 0 : i32
        %gather3A_647 = arith.constant 0 : i32
        %gather3A_648 = tpu.memref_slice %arg6[%gather3A_645, %gather3A_646, %gather3A_647] : memref<4x128x128xf32, #tpu.memory_space<vmem>> -> memref<1x128x128xf32, #tpu.memory_space<vmem>>
        %gather3A_649 = tpu.memref_squeeze %gather3A_648 : memref<1x128x128xf32, #tpu.memory_space<vmem>> -> memref<128x128xf32, #tpu.memory_space<vmem>>
        %gather3A_650 = tpu.vector_load_idx %gather3A_649[%add3A_5, %add3A_632] : memref<128x128xf32, #tpu.memory_space<vmem>>[vector<16xi32>, vector<16xi32>], vector<16xf32>,
        %gather3A_651 = arith.constant 1 : i32
        %gather3A_652 = arith.constant 0 : i32
        %gather3A_653 = arith.constant 0 : i32
        %gather3A_654 = tpu.memref_slice %arg6[%gather3A_651, %gather3A_652, %gather3A_653] : memref<4x128x128xf32, #tpu.memory_space<vmem>> -> memref<1x128x128xf32, #tpu.memory_space<vmem>>
        %gather3A_655 = tpu.memref_squeeze %gather3A_654 : memref<1x128x128xf32, #tpu.memory_space<vmem>> -> memref<128x128xf32, #tpu.memory_space<vmem>>
        %gather3A_656 = tpu.vector_load_idx %gather3A_655[%add3A_8, %add3A_626] : memref<128x128xf32, #tpu.memory_space<vmem>>[vector<16xi32>, vector<16xi32>], vector<16xf32>,
        %gather3A_657 = arith.constant 1 : i32
        %gather3A_658 = arith.constant 0 : i32
        %gather3A_659 = arith.constant 0 : i32
        %gather3A_660 = tpu.memref_slice %arg6[%gather3A_657, %gather3A_658, %gather3A_659] : memref<4x128x128xf32, #tpu.memory_space<vmem>> -> memref<1x128x128xf32, #tpu.memory_space<vmem>>
        %gather3A_661 = tpu.memref_squeeze %gather3A_660 : memref<1x128x128xf32, #tpu.memory_space<vmem>> -> memref<128x128xf32, #tpu.memory_space<vmem>>
        %gather3A_662 = tpu.vector_load_idx %gather3A_661[%add3A_8, %add3A_629] : memref<128x128xf32, #tpu.memory_space<vmem>>[vector<16xi32>, vector<16xi32>], vector<16xf32>,
        %gather3A_663 = arith.constant 1 : i32
        %gather3A_664 = arith.constant 0 : i32
        %gather3A_665 = arith.constant 0 : i32
        %gather3A_666 = tpu.memref_slice %arg6[%gather3A_663, %gather3A_664, %gather3A_665] : memref<4x128x128xf32, #tpu.memory_space<vmem>> -> memref<1x128x128xf32, #tpu.memory_space<vmem>>
        %gather3A_667 = tpu.memref_squeeze %gather3A_666 : memref<1x128x128xf32, #tpu.memory_space<vmem>> -> memref<128x128xf32, #tpu.memory_space<vmem>>
        %gather3A_668 = tpu.vector_load_idx %gather3A_667[%add3A_8, %add3A_632] : memref<128x128xf32, #tpu.memory_space<vmem>>[vector<16xi32>, vector<16xi32>], vector<16xf32>,
        %gather3A_669 = arith.constant 1 : i32
        %gather3A_670 = arith.constant 0 : i32
        %gather3A_671 = arith.constant 0 : i32
        %gather3A_672 = tpu.memref_slice %arg6[%gather3A_669, %gather3A_670, %gather3A_671] : memref<4x128x128xf32, #tpu.memory_space<vmem>> -> memref<1x128x128xf32, #tpu.memory_space<vmem>>
        %gather3A_673 = tpu.memref_squeeze %gather3A_672 : memref<1x128x128xf32, #tpu.memory_space<vmem>> -> memref<128x128xf32, #tpu.memory_space<vmem>>
        %gather3A_674 = tpu.vector_load_idx %gather3A_673[%add3A_11, %add3A_626] : memref<128x128xf32, #tpu.memory_space<vmem>>[vector<16xi32>, vector<16xi32>], vector<16xf32>,
        %gather3A_675 = arith.constant 1 : i32
        %gather3A_676 = arith.constant 0 : i32
        %gather3A_677 = arith.constant 0 : i32
        %gather3A_678 = tpu.memref_slice %arg6[%gather3A_675, %gather3A_676, %gather3A_677] : memref<4x128x128xf32, #tpu.memory_space<vmem>> -> memref<1x128x128xf32, #tpu.memory_space<vmem>>
        %gather3A_679 = tpu.memref_squeeze %gather3A_678 : memref<1x128x128xf32, #tpu.memory_space<vmem>> -> memref<128x128xf32, #tpu.memory_space<vmem>>
        %gather3A_680 = tpu.vector_load_idx %gather3A_679[%add3A_11, %add3A_629] : memref<128x128xf32, #tpu.memory_space<vmem>>[vector<16xi32>, vector<16xi32>], vector<16xf32>,
        %gather3A_681 = arith.constant 1 : i32
        %gather3A_682 = arith.constant 0 : i32
        %gather3A_683 = arith.constant 0 : i32
        %gather3A_684 = tpu.memref_slice %arg6[%gather3A_681, %gather3A_682, %gather3A_683] : memref<4x128x128xf32, #tpu.memory_space<vmem>> -> memref<1x128x128xf32, #tpu.memory_space<vmem>>
        %gather3A_685 = tpu.memref_squeeze %gather3A_684 : memref<1x128x128xf32, #tpu.memory_space<vmem>> -> memref<128x128xf32, #tpu.memory_space<vmem>>
        %gather3A_686 = tpu.vector_load_idx %gather3A_685[%add3A_11, %add3A_632] : memref<128x128xf32, #tpu.memory_space<vmem>>[vector<16xi32>, vector<16xi32>], vector<16xf32>,
        %gather3A_687 = arith.constant 1 : i32
        %gather3A_688 = arith.constant 0 : i32
        %gather3A_689 = arith.constant 0 : i32
        %gather3A_690 = tpu.memref_slice %arg6[%gather3A_687, %gather3A_688, %gather3A_689] : memref<4x128x128xf32, #tpu.memory_space<vmem>> -> memref<1x128x128xf32, #tpu.memory_space<vmem>>
        %gather3A_691 = tpu.memref_squeeze %gather3A_690 : memref<1x128x128xf32, #tpu.memory_space<vmem>> -> memref<128x128xf32, #tpu.memory_space<vmem>>
        %gather3A_692 = tpu.vector_load_idx %gather3A_691[%add3A_14, %add3A_626] : memref<128x128xf32, #tpu.memory_space<vmem>>[vector<16xi32>, vector<16xi32>], vector<16xf32>,
        %gather3A_693 = arith.constant 1 : i32
        %gather3A_694 = arith.constant 0 : i32
        %gather3A_695 = arith.constant 0 : i32
        %gather3A_696 = tpu.memref_slice %arg6[%gather3A_693, %gather3A_694, %gather3A_695] : memref<4x128x128xf32, #tpu.memory_space<vmem>> -> memref<1x128x128xf32, #tpu.memory_space<vmem>>
        %gather3A_697 = tpu.memref_squeeze %gather3A_696 : memref<1x128x128xf32, #tpu.memory_space<vmem>> -> memref<128x128xf32, #tpu.memory_space<vmem>>
        %gather3A_698 = tpu.vector_load_idx %gather3A_697[%add3A_14, %add3A_629] : memref<128x128xf32, #tpu.memory_space<vmem>>[vector<16xi32>, vector<16xi32>], vector<16xf32>,
        %gather3A_699 = arith.constant 1 : i32
        %gather3A_700 = arith.constant 0 : i32
        %gather3A_701 = arith.constant 0 : i32
        %gather3A_702 = tpu.memref_slice %arg6[%gather3A_699, %gather3A_700, %gather3A_701] : memref<4x128x128xf32, #tpu.memory_space<vmem>> -> memref<1x128x128xf32, #tpu.memory_space<vmem>>
        %gather3A_703 = tpu.memref_squeeze %gather3A_702 : memref<1x128x128xf32, #tpu.memory_space<vmem>> -> memref<128x128xf32, #tpu.memory_space<vmem>>
        %gather3A_704 = tpu.vector_load_idx %gather3A_703[%add3A_14, %add3A_632] : memref<128x128xf32, #tpu.memory_space<vmem>>[vector<16xi32>, vector<16xi32>], vector<16xf32>,
        %gather3A_705 = arith.constant 1 : i32
        %gather3A_706 = arith.constant 0 : i32
        %gather3A_707 = arith.constant 0 : i32
        %gather3A_708 = tpu.memref_slice %arg6[%gather3A_705, %gather3A_706, %gather3A_707] : memref<4x128x128xf32, #tpu.memory_space<vmem>> -> memref<1x128x128xf32, #tpu.memory_space<vmem>>
        %gather3A_709 = tpu.memref_squeeze %gather3A_708 : memref<1x128x128xf32, #tpu.memory_space<vmem>> -> memref<128x128xf32, #tpu.memory_space<vmem>>
        %gather3A_710 = tpu.vector_load_idx %gather3A_709[%add3A_17, %add3A_626] : memref<128x128xf32, #tpu.memory_space<vmem>>[vector<16xi32>, vector<16xi32>], vector<16xf32>,
        %gather3A_711 = arith.constant 1 : i32
        %gather3A_712 = arith.constant 0 : i32
        %gather3A_713 = arith.constant 0 : i32
        %gather3A_714 = tpu.memref_slice %arg6[%gather3A_711, %gather3A_712, %gather3A_713] : memref<4x128x128xf32, #tpu.memory_space<vmem>> -> memref<1x128x128xf32, #tpu.memory_space<vmem>>
        %gather3A_715 = tpu.memref_squeeze %gather3A_714 : memref<1x128x128xf32, #tpu.memory_space<vmem>> -> memref<128x128xf32, #tpu.memory_space<vmem>>
        %gather3A_716 = tpu.vector_load_idx %gather3A_715[%add3A_17, %add3A_629] : memref<128x128xf32, #tpu.memory_space<vmem>>[vector<16xi32>, vector<16xi32>], vector<16xf32>,
        %gather3A_717 = arith.constant 1 : i32
        %gather3A_718 = arith.constant 0 : i32
        %gather3A_719 = arith.constant 0 : i32
        %gather3A_720 = tpu.memref_slice %arg6[%gather3A_717, %gather3A_718, %gather3A_719] : memref<4x128x128xf32, #tpu.memory_space<vmem>> -> memref<1x128x128xf32, #tpu.memory_space<vmem>>
        %gather3A_721 = tpu.memref_squeeze %gather3A_720 : memref<1x128x128xf32, #tpu.memory_space<vmem>> -> memref<128x128xf32, #tpu.memory_space<vmem>>
        %gather3A_722 = tpu.vector_load_idx %gather3A_721[%add3A_17, %add3A_632] : memref<128x128xf32, #tpu.memory_space<vmem>>[vector<16xi32>, vector<16xi32>], vector<16xf32>,
        %gather3A_723 = arith.constant 1 : i32
        %gather3A_724 = arith.constant 0 : i32
        %gather3A_725 = arith.constant 0 : i32
        %gather3A_726 = tpu.memref_slice %arg6[%gather3A_723, %gather3A_724, %gather3A_725] : memref<4x128x128xf32, #tpu.memory_space<vmem>> -> memref<1x128x128xf32, #tpu.memory_space<vmem>>
        %gather3A_727 = tpu.memref_squeeze %gather3A_726 : memref<1x128x128xf32, #tpu.memory_space<vmem>> -> memref<128x128xf32, #tpu.memory_space<vmem>>
        %gather3A_728 = tpu.vector_load_idx %gather3A_727[%add3A_20, %add3A_626] : memref<128x128xf32, #tpu.memory_space<vmem>>[vector<16xi32>, vector<16xi32>], vector<16xf32>,
        %gather3A_729 = arith.constant 1 : i32
        %gather3A_730 = arith.constant 0 : i32
        %gather3A_731 = arith.constant 0 : i32
        %gather3A_732 = tpu.memref_slice %arg6[%gather3A_729, %gather3A_730, %gather3A_731] : memref<4x128x128xf32, #tpu.memory_space<vmem>> -> memref<1x128x128xf32, #tpu.memory_space<vmem>>
        %gather3A_733 = tpu.memref_squeeze %gather3A_732 : memref<1x128x128xf32, #tpu.memory_space<vmem>> -> memref<128x128xf32, #tpu.memory_space<vmem>>
        %gather3A_734 = tpu.vector_load_idx %gather3A_733[%add3A_20, %add3A_629] : memref<128x128xf32, #tpu.memory_space<vmem>>[vector<16xi32>, vector<16xi32>], vector<16xf32>,
        %gather3A_735 = arith.constant 1 : i32
        %gather3A_736 = arith.constant 0 : i32
        %gather3A_737 = arith.constant 0 : i32
        %gather3A_738 = tpu.memref_slice %arg6[%gather3A_735, %gather3A_736, %gather3A_737] : memref<4x128x128xf32, #tpu.memory_space<vmem>> -> memref<1x128x128xf32, #tpu.memory_space<vmem>>
        %gather3A_739 = tpu.memref_squeeze %gather3A_738 : memref<1x128x128xf32, #tpu.memory_space<vmem>> -> memref<128x128xf32, #tpu.memory_space<vmem>>
        %gather3A_740 = tpu.vector_load_idx %gather3A_739[%add3A_20, %add3A_632] : memref<128x128xf32, #tpu.memory_space<vmem>>[vector<16xi32>, vector<16xi32>], vector<16xf32>,
        %gather3A_741 = arith.constant 1 : i32
        %gather3A_742 = arith.constant 0 : i32
        %gather3A_743 = arith.constant 0 : i32
        %gather3A_744 = tpu.memref_slice %arg6[%gather3A_741, %gather3A_742, %gather3A_743] : memref<4x128x128xf32, #tpu.memory_space<vmem>> -> memref<1x128x128xf32, #tpu.memory_space<vmem>>
        %gather3A_745 = tpu.memref_squeeze %gather3A_744 : memref<1x128x128xf32, #tpu.memory_space<vmem>> -> memref<128x128xf32, #tpu.memory_space<vmem>>
        %gather3A_746 = tpu.vector_load_idx %gather3A_745[%add3A_23, %add3A_626] : memref<128x128xf32, #tpu.memory_space<vmem>>[vector<16xi32>, vector<16xi32>], vector<16xf32>,
        %gather3A_747 = arith.constant 1 : i32
        %gather3A_748 = arith.constant 0 : i32
        %gather3A_749 = arith.constant 0 : i32
        %gather3A_750 = tpu.memref_slice %arg6[%gather3A_747, %gather3A_748, %gather3A_749] : memref<4x128x128xf32, #tpu.memory_space<vmem>> -> memref<1x128x128xf32, #tpu.memory_space<vmem>>
        %gather3A_751 = tpu.memref_squeeze %gather3A_750 : memref<1x128x128xf32, #tpu.memory_space<vmem>> -> memref<128x128xf32, #tpu.memory_space<vmem>>
        %gather3A_752 = tpu.vector_load_idx %gather3A_751[%add3A_23, %add3A_629] : memref<128x128xf32, #tpu.memory_space<vmem>>[vector<16xi32>, vector<16xi32>], vector<16xf32>,
        %gather3A_753 = arith.constant 1 : i32
        %gather3A_754 = arith.constant 0 : i32
        %gather3A_755 = arith.constant 0 : i32
        %gather3A_756 = tpu.memref_slice %arg6[%gather3A_753, %gather3A_754, %gather3A_755] : memref<4x128x128xf32, #tpu.memory_space<vmem>> -> memref<1x128x128xf32, #tpu.memory_space<vmem>>
        %gather3A_757 = tpu.memref_squeeze %gather3A_756 : memref<1x128x128xf32, #tpu.memory_space<vmem>> -> memref<128x128xf32, #tpu.memory_space<vmem>>
        %gather3A_758 = tpu.vector_load_idx %gather3A_757[%add3A_23, %add3A_632] : memref<128x128xf32, #tpu.memory_space<vmem>>[vector<16xi32>, vector<16xi32>], vector<16xf32>,
        %gather3A_759 = arith.constant 1 : i32
        %gather3A_760 = arith.constant 0 : i32
        %gather3A_761 = arith.constant 0 : i32
        %gather3A_762 = tpu.memref_slice %arg6[%gather3A_759, %gather3A_760, %gather3A_761] : memref<4x128x128xf32, #tpu.memory_space<vmem>> -> memref<1x128x128xf32, #tpu.memory_space<vmem>>
        %gather3A_763 = tpu.memref_squeeze %gather3A_762 : memref<1x128x128xf32, #tpu.memory_space<vmem>> -> memref<128x128xf32, #tpu.memory_space<vmem>>
        %gather3A_764 = tpu.vector_load_idx %gather3A_763[%add3A_26, %add3A_626] : memref<128x128xf32, #tpu.memory_space<vmem>>[vector<16xi32>, vector<16xi32>], vector<16xf32>,
        %gather3A_765 = arith.constant 1 : i32
        %gather3A_766 = arith.constant 0 : i32
        %gather3A_767 = arith.constant 0 : i32
        %gather3A_768 = tpu.memref_slice %arg6[%gather3A_765, %gather3A_766, %gather3A_767] : memref<4x128x128xf32, #tpu.memory_space<vmem>> -> memref<1x128x128xf32, #tpu.memory_space<vmem>>
        %gather3A_769 = tpu.memref_squeeze %gather3A_768 : memref<1x128x128xf32, #tpu.memory_space<vmem>> -> memref<128x128xf32, #tpu.memory_space<vmem>>
        %gather3A_770 = tpu.vector_load_idx %gather3A_769[%add3A_26, %add3A_629] : memref<128x128xf32, #tpu.memory_space<vmem>>[vector<16xi32>, vector<16xi32>], vector<16xf32>,
        %gather3A_771 = arith.constant 1 : i32
        %gather3A_772 = arith.constant 0 : i32
        %gather3A_773 = arith.constant 0 : i32
        %gather3A_774 = tpu.memref_slice %arg6[%gather3A_771, %gather3A_772, %gather3A_773] : memref<4x128x128xf32, #tpu.memory_space<vmem>> -> memref<1x128x128xf32, #tpu.memory_space<vmem>>
        %gather3A_775 = tpu.memref_squeeze %gather3A_774 : memref<1x128x128xf32, #tpu.memory_space<vmem>> -> memref<128x128xf32, #tpu.memory_space<vmem>>
        %gather3A_776 = tpu.vector_load_idx %gather3A_775[%add3A_26, %add3A_632] : memref<128x128xf32, #tpu.memory_space<vmem>>[vector<16xi32>, vector<16xi32>], vector<16xf32>,
        %scatter3A_777 = arith.constant 1 : i32
        %scatter3A_778 = arith.constant 0 : i32
        %scatter3A_779 = arith.constant 0 : i32
        %scatter3A_780 = tpu.memref_slice %arg7[%scatter3A_777, %scatter3A_778, %scatter3A_779] : memref<4x48x128xf32, #tpu.memory_space<vmem>> -> memref<1x48x128xf32, #tpu.memory_space<vmem>>
        %scatter3A_781 = tpu.memref_squeeze %scatter3A_780 : memref<1x48x128xf32, #tpu.memory_space<vmem>> -> memref<48x128xf32, #tpu.memory_space<vmem>>
        tpu.vector_store_idx %scatter3A_781[%add3A_626, %add3A_5], %gather3A_638 : memref<48x128xf32, #tpu.memory_space<vmem>>[vector<16xi32>, vector<16xi32>], vector<16xf32>,
        %scatter3A_782 = arith.constant 1 : i32
        %scatter3A_783 = arith.constant 0 : i32
        %scatter3A_784 = arith.constant 0 : i32
        %scatter3A_785 = tpu.memref_slice %arg7[%scatter3A_782, %scatter3A_783, %scatter3A_784] : memref<4x48x128xf32, #tpu.memory_space<vmem>> -> memref<1x48x128xf32, #tpu.memory_space<vmem>>
        %scatter3A_786 = tpu.memref_squeeze %scatter3A_785 : memref<1x48x128xf32, #tpu.memory_space<vmem>> -> memref<48x128xf32, #tpu.memory_space<vmem>>
        tpu.vector_store_idx %scatter3A_786[%add3A_629, %add3A_5], %gather3A_644 : memref<48x128xf32, #tpu.memory_space<vmem>>[vector<16xi32>, vector<16xi32>], vector<16xf32>,
        %scatter3A_787 = arith.constant 1 : i32
        %scatter3A_788 = arith.constant 0 : i32
        %scatter3A_789 = arith.constant 0 : i32
        %scatter3A_790 = tpu.memref_slice %arg7[%scatter3A_787, %scatter3A_788, %scatter3A_789] : memref<4x48x128xf32, #tpu.memory_space<vmem>> -> memref<1x48x128xf32, #tpu.memory_space<vmem>>
        %scatter3A_791 = tpu.memref_squeeze %scatter3A_790 : memref<1x48x128xf32, #tpu.memory_space<vmem>> -> memref<48x128xf32, #tpu.memory_space<vmem>>
        tpu.vector_store_idx %scatter3A_791[%add3A_632, %add3A_5], %gather3A_650 : memref<48x128xf32, #tpu.memory_space<vmem>>[vector<16xi32>, vector<16xi32>], vector<16xf32>,
        %scatter3A_792 = arith.constant 1 : i32
        %scatter3A_793 = arith.constant 0 : i32
        %scatter3A_794 = arith.constant 0 : i32
        %scatter3A_795 = tpu.memref_slice %arg7[%scatter3A_792, %scatter3A_793, %scatter3A_794] : memref<4x48x128xf32, #tpu.memory_space<vmem>> -> memref<1x48x128xf32, #tpu.memory_space<vmem>>
        %scatter3A_796 = tpu.memref_squeeze %scatter3A_795 : memref<1x48x128xf32, #tpu.memory_space<vmem>> -> memref<48x128xf32, #tpu.memory_space<vmem>>
        tpu.vector_store_idx %scatter3A_796[%add3A_626, %add3A_8], %gather3A_656 : memref<48x128xf32, #tpu.memory_space<vmem>>[vector<16xi32>, vector<16xi32>], vector<16xf32>,
        %scatter3A_797 = arith.constant 1 : i32
        %scatter3A_798 = arith.constant 0 : i32
        %scatter3A_799 = arith.constant 0 : i32
        %scatter3A_800 = tpu.memref_slice %arg7[%scatter3A_797, %scatter3A_798, %scatter3A_799] : memref<4x48x128xf32, #tpu.memory_space<vmem>> -> memref<1x48x128xf32, #tpu.memory_space<vmem>>
        %scatter3A_801 = tpu.memref_squeeze %scatter3A_800 : memref<1x48x128xf32, #tpu.memory_space<vmem>> -> memref<48x128xf32, #tpu.memory_space<vmem>>
        tpu.vector_store_idx %scatter3A_801[%add3A_629, %add3A_8], %gather3A_662 : memref<48x128xf32, #tpu.memory_space<vmem>>[vector<16xi32>, vector<16xi32>], vector<16xf32>,
        %scatter3A_802 = arith.constant 1 : i32
        %scatter3A_803 = arith.constant 0 : i32
        %scatter3A_804 = arith.constant 0 : i32
        %scatter3A_805 = tpu.memref_slice %arg7[%scatter3A_802, %scatter3A_803, %scatter3A_804] : memref<4x48x128xf32, #tpu.memory_space<vmem>> -> memref<1x48x128xf32, #tpu.memory_space<vmem>>
        %scatter3A_806 = tpu.memref_squeeze %scatter3A_805 : memref<1x48x128xf32, #tpu.memory_space<vmem>> -> memref<48x128xf32, #tpu.memory_space<vmem>>
        tpu.vector_store_idx %scatter3A_806[%add3A_632, %add3A_8], %gather3A_668 : memref<48x128xf32, #tpu.memory_space<vmem>>[vector<16xi32>, vector<16xi32>], vector<16xf32>,
        %scatter3A_807 = arith.constant 1 : i32
        %scatter3A_808 = arith.constant 0 : i32
        %scatter3A_809 = arith.constant 0 : i32
        %scatter3A_810 = tpu.memref_slice %arg7[%scatter3A_807, %scatter3A_808, %scatter3A_809] : memref<4x48x128xf32, #tpu.memory_space<vmem>> -> memref<1x48x128xf32, #tpu.memory_space<vmem>>
        %scatter3A_811 = tpu.memref_squeeze %scatter3A_810 : memref<1x48x128xf32, #tpu.memory_space<vmem>> -> memref<48x128xf32, #tpu.memory_space<vmem>>
        tpu.vector_store_idx %scatter3A_811[%add3A_626, %add3A_11], %gather3A_674 : memref<48x128xf32, #tpu.memory_space<vmem>>[vector<16xi32>, vector<16xi32>], vector<16xf32>,
        %scatter3A_812 = arith.constant 1 : i32
        %scatter3A_813 = arith.constant 0 : i32
        %scatter3A_814 = arith.constant 0 : i32
        %scatter3A_815 = tpu.memref_slice %arg7[%scatter3A_812, %scatter3A_813, %scatter3A_814] : memref<4x48x128xf32, #tpu.memory_space<vmem>> -> memref<1x48x128xf32, #tpu.memory_space<vmem>>
        %scatter3A_816 = tpu.memref_squeeze %scatter3A_815 : memref<1x48x128xf32, #tpu.memory_space<vmem>> -> memref<48x128xf32, #tpu.memory_space<vmem>>
        tpu.vector_store_idx %scatter3A_816[%add3A_629, %add3A_11], %gather3A_680 : memref<48x128xf32, #tpu.memory_space<vmem>>[vector<16xi32>, vector<16xi32>], vector<16xf32>,
        %scatter3A_817 = arith.constant 1 : i32
        %scatter3A_818 = arith.constant 0 : i32
        %scatter3A_819 = arith.constant 0 : i32
        %scatter3A_820 = tpu.memref_slice %arg7[%scatter3A_817, %scatter3A_818, %scatter3A_819] : memref<4x48x128xf32, #tpu.memory_space<vmem>> -> memref<1x48x128xf32, #tpu.memory_space<vmem>>
        %scatter3A_821 = tpu.memref_squeeze %scatter3A_820 : memref<1x48x128xf32, #tpu.memory_space<vmem>> -> memref<48x128xf32, #tpu.memory_space<vmem>>
        tpu.vector_store_idx %scatter3A_821[%add3A_632, %add3A_11], %gather3A_686 : memref<48x128xf32, #tpu.memory_space<vmem>>[vector<16xi32>, vector<16xi32>], vector<16xf32>,
        %scatter3A_822 = arith.constant 1 : i32
        %scatter3A_823 = arith.constant 0 : i32
        %scatter3A_824 = arith.constant 0 : i32
        %scatter3A_825 = tpu.memref_slice %arg7[%scatter3A_822, %scatter3A_823, %scatter3A_824] : memref<4x48x128xf32, #tpu.memory_space<vmem>> -> memref<1x48x128xf32, #tpu.memory_space<vmem>>
        %scatter3A_826 = tpu.memref_squeeze %scatter3A_825 : memref<1x48x128xf32, #tpu.memory_space<vmem>> -> memref<48x128xf32, #tpu.memory_space<vmem>>
        tpu.vector_store_idx %scatter3A_826[%add3A_626, %add3A_14], %gather3A_692 : memref<48x128xf32, #tpu.memory_space<vmem>>[vector<16xi32>, vector<16xi32>], vector<16xf32>,
        %scatter3A_827 = arith.constant 1 : i32
        %scatter3A_828 = arith.constant 0 : i32
        %scatter3A_829 = arith.constant 0 : i32
        %scatter3A_830 = tpu.memref_slice %arg7[%scatter3A_827, %scatter3A_828, %scatter3A_829] : memref<4x48x128xf32, #tpu.memory_space<vmem>> -> memref<1x48x128xf32, #tpu.memory_space<vmem>>
        %scatter3A_831 = tpu.memref_squeeze %scatter3A_830 : memref<1x48x128xf32, #tpu.memory_space<vmem>> -> memref<48x128xf32, #tpu.memory_space<vmem>>
        tpu.vector_store_idx %scatter3A_831[%add3A_629, %add3A_14], %gather3A_698 : memref<48x128xf32, #tpu.memory_space<vmem>>[vector<16xi32>, vector<16xi32>], vector<16xf32>,
        %scatter3A_832 = arith.constant 1 : i32
        %scatter3A_833 = arith.constant 0 : i32
        %scatter3A_834 = arith.constant 0 : i32
        %scatter3A_835 = tpu.memref_slice %arg7[%scatter3A_832, %scatter3A_833, %scatter3A_834] : memref<4x48x128xf32, #tpu.memory_space<vmem>> -> memref<1x48x128xf32, #tpu.memory_space<vmem>>
        %scatter3A_836 = tpu.memref_squeeze %scatter3A_835 : memref<1x48x128xf32, #tpu.memory_space<vmem>> -> memref<48x128xf32, #tpu.memory_space<vmem>>
        tpu.vector_store_idx %scatter3A_836[%add3A_632, %add3A_14], %gather3A_704 : memref<48x128xf32, #tpu.memory_space<vmem>>[vector<16xi32>, vector<16xi32>], vector<16xf32>,
        %scatter3A_837 = arith.constant 1 : i32
        %scatter3A_838 = arith.constant 0 : i32
        %scatter3A_839 = arith.constant 0 : i32
        %scatter3A_840 = tpu.memref_slice %arg7[%scatter3A_837, %scatter3A_838, %scatter3A_839] : memref<4x48x128xf32, #tpu.memory_space<vmem>> -> memref<1x48x128xf32, #tpu.memory_space<vmem>>
        %scatter3A_841 = tpu.memref_squeeze %scatter3A_840 : memref<1x48x128xf32, #tpu.memory_space<vmem>> -> memref<48x128xf32, #tpu.memory_space<vmem>>
        tpu.vector_store_idx %scatter3A_841[%add3A_626, %add3A_17], %gather3A_710 : memref<48x128xf32, #tpu.memory_space<vmem>>[vector<16xi32>, vector<16xi32>], vector<16xf32>,
        %scatter3A_842 = arith.constant 1 : i32
        %scatter3A_843 = arith.constant 0 : i32
        %scatter3A_844 = arith.constant 0 : i32
        %scatter3A_845 = tpu.memref_slice %arg7[%scatter3A_842, %scatter3A_843, %scatter3A_844] : memref<4x48x128xf32, #tpu.memory_space<vmem>> -> memref<1x48x128xf32, #tpu.memory_space<vmem>>
        %scatter3A_846 = tpu.memref_squeeze %scatter3A_845 : memref<1x48x128xf32, #tpu.memory_space<vmem>> -> memref<48x128xf32, #tpu.memory_space<vmem>>
        tpu.vector_store_idx %scatter3A_846[%add3A_629, %add3A_17], %gather3A_716 : memref<48x128xf32, #tpu.memory_space<vmem>>[vector<16xi32>, vector<16xi32>], vector<16xf32>,
        %scatter3A_847 = arith.constant 1 : i32
        %scatter3A_848 = arith.constant 0 : i32
        %scatter3A_849 = arith.constant 0 : i32
        %scatter3A_850 = tpu.memref_slice %arg7[%scatter3A_847, %scatter3A_848, %scatter3A_849] : memref<4x48x128xf32, #tpu.memory_space<vmem>> -> memref<1x48x128xf32, #tpu.memory_space<vmem>>
        %scatter3A_851 = tpu.memref_squeeze %scatter3A_850 : memref<1x48x128xf32, #tpu.memory_space<vmem>> -> memref<48x128xf32, #tpu.memory_space<vmem>>
        tpu.vector_store_idx %scatter3A_851[%add3A_632, %add3A_17], %gather3A_722 : memref<48x128xf32, #tpu.memory_space<vmem>>[vector<16xi32>, vector<16xi32>], vector<16xf32>,
        %scatter3A_852 = arith.constant 1 : i32
        %scatter3A_853 = arith.constant 0 : i32
        %scatter3A_854 = arith.constant 0 : i32
        %scatter3A_855 = tpu.memref_slice %arg7[%scatter3A_852, %scatter3A_853, %scatter3A_854] : memref<4x48x128xf32, #tpu.memory_space<vmem>> -> memref<1x48x128xf32, #tpu.memory_space<vmem>>
        %scatter3A_856 = tpu.memref_squeeze %scatter3A_855 : memref<1x48x128xf32, #tpu.memory_space<vmem>> -> memref<48x128xf32, #tpu.memory_space<vmem>>
        tpu.vector_store_idx %scatter3A_856[%add3A_626, %add3A_20], %gather3A_728 : memref<48x128xf32, #tpu.memory_space<vmem>>[vector<16xi32>, vector<16xi32>], vector<16xf32>,
        %scatter3A_857 = arith.constant 1 : i32
        %scatter3A_858 = arith.constant 0 : i32
        %scatter3A_859 = arith.constant 0 : i32
        %scatter3A_860 = tpu.memref_slice %arg7[%scatter3A_857, %scatter3A_858, %scatter3A_859] : memref<4x48x128xf32, #tpu.memory_space<vmem>> -> memref<1x48x128xf32, #tpu.memory_space<vmem>>
        %scatter3A_861 = tpu.memref_squeeze %scatter3A_860 : memref<1x48x128xf32, #tpu.memory_space<vmem>> -> memref<48x128xf32, #tpu.memory_space<vmem>>
        tpu.vector_store_idx %scatter3A_861[%add3A_629, %add3A_20], %gather3A_734 : memref<48x128xf32, #tpu.memory_space<vmem>>[vector<16xi32>, vector<16xi32>], vector<16xf32>,
        %scatter3A_862 = arith.constant 1 : i32
        %scatter3A_863 = arith.constant 0 : i32
        %scatter3A_864 = arith.constant 0 : i32
        %scatter3A_865 = tpu.memref_slice %arg7[%scatter3A_862, %scatter3A_863, %scatter3A_864] : memref<4x48x128xf32, #tpu.memory_space<vmem>> -> memref<1x48x128xf32, #tpu.memory_space<vmem>>
        %scatter3A_866 = tpu.memref_squeeze %scatter3A_865 : memref<1x48x128xf32, #tpu.memory_space<vmem>> -> memref<48x128xf32, #tpu.memory_space<vmem>>
        tpu.vector_store_idx %scatter3A_866[%add3A_632, %add3A_20], %gather3A_740 : memref<48x128xf32, #tpu.memory_space<vmem>>[vector<16xi32>, vector<16xi32>], vector<16xf32>,
        %scatter3A_867 = arith.constant 1 : i32
        %scatter3A_868 = arith.constant 0 : i32
        %scatter3A_869 = arith.constant 0 : i32
        %scatter3A_870 = tpu.memref_slice %arg7[%scatter3A_867, %scatter3A_868, %scatter3A_869] : memref<4x48x128xf32, #tpu.memory_space<vmem>> -> memref<1x48x128xf32, #tpu.memory_space<vmem>>
        %scatter3A_871 = tpu.memref_squeeze %scatter3A_870 : memref<1x48x128xf32, #tpu.memory_space<vmem>> -> memref<48x128xf32, #tpu.memory_space<vmem>>
        tpu.vector_store_idx %scatter3A_871[%add3A_626, %add3A_23], %gather3A_746 : memref<48x128xf32, #tpu.memory_space<vmem>>[vector<16xi32>, vector<16xi32>], vector<16xf32>,
        %scatter3A_872 = arith.constant 1 : i32
        %scatter3A_873 = arith.constant 0 : i32
        %scatter3A_874 = arith.constant 0 : i32
        %scatter3A_875 = tpu.memref_slice %arg7[%scatter3A_872, %scatter3A_873, %scatter3A_874] : memref<4x48x128xf32, #tpu.memory_space<vmem>> -> memref<1x48x128xf32, #tpu.memory_space<vmem>>
        %scatter3A_876 = tpu.memref_squeeze %scatter3A_875 : memref<1x48x128xf32, #tpu.memory_space<vmem>> -> memref<48x128xf32, #tpu.memory_space<vmem>>
        tpu.vector_store_idx %scatter3A_876[%add3A_629, %add3A_23], %gather3A_752 : memref<48x128xf32, #tpu.memory_space<vmem>>[vector<16xi32>, vector<16xi32>], vector<16xf32>,
        %scatter3A_877 = arith.constant 1 : i32
        %scatter3A_878 = arith.constant 0 : i32
        %scatter3A_879 = arith.constant 0 : i32
        %scatter3A_880 = tpu.memref_slice %arg7[%scatter3A_877, %scatter3A_878, %scatter3A_879] : memref<4x48x128xf32, #tpu.memory_space<vmem>> -> memref<1x48x128xf32, #tpu.memory_space<vmem>>
        %scatter3A_881 = tpu.memref_squeeze %scatter3A_880 : memref<1x48x128xf32, #tpu.memory_space<vmem>> -> memref<48x128xf32, #tpu.memory_space<vmem>>
        tpu.vector_store_idx %scatter3A_881[%add3A_632, %add3A_23], %gather3A_758 : memref<48x128xf32, #tpu.memory_space<vmem>>[vector<16xi32>, vector<16xi32>], vector<16xf32>,
        %scatter3A_882 = arith.constant 1 : i32
        %scatter3A_883 = arith.constant 0 : i32
        %scatter3A_884 = arith.constant 0 : i32
        %scatter3A_885 = tpu.memref_slice %arg7[%scatter3A_882, %scatter3A_883, %scatter3A_884] : memref<4x48x128xf32, #tpu.memory_space<vmem>> -> memref<1x48x128xf32, #tpu.memory_space<vmem>>
        %scatter3A_886 = tpu.memref_squeeze %scatter3A_885 : memref<1x48x128xf32, #tpu.memory_space<vmem>> -> memref<48x128xf32, #tpu.memory_space<vmem>>
        tpu.vector_store_idx %scatter3A_886[%add3A_626, %add3A_26], %gather3A_764 : memref<48x128xf32, #tpu.memory_space<vmem>>[vector<16xi32>, vector<16xi32>], vector<16xf32>,
        %scatter3A_887 = arith.constant 1 : i32
        %scatter3A_888 = arith.constant 0 : i32
        %scatter3A_889 = arith.constant 0 : i32
        %scatter3A_890 = tpu.memref_slice %arg7[%scatter3A_887, %scatter3A_888, %scatter3A_889] : memref<4x48x128xf32, #tpu.memory_space<vmem>> -> memref<1x48x128xf32, #tpu.memory_space<vmem>>
        %scatter3A_891 = tpu.memref_squeeze %scatter3A_890 : memref<1x48x128xf32, #tpu.memory_space<vmem>> -> memref<48x128xf32, #tpu.memory_space<vmem>>
        tpu.vector_store_idx %scatter3A_891[%add3A_629, %add3A_26], %gather3A_770 : memref<48x128xf32, #tpu.memory_space<vmem>>[vector<16xi32>, vector<16xi32>], vector<16xf32>,
        %scatter3A_892 = arith.constant 1 : i32
        %scatter3A_893 = arith.constant 0 : i32
        %scatter3A_894 = arith.constant 0 : i32
        %scatter3A_895 = tpu.memref_slice %arg7[%scatter3A_892, %scatter3A_893, %scatter3A_894] : memref<4x48x128xf32, #tpu.memory_space<vmem>> -> memref<1x48x128xf32, #tpu.memory_space<vmem>>
        %scatter3A_896 = tpu.memref_squeeze %scatter3A_895 : memref<1x48x128xf32, #tpu.memory_space<vmem>> -> memref<48x128xf32, #tpu.memory_space<vmem>>
        tpu.vector_store_idx %scatter3A_896[%add3A_632, %add3A_26], %gather3A_776 : memref<48x128xf32, #tpu.memory_space<vmem>>[vector<16xi32>, vector<16xi32>], vector<16xf32>,
      }
      %scan3A_220 = arith.constant 16 : i32
      %dma_start3A_221 = arith.constant 1 : i32
      %dma_start3A_222 = arith.constant 0 : i32
      %dma_start3A_223 = arith.constant 0 : i32
      %dma_start3A_224 = tpu.memref_slice %arg7[%dma_start3A_221, %dma_start3A_222, %dma_start3A_223] : memref<4x48x128xf32, #tpu.memory_space<vmem>> -> memref<1x48x128xf32, #tpu.memory_space<vmem>>
      %dma_start3A_225 = tpu.memref_squeeze %dma_start3A_224 : memref<1x48x128xf32, #tpu.memory_space<vmem>> -> memref<48x128xf32, #tpu.memory_space<vmem>>
      %dma_start3A_226 = arith.constant 0 : i32
      %dma_start3A_227 = tpu.memref_slice %arg4[%add3A_188, %dma_start3A_226, %mul3A_2] : memref<192x48x4096xf32, #tpu.memory_space<hbm>> -> memref<1x48x128xf32, #tpu.memory_space<hbm>>
      %dma_start3A_228 = tpu.memref_squeeze %dma_start3A_227 : memref<1x48x128xf32, #tpu.memory_space<hbm>> -> memref<48x128xf32, #tpu.memory_space<hbm>>
      %dma_start3A_229 = arith.constant 0 : i32
      %dma_start3A_230 = tpu.memref_slice %arg4[%add3A_188, %dma_start3A_229, %mul3A_2] : memref<192x48x4096xf32, #tpu.memory_space<hbm>> -> memref<1x48x128xf32, #tpu.memory_space<hbm>>
      %dma_start3A_231 = tpu.memref_squeeze %dma_start3A_230 : memref<1x48x128xf32, #tpu.memory_space<hbm>> -> memref<48x128xf32, #tpu.memory_space<hbm>>
      %dma_start3A_232 = arith.constant 0 : i32
      %dma_start3A_233 = arith.constant 0 : i32
      %dma_start3A_234 = tpu.memref_slice %arg7[%dma_start3A_221, %dma_start3A_232, %dma_start3A_233] : memref<4x48x128xf32, #tpu.memory_space<vmem>> -> memref<1x48x128xf32, #tpu.memory_space<vmem>>
      %dma_start3A_235 = tpu.memref_squeeze %dma_start3A_234 : memref<1x48x128xf32, #tpu.memory_space<vmem>> -> memref<48x128xf32, #tpu.memory_space<vmem>>
      tpu.enqueue_dma source(%dma_start3A_235 : memref<48x128xf32, #tpu.memory_space<vmem>>) target(%dma_start3A_231 : memref<48x128xf32, #tpu.memory_space<hbm>>) target_semaphore(%arg9 : memref<!tpu.dma_semaphore, #tpu.memory_space<semaphore_mem>>)
      %add3A_236 = arith.constant 2 : i32
      %add3A_237 = arith.addi %add3A_141, %add3A_236 : i32
      %dma_wait3A_238 = arith.constant 2 : i32
      %dma_wait3A_239 = arith.constant 0 : i32
      %dma_wait3A_240 = arith.constant 0 : i32
      %dma_wait3A_241 = tpu.memref_slice %arg6[%dma_wait3A_238, %dma_wait3A_239, %dma_wait3A_240] : memref<4x128x128xf32, #tpu.memory_space<vmem>> -> memref<1x128x128xf32, #tpu.memory_space<vmem>>
      %dma_wait3A_242 = tpu.memref_squeeze %dma_wait3A_241 : memref<1x128x128xf32, #tpu.memory_space<vmem>> -> memref<128x128xf32, #tpu.memory_space<vmem>>
      %dma_wait3A_243 = arith.constant 0 : i32
      %dma_wait3A_244 = arith.constant 0 : i32
      %dma_wait3A_245 = tpu.memref_slice %arg2[%dma_wait3A_243, %dma_wait3A_244] : memref<100000x128xf32, #tpu.memory_space<hbm>> -> memref<128x128xf32, #tpu.memory_space<hbm>>
      %dma_wait3A_246 = arith.constant 0 : i32
      %dma_wait3A_247 = arith.constant 0 : i32
      %dma_wait3A_248 = tpu.memref_slice %arg6[%dma_wait3A_238, %dma_wait3A_246, %dma_wait3A_247] : memref<4x128x128xf32, #tpu.memory_space<vmem>> -> memref<1x128x128xf32, #tpu.memory_space<vmem>>
      %dma_wait3A_249 = tpu.memref_squeeze %dma_wait3A_248 : memref<1x128x128xf32, #tpu.memory_space<vmem>> -> memref<128x128xf32, #tpu.memory_space<vmem>>
      %dma_wait3A_250 = arith.constant 0 : i32
      %dma_wait3A_251 = arith.constant 0 : i32
      %dma_wait3A_252 = tpu.memref_slice %arg2[%dma_wait3A_250, %dma_wait3A_251] : memref<100000x128xf32, #tpu.memory_space<hbm>> -> memref<128x128xf32, #tpu.memory_space<hbm>>
      tpu.wait_dma2 semaphore(%arg8 : memref<!tpu.dma_semaphore, #tpu.memory_space<semaphore_mem>>) src(%dma_wait3A_252 : memref<128x128xf32, #tpu.memory_space<hbm>>) dst(%dma_wait3A_249 : memref<128x128xf32, #tpu.memory_space<vmem>>)
      %add3A_253 = arith.constant 3 : i32
      %add3A_254 = arith.addi %add3A_237, %add3A_253 : i32
      %lt3A_255 = arith.constant 192 : i32
      %lt3A_256 = arith.cmpi slt, %add3A_254, %lt3A_255 : i32
      %convert_element_type3A_257 = arith.extui %lt3A_256 : i1 to i32
      %cond3A_258 = arith.constant 0 : i32
      %cond3A_259 = arith.cmpi ne, %convert_element_type3A_257, %cond3A_258 : i32
      scf.if %cond3A_259 {
        %add3A_334 = arith.constant 3 : i32
        %add3A_335 = arith.addi %add3A_237, %add3A_334 : i32
        %dma_start3A_336 = arith.constant 1 : i32
        %dma_start3A_337 = arith.constant 0 : i32
        %dma_start3A_338 = arith.constant 0 : i32
        %dma_start3A_339 = tpu.memref_slice %arg6[%dma_start3A_336, %dma_start3A_337, %dma_start3A_338] : memref<4x128x128xf32, #tpu.memory_space<vmem>> -> memref<1x128x128xf32, #tpu.memory_space<vmem>>
        %dma_start3A_340 = tpu.memref_squeeze %dma_start3A_339 : memref<1x128x128xf32, #tpu.memory_space<vmem>> -> memref<128x128xf32, #tpu.memory_space<vmem>>
        %dma_start3A_341 = arith.constant 0 : i32
        %dma_start3A_342 = tpu.memref_slice %arg5[%add3A_335, %dma_start3A_341] : memref<192x128xi32, #tpu.memory_space<vmem>> -> memref<1x128xi32, #tpu.memory_space<vmem>>
        %dma_start3A_343 = tpu.memref_squeeze %dma_start3A_342 : memref<1x128xi32, #tpu.memory_space<vmem>> -> memref<128xi32, #tpu.memory_space<vmem>>
        %dma_start3A_344 = arith.constant 0 : i32
        %dma_start3A_345 = arith.constant 0 : i32
        %dma_start3A_346 = tpu.memref_slice %arg2[%dma_start3A_344, %dma_start3A_345] : memref<100000x128xf32, #tpu.memory_space<hbm>> -> memref<100000x128xf32, #tpu.memory_space<hbm>>
        tpu.enqueue_indirect_dma source(%dma_start3A_346 : memref<100000x128xf32, #tpu.memory_space<hbm>>) target(%dma_start3A_340 : memref<128x128xf32, #tpu.memory_space<vmem>>) offsets(%dma_start3A_343 : memref<128xi32, #tpu.memory_space<vmem>>) semaphore(%arg8 : memref<!tpu.dma_semaphore, #tpu.memory_space<semaphore_mem>>)
      } else {
      }
      %ge3A_260 = arith.constant 4 : i32
      %ge3A_261 = arith.cmpi sge, %add3A_237, %ge3A_260 : i32
      %convert_element_type3A_262 = arith.extui %ge3A_261 : i1 to i32
      %cond3A_263 = arith.constant 0 : i32
      %cond3A_264 = arith.cmpi ne, %convert_element_type3A_262, %cond3A_263 : i32
      scf.if %cond3A_264 {
        %dma_wait3A_334 = arith.constant 2 : i32
        %dma_wait3A_335 = arith.constant 0 : i32
        %dma_wait3A_336 = arith.constant 0 : i32
        %dma_wait3A_337 = arith.constant 0 : i32
        %dma_wait3A_338 = tpu.memref_slice %arg7[%dma_wait3A_334, %dma_wait3A_336, %dma_wait3A_337] : memref<4x48x128xf32, #tpu.memory_space<vmem>> -> memref<1x48x128xf32, #tpu.memory_space<vmem>>
        %dma_wait3A_339 = tpu.memref_squeeze %dma_wait3A_338 : memref<1x48x128xf32, #tpu.memory_space<vmem>> -> memref<48x128xf32, #tpu.memory_space<vmem>>
        %dma_wait3A_340 = arith.constant 0 : i32
        %dma_wait3A_341 = arith.constant 0 : i32
        %dma_wait3A_342 = tpu.memref_slice %arg4[%dma_wait3A_335, %dma_wait3A_340, %dma_wait3A_341] : memref<192x48x4096xf32, #tpu.memory_space<hbm>> -> memref<1x48x128xf32, #tpu.memory_space<hbm>>
        %dma_wait3A_343 = tpu.memref_squeeze %dma_wait3A_342 : memref<1x48x128xf32, #tpu.memory_space<hbm>> -> memref<48x128xf32, #tpu.memory_space<hbm>>
        %dma_wait3A_344 = arith.constant 0 : i32
        %dma_wait3A_345 = arith.constant 0 : i32
        %dma_wait3A_346 = tpu.memref_slice %arg4[%dma_wait3A_335, %dma_wait3A_344, %dma_wait3A_345] : memref<192x48x4096xf32, #tpu.memory_space<hbm>> -> memref<1x48x128xf32, #tpu.memory_space<hbm>>
        %dma_wait3A_347 = tpu.memref_squeeze %dma_wait3A_346 : memref<1x48x128xf32, #tpu.memory_space<hbm>> -> memref<48x128xf32, #tpu.memory_space<hbm>>
        %dma_wait3A_348 = arith.constant 0 : i32
        %dma_wait3A_349 = arith.constant 0 : i32
        %dma_wait3A_350 = tpu.memref_slice %arg7[%dma_wait3A_334, %dma_wait3A_348, %dma_wait3A_349] : memref<4x48x128xf32, #tpu.memory_space<vmem>> -> memref<1x48x128xf32, #tpu.memory_space<vmem>>
        %dma_wait3A_351 = tpu.memref_squeeze %dma_wait3A_350 : memref<1x48x128xf32, #tpu.memory_space<vmem>> -> memref<48x128xf32, #tpu.memory_space<vmem>>
        tpu.wait_dma2 semaphore(%arg9 : memref<!tpu.dma_semaphore, #tpu.memory_space<semaphore_mem>>) src(%dma_wait3A_351 : memref<48x128xf32, #tpu.memory_space<vmem>>) dst(%dma_wait3A_347 : memref<48x128xf32, #tpu.memory_space<hbm>>)
      } else {
      }
      %scan3A_265 = arith.constant 0 : i32
      %scan3A_266 = arith.constant 16 : i32
      %scan3A_267 = arith.addi %scan3A_265, %scan3A_266 : i32
      %scan3A_268 = arith.constant 2 : i32
      scf.for %scan3A_334 = %scan3A_265 to %scan3A_267 step %scan3A_268  : i32 {
        %mul3A_335 = arith.constant 1 : i32
        %mul3A_336 = arith.muli %scan3A_334, %mul3A_335 : i32
        %add3A_337 = arith.constant 0 : i32
        %add3A_338 = arith.addi %add3A_337, %mul3A_336 : i32
        %add3A_339 = vector.broadcast %add3A_338 : i32 to vector<16xi32>
        %add3A_340 = arith.addi %iota3A, %add3A_339 : vector<16xi32>
        %broadcast_in_dim3A = arith.constant 15 : i32
        %broadcast_in_dim3A_341 = vector.broadcast %broadcast_in_dim3A : i32 to vector<16xi32>
        %and3A = arith.andi %add3A_340, %broadcast_in_dim3A_341 : vector<16xi32>
        %add3A_342 = arith.constant 0 : i32
        %add3A_343 = vector.broadcast %add3A_342 : i32 to vector<16xi32>
        %add3A_344 = arith.addi %and3A, %add3A_343 : vector<16xi32>
        %add3A_345 = arith.constant 16 : i32
        %add3A_346 = vector.broadcast %add3A_345 : i32 to vector<16xi32>
        %add3A_347 = arith.addi %and3A, %add3A_346 : vector<16xi32>
        %add3A_348 = arith.constant 32 : i32
        %add3A_349 = vector.broadcast %add3A_348 : i32 to vector<16xi32>
        %add3A_350 = arith.addi %and3A, %add3A_349 : vector<16xi32>
        %gather3A = arith.constant 2 : i32
        %gather3A_351 = arith.constant 0 : i32
        %gather3A_352 = arith.constant 0 : i32
        %gather3A_353 = tpu.memref_slice %arg6[%gather3A, %gather3A_351, %gather3A_352] : memref<4x128x128xf32, #tpu.memory_space<vmem>> -> memref<1x128x128xf32, #tpu.memory_space<vmem>>
        %gather3A_354 = tpu.memref_squeeze %gather3A_353 : memref<1x128x128xf32, #tpu.memory_space<vmem>> -> memref<128x128xf32, #tpu.memory_space<vmem>>
        %gather3A_355 = tpu.vector_load_idx %gather3A_354[%add3A_5, %add3A_344] : memref<128x128xf32, #tpu.memory_space<vmem>>[vector<16xi32>, vector<16xi32>], vector<16xf32>,
        %gather3A_356 = arith.constant 2 : i32
        %gather3A_357 = arith.constant 0 : i32
        %gather3A_358 = arith.constant 0 : i32
        %gather3A_359 = tpu.memref_slice %arg6[%gather3A_356, %gather3A_357, %gather3A_358] : memref<4x128x128xf32, #tpu.memory_space<vmem>> -> memref<1x128x128xf32, #tpu.memory_space<vmem>>
        %gather3A_360 = tpu.memref_squeeze %gather3A_359 : memref<1x128x128xf32, #tpu.memory_space<vmem>> -> memref<128x128xf32, #tpu.memory_space<vmem>>
        %gather3A_361 = tpu.vector_load_idx %gather3A_360[%add3A_5, %add3A_347] : memref<128x128xf32, #tpu.memory_space<vmem>>[vector<16xi32>, vector<16xi32>], vector<16xf32>,
        %gather3A_362 = arith.constant 2 : i32
        %gather3A_363 = arith.constant 0 : i32
        %gather3A_364 = arith.constant 0 : i32
        %gather3A_365 = tpu.memref_slice %arg6[%gather3A_362, %gather3A_363, %gather3A_364] : memref<4x128x128xf32, #tpu.memory_space<vmem>> -> memref<1x128x128xf32, #tpu.memory_space<vmem>>
        %gather3A_366 = tpu.memref_squeeze %gather3A_365 : memref<1x128x128xf32, #tpu.memory_space<vmem>> -> memref<128x128xf32, #tpu.memory_space<vmem>>
        %gather3A_367 = tpu.vector_load_idx %gather3A_366[%add3A_5, %add3A_350] : memref<128x128xf32, #tpu.memory_space<vmem>>[vector<16xi32>, vector<16xi32>], vector<16xf32>,
        %gather3A_368 = arith.constant 2 : i32
        %gather3A_369 = arith.constant 0 : i32
        %gather3A_370 = arith.constant 0 : i32
        %gather3A_371 = tpu.memref_slice %arg6[%gather3A_368, %gather3A_369, %gather3A_370] : memref<4x128x128xf32, #tpu.memory_space<vmem>> -> memref<1x128x128xf32, #tpu.memory_space<vmem>>
        %gather3A_372 = tpu.memref_squeeze %gather3A_371 : memref<1x128x128xf32, #tpu.memory_space<vmem>> -> memref<128x128xf32, #tpu.memory_space<vmem>>
        %gather3A_373 = tpu.vector_load_idx %gather3A_372[%add3A_8, %add3A_344] : memref<128x128xf32, #tpu.memory_space<vmem>>[vector<16xi32>, vector<16xi32>], vector<16xf32>,
        %gather3A_374 = arith.constant 2 : i32
        %gather3A_375 = arith.constant 0 : i32
        %gather3A_376 = arith.constant 0 : i32
        %gather3A_377 = tpu.memref_slice %arg6[%gather3A_374, %gather3A_375, %gather3A_376] : memref<4x128x128xf32, #tpu.memory_space<vmem>> -> memref<1x128x128xf32, #tpu.memory_space<vmem>>
        %gather3A_378 = tpu.memref_squeeze %gather3A_377 : memref<1x128x128xf32, #tpu.memory_space<vmem>> -> memref<128x128xf32, #tpu.memory_space<vmem>>
        %gather3A_379 = tpu.vector_load_idx %gather3A_378[%add3A_8, %add3A_347] : memref<128x128xf32, #tpu.memory_space<vmem>>[vector<16xi32>, vector<16xi32>], vector<16xf32>,
        %gather3A_380 = arith.constant 2 : i32
        %gather3A_381 = arith.constant 0 : i32
        %gather3A_382 = arith.constant 0 : i32
        %gather3A_383 = tpu.memref_slice %arg6[%gather3A_380, %gather3A_381, %gather3A_382] : memref<4x128x128xf32, #tpu.memory_space<vmem>> -> memref<1x128x128xf32, #tpu.memory_space<vmem>>
        %gather3A_384 = tpu.memref_squeeze %gather3A_383 : memref<1x128x128xf32, #tpu.memory_space<vmem>> -> memref<128x128xf32, #tpu.memory_space<vmem>>
        %gather3A_385 = tpu.vector_load_idx %gather3A_384[%add3A_8, %add3A_350] : memref<128x128xf32, #tpu.memory_space<vmem>>[vector<16xi32>, vector<16xi32>], vector<16xf32>,
        %gather3A_386 = arith.constant 2 : i32
        %gather3A_387 = arith.constant 0 : i32
        %gather3A_388 = arith.constant 0 : i32
        %gather3A_389 = tpu.memref_slice %arg6[%gather3A_386, %gather3A_387, %gather3A_388] : memref<4x128x128xf32, #tpu.memory_space<vmem>> -> memref<1x128x128xf32, #tpu.memory_space<vmem>>
        %gather3A_390 = tpu.memref_squeeze %gather3A_389 : memref<1x128x128xf32, #tpu.memory_space<vmem>> -> memref<128x128xf32, #tpu.memory_space<vmem>>
        %gather3A_391 = tpu.vector_load_idx %gather3A_390[%add3A_11, %add3A_344] : memref<128x128xf32, #tpu.memory_space<vmem>>[vector<16xi32>, vector<16xi32>], vector<16xf32>,
        %gather3A_392 = arith.constant 2 : i32
        %gather3A_393 = arith.constant 0 : i32
        %gather3A_394 = arith.constant 0 : i32
        %gather3A_395 = tpu.memref_slice %arg6[%gather3A_392, %gather3A_393, %gather3A_394] : memref<4x128x128xf32, #tpu.memory_space<vmem>> -> memref<1x128x128xf32, #tpu.memory_space<vmem>>
        %gather3A_396 = tpu.memref_squeeze %gather3A_395 : memref<1x128x128xf32, #tpu.memory_space<vmem>> -> memref<128x128xf32, #tpu.memory_space<vmem>>
        %gather3A_397 = tpu.vector_load_idx %gather3A_396[%add3A_11, %add3A_347] : memref<128x128xf32, #tpu.memory_space<vmem>>[vector<16xi32>, vector<16xi32>], vector<16xf32>,
        %gather3A_398 = arith.constant 2 : i32
        %gather3A_399 = arith.constant 0 : i32
        %gather3A_400 = arith.constant 0 : i32
        %gather3A_401 = tpu.memref_slice %arg6[%gather3A_398, %gather3A_399, %gather3A_400] : memref<4x128x128xf32, #tpu.memory_space<vmem>> -> memref<1x128x128xf32, #tpu.memory_space<vmem>>
        %gather3A_402 = tpu.memref_squeeze %gather3A_401 : memref<1x128x128xf32, #tpu.memory_space<vmem>> -> memref<128x128xf32, #tpu.memory_space<vmem>>
        %gather3A_403 = tpu.vector_load_idx %gather3A_402[%add3A_11, %add3A_350] : memref<128x128xf32, #tpu.memory_space<vmem>>[vector<16xi32>, vector<16xi32>], vector<16xf32>,
        %gather3A_404 = arith.constant 2 : i32
        %gather3A_405 = arith.constant 0 : i32
        %gather3A_406 = arith.constant 0 : i32
        %gather3A_407 = tpu.memref_slice %arg6[%gather3A_404, %gather3A_405, %gather3A_406] : memref<4x128x128xf32, #tpu.memory_space<vmem>> -> memref<1x128x128xf32, #tpu.memory_space<vmem>>
        %gather3A_408 = tpu.memref_squeeze %gather3A_407 : memref<1x128x128xf32, #tpu.memory_space<vmem>> -> memref<128x128xf32, #tpu.memory_space<vmem>>
        %gather3A_409 = tpu.vector_load_idx %gather3A_408[%add3A_14, %add3A_344] : memref<128x128xf32, #tpu.memory_space<vmem>>[vector<16xi32>, vector<16xi32>], vector<16xf32>,
        %gather3A_410 = arith.constant 2 : i32
        %gather3A_411 = arith.constant 0 : i32
        %gather3A_412 = arith.constant 0 : i32
        %gather3A_413 = tpu.memref_slice %arg6[%gather3A_410, %gather3A_411, %gather3A_412] : memref<4x128x128xf32, #tpu.memory_space<vmem>> -> memref<1x128x128xf32, #tpu.memory_space<vmem>>
        %gather3A_414 = tpu.memref_squeeze %gather3A_413 : memref<1x128x128xf32, #tpu.memory_space<vmem>> -> memref<128x128xf32, #tpu.memory_space<vmem>>
        %gather3A_415 = tpu.vector_load_idx %gather3A_414[%add3A_14, %add3A_347] : memref<128x128xf32, #tpu.memory_space<vmem>>[vector<16xi32>, vector<16xi32>], vector<16xf32>,
        %gather3A_416 = arith.constant 2 : i32
        %gather3A_417 = arith.constant 0 : i32
        %gather3A_418 = arith.constant 0 : i32
        %gather3A_419 = tpu.memref_slice %arg6[%gather3A_416, %gather3A_417, %gather3A_418] : memref<4x128x128xf32, #tpu.memory_space<vmem>> -> memref<1x128x128xf32, #tpu.memory_space<vmem>>
        %gather3A_420 = tpu.memref_squeeze %gather3A_419 : memref<1x128x128xf32, #tpu.memory_space<vmem>> -> memref<128x128xf32, #tpu.memory_space<vmem>>
        %gather3A_421 = tpu.vector_load_idx %gather3A_420[%add3A_14, %add3A_350] : memref<128x128xf32, #tpu.memory_space<vmem>>[vector<16xi32>, vector<16xi32>], vector<16xf32>,
        %gather3A_422 = arith.constant 2 : i32
        %gather3A_423 = arith.constant 0 : i32
        %gather3A_424 = arith.constant 0 : i32
        %gather3A_425 = tpu.memref_slice %arg6[%gather3A_422, %gather3A_423, %gather3A_424] : memref<4x128x128xf32, #tpu.memory_space<vmem>> -> memref<1x128x128xf32, #tpu.memory_space<vmem>>
        %gather3A_426 = tpu.memref_squeeze %gather3A_425 : memref<1x128x128xf32, #tpu.memory_space<vmem>> -> memref<128x128xf32, #tpu.memory_space<vmem>>
        %gather3A_427 = tpu.vector_load_idx %gather3A_426[%add3A_17, %add3A_344] : memref<128x128xf32, #tpu.memory_space<vmem>>[vector<16xi32>, vector<16xi32>], vector<16xf32>,
        %gather3A_428 = arith.constant 2 : i32
        %gather3A_429 = arith.constant 0 : i32
        %gather3A_430 = arith.constant 0 : i32
        %gather3A_431 = tpu.memref_slice %arg6[%gather3A_428, %gather3A_429, %gather3A_430] : memref<4x128x128xf32, #tpu.memory_space<vmem>> -> memref<1x128x128xf32, #tpu.memory_space<vmem>>
        %gather3A_432 = tpu.memref_squeeze %gather3A_431 : memref<1x128x128xf32, #tpu.memory_space<vmem>> -> memref<128x128xf32, #tpu.memory_space<vmem>>
        %gather3A_433 = tpu.vector_load_idx %gather3A_432[%add3A_17, %add3A_347] : memref<128x128xf32, #tpu.memory_space<vmem>>[vector<16xi32>, vector<16xi32>], vector<16xf32>,
        %gather3A_434 = arith.constant 2 : i32
        %gather3A_435 = arith.constant 0 : i32
        %gather3A_436 = arith.constant 0 : i32
        %gather3A_437 = tpu.memref_slice %arg6[%gather3A_434, %gather3A_435, %gather3A_436] : memref<4x128x128xf32, #tpu.memory_space<vmem>> -> memref<1x128x128xf32, #tpu.memory_space<vmem>>
        %gather3A_438 = tpu.memref_squeeze %gather3A_437 : memref<1x128x128xf32, #tpu.memory_space<vmem>> -> memref<128x128xf32, #tpu.memory_space<vmem>>
        %gather3A_439 = tpu.vector_load_idx %gather3A_438[%add3A_17, %add3A_350] : memref<128x128xf32, #tpu.memory_space<vmem>>[vector<16xi32>, vector<16xi32>], vector<16xf32>,
        %gather3A_440 = arith.constant 2 : i32
        %gather3A_441 = arith.constant 0 : i32
        %gather3A_442 = arith.constant 0 : i32
        %gather3A_443 = tpu.memref_slice %arg6[%gather3A_440, %gather3A_441, %gather3A_442] : memref<4x128x128xf32, #tpu.memory_space<vmem>> -> memref<1x128x128xf32, #tpu.memory_space<vmem>>
        %gather3A_444 = tpu.memref_squeeze %gather3A_443 : memref<1x128x128xf32, #tpu.memory_space<vmem>> -> memref<128x128xf32, #tpu.memory_space<vmem>>
        %gather3A_445 = tpu.vector_load_idx %gather3A_444[%add3A_20, %add3A_344] : memref<128x128xf32, #tpu.memory_space<vmem>>[vector<16xi32>, vector<16xi32>], vector<16xf32>,
        %gather3A_446 = arith.constant 2 : i32
        %gather3A_447 = arith.constant 0 : i32
        %gather3A_448 = arith.constant 0 : i32
        %gather3A_449 = tpu.memref_slice %arg6[%gather3A_446, %gather3A_447, %gather3A_448] : memref<4x128x128xf32, #tpu.memory_space<vmem>> -> memref<1x128x128xf32, #tpu.memory_space<vmem>>
        %gather3A_450 = tpu.memref_squeeze %gather3A_449 : memref<1x128x128xf32, #tpu.memory_space<vmem>> -> memref<128x128xf32, #tpu.memory_space<vmem>>
        %gather3A_451 = tpu.vector_load_idx %gather3A_450[%add3A_20, %add3A_347] : memref<128x128xf32, #tpu.memory_space<vmem>>[vector<16xi32>, vector<16xi32>], vector<16xf32>,
        %gather3A_452 = arith.constant 2 : i32
        %gather3A_453 = arith.constant 0 : i32
        %gather3A_454 = arith.constant 0 : i32
        %gather3A_455 = tpu.memref_slice %arg6[%gather3A_452, %gather3A_453, %gather3A_454] : memref<4x128x128xf32, #tpu.memory_space<vmem>> -> memref<1x128x128xf32, #tpu.memory_space<vmem>>
        %gather3A_456 = tpu.memref_squeeze %gather3A_455 : memref<1x128x128xf32, #tpu.memory_space<vmem>> -> memref<128x128xf32, #tpu.memory_space<vmem>>
        %gather3A_457 = tpu.vector_load_idx %gather3A_456[%add3A_20, %add3A_350] : memref<128x128xf32, #tpu.memory_space<vmem>>[vector<16xi32>, vector<16xi32>], vector<16xf32>,
        %gather3A_458 = arith.constant 2 : i32
        %gather3A_459 = arith.constant 0 : i32
        %gather3A_460 = arith.constant 0 : i32
        %gather3A_461 = tpu.memref_slice %arg6[%gather3A_458, %gather3A_459, %gather3A_460] : memref<4x128x128xf32, #tpu.memory_space<vmem>> -> memref<1x128x128xf32, #tpu.memory_space<vmem>>
        %gather3A_462 = tpu.memref_squeeze %gather3A_461 : memref<1x128x128xf32, #tpu.memory_space<vmem>> -> memref<128x128xf32, #tpu.memory_space<vmem>>
        %gather3A_463 = tpu.vector_load_idx %gather3A_462[%add3A_23, %add3A_344] : memref<128x128xf32, #tpu.memory_space<vmem>>[vector<16xi32>, vector<16xi32>], vector<16xf32>,
        %gather3A_464 = arith.constant 2 : i32
        %gather3A_465 = arith.constant 0 : i32
        %gather3A_466 = arith.constant 0 : i32
        %gather3A_467 = tpu.memref_slice %arg6[%gather3A_464, %gather3A_465, %gather3A_466] : memref<4x128x128xf32, #tpu.memory_space<vmem>> -> memref<1x128x128xf32, #tpu.memory_space<vmem>>
        %gather3A_468 = tpu.memref_squeeze %gather3A_467 : memref<1x128x128xf32, #tpu.memory_space<vmem>> -> memref<128x128xf32, #tpu.memory_space<vmem>>
        %gather3A_469 = tpu.vector_load_idx %gather3A_468[%add3A_23, %add3A_347] : memref<128x128xf32, #tpu.memory_space<vmem>>[vector<16xi32>, vector<16xi32>], vector<16xf32>,
        %gather3A_470 = arith.constant 2 : i32
        %gather3A_471 = arith.constant 0 : i32
        %gather3A_472 = arith.constant 0 : i32
        %gather3A_473 = tpu.memref_slice %arg6[%gather3A_470, %gather3A_471, %gather3A_472] : memref<4x128x128xf32, #tpu.memory_space<vmem>> -> memref<1x128x128xf32, #tpu.memory_space<vmem>>
        %gather3A_474 = tpu.memref_squeeze %gather3A_473 : memref<1x128x128xf32, #tpu.memory_space<vmem>> -> memref<128x128xf32, #tpu.memory_space<vmem>>
        %gather3A_475 = tpu.vector_load_idx %gather3A_474[%add3A_23, %add3A_350] : memref<128x128xf32, #tpu.memory_space<vmem>>[vector<16xi32>, vector<16xi32>], vector<16xf32>,
        %gather3A_476 = arith.constant 2 : i32
        %gather3A_477 = arith.constant 0 : i32
        %gather3A_478 = arith.constant 0 : i32
        %gather3A_479 = tpu.memref_slice %arg6[%gather3A_476, %gather3A_477, %gather3A_478] : memref<4x128x128xf32, #tpu.memory_space<vmem>> -> memref<1x128x128xf32, #tpu.memory_space<vmem>>
        %gather3A_480 = tpu.memref_squeeze %gather3A_479 : memref<1x128x128xf32, #tpu.memory_space<vmem>> -> memref<128x128xf32, #tpu.memory_space<vmem>>
        %gather3A_481 = tpu.vector_load_idx %gather3A_480[%add3A_26, %add3A_344] : memref<128x128xf32, #tpu.memory_space<vmem>>[vector<16xi32>, vector<16xi32>], vector<16xf32>,
        %gather3A_482 = arith.constant 2 : i32
        %gather3A_483 = arith.constant 0 : i32
        %gather3A_484 = arith.constant 0 : i32
        %gather3A_485 = tpu.memref_slice %arg6[%gather3A_482, %gather3A_483, %gather3A_484] : memref<4x128x128xf32, #tpu.memory_space<vmem>> -> memref<1x128x128xf32, #tpu.memory_space<vmem>>
        %gather3A_486 = tpu.memref_squeeze %gather3A_485 : memref<1x128x128xf32, #tpu.memory_space<vmem>> -> memref<128x128xf32, #tpu.memory_space<vmem>>
        %gather3A_487 = tpu.vector_load_idx %gather3A_486[%add3A_26, %add3A_347] : memref<128x128xf32, #tpu.memory_space<vmem>>[vector<16xi32>, vector<16xi32>], vector<16xf32>,
        %gather3A_488 = arith.constant 2 : i32
        %gather3A_489 = arith.constant 0 : i32
        %gather3A_490 = arith.constant 0 : i32
        %gather3A_491 = tpu.memref_slice %arg6[%gather3A_488, %gather3A_489, %gather3A_490] : memref<4x128x128xf32, #tpu.memory_space<vmem>> -> memref<1x128x128xf32, #tpu.memory_space<vmem>>
        %gather3A_492 = tpu.memref_squeeze %gather3A_491 : memref<1x128x128xf32, #tpu.memory_space<vmem>> -> memref<128x128xf32, #tpu.memory_space<vmem>>
        %gather3A_493 = tpu.vector_load_idx %gather3A_492[%add3A_26, %add3A_350] : memref<128x128xf32, #tpu.memory_space<vmem>>[vector<16xi32>, vector<16xi32>], vector<16xf32>,
        %scatter3A = arith.constant 2 : i32
        %scatter3A_494 = arith.constant 0 : i32
        %scatter3A_495 = arith.constant 0 : i32
        %scatter3A_496 = tpu.memref_slice %arg7[%scatter3A, %scatter3A_494, %scatter3A_495] : memref<4x48x128xf32, #tpu.memory_space<vmem>> -> memref<1x48x128xf32, #tpu.memory_space<vmem>>
        %scatter3A_497 = tpu.memref_squeeze %scatter3A_496 : memref<1x48x128xf32, #tpu.memory_space<vmem>> -> memref<48x128xf32, #tpu.memory_space<vmem>>
        tpu.vector_store_idx %scatter3A_497[%add3A_344, %add3A_5], %gather3A_355 : memref<48x128xf32, #tpu.memory_space<vmem>>[vector<16xi32>, vector<16xi32>], vector<16xf32>,
        %scatter3A_498 = arith.constant 2 : i32
        %scatter3A_499 = arith.constant 0 : i32
        %scatter3A_500 = arith.constant 0 : i32
        %scatter3A_501 = tpu.memref_slice %arg7[%scatter3A_498, %scatter3A_499, %scatter3A_500] : memref<4x48x128xf32, #tpu.memory_space<vmem>> -> memref<1x48x128xf32, #tpu.memory_space<vmem>>
        %scatter3A_502 = tpu.memref_squeeze %scatter3A_501 : memref<1x48x128xf32, #tpu.memory_space<vmem>> -> memref<48x128xf32, #tpu.memory_space<vmem>>
        tpu.vector_store_idx %scatter3A_502[%add3A_347, %add3A_5], %gather3A_361 : memref<48x128xf32, #tpu.memory_space<vmem>>[vector<16xi32>, vector<16xi32>], vector<16xf32>,
        %scatter3A_503 = arith.constant 2 : i32
        %scatter3A_504 = arith.constant 0 : i32
        %scatter3A_505 = arith.constant 0 : i32
        %scatter3A_506 = tpu.memref_slice %arg7[%scatter3A_503, %scatter3A_504, %scatter3A_505] : memref<4x48x128xf32, #tpu.memory_space<vmem>> -> memref<1x48x128xf32, #tpu.memory_space<vmem>>
        %scatter3A_507 = tpu.memref_squeeze %scatter3A_506 : memref<1x48x128xf32, #tpu.memory_space<vmem>> -> memref<48x128xf32, #tpu.memory_space<vmem>>
        tpu.vector_store_idx %scatter3A_507[%add3A_350, %add3A_5], %gather3A_367 : memref<48x128xf32, #tpu.memory_space<vmem>>[vector<16xi32>, vector<16xi32>], vector<16xf32>,
        %scatter3A_508 = arith.constant 2 : i32
        %scatter3A_509 = arith.constant 0 : i32
        %scatter3A_510 = arith.constant 0 : i32
        %scatter3A_511 = tpu.memref_slice %arg7[%scatter3A_508, %scatter3A_509, %scatter3A_510] : memref<4x48x128xf32, #tpu.memory_space<vmem>> -> memref<1x48x128xf32, #tpu.memory_space<vmem>>
        %scatter3A_512 = tpu.memref_squeeze %scatter3A_511 : memref<1x48x128xf32, #tpu.memory_space<vmem>> -> memref<48x128xf32, #tpu.memory_space<vmem>>
        tpu.vector_store_idx %scatter3A_512[%add3A_344, %add3A_8], %gather3A_373 : memref<48x128xf32, #tpu.memory_space<vmem>>[vector<16xi32>, vector<16xi32>], vector<16xf32>,
        %scatter3A_513 = arith.constant 2 : i32
        %scatter3A_514 = arith.constant 0 : i32
        %scatter3A_515 = arith.constant 0 : i32
        %scatter3A_516 = tpu.memref_slice %arg7[%scatter3A_513, %scatter3A_514, %scatter3A_515] : memref<4x48x128xf32, #tpu.memory_space<vmem>> -> memref<1x48x128xf32, #tpu.memory_space<vmem>>
        %scatter3A_517 = tpu.memref_squeeze %scatter3A_516 : memref<1x48x128xf32, #tpu.memory_space<vmem>> -> memref<48x128xf32, #tpu.memory_space<vmem>>
        tpu.vector_store_idx %scatter3A_517[%add3A_347, %add3A_8], %gather3A_379 : memref<48x128xf32, #tpu.memory_space<vmem>>[vector<16xi32>, vector<16xi32>], vector<16xf32>,
        %scatter3A_518 = arith.constant 2 : i32
        %scatter3A_519 = arith.constant 0 : i32
        %scatter3A_520 = arith.constant 0 : i32
        %scatter3A_521 = tpu.memref_slice %arg7[%scatter3A_518, %scatter3A_519, %scatter3A_520] : memref<4x48x128xf32, #tpu.memory_space<vmem>> -> memref<1x48x128xf32, #tpu.memory_space<vmem>>
        %scatter3A_522 = tpu.memref_squeeze %scatter3A_521 : memref<1x48x128xf32, #tpu.memory_space<vmem>> -> memref<48x128xf32, #tpu.memory_space<vmem>>
        tpu.vector_store_idx %scatter3A_522[%add3A_350, %add3A_8], %gather3A_385 : memref<48x128xf32, #tpu.memory_space<vmem>>[vector<16xi32>, vector<16xi32>], vector<16xf32>,
        %scatter3A_523 = arith.constant 2 : i32
        %scatter3A_524 = arith.constant 0 : i32
        %scatter3A_525 = arith.constant 0 : i32
        %scatter3A_526 = tpu.memref_slice %arg7[%scatter3A_523, %scatter3A_524, %scatter3A_525] : memref<4x48x128xf32, #tpu.memory_space<vmem>> -> memref<1x48x128xf32, #tpu.memory_space<vmem>>
        %scatter3A_527 = tpu.memref_squeeze %scatter3A_526 : memref<1x48x128xf32, #tpu.memory_space<vmem>> -> memref<48x128xf32, #tpu.memory_space<vmem>>
        tpu.vector_store_idx %scatter3A_527[%add3A_344, %add3A_11], %gather3A_391 : memref<48x128xf32, #tpu.memory_space<vmem>>[vector<16xi32>, vector<16xi32>], vector<16xf32>,
        %scatter3A_528 = arith.constant 2 : i32
        %scatter3A_529 = arith.constant 0 : i32
        %scatter3A_530 = arith.constant 0 : i32
        %scatter3A_531 = tpu.memref_slice %arg7[%scatter3A_528, %scatter3A_529, %scatter3A_530] : memref<4x48x128xf32, #tpu.memory_space<vmem>> -> memref<1x48x128xf32, #tpu.memory_space<vmem>>
        %scatter3A_532 = tpu.memref_squeeze %scatter3A_531 : memref<1x48x128xf32, #tpu.memory_space<vmem>> -> memref<48x128xf32, #tpu.memory_space<vmem>>
        tpu.vector_store_idx %scatter3A_532[%add3A_347, %add3A_11], %gather3A_397 : memref<48x128xf32, #tpu.memory_space<vmem>>[vector<16xi32>, vector<16xi32>], vector<16xf32>,
        %scatter3A_533 = arith.constant 2 : i32
        %scatter3A_534 = arith.constant 0 : i32
        %scatter3A_535 = arith.constant 0 : i32
        %scatter3A_536 = tpu.memref_slice %arg7[%scatter3A_533, %scatter3A_534, %scatter3A_535] : memref<4x48x128xf32, #tpu.memory_space<vmem>> -> memref<1x48x128xf32, #tpu.memory_space<vmem>>
        %scatter3A_537 = tpu.memref_squeeze %scatter3A_536 : memref<1x48x128xf32, #tpu.memory_space<vmem>> -> memref<48x128xf32, #tpu.memory_space<vmem>>
        tpu.vector_store_idx %scatter3A_537[%add3A_350, %add3A_11], %gather3A_403 : memref<48x128xf32, #tpu.memory_space<vmem>>[vector<16xi32>, vector<16xi32>], vector<16xf32>,
        %scatter3A_538 = arith.constant 2 : i32
        %scatter3A_539 = arith.constant 0 : i32
        %scatter3A_540 = arith.constant 0 : i32
        %scatter3A_541 = tpu.memref_slice %arg7[%scatter3A_538, %scatter3A_539, %scatter3A_540] : memref<4x48x128xf32, #tpu.memory_space<vmem>> -> memref<1x48x128xf32, #tpu.memory_space<vmem>>
        %scatter3A_542 = tpu.memref_squeeze %scatter3A_541 : memref<1x48x128xf32, #tpu.memory_space<vmem>> -> memref<48x128xf32, #tpu.memory_space<vmem>>
        tpu.vector_store_idx %scatter3A_542[%add3A_344, %add3A_14], %gather3A_409 : memref<48x128xf32, #tpu.memory_space<vmem>>[vector<16xi32>, vector<16xi32>], vector<16xf32>,
        %scatter3A_543 = arith.constant 2 : i32
        %scatter3A_544 = arith.constant 0 : i32
        %scatter3A_545 = arith.constant 0 : i32
        %scatter3A_546 = tpu.memref_slice %arg7[%scatter3A_543, %scatter3A_544, %scatter3A_545] : memref<4x48x128xf32, #tpu.memory_space<vmem>> -> memref<1x48x128xf32, #tpu.memory_space<vmem>>
        %scatter3A_547 = tpu.memref_squeeze %scatter3A_546 : memref<1x48x128xf32, #tpu.memory_space<vmem>> -> memref<48x128xf32, #tpu.memory_space<vmem>>
        tpu.vector_store_idx %scatter3A_547[%add3A_347, %add3A_14], %gather3A_415 : memref<48x128xf32, #tpu.memory_space<vmem>>[vector<16xi32>, vector<16xi32>], vector<16xf32>,
        %scatter3A_548 = arith.constant 2 : i32
        %scatter3A_549 = arith.constant 0 : i32
        %scatter3A_550 = arith.constant 0 : i32
        %scatter3A_551 = tpu.memref_slice %arg7[%scatter3A_548, %scatter3A_549, %scatter3A_550] : memref<4x48x128xf32, #tpu.memory_space<vmem>> -> memref<1x48x128xf32, #tpu.memory_space<vmem>>
        %scatter3A_552 = tpu.memref_squeeze %scatter3A_551 : memref<1x48x128xf32, #tpu.memory_space<vmem>> -> memref<48x128xf32, #tpu.memory_space<vmem>>
        tpu.vector_store_idx %scatter3A_552[%add3A_350, %add3A_14], %gather3A_421 : memref<48x128xf32, #tpu.memory_space<vmem>>[vector<16xi32>, vector<16xi32>], vector<16xf32>,
        %scatter3A_553 = arith.constant 2 : i32
        %scatter3A_554 = arith.constant 0 : i32
        %scatter3A_555 = arith.constant 0 : i32
        %scatter3A_556 = tpu.memref_slice %arg7[%scatter3A_553, %scatter3A_554, %scatter3A_555] : memref<4x48x128xf32, #tpu.memory_space<vmem>> -> memref<1x48x128xf32, #tpu.memory_space<vmem>>
        %scatter3A_557 = tpu.memref_squeeze %scatter3A_556 : memref<1x48x128xf32, #tpu.memory_space<vmem>> -> memref<48x128xf32, #tpu.memory_space<vmem>>
        tpu.vector_store_idx %scatter3A_557[%add3A_344, %add3A_17], %gather3A_427 : memref<48x128xf32, #tpu.memory_space<vmem>>[vector<16xi32>, vector<16xi32>], vector<16xf32>,
        %scatter3A_558 = arith.constant 2 : i32
        %scatter3A_559 = arith.constant 0 : i32
        %scatter3A_560 = arith.constant 0 : i32
        %scatter3A_561 = tpu.memref_slice %arg7[%scatter3A_558, %scatter3A_559, %scatter3A_560] : memref<4x48x128xf32, #tpu.memory_space<vmem>> -> memref<1x48x128xf32, #tpu.memory_space<vmem>>
        %scatter3A_562 = tpu.memref_squeeze %scatter3A_561 : memref<1x48x128xf32, #tpu.memory_space<vmem>> -> memref<48x128xf32, #tpu.memory_space<vmem>>
        tpu.vector_store_idx %scatter3A_562[%add3A_347, %add3A_17], %gather3A_433 : memref<48x128xf32, #tpu.memory_space<vmem>>[vector<16xi32>, vector<16xi32>], vector<16xf32>,
        %scatter3A_563 = arith.constant 2 : i32
        %scatter3A_564 = arith.constant 0 : i32
        %scatter3A_565 = arith.constant 0 : i32
        %scatter3A_566 = tpu.memref_slice %arg7[%scatter3A_563, %scatter3A_564, %scatter3A_565] : memref<4x48x128xf32, #tpu.memory_space<vmem>> -> memref<1x48x128xf32, #tpu.memory_space<vmem>>
        %scatter3A_567 = tpu.memref_squeeze %scatter3A_566 : memref<1x48x128xf32, #tpu.memory_space<vmem>> -> memref<48x128xf32, #tpu.memory_space<vmem>>
        tpu.vector_store_idx %scatter3A_567[%add3A_350, %add3A_17], %gather3A_439 : memref<48x128xf32, #tpu.memory_space<vmem>>[vector<16xi32>, vector<16xi32>], vector<16xf32>,
        %scatter3A_568 = arith.constant 2 : i32
        %scatter3A_569 = arith.constant 0 : i32
        %scatter3A_570 = arith.constant 0 : i32
        %scatter3A_571 = tpu.memref_slice %arg7[%scatter3A_568, %scatter3A_569, %scatter3A_570] : memref<4x48x128xf32, #tpu.memory_space<vmem>> -> memref<1x48x128xf32, #tpu.memory_space<vmem>>
        %scatter3A_572 = tpu.memref_squeeze %scatter3A_571 : memref<1x48x128xf32, #tpu.memory_space<vmem>> -> memref<48x128xf32, #tpu.memory_space<vmem>>
        tpu.vector_store_idx %scatter3A_572[%add3A_344, %add3A_20], %gather3A_445 : memref<48x128xf32, #tpu.memory_space<vmem>>[vector<16xi32>, vector<16xi32>], vector<16xf32>,
        %scatter3A_573 = arith.constant 2 : i32
        %scatter3A_574 = arith.constant 0 : i32
        %scatter3A_575 = arith.constant 0 : i32
        %scatter3A_576 = tpu.memref_slice %arg7[%scatter3A_573, %scatter3A_574, %scatter3A_575] : memref<4x48x128xf32, #tpu.memory_space<vmem>> -> memref<1x48x128xf32, #tpu.memory_space<vmem>>
        %scatter3A_577 = tpu.memref_squeeze %scatter3A_576 : memref<1x48x128xf32, #tpu.memory_space<vmem>> -> memref<48x128xf32, #tpu.memory_space<vmem>>
        tpu.vector_store_idx %scatter3A_577[%add3A_347, %add3A_20], %gather3A_451 : memref<48x128xf32, #tpu.memory_space<vmem>>[vector<16xi32>, vector<16xi32>], vector<16xf32>,
        %scatter3A_578 = arith.constant 2 : i32
        %scatter3A_579 = arith.constant 0 : i32
        %scatter3A_580 = arith.constant 0 : i32
        %scatter3A_581 = tpu.memref_slice %arg7[%scatter3A_578, %scatter3A_579, %scatter3A_580] : memref<4x48x128xf32, #tpu.memory_space<vmem>> -> memref<1x48x128xf32, #tpu.memory_space<vmem>>
        %scatter3A_582 = tpu.memref_squeeze %scatter3A_581 : memref<1x48x128xf32, #tpu.memory_space<vmem>> -> memref<48x128xf32, #tpu.memory_space<vmem>>
        tpu.vector_store_idx %scatter3A_582[%add3A_350, %add3A_20], %gather3A_457 : memref<48x128xf32, #tpu.memory_space<vmem>>[vector<16xi32>, vector<16xi32>], vector<16xf32>,
        %scatter3A_583 = arith.constant 2 : i32
        %scatter3A_584 = arith.constant 0 : i32
        %scatter3A_585 = arith.constant 0 : i32
        %scatter3A_586 = tpu.memref_slice %arg7[%scatter3A_583, %scatter3A_584, %scatter3A_585] : memref<4x48x128xf32, #tpu.memory_space<vmem>> -> memref<1x48x128xf32, #tpu.memory_space<vmem>>
        %scatter3A_587 = tpu.memref_squeeze %scatter3A_586 : memref<1x48x128xf32, #tpu.memory_space<vmem>> -> memref<48x128xf32, #tpu.memory_space<vmem>>
        tpu.vector_store_idx %scatter3A_587[%add3A_344, %add3A_23], %gather3A_463 : memref<48x128xf32, #tpu.memory_space<vmem>>[vector<16xi32>, vector<16xi32>], vector<16xf32>,
        %scatter3A_588 = arith.constant 2 : i32
        %scatter3A_589 = arith.constant 0 : i32
        %scatter3A_590 = arith.constant 0 : i32
        %scatter3A_591 = tpu.memref_slice %arg7[%scatter3A_588, %scatter3A_589, %scatter3A_590] : memref<4x48x128xf32, #tpu.memory_space<vmem>> -> memref<1x48x128xf32, #tpu.memory_space<vmem>>
        %scatter3A_592 = tpu.memref_squeeze %scatter3A_591 : memref<1x48x128xf32, #tpu.memory_space<vmem>> -> memref<48x128xf32, #tpu.memory_space<vmem>>
        tpu.vector_store_idx %scatter3A_592[%add3A_347, %add3A_23], %gather3A_469 : memref<48x128xf32, #tpu.memory_space<vmem>>[vector<16xi32>, vector<16xi32>], vector<16xf32>,
        %scatter3A_593 = arith.constant 2 : i32
        %scatter3A_594 = arith.constant 0 : i32
        %scatter3A_595 = arith.constant 0 : i32
        %scatter3A_596 = tpu.memref_slice %arg7[%scatter3A_593, %scatter3A_594, %scatter3A_595] : memref<4x48x128xf32, #tpu.memory_space<vmem>> -> memref<1x48x128xf32, #tpu.memory_space<vmem>>
        %scatter3A_597 = tpu.memref_squeeze %scatter3A_596 : memref<1x48x128xf32, #tpu.memory_space<vmem>> -> memref<48x128xf32, #tpu.memory_space<vmem>>
        tpu.vector_store_idx %scatter3A_597[%add3A_350, %add3A_23], %gather3A_475 : memref<48x128xf32, #tpu.memory_space<vmem>>[vector<16xi32>, vector<16xi32>], vector<16xf32>,
        %scatter3A_598 = arith.constant 2 : i32
        %scatter3A_599 = arith.constant 0 : i32
        %scatter3A_600 = arith.constant 0 : i32
        %scatter3A_601 = tpu.memref_slice %arg7[%scatter3A_598, %scatter3A_599, %scatter3A_600] : memref<4x48x128xf32, #tpu.memory_space<vmem>> -> memref<1x48x128xf32, #tpu.memory_space<vmem>>
        %scatter3A_602 = tpu.memref_squeeze %scatter3A_601 : memref<1x48x128xf32, #tpu.memory_space<vmem>> -> memref<48x128xf32, #tpu.memory_space<vmem>>
        tpu.vector_store_idx %scatter3A_602[%add3A_344, %add3A_26], %gather3A_481 : memref<48x128xf32, #tpu.memory_space<vmem>>[vector<16xi32>, vector<16xi32>], vector<16xf32>,
        %scatter3A_603 = arith.constant 2 : i32
        %scatter3A_604 = arith.constant 0 : i32
        %scatter3A_605 = arith.constant 0 : i32
        %scatter3A_606 = tpu.memref_slice %arg7[%scatter3A_603, %scatter3A_604, %scatter3A_605] : memref<4x48x128xf32, #tpu.memory_space<vmem>> -> memref<1x48x128xf32, #tpu.memory_space<vmem>>
        %scatter3A_607 = tpu.memref_squeeze %scatter3A_606 : memref<1x48x128xf32, #tpu.memory_space<vmem>> -> memref<48x128xf32, #tpu.memory_space<vmem>>
        tpu.vector_store_idx %scatter3A_607[%add3A_347, %add3A_26], %gather3A_487 : memref<48x128xf32, #tpu.memory_space<vmem>>[vector<16xi32>, vector<16xi32>], vector<16xf32>,
        %scatter3A_608 = arith.constant 2 : i32
        %scatter3A_609 = arith.constant 0 : i32
        %scatter3A_610 = arith.constant 0 : i32
        %scatter3A_611 = tpu.memref_slice %arg7[%scatter3A_608, %scatter3A_609, %scatter3A_610] : memref<4x48x128xf32, #tpu.memory_space<vmem>> -> memref<1x48x128xf32, #tpu.memory_space<vmem>>
        %scatter3A_612 = tpu.memref_squeeze %scatter3A_611 : memref<1x48x128xf32, #tpu.memory_space<vmem>> -> memref<48x128xf32, #tpu.memory_space<vmem>>
        tpu.vector_store_idx %scatter3A_612[%add3A_350, %add3A_26], %gather3A_493 : memref<48x128xf32, #tpu.memory_space<vmem>>[vector<16xi32>, vector<16xi32>], vector<16xf32>,
        %scan3A_613 = arith.constant 1 : i32
        %scan3A_614 = arith.addi %scan3A_334, %scan3A_613 : i32
        %mul3A_615 = arith.constant 1 : i32
        %mul3A_616 = arith.muli %scan3A_614, %mul3A_615 : i32
        %add3A_617 = arith.constant 0 : i32
        %add3A_618 = arith.addi %add3A_617, %mul3A_616 : i32
        %add3A_619 = vector.broadcast %add3A_618 : i32 to vector<16xi32>
        %add3A_620 = arith.addi %iota3A, %add3A_619 : vector<16xi32>
        %broadcast_in_dim3A_621 = arith.constant 15 : i32
        %broadcast_in_dim3A_622 = vector.broadcast %broadcast_in_dim3A_621 : i32 to vector<16xi32>
        %and3A_623 = arith.andi %add3A_620, %broadcast_in_dim3A_622 : vector<16xi32>
        %add3A_624 = arith.constant 0 : i32
        %add3A_625 = vector.broadcast %add3A_624 : i32 to vector<16xi32>
        %add3A_626 = arith.addi %and3A_623, %add3A_625 : vector<16xi32>
        %add3A_627 = arith.constant 16 : i32
        %add3A_628 = vector.broadcast %add3A_627 : i32 to vector<16xi32>
        %add3A_629 = arith.addi %and3A_623, %add3A_628 : vector<16xi32>
        %add3A_630 = arith.constant 32 : i32
        %add3A_631 = vector.broadcast %add3A_630 : i32 to vector<16xi32>
        %add3A_632 = arith.addi %and3A_623, %add3A_631 : vector<16xi32>
        %gather3A_633 = arith.constant 2 : i32
        %gather3A_634 = arith.constant 0 : i32
        %gather3A_635 = arith.constant 0 : i32
        %gather3A_636 = tpu.memref_slice %arg6[%gather3A_633, %gather3A_634, %gather3A_635] : memref<4x128x128xf32, #tpu.memory_space<vmem>> -> memref<1x128x128xf32, #tpu.memory_space<vmem>>
        %gather3A_637 = tpu.memref_squeeze %gather3A_636 : memref<1x128x128xf32, #tpu.memory_space<vmem>> -> memref<128x128xf32, #tpu.memory_space<vmem>>
        %gather3A_638 = tpu.vector_load_idx %gather3A_637[%add3A_5, %add3A_626] : memref<128x128xf32, #tpu.memory_space<vmem>>[vector<16xi32>, vector<16xi32>], vector<16xf32>,
        %gather3A_639 = arith.constant 2 : i32
        %gather3A_640 = arith.constant 0 : i32
        %gather3A_641 = arith.constant 0 : i32
        %gather3A_642 = tpu.memref_slice %arg6[%gather3A_639, %gather3A_640, %gather3A_641] : memref<4x128x128xf32, #tpu.memory_space<vmem>> -> memref<1x128x128xf32, #tpu.memory_space<vmem>>
        %gather3A_643 = tpu.memref_squeeze %gather3A_642 : memref<1x128x128xf32, #tpu.memory_space<vmem>> -> memref<128x128xf32, #tpu.memory_space<vmem>>
        %gather3A_644 = tpu.vector_load_idx %gather3A_643[%add3A_5, %add3A_629] : memref<128x128xf32, #tpu.memory_space<vmem>>[vector<16xi32>, vector<16xi32>], vector<16xf32>,
        %gather3A_645 = arith.constant 2 : i32
        %gather3A_646 = arith.constant 0 : i32
        %gather3A_647 = arith.constant 0 : i32
        %gather3A_648 = tpu.memref_slice %arg6[%gather3A_645, %gather3A_646, %gather3A_647] : memref<4x128x128xf32, #tpu.memory_space<vmem>> -> memref<1x128x128xf32, #tpu.memory_space<vmem>>
        %gather3A_649 = tpu.memref_squeeze %gather3A_648 : memref<1x128x128xf32, #tpu.memory_space<vmem>> -> memref<128x128xf32, #tpu.memory_space<vmem>>
        %gather3A_650 = tpu.vector_load_idx %gather3A_649[%add3A_5, %add3A_632] : memref<128x128xf32, #tpu.memory_space<vmem>>[vector<16xi32>, vector<16xi32>], vector<16xf32>,
        %gather3A_651 = arith.constant 2 : i32
        %gather3A_652 = arith.constant 0 : i32
        %gather3A_653 = arith.constant 0 : i32
        %gather3A_654 = tpu.memref_slice %arg6[%gather3A_651, %gather3A_652, %gather3A_653] : memref<4x128x128xf32, #tpu.memory_space<vmem>> -> memref<1x128x128xf32, #tpu.memory_space<vmem>>
        %gather3A_655 = tpu.memref_squeeze %gather3A_654 : memref<1x128x128xf32, #tpu.memory_space<vmem>> -> memref<128x128xf32, #tpu.memory_space<vmem>>
        %gather3A_656 = tpu.vector_load_idx %gather3A_655[%add3A_8, %add3A_626] : memref<128x128xf32, #tpu.memory_space<vmem>>[vector<16xi32>, vector<16xi32>], vector<16xf32>,
        %gather3A_657 = arith.constant 2 : i32
        %gather3A_658 = arith.constant 0 : i32
        %gather3A_659 = arith.constant 0 : i32
        %gather3A_660 = tpu.memref_slice %arg6[%gather3A_657, %gather3A_658, %gather3A_659] : memref<4x128x128xf32, #tpu.memory_space<vmem>> -> memref<1x128x128xf32, #tpu.memory_space<vmem>>
        %gather3A_661 = tpu.memref_squeeze %gather3A_660 : memref<1x128x128xf32, #tpu.memory_space<vmem>> -> memref<128x128xf32, #tpu.memory_space<vmem>>
        %gather3A_662 = tpu.vector_load_idx %gather3A_661[%add3A_8, %add3A_629] : memref<128x128xf32, #tpu.memory_space<vmem>>[vector<16xi32>, vector<16xi32>], vector<16xf32>,
        %gather3A_663 = arith.constant 2 : i32
        %gather3A_664 = arith.constant 0 : i32
        %gather3A_665 = arith.constant 0 : i32
        %gather3A_666 = tpu.memref_slice %arg6[%gather3A_663, %gather3A_664, %gather3A_665] : memref<4x128x128xf32, #tpu.memory_space<vmem>> -> memref<1x128x128xf32, #tpu.memory_space<vmem>>
        %gather3A_667 = tpu.memref_squeeze %gather3A_666 : memref<1x128x128xf32, #tpu.memory_space<vmem>> -> memref<128x128xf32, #tpu.memory_space<vmem>>
        %gather3A_668 = tpu.vector_load_idx %gather3A_667[%add3A_8, %add3A_632] : memref<128x128xf32, #tpu.memory_space<vmem>>[vector<16xi32>, vector<16xi32>], vector<16xf32>,
        %gather3A_669 = arith.constant 2 : i32
        %gather3A_670 = arith.constant 0 : i32
        %gather3A_671 = arith.constant 0 : i32
        %gather3A_672 = tpu.memref_slice %arg6[%gather3A_669, %gather3A_670, %gather3A_671] : memref<4x128x128xf32, #tpu.memory_space<vmem>> -> memref<1x128x128xf32, #tpu.memory_space<vmem>>
        %gather3A_673 = tpu.memref_squeeze %gather3A_672 : memref<1x128x128xf32, #tpu.memory_space<vmem>> -> memref<128x128xf32, #tpu.memory_space<vmem>>
        %gather3A_674 = tpu.vector_load_idx %gather3A_673[%add3A_11, %add3A_626] : memref<128x128xf32, #tpu.memory_space<vmem>>[vector<16xi32>, vector<16xi32>], vector<16xf32>,
        %gather3A_675 = arith.constant 2 : i32
        %gather3A_676 = arith.constant 0 : i32
        %gather3A_677 = arith.constant 0 : i32
        %gather3A_678 = tpu.memref_slice %arg6[%gather3A_675, %gather3A_676, %gather3A_677] : memref<4x128x128xf32, #tpu.memory_space<vmem>> -> memref<1x128x128xf32, #tpu.memory_space<vmem>>
        %gather3A_679 = tpu.memref_squeeze %gather3A_678 : memref<1x128x128xf32, #tpu.memory_space<vmem>> -> memref<128x128xf32, #tpu.memory_space<vmem>>
        %gather3A_680 = tpu.vector_load_idx %gather3A_679[%add3A_11, %add3A_629] : memref<128x128xf32, #tpu.memory_space<vmem>>[vector<16xi32>, vector<16xi32>], vector<16xf32>,
        %gather3A_681 = arith.constant 2 : i32
        %gather3A_682 = arith.constant 0 : i32
        %gather3A_683 = arith.constant 0 : i32
        %gather3A_684 = tpu.memref_slice %arg6[%gather3A_681, %gather3A_682, %gather3A_683] : memref<4x128x128xf32, #tpu.memory_space<vmem>> -> memref<1x128x128xf32, #tpu.memory_space<vmem>>
        %gather3A_685 = tpu.memref_squeeze %gather3A_684 : memref<1x128x128xf32, #tpu.memory_space<vmem>> -> memref<128x128xf32, #tpu.memory_space<vmem>>
        %gather3A_686 = tpu.vector_load_idx %gather3A_685[%add3A_11, %add3A_632] : memref<128x128xf32, #tpu.memory_space<vmem>>[vector<16xi32>, vector<16xi32>], vector<16xf32>,
        %gather3A_687 = arith.constant 2 : i32
        %gather3A_688 = arith.constant 0 : i32
        %gather3A_689 = arith.constant 0 : i32
        %gather3A_690 = tpu.memref_slice %arg6[%gather3A_687, %gather3A_688, %gather3A_689] : memref<4x128x128xf32, #tpu.memory_space<vmem>> -> memref<1x128x128xf32, #tpu.memory_space<vmem>>
        %gather3A_691 = tpu.memref_squeeze %gather3A_690 : memref<1x128x128xf32, #tpu.memory_space<vmem>> -> memref<128x128xf32, #tpu.memory_space<vmem>>
        %gather3A_692 = tpu.vector_load_idx %gather3A_691[%add3A_14, %add3A_626] : memref<128x128xf32, #tpu.memory_space<vmem>>[vector<16xi32>, vector<16xi32>], vector<16xf32>,
        %gather3A_693 = arith.constant 2 : i32
        %gather3A_694 = arith.constant 0 : i32
        %gather3A_695 = arith.constant 0 : i32
        %gather3A_696 = tpu.memref_slice %arg6[%gather3A_693, %gather3A_694, %gather3A_695] : memref<4x128x128xf32, #tpu.memory_space<vmem>> -> memref<1x128x128xf32, #tpu.memory_space<vmem>>
        %gather3A_697 = tpu.memref_squeeze %gather3A_696 : memref<1x128x128xf32, #tpu.memory_space<vmem>> -> memref<128x128xf32, #tpu.memory_space<vmem>>
        %gather3A_698 = tpu.vector_load_idx %gather3A_697[%add3A_14, %add3A_629] : memref<128x128xf32, #tpu.memory_space<vmem>>[vector<16xi32>, vector<16xi32>], vector<16xf32>,
        %gather3A_699 = arith.constant 2 : i32
        %gather3A_700 = arith.constant 0 : i32
        %gather3A_701 = arith.constant 0 : i32
        %gather3A_702 = tpu.memref_slice %arg6[%gather3A_699, %gather3A_700, %gather3A_701] : memref<4x128x128xf32, #tpu.memory_space<vmem>> -> memref<1x128x128xf32, #tpu.memory_space<vmem>>
        %gather3A_703 = tpu.memref_squeeze %gather3A_702 : memref<1x128x128xf32, #tpu.memory_space<vmem>> -> memref<128x128xf32, #tpu.memory_space<vmem>>
        %gather3A_704 = tpu.vector_load_idx %gather3A_703[%add3A_14, %add3A_632] : memref<128x128xf32, #tpu.memory_space<vmem>>[vector<16xi32>, vector<16xi32>], vector<16xf32>,
        %gather3A_705 = arith.constant 2 : i32
        %gather3A_706 = arith.constant 0 : i32
        %gather3A_707 = arith.constant 0 : i32
        %gather3A_708 = tpu.memref_slice %arg6[%gather3A_705, %gather3A_706, %gather3A_707] : memref<4x128x128xf32, #tpu.memory_space<vmem>> -> memref<1x128x128xf32, #tpu.memory_space<vmem>>
        %gather3A_709 = tpu.memref_squeeze %gather3A_708 : memref<1x128x128xf32, #tpu.memory_space<vmem>> -> memref<128x128xf32, #tpu.memory_space<vmem>>
        %gather3A_710 = tpu.vector_load_idx %gather3A_709[%add3A_17, %add3A_626] : memref<128x128xf32, #tpu.memory_space<vmem>>[vector<16xi32>, vector<16xi32>], vector<16xf32>,
        %gather3A_711 = arith.constant 2 : i32
        %gather3A_712 = arith.constant 0 : i32
        %gather3A_713 = arith.constant 0 : i32
        %gather3A_714 = tpu.memref_slice %arg6[%gather3A_711, %gather3A_712, %gather3A_713] : memref<4x128x128xf32, #tpu.memory_space<vmem>> -> memref<1x128x128xf32, #tpu.memory_space<vmem>>
        %gather3A_715 = tpu.memref_squeeze %gather3A_714 : memref<1x128x128xf32, #tpu.memory_space<vmem>> -> memref<128x128xf32, #tpu.memory_space<vmem>>
        %gather3A_716 = tpu.vector_load_idx %gather3A_715[%add3A_17, %add3A_629] : memref<128x128xf32, #tpu.memory_space<vmem>>[vector<16xi32>, vector<16xi32>], vector<16xf32>,
        %gather3A_717 = arith.constant 2 : i32
        %gather3A_718 = arith.constant 0 : i32
        %gather3A_719 = arith.constant 0 : i32
        %gather3A_720 = tpu.memref_slice %arg6[%gather3A_717, %gather3A_718, %gather3A_719] : memref<4x128x128xf32, #tpu.memory_space<vmem>> -> memref<1x128x128xf32, #tpu.memory_space<vmem>>
        %gather3A_721 = tpu.memref_squeeze %gather3A_720 : memref<1x128x128xf32, #tpu.memory_space<vmem>> -> memref<128x128xf32, #tpu.memory_space<vmem>>
        %gather3A_722 = tpu.vector_load_idx %gather3A_721[%add3A_17, %add3A_632] : memref<128x128xf32, #tpu.memory_space<vmem>>[vector<16xi32>, vector<16xi32>], vector<16xf32>,
        %gather3A_723 = arith.constant 2 : i32
        %gather3A_724 = arith.constant 0 : i32
        %gather3A_725 = arith.constant 0 : i32
        %gather3A_726 = tpu.memref_slice %arg6[%gather3A_723, %gather3A_724, %gather3A_725] : memref<4x128x128xf32, #tpu.memory_space<vmem>> -> memref<1x128x128xf32, #tpu.memory_space<vmem>>
        %gather3A_727 = tpu.memref_squeeze %gather3A_726 : memref<1x128x128xf32, #tpu.memory_space<vmem>> -> memref<128x128xf32, #tpu.memory_space<vmem>>
        %gather3A_728 = tpu.vector_load_idx %gather3A_727[%add3A_20, %add3A_626] : memref<128x128xf32, #tpu.memory_space<vmem>>[vector<16xi32>, vector<16xi32>], vector<16xf32>,
        %gather3A_729 = arith.constant 2 : i32
        %gather3A_730 = arith.constant 0 : i32
        %gather3A_731 = arith.constant 0 : i32
        %gather3A_732 = tpu.memref_slice %arg6[%gather3A_729, %gather3A_730, %gather3A_731] : memref<4x128x128xf32, #tpu.memory_space<vmem>> -> memref<1x128x128xf32, #tpu.memory_space<vmem>>
        %gather3A_733 = tpu.memref_squeeze %gather3A_732 : memref<1x128x128xf32, #tpu.memory_space<vmem>> -> memref<128x128xf32, #tpu.memory_space<vmem>>
        %gather3A_734 = tpu.vector_load_idx %gather3A_733[%add3A_20, %add3A_629] : memref<128x128xf32, #tpu.memory_space<vmem>>[vector<16xi32>, vector<16xi32>], vector<16xf32>,
        %gather3A_735 = arith.constant 2 : i32
        %gather3A_736 = arith.constant 0 : i32
        %gather3A_737 = arith.constant 0 : i32
        %gather3A_738 = tpu.memref_slice %arg6[%gather3A_735, %gather3A_736, %gather3A_737] : memref<4x128x128xf32, #tpu.memory_space<vmem>> -> memref<1x128x128xf32, #tpu.memory_space<vmem>>
        %gather3A_739 = tpu.memref_squeeze %gather3A_738 : memref<1x128x128xf32, #tpu.memory_space<vmem>> -> memref<128x128xf32, #tpu.memory_space<vmem>>
        %gather3A_740 = tpu.vector_load_idx %gather3A_739[%add3A_20, %add3A_632] : memref<128x128xf32, #tpu.memory_space<vmem>>[vector<16xi32>, vector<16xi32>], vector<16xf32>,
        %gather3A_741 = arith.constant 2 : i32
        %gather3A_742 = arith.constant 0 : i32
        %gather3A_743 = arith.constant 0 : i32
        %gather3A_744 = tpu.memref_slice %arg6[%gather3A_741, %gather3A_742, %gather3A_743] : memref<4x128x128xf32, #tpu.memory_space<vmem>> -> memref<1x128x128xf32, #tpu.memory_space<vmem>>
        %gather3A_745 = tpu.memref_squeeze %gather3A_744 : memref<1x128x128xf32, #tpu.memory_space<vmem>> -> memref<128x128xf32, #tpu.memory_space<vmem>>
        %gather3A_746 = tpu.vector_load_idx %gather3A_745[%add3A_23, %add3A_626] : memref<128x128xf32, #tpu.memory_space<vmem>>[vector<16xi32>, vector<16xi32>], vector<16xf32>,
        %gather3A_747 = arith.constant 2 : i32
        %gather3A_748 = arith.constant 0 : i32
        %gather3A_749 = arith.constant 0 : i32
        %gather3A_750 = tpu.memref_slice %arg6[%gather3A_747, %gather3A_748, %gather3A_749] : memref<4x128x128xf32, #tpu.memory_space<vmem>> -> memref<1x128x128xf32, #tpu.memory_space<vmem>>
        %gather3A_751 = tpu.memref_squeeze %gather3A_750 : memref<1x128x128xf32, #tpu.memory_space<vmem>> -> memref<128x128xf32, #tpu.memory_space<vmem>>
        %gather3A_752 = tpu.vector_load_idx %gather3A_751[%add3A_23, %add3A_629] : memref<128x128xf32, #tpu.memory_space<vmem>>[vector<16xi32>, vector<16xi32>], vector<16xf32>,
        %gather3A_753 = arith.constant 2 : i32
        %gather3A_754 = arith.constant 0 : i32
        %gather3A_755 = arith.constant 0 : i32
        %gather3A_756 = tpu.memref_slice %arg6[%gather3A_753, %gather3A_754, %gather3A_755] : memref<4x128x128xf32, #tpu.memory_space<vmem>> -> memref<1x128x128xf32, #tpu.memory_space<vmem>>
        %gather3A_757 = tpu.memref_squeeze %gather3A_756 : memref<1x128x128xf32, #tpu.memory_space<vmem>> -> memref<128x128xf32, #tpu.memory_space<vmem>>
        %gather3A_758 = tpu.vector_load_idx %gather3A_757[%add3A_23, %add3A_632] : memref<128x128xf32, #tpu.memory_space<vmem>>[vector<16xi32>, vector<16xi32>], vector<16xf32>,
        %gather3A_759 = arith.constant 2 : i32
        %gather3A_760 = arith.constant 0 : i32
        %gather3A_761 = arith.constant 0 : i32
        %gather3A_762 = tpu.memref_slice %arg6[%gather3A_759, %gather3A_760, %gather3A_761] : memref<4x128x128xf32, #tpu.memory_space<vmem>> -> memref<1x128x128xf32, #tpu.memory_space<vmem>>
        %gather3A_763 = tpu.memref_squeeze %gather3A_762 : memref<1x128x128xf32, #tpu.memory_space<vmem>> -> memref<128x128xf32, #tpu.memory_space<vmem>>
        %gather3A_764 = tpu.vector_load_idx %gather3A_763[%add3A_26, %add3A_626] : memref<128x128xf32, #tpu.memory_space<vmem>>[vector<16xi32>, vector<16xi32>], vector<16xf32>,
        %gather3A_765 = arith.constant 2 : i32
        %gather3A_766 = arith.constant 0 : i32
        %gather3A_767 = arith.constant 0 : i32
        %gather3A_768 = tpu.memref_slice %arg6[%gather3A_765, %gather3A_766, %gather3A_767] : memref<4x128x128xf32, #tpu.memory_space<vmem>> -> memref<1x128x128xf32, #tpu.memory_space<vmem>>
        %gather3A_769 = tpu.memref_squeeze %gather3A_768 : memref<1x128x128xf32, #tpu.memory_space<vmem>> -> memref<128x128xf32, #tpu.memory_space<vmem>>
        %gather3A_770 = tpu.vector_load_idx %gather3A_769[%add3A_26, %add3A_629] : memref<128x128xf32, #tpu.memory_space<vmem>>[vector<16xi32>, vector<16xi32>], vector<16xf32>,
        %gather3A_771 = arith.constant 2 : i32
        %gather3A_772 = arith.constant 0 : i32
        %gather3A_773 = arith.constant 0 : i32
        %gather3A_774 = tpu.memref_slice %arg6[%gather3A_771, %gather3A_772, %gather3A_773] : memref<4x128x128xf32, #tpu.memory_space<vmem>> -> memref<1x128x128xf32, #tpu.memory_space<vmem>>
        %gather3A_775 = tpu.memref_squeeze %gather3A_774 : memref<1x128x128xf32, #tpu.memory_space<vmem>> -> memref<128x128xf32, #tpu.memory_space<vmem>>
        %gather3A_776 = tpu.vector_load_idx %gather3A_775[%add3A_26, %add3A_632] : memref<128x128xf32, #tpu.memory_space<vmem>>[vector<16xi32>, vector<16xi32>], vector<16xf32>,
        %scatter3A_777 = arith.constant 2 : i32
        %scatter3A_778 = arith.constant 0 : i32
        %scatter3A_779 = arith.constant 0 : i32
        %scatter3A_780 = tpu.memref_slice %arg7[%scatter3A_777, %scatter3A_778, %scatter3A_779] : memref<4x48x128xf32, #tpu.memory_space<vmem>> -> memref<1x48x128xf32, #tpu.memory_space<vmem>>
        %scatter3A_781 = tpu.memref_squeeze %scatter3A_780 : memref<1x48x128xf32, #tpu.memory_space<vmem>> -> memref<48x128xf32, #tpu.memory_space<vmem>>
        tpu.vector_store_idx %scatter3A_781[%add3A_626, %add3A_5], %gather3A_638 : memref<48x128xf32, #tpu.memory_space<vmem>>[vector<16xi32>, vector<16xi32>], vector<16xf32>,
        %scatter3A_782 = arith.constant 2 : i32
        %scatter3A_783 = arith.constant 0 : i32
        %scatter3A_784 = arith.constant 0 : i32
        %scatter3A_785 = tpu.memref_slice %arg7[%scatter3A_782, %scatter3A_783, %scatter3A_784] : memref<4x48x128xf32, #tpu.memory_space<vmem>> -> memref<1x48x128xf32, #tpu.memory_space<vmem>>
        %scatter3A_786 = tpu.memref_squeeze %scatter3A_785 : memref<1x48x128xf32, #tpu.memory_space<vmem>> -> memref<48x128xf32, #tpu.memory_space<vmem>>
        tpu.vector_store_idx %scatter3A_786[%add3A_629, %add3A_5], %gather3A_644 : memref<48x128xf32, #tpu.memory_space<vmem>>[vector<16xi32>, vector<16xi32>], vector<16xf32>,
        %scatter3A_787 = arith.constant 2 : i32
        %scatter3A_788 = arith.constant 0 : i32
        %scatter3A_789 = arith.constant 0 : i32
        %scatter3A_790 = tpu.memref_slice %arg7[%scatter3A_787, %scatter3A_788, %scatter3A_789] : memref<4x48x128xf32, #tpu.memory_space<vmem>> -> memref<1x48x128xf32, #tpu.memory_space<vmem>>
        %scatter3A_791 = tpu.memref_squeeze %scatter3A_790 : memref<1x48x128xf32, #tpu.memory_space<vmem>> -> memref<48x128xf32, #tpu.memory_space<vmem>>
        tpu.vector_store_idx %scatter3A_791[%add3A_632, %add3A_5], %gather3A_650 : memref<48x128xf32, #tpu.memory_space<vmem>>[vector<16xi32>, vector<16xi32>], vector<16xf32>,
        %scatter3A_792 = arith.constant 2 : i32
        %scatter3A_793 = arith.constant 0 : i32
        %scatter3A_794 = arith.constant 0 : i32
        %scatter3A_795 = tpu.memref_slice %arg7[%scatter3A_792, %scatter3A_793, %scatter3A_794] : memref<4x48x128xf32, #tpu.memory_space<vmem>> -> memref<1x48x128xf32, #tpu.memory_space<vmem>>
        %scatter3A_796 = tpu.memref_squeeze %scatter3A_795 : memref<1x48x128xf32, #tpu.memory_space<vmem>> -> memref<48x128xf32, #tpu.memory_space<vmem>>
        tpu.vector_store_idx %scatter3A_796[%add3A_626, %add3A_8], %gather3A_656 : memref<48x128xf32, #tpu.memory_space<vmem>>[vector<16xi32>, vector<16xi32>], vector<16xf32>,
        %scatter3A_797 = arith.constant 2 : i32
        %scatter3A_798 = arith.constant 0 : i32
        %scatter3A_799 = arith.constant 0 : i32
        %scatter3A_800 = tpu.memref_slice %arg7[%scatter3A_797, %scatter3A_798, %scatter3A_799] : memref<4x48x128xf32, #tpu.memory_space<vmem>> -> memref<1x48x128xf32, #tpu.memory_space<vmem>>
        %scatter3A_801 = tpu.memref_squeeze %scatter3A_800 : memref<1x48x128xf32, #tpu.memory_space<vmem>> -> memref<48x128xf32, #tpu.memory_space<vmem>>
        tpu.vector_store_idx %scatter3A_801[%add3A_629, %add3A_8], %gather3A_662 : memref<48x128xf32, #tpu.memory_space<vmem>>[vector<16xi32>, vector<16xi32>], vector<16xf32>,
        %scatter3A_802 = arith.constant 2 : i32
        %scatter3A_803 = arith.constant 0 : i32
        %scatter3A_804 = arith.constant 0 : i32
        %scatter3A_805 = tpu.memref_slice %arg7[%scatter3A_802, %scatter3A_803, %scatter3A_804] : memref<4x48x128xf32, #tpu.memory_space<vmem>> -> memref<1x48x128xf32, #tpu.memory_space<vmem>>
        %scatter3A_806 = tpu.memref_squeeze %scatter3A_805 : memref<1x48x128xf32, #tpu.memory_space<vmem>> -> memref<48x128xf32, #tpu.memory_space<vmem>>
        tpu.vector_store_idx %scatter3A_806[%add3A_632, %add3A_8], %gather3A_668 : memref<48x128xf32, #tpu.memory_space<vmem>>[vector<16xi32>, vector<16xi32>], vector<16xf32>,
        %scatter3A_807 = arith.constant 2 : i32
        %scatter3A_808 = arith.constant 0 : i32
        %scatter3A_809 = arith.constant 0 : i32
        %scatter3A_810 = tpu.memref_slice %arg7[%scatter3A_807, %scatter3A_808, %scatter3A_809] : memref<4x48x128xf32, #tpu.memory_space<vmem>> -> memref<1x48x128xf32, #tpu.memory_space<vmem>>
        %scatter3A_811 = tpu.memref_squeeze %scatter3A_810 : memref<1x48x128xf32, #tpu.memory_space<vmem>> -> memref<48x128xf32, #tpu.memory_space<vmem>>
        tpu.vector_store_idx %scatter3A_811[%add3A_626, %add3A_11], %gather3A_674 : memref<48x128xf32, #tpu.memory_space<vmem>>[vector<16xi32>, vector<16xi32>], vector<16xf32>,
        %scatter3A_812 = arith.constant 2 : i32
        %scatter3A_813 = arith.constant 0 : i32
        %scatter3A_814 = arith.constant 0 : i32
        %scatter3A_815 = tpu.memref_slice %arg7[%scatter3A_812, %scatter3A_813, %scatter3A_814] : memref<4x48x128xf32, #tpu.memory_space<vmem>> -> memref<1x48x128xf32, #tpu.memory_space<vmem>>
        %scatter3A_816 = tpu.memref_squeeze %scatter3A_815 : memref<1x48x128xf32, #tpu.memory_space<vmem>> -> memref<48x128xf32, #tpu.memory_space<vmem>>
        tpu.vector_store_idx %scatter3A_816[%add3A_629, %add3A_11], %gather3A_680 : memref<48x128xf32, #tpu.memory_space<vmem>>[vector<16xi32>, vector<16xi32>], vector<16xf32>,
        %scatter3A_817 = arith.constant 2 : i32
        %scatter3A_818 = arith.constant 0 : i32
        %scatter3A_819 = arith.constant 0 : i32
        %scatter3A_820 = tpu.memref_slice %arg7[%scatter3A_817, %scatter3A_818, %scatter3A_819] : memref<4x48x128xf32, #tpu.memory_space<vmem>> -> memref<1x48x128xf32, #tpu.memory_space<vmem>>
        %scatter3A_821 = tpu.memref_squeeze %scatter3A_820 : memref<1x48x128xf32, #tpu.memory_space<vmem>> -> memref<48x128xf32, #tpu.memory_space<vmem>>
        tpu.vector_store_idx %scatter3A_821[%add3A_632, %add3A_11], %gather3A_686 : memref<48x128xf32, #tpu.memory_space<vmem>>[vector<16xi32>, vector<16xi32>], vector<16xf32>,
        %scatter3A_822 = arith.constant 2 : i32
        %scatter3A_823 = arith.constant 0 : i32
        %scatter3A_824 = arith.constant 0 : i32
        %scatter3A_825 = tpu.memref_slice %arg7[%scatter3A_822, %scatter3A_823, %scatter3A_824] : memref<4x48x128xf32, #tpu.memory_space<vmem>> -> memref<1x48x128xf32, #tpu.memory_space<vmem>>
        %scatter3A_826 = tpu.memref_squeeze %scatter3A_825 : memref<1x48x128xf32, #tpu.memory_space<vmem>> -> memref<48x128xf32, #tpu.memory_space<vmem>>
        tpu.vector_store_idx %scatter3A_826[%add3A_626, %add3A_14], %gather3A_692 : memref<48x128xf32, #tpu.memory_space<vmem>>[vector<16xi32>, vector<16xi32>], vector<16xf32>,
        %scatter3A_827 = arith.constant 2 : i32
        %scatter3A_828 = arith.constant 0 : i32
        %scatter3A_829 = arith.constant 0 : i32
        %scatter3A_830 = tpu.memref_slice %arg7[%scatter3A_827, %scatter3A_828, %scatter3A_829] : memref<4x48x128xf32, #tpu.memory_space<vmem>> -> memref<1x48x128xf32, #tpu.memory_space<vmem>>
        %scatter3A_831 = tpu.memref_squeeze %scatter3A_830 : memref<1x48x128xf32, #tpu.memory_space<vmem>> -> memref<48x128xf32, #tpu.memory_space<vmem>>
        tpu.vector_store_idx %scatter3A_831[%add3A_629, %add3A_14], %gather3A_698 : memref<48x128xf32, #tpu.memory_space<vmem>>[vector<16xi32>, vector<16xi32>], vector<16xf32>,
        %scatter3A_832 = arith.constant 2 : i32
        %scatter3A_833 = arith.constant 0 : i32
        %scatter3A_834 = arith.constant 0 : i32
        %scatter3A_835 = tpu.memref_slice %arg7[%scatter3A_832, %scatter3A_833, %scatter3A_834] : memref<4x48x128xf32, #tpu.memory_space<vmem>> -> memref<1x48x128xf32, #tpu.memory_space<vmem>>
        %scatter3A_836 = tpu.memref_squeeze %scatter3A_835 : memref<1x48x128xf32, #tpu.memory_space<vmem>> -> memref<48x128xf32, #tpu.memory_space<vmem>>
        tpu.vector_store_idx %scatter3A_836[%add3A_632, %add3A_14], %gather3A_704 : memref<48x128xf32, #tpu.memory_space<vmem>>[vector<16xi32>, vector<16xi32>], vector<16xf32>,
        %scatter3A_837 = arith.constant 2 : i32
        %scatter3A_838 = arith.constant 0 : i32
        %scatter3A_839 = arith.constant 0 : i32
        %scatter3A_840 = tpu.memref_slice %arg7[%scatter3A_837, %scatter3A_838, %scatter3A_839] : memref<4x48x128xf32, #tpu.memory_space<vmem>> -> memref<1x48x128xf32, #tpu.memory_space<vmem>>
        %scatter3A_841 = tpu.memref_squeeze %scatter3A_840 : memref<1x48x128xf32, #tpu.memory_space<vmem>> -> memref<48x128xf32, #tpu.memory_space<vmem>>
        tpu.vector_store_idx %scatter3A_841[%add3A_626, %add3A_17], %gather3A_710 : memref<48x128xf32, #tpu.memory_space<vmem>>[vector<16xi32>, vector<16xi32>], vector<16xf32>,
        %scatter3A_842 = arith.constant 2 : i32
        %scatter3A_843 = arith.constant 0 : i32
        %scatter3A_844 = arith.constant 0 : i32
        %scatter3A_845 = tpu.memref_slice %arg7[%scatter3A_842, %scatter3A_843, %scatter3A_844] : memref<4x48x128xf32, #tpu.memory_space<vmem>> -> memref<1x48x128xf32, #tpu.memory_space<vmem>>
        %scatter3A_846 = tpu.memref_squeeze %scatter3A_845 : memref<1x48x128xf32, #tpu.memory_space<vmem>> -> memref<48x128xf32, #tpu.memory_space<vmem>>
        tpu.vector_store_idx %scatter3A_846[%add3A_629, %add3A_17], %gather3A_716 : memref<48x128xf32, #tpu.memory_space<vmem>>[vector<16xi32>, vector<16xi32>], vector<16xf32>,
        %scatter3A_847 = arith.constant 2 : i32
        %scatter3A_848 = arith.constant 0 : i32
        %scatter3A_849 = arith.constant 0 : i32
        %scatter3A_850 = tpu.memref_slice %arg7[%scatter3A_847, %scatter3A_848, %scatter3A_849] : memref<4x48x128xf32, #tpu.memory_space<vmem>> -> memref<1x48x128xf32, #tpu.memory_space<vmem>>
        %scatter3A_851 = tpu.memref_squeeze %scatter3A_850 : memref<1x48x128xf32, #tpu.memory_space<vmem>> -> memref<48x128xf32, #tpu.memory_space<vmem>>
        tpu.vector_store_idx %scatter3A_851[%add3A_632, %add3A_17], %gather3A_722 : memref<48x128xf32, #tpu.memory_space<vmem>>[vector<16xi32>, vector<16xi32>], vector<16xf32>,
        %scatter3A_852 = arith.constant 2 : i32
        %scatter3A_853 = arith.constant 0 : i32
        %scatter3A_854 = arith.constant 0 : i32
        %scatter3A_855 = tpu.memref_slice %arg7[%scatter3A_852, %scatter3A_853, %scatter3A_854] : memref<4x48x128xf32, #tpu.memory_space<vmem>> -> memref<1x48x128xf32, #tpu.memory_space<vmem>>
        %scatter3A_856 = tpu.memref_squeeze %scatter3A_855 : memref<1x48x128xf32, #tpu.memory_space<vmem>> -> memref<48x128xf32, #tpu.memory_space<vmem>>
        tpu.vector_store_idx %scatter3A_856[%add3A_626, %add3A_20], %gather3A_728 : memref<48x128xf32, #tpu.memory_space<vmem>>[vector<16xi32>, vector<16xi32>], vector<16xf32>,
        %scatter3A_857 = arith.constant 2 : i32
        %scatter3A_858 = arith.constant 0 : i32
        %scatter3A_859 = arith.constant 0 : i32
        %scatter3A_860 = tpu.memref_slice %arg7[%scatter3A_857, %scatter3A_858, %scatter3A_859] : memref<4x48x128xf32, #tpu.memory_space<vmem>> -> memref<1x48x128xf32, #tpu.memory_space<vmem>>
        %scatter3A_861 = tpu.memref_squeeze %scatter3A_860 : memref<1x48x128xf32, #tpu.memory_space<vmem>> -> memref<48x128xf32, #tpu.memory_space<vmem>>
        tpu.vector_store_idx %scatter3A_861[%add3A_629, %add3A_20], %gather3A_734 : memref<48x128xf32, #tpu.memory_space<vmem>>[vector<16xi32>, vector<16xi32>], vector<16xf32>,
        %scatter3A_862 = arith.constant 2 : i32
        %scatter3A_863 = arith.constant 0 : i32
        %scatter3A_864 = arith.constant 0 : i32
        %scatter3A_865 = tpu.memref_slice %arg7[%scatter3A_862, %scatter3A_863, %scatter3A_864] : memref<4x48x128xf32, #tpu.memory_space<vmem>> -> memref<1x48x128xf32, #tpu.memory_space<vmem>>
        %scatter3A_866 = tpu.memref_squeeze %scatter3A_865 : memref<1x48x128xf32, #tpu.memory_space<vmem>> -> memref<48x128xf32, #tpu.memory_space<vmem>>
        tpu.vector_store_idx %scatter3A_866[%add3A_632, %add3A_20], %gather3A_740 : memref<48x128xf32, #tpu.memory_space<vmem>>[vector<16xi32>, vector<16xi32>], vector<16xf32>,
        %scatter3A_867 = arith.constant 2 : i32
        %scatter3A_868 = arith.constant 0 : i32
        %scatter3A_869 = arith.constant 0 : i32
        %scatter3A_870 = tpu.memref_slice %arg7[%scatter3A_867, %scatter3A_868, %scatter3A_869] : memref<4x48x128xf32, #tpu.memory_space<vmem>> -> memref<1x48x128xf32, #tpu.memory_space<vmem>>
        %scatter3A_871 = tpu.memref_squeeze %scatter3A_870 : memref<1x48x128xf32, #tpu.memory_space<vmem>> -> memref<48x128xf32, #tpu.memory_space<vmem>>
        tpu.vector_store_idx %scatter3A_871[%add3A_626, %add3A_23], %gather3A_746 : memref<48x128xf32, #tpu.memory_space<vmem>>[vector<16xi32>, vector<16xi32>], vector<16xf32>,
        %scatter3A_872 = arith.constant 2 : i32
        %scatter3A_873 = arith.constant 0 : i32
        %scatter3A_874 = arith.constant 0 : i32
        %scatter3A_875 = tpu.memref_slice %arg7[%scatter3A_872, %scatter3A_873, %scatter3A_874] : memref<4x48x128xf32, #tpu.memory_space<vmem>> -> memref<1x48x128xf32, #tpu.memory_space<vmem>>
        %scatter3A_876 = tpu.memref_squeeze %scatter3A_875 : memref<1x48x128xf32, #tpu.memory_space<vmem>> -> memref<48x128xf32, #tpu.memory_space<vmem>>
        tpu.vector_store_idx %scatter3A_876[%add3A_629, %add3A_23], %gather3A_752 : memref<48x128xf32, #tpu.memory_space<vmem>>[vector<16xi32>, vector<16xi32>], vector<16xf32>,
        %scatter3A_877 = arith.constant 2 : i32
        %scatter3A_878 = arith.constant 0 : i32
        %scatter3A_879 = arith.constant 0 : i32
        %scatter3A_880 = tpu.memref_slice %arg7[%scatter3A_877, %scatter3A_878, %scatter3A_879] : memref<4x48x128xf32, #tpu.memory_space<vmem>> -> memref<1x48x128xf32, #tpu.memory_space<vmem>>
        %scatter3A_881 = tpu.memref_squeeze %scatter3A_880 : memref<1x48x128xf32, #tpu.memory_space<vmem>> -> memref<48x128xf32, #tpu.memory_space<vmem>>
        tpu.vector_store_idx %scatter3A_881[%add3A_632, %add3A_23], %gather3A_758 : memref<48x128xf32, #tpu.memory_space<vmem>>[vector<16xi32>, vector<16xi32>], vector<16xf32>,
        %scatter3A_882 = arith.constant 2 : i32
        %scatter3A_883 = arith.constant 0 : i32
        %scatter3A_884 = arith.constant 0 : i32
        %scatter3A_885 = tpu.memref_slice %arg7[%scatter3A_882, %scatter3A_883, %scatter3A_884] : memref<4x48x128xf32, #tpu.memory_space<vmem>> -> memref<1x48x128xf32, #tpu.memory_space<vmem>>
        %scatter3A_886 = tpu.memref_squeeze %scatter3A_885 : memref<1x48x128xf32, #tpu.memory_space<vmem>> -> memref<48x128xf32, #tpu.memory_space<vmem>>
        tpu.vector_store_idx %scatter3A_886[%add3A_626, %add3A_26], %gather3A_764 : memref<48x128xf32, #tpu.memory_space<vmem>>[vector<16xi32>, vector<16xi32>], vector<16xf32>,
        %scatter3A_887 = arith.constant 2 : i32
        %scatter3A_888 = arith.constant 0 : i32
        %scatter3A_889 = arith.constant 0 : i32
        %scatter3A_890 = tpu.memref_slice %arg7[%scatter3A_887, %scatter3A_888, %scatter3A_889] : memref<4x48x128xf32, #tpu.memory_space<vmem>> -> memref<1x48x128xf32, #tpu.memory_space<vmem>>
        %scatter3A_891 = tpu.memref_squeeze %scatter3A_890 : memref<1x48x128xf32, #tpu.memory_space<vmem>> -> memref<48x128xf32, #tpu.memory_space<vmem>>
        tpu.vector_store_idx %scatter3A_891[%add3A_629, %add3A_26], %gather3A_770 : memref<48x128xf32, #tpu.memory_space<vmem>>[vector<16xi32>, vector<16xi32>], vector<16xf32>,
        %scatter3A_892 = arith.constant 2 : i32
        %scatter3A_893 = arith.constant 0 : i32
        %scatter3A_894 = arith.constant 0 : i32
        %scatter3A_895 = tpu.memref_slice %arg7[%scatter3A_892, %scatter3A_893, %scatter3A_894] : memref<4x48x128xf32, #tpu.memory_space<vmem>> -> memref<1x48x128xf32, #tpu.memory_space<vmem>>
        %scatter3A_896 = tpu.memref_squeeze %scatter3A_895 : memref<1x48x128xf32, #tpu.memory_space<vmem>> -> memref<48x128xf32, #tpu.memory_space<vmem>>
        tpu.vector_store_idx %scatter3A_896[%add3A_632, %add3A_26], %gather3A_776 : memref<48x128xf32, #tpu.memory_space<vmem>>[vector<16xi32>, vector<16xi32>], vector<16xf32>,
      }
      %scan3A_269 = arith.constant 16 : i32
      %dma_start3A_270 = arith.constant 2 : i32
      %dma_start3A_271 = arith.constant 0 : i32
      %dma_start3A_272 = arith.constant 0 : i32
      %dma_start3A_273 = tpu.memref_slice %arg7[%dma_start3A_270, %dma_start3A_271, %dma_start3A_272] : memref<4x48x128xf32, #tpu.memory_space<vmem>> -> memref<1x48x128xf32, #tpu.memory_space<vmem>>
      %dma_start3A_274 = tpu.memref_squeeze %dma_start3A_273 : memref<1x48x128xf32, #tpu.memory_space<vmem>> -> memref<48x128xf32, #tpu.memory_space<vmem>>
      %dma_start3A_275 = arith.constant 0 : i32
      %dma_start3A_276 = tpu.memref_slice %arg4[%add3A_237, %dma_start3A_275, %mul3A_2] : memref<192x48x4096xf32, #tpu.memory_space<hbm>> -> memref<1x48x128xf32, #tpu.memory_space<hbm>>
      %dma_start3A_277 = tpu.memref_squeeze %dma_start3A_276 : memref<1x48x128xf32, #tpu.memory_space<hbm>> -> memref<48x128xf32, #tpu.memory_space<hbm>>
      %dma_start3A_278 = arith.constant 0 : i32
      %dma_start3A_279 = tpu.memref_slice %arg4[%add3A_237, %dma_start3A_278, %mul3A_2] : memref<192x48x4096xf32, #tpu.memory_space<hbm>> -> memref<1x48x128xf32, #tpu.memory_space<hbm>>
      %dma_start3A_280 = tpu.memref_squeeze %dma_start3A_279 : memref<1x48x128xf32, #tpu.memory_space<hbm>> -> memref<48x128xf32, #tpu.memory_space<hbm>>
      %dma_start3A_281 = arith.constant 0 : i32
      %dma_start3A_282 = arith.constant 0 : i32
      %dma_start3A_283 = tpu.memref_slice %arg7[%dma_start3A_270, %dma_start3A_281, %dma_start3A_282] : memref<4x48x128xf32, #tpu.memory_space<vmem>> -> memref<1x48x128xf32, #tpu.memory_space<vmem>>
      %dma_start3A_284 = tpu.memref_squeeze %dma_start3A_283 : memref<1x48x128xf32, #tpu.memory_space<vmem>> -> memref<48x128xf32, #tpu.memory_space<vmem>>
      tpu.enqueue_dma source(%dma_start3A_284 : memref<48x128xf32, #tpu.memory_space<vmem>>) target(%dma_start3A_280 : memref<48x128xf32, #tpu.memory_space<hbm>>) target_semaphore(%arg9 : memref<!tpu.dma_semaphore, #tpu.memory_space<semaphore_mem>>)
      %add3A_285 = arith.constant 3 : i32
      %add3A_286 = arith.addi %add3A_141, %add3A_285 : i32
      %dma_wait3A_287 = arith.constant 3 : i32
      %dma_wait3A_288 = arith.constant 0 : i32
      %dma_wait3A_289 = arith.constant 0 : i32
      %dma_wait3A_290 = tpu.memref_slice %arg6[%dma_wait3A_287, %dma_wait3A_288, %dma_wait3A_289] : memref<4x128x128xf32, #tpu.memory_space<vmem>> -> memref<1x128x128xf32, #tpu.memory_space<vmem>>
      %dma_wait3A_291 = tpu.memref_squeeze %dma_wait3A_290 : memref<1x128x128xf32, #tpu.memory_space<vmem>> -> memref<128x128xf32, #tpu.memory_space<vmem>>
      %dma_wait3A_292 = arith.constant 0 : i32
      %dma_wait3A_293 = arith.constant 0 : i32
      %dma_wait3A_294 = tpu.memref_slice %arg2[%dma_wait3A_292, %dma_wait3A_293] : memref<100000x128xf32, #tpu.memory_space<hbm>> -> memref<128x128xf32, #tpu.memory_space<hbm>>
      %dma_wait3A_295 = arith.constant 0 : i32
      %dma_wait3A_296 = arith.constant 0 : i32
      %dma_wait3A_297 = tpu.memref_slice %arg6[%dma_wait3A_287, %dma_wait3A_295, %dma_wait3A_296] : memref<4x128x128xf32, #tpu.memory_space<vmem>> -> memref<1x128x128xf32, #tpu.memory_space<vmem>>
      %dma_wait3A_298 = tpu.memref_squeeze %dma_wait3A_297 : memref<1x128x128xf32, #tpu.memory_space<vmem>> -> memref<128x128xf32, #tpu.memory_space<vmem>>
      %dma_wait3A_299 = arith.constant 0 : i32
      %dma_wait3A_300 = arith.constant 0 : i32
      %dma_wait3A_301 = tpu.memref_slice %arg2[%dma_wait3A_299, %dma_wait3A_300] : memref<100000x128xf32, #tpu.memory_space<hbm>> -> memref<128x128xf32, #tpu.memory_space<hbm>>
      tpu.wait_dma2 semaphore(%arg8 : memref<!tpu.dma_semaphore, #tpu.memory_space<semaphore_mem>>) src(%dma_wait3A_301 : memref<128x128xf32, #tpu.memory_space<hbm>>) dst(%dma_wait3A_298 : memref<128x128xf32, #tpu.memory_space<vmem>>)
      %add3A_302 = arith.constant 3 : i32
      %add3A_303 = arith.addi %add3A_286, %add3A_302 : i32
      %lt3A_304 = arith.constant 192 : i32
      %lt3A_305 = arith.cmpi slt, %add3A_303, %lt3A_304 : i32
      %convert_element_type3A_306 = arith.extui %lt3A_305 : i1 to i32
      %cond3A_307 = arith.constant 0 : i32
      %cond3A_308 = arith.cmpi ne, %convert_element_type3A_306, %cond3A_307 : i32
      scf.if %cond3A_308 {
        %add3A_334 = arith.constant 3 : i32
        %add3A_335 = arith.addi %add3A_286, %add3A_334 : i32
        %dma_start3A_336 = arith.constant 2 : i32
        %dma_start3A_337 = arith.constant 0 : i32
        %dma_start3A_338 = arith.constant 0 : i32
        %dma_start3A_339 = tpu.memref_slice %arg6[%dma_start3A_336, %dma_start3A_337, %dma_start3A_338] : memref<4x128x128xf32, #tpu.memory_space<vmem>> -> memref<1x128x128xf32, #tpu.memory_space<vmem>>
        %dma_start3A_340 = tpu.memref_squeeze %dma_start3A_339 : memref<1x128x128xf32, #tpu.memory_space<vmem>> -> memref<128x128xf32, #tpu.memory_space<vmem>>
        %dma_start3A_341 = arith.constant 0 : i32
        %dma_start3A_342 = tpu.memref_slice %arg5[%add3A_335, %dma_start3A_341] : memref<192x128xi32, #tpu.memory_space<vmem>> -> memref<1x128xi32, #tpu.memory_space<vmem>>
        %dma_start3A_343 = tpu.memref_squeeze %dma_start3A_342 : memref<1x128xi32, #tpu.memory_space<vmem>> -> memref<128xi32, #tpu.memory_space<vmem>>
        %dma_start3A_344 = arith.constant 0 : i32
        %dma_start3A_345 = arith.constant 0 : i32
        %dma_start3A_346 = tpu.memref_slice %arg2[%dma_start3A_344, %dma_start3A_345] : memref<100000x128xf32, #tpu.memory_space<hbm>> -> memref<100000x128xf32, #tpu.memory_space<hbm>>
        tpu.enqueue_indirect_dma source(%dma_start3A_346 : memref<100000x128xf32, #tpu.memory_space<hbm>>) target(%dma_start3A_340 : memref<128x128xf32, #tpu.memory_space<vmem>>) offsets(%dma_start3A_343 : memref<128xi32, #tpu.memory_space<vmem>>) semaphore(%arg8 : memref<!tpu.dma_semaphore, #tpu.memory_space<semaphore_mem>>)
      } else {
      }
      %ge3A_309 = arith.constant 4 : i32
      %ge3A_310 = arith.cmpi sge, %add3A_286, %ge3A_309 : i32
      %convert_element_type3A_311 = arith.extui %ge3A_310 : i1 to i32
      %cond3A_312 = arith.constant 0 : i32
      %cond3A_313 = arith.cmpi ne, %convert_element_type3A_311, %cond3A_312 : i32
      scf.if %cond3A_313 {
        %dma_wait3A_334 = arith.constant 3 : i32
        %dma_wait3A_335 = arith.constant 0 : i32
        %dma_wait3A_336 = arith.constant 0 : i32
        %dma_wait3A_337 = arith.constant 0 : i32
        %dma_wait3A_338 = tpu.memref_slice %arg7[%dma_wait3A_334, %dma_wait3A_336, %dma_wait3A_337] : memref<4x48x128xf32, #tpu.memory_space<vmem>> -> memref<1x48x128xf32, #tpu.memory_space<vmem>>
        %dma_wait3A_339 = tpu.memref_squeeze %dma_wait3A_338 : memref<1x48x128xf32, #tpu.memory_space<vmem>> -> memref<48x128xf32, #tpu.memory_space<vmem>>
        %dma_wait3A_340 = arith.constant 0 : i32
        %dma_wait3A_341 = arith.constant 0 : i32
        %dma_wait3A_342 = tpu.memref_slice %arg4[%dma_wait3A_335, %dma_wait3A_340, %dma_wait3A_341] : memref<192x48x4096xf32, #tpu.memory_space<hbm>> -> memref<1x48x128xf32, #tpu.memory_space<hbm>>
        %dma_wait3A_343 = tpu.memref_squeeze %dma_wait3A_342 : memref<1x48x128xf32, #tpu.memory_space<hbm>> -> memref<48x128xf32, #tpu.memory_space<hbm>>
        %dma_wait3A_344 = arith.constant 0 : i32
        %dma_wait3A_345 = arith.constant 0 : i32
        %dma_wait3A_346 = tpu.memref_slice %arg4[%dma_wait3A_335, %dma_wait3A_344, %dma_wait3A_345] : memref<192x48x4096xf32, #tpu.memory_space<hbm>> -> memref<1x48x128xf32, #tpu.memory_space<hbm>>
        %dma_wait3A_347 = tpu.memref_squeeze %dma_wait3A_346 : memref<1x48x128xf32, #tpu.memory_space<hbm>> -> memref<48x128xf32, #tpu.memory_space<hbm>>
        %dma_wait3A_348 = arith.constant 0 : i32
        %dma_wait3A_349 = arith.constant 0 : i32
        %dma_wait3A_350 = tpu.memref_slice %arg7[%dma_wait3A_334, %dma_wait3A_348, %dma_wait3A_349] : memref<4x48x128xf32, #tpu.memory_space<vmem>> -> memref<1x48x128xf32, #tpu.memory_space<vmem>>
        %dma_wait3A_351 = tpu.memref_squeeze %dma_wait3A_350 : memref<1x48x128xf32, #tpu.memory_space<vmem>> -> memref<48x128xf32, #tpu.memory_space<vmem>>
        tpu.wait_dma2 semaphore(%arg9 : memref<!tpu.dma_semaphore, #tpu.memory_space<semaphore_mem>>) src(%dma_wait3A_351 : memref<48x128xf32, #tpu.memory_space<vmem>>) dst(%dma_wait3A_347 : memref<48x128xf32, #tpu.memory_space<hbm>>)
      } else {
      }
      %scan3A_314 = arith.constant 0 : i32
      %scan3A_315 = arith.constant 16 : i32
      %scan3A_316 = arith.addi %scan3A_314, %scan3A_315 : i32
      %scan3A_317 = arith.constant 2 : i32
      scf.for %scan3A_334 = %scan3A_314 to %scan3A_316 step %scan3A_317  : i32 {
        %mul3A_335 = arith.constant 1 : i32
        %mul3A_336 = arith.muli %scan3A_334, %mul3A_335 : i32
        %add3A_337 = arith.constant 0 : i32
        %add3A_338 = arith.addi %add3A_337, %mul3A_336 : i32
        %add3A_339 = vector.broadcast %add3A_338 : i32 to vector<16xi32>
        %add3A_340 = arith.addi %iota3A, %add3A_339 : vector<16xi32>
        %broadcast_in_dim3A = arith.constant 15 : i32
        %broadcast_in_dim3A_341 = vector.broadcast %broadcast_in_dim3A : i32 to vector<16xi32>
        %and3A = arith.andi %add3A_340, %broadcast_in_dim3A_341 : vector<16xi32>
        %add3A_342 = arith.constant 0 : i32
        %add3A_343 = vector.broadcast %add3A_342 : i32 to vector<16xi32>
        %add3A_344 = arith.addi %and3A, %add3A_343 : vector<16xi32>
        %add3A_345 = arith.constant 16 : i32
        %add3A_346 = vector.broadcast %add3A_345 : i32 to vector<16xi32>
        %add3A_347 = arith.addi %and3A, %add3A_346 : vector<16xi32>
        %add3A_348 = arith.constant 32 : i32
        %add3A_349 = vector.broadcast %add3A_348 : i32 to vector<16xi32>
        %add3A_350 = arith.addi %and3A, %add3A_349 : vector<16xi32>
        %gather3A = arith.constant 3 : i32
        %gather3A_351 = arith.constant 0 : i32
        %gather3A_352 = arith.constant 0 : i32
        %gather3A_353 = tpu.memref_slice %arg6[%gather3A, %gather3A_351, %gather3A_352] : memref<4x128x128xf32, #tpu.memory_space<vmem>> -> memref<1x128x128xf32, #tpu.memory_space<vmem>>
        %gather3A_354 = tpu.memref_squeeze %gather3A_353 : memref<1x128x128xf32, #tpu.memory_space<vmem>> -> memref<128x128xf32, #tpu.memory_space<vmem>>
        %gather3A_355 = tpu.vector_load_idx %gather3A_354[%add3A_5, %add3A_344] : memref<128x128xf32, #tpu.memory_space<vmem>>[vector<16xi32>, vector<16xi32>], vector<16xf32>,
        %gather3A_356 = arith.constant 3 : i32
        %gather3A_357 = arith.constant 0 : i32
        %gather3A_358 = arith.constant 0 : i32
        %gather3A_359 = tpu.memref_slice %arg6[%gather3A_356, %gather3A_357, %gather3A_358] : memref<4x128x128xf32, #tpu.memory_space<vmem>> -> memref<1x128x128xf32, #tpu.memory_space<vmem>>
        %gather3A_360 = tpu.memref_squeeze %gather3A_359 : memref<1x128x128xf32, #tpu.memory_space<vmem>> -> memref<128x128xf32, #tpu.memory_space<vmem>>
        %gather3A_361 = tpu.vector_load_idx %gather3A_360[%add3A_5, %add3A_347] : memref<128x128xf32, #tpu.memory_space<vmem>>[vector<16xi32>, vector<16xi32>], vector<16xf32>,
        %gather3A_362 = arith.constant 3 : i32
        %gather3A_363 = arith.constant 0 : i32
        %gather3A_364 = arith.constant 0 : i32
        %gather3A_365 = tpu.memref_slice %arg6[%gather3A_362, %gather3A_363, %gather3A_364] : memref<4x128x128xf32, #tpu.memory_space<vmem>> -> memref<1x128x128xf32, #tpu.memory_space<vmem>>
        %gather3A_366 = tpu.memref_squeeze %gather3A_365 : memref<1x128x128xf32, #tpu.memory_space<vmem>> -> memref<128x128xf32, #tpu.memory_space<vmem>>
        %gather3A_367 = tpu.vector_load_idx %gather3A_366[%add3A_5, %add3A_350] : memref<128x128xf32, #tpu.memory_space<vmem>>[vector<16xi32>, vector<16xi32>], vector<16xf32>,
        %gather3A_368 = arith.constant 3 : i32
        %gather3A_369 = arith.constant 0 : i32
        %gather3A_370 = arith.constant 0 : i32
        %gather3A_371 = tpu.memref_slice %arg6[%gather3A_368, %gather3A_369, %gather3A_370] : memref<4x128x128xf32, #tpu.memory_space<vmem>> -> memref<1x128x128xf32, #tpu.memory_space<vmem>>
        %gather3A_372 = tpu.memref_squeeze %gather3A_371 : memref<1x128x128xf32, #tpu.memory_space<vmem>> -> memref<128x128xf32, #tpu.memory_space<vmem>>
        %gather3A_373 = tpu.vector_load_idx %gather3A_372[%add3A_8, %add3A_344] : memref<128x128xf32, #tpu.memory_space<vmem>>[vector<16xi32>, vector<16xi32>], vector<16xf32>,
        %gather3A_374 = arith.constant 3 : i32
        %gather3A_375 = arith.constant 0 : i32
        %gather3A_376 = arith.constant 0 : i32
        %gather3A_377 = tpu.memref_slice %arg6[%gather3A_374, %gather3A_375, %gather3A_376] : memref<4x128x128xf32, #tpu.memory_space<vmem>> -> memref<1x128x128xf32, #tpu.memory_space<vmem>>
        %gather3A_378 = tpu.memref_squeeze %gather3A_377 : memref<1x128x128xf32, #tpu.memory_space<vmem>> -> memref<128x128xf32, #tpu.memory_space<vmem>>
        %gather3A_379 = tpu.vector_load_idx %gather3A_378[%add3A_8, %add3A_347] : memref<128x128xf32, #tpu.memory_space<vmem>>[vector<16xi32>, vector<16xi32>], vector<16xf32>,
        %gather3A_380 = arith.constant 3 : i32
        %gather3A_381 = arith.constant 0 : i32
        %gather3A_382 = arith.constant 0 : i32
        %gather3A_383 = tpu.memref_slice %arg6[%gather3A_380, %gather3A_381, %gather3A_382] : memref<4x128x128xf32, #tpu.memory_space<vmem>> -> memref<1x128x128xf32, #tpu.memory_space<vmem>>
        %gather3A_384 = tpu.memref_squeeze %gather3A_383 : memref<1x128x128xf32, #tpu.memory_space<vmem>> -> memref<128x128xf32, #tpu.memory_space<vmem>>
        %gather3A_385 = tpu.vector_load_idx %gather3A_384[%add3A_8, %add3A_350] : memref<128x128xf32, #tpu.memory_space<vmem>>[vector<16xi32>, vector<16xi32>], vector<16xf32>,
        %gather3A_386 = arith.constant 3 : i32
        %gather3A_387 = arith.constant 0 : i32
        %gather3A_388 = arith.constant 0 : i32
        %gather3A_389 = tpu.memref_slice %arg6[%gather3A_386, %gather3A_387, %gather3A_388] : memref<4x128x128xf32, #tpu.memory_space<vmem>> -> memref<1x128x128xf32, #tpu.memory_space<vmem>>
        %gather3A_390 = tpu.memref_squeeze %gather3A_389 : memref<1x128x128xf32, #tpu.memory_space<vmem>> -> memref<128x128xf32, #tpu.memory_space<vmem>>
        %gather3A_391 = tpu.vector_load_idx %gather3A_390[%add3A_11, %add3A_344] : memref<128x128xf32, #tpu.memory_space<vmem>>[vector<16xi32>, vector<16xi32>], vector<16xf32>,
        %gather3A_392 = arith.constant 3 : i32
        %gather3A_393 = arith.constant 0 : i32
        %gather3A_394 = arith.constant 0 : i32
        %gather3A_395 = tpu.memref_slice %arg6[%gather3A_392, %gather3A_393, %gather3A_394] : memref<4x128x128xf32, #tpu.memory_space<vmem>> -> memref<1x128x128xf32, #tpu.memory_space<vmem>>
        %gather3A_396 = tpu.memref_squeeze %gather3A_395 : memref<1x128x128xf32, #tpu.memory_space<vmem>> -> memref<128x128xf32, #tpu.memory_space<vmem>>
        %gather3A_397 = tpu.vector_load_idx %gather3A_396[%add3A_11, %add3A_347] : memref<128x128xf32, #tpu.memory_space<vmem>>[vector<16xi32>, vector<16xi32>], vector<16xf32>,
        %gather3A_398 = arith.constant 3 : i32
        %gather3A_399 = arith.constant 0 : i32
        %gather3A_400 = arith.constant 0 : i32
        %gather3A_401 = tpu.memref_slice %arg6[%gather3A_398, %gather3A_399, %gather3A_400] : memref<4x128x128xf32, #tpu.memory_space<vmem>> -> memref<1x128x128xf32, #tpu.memory_space<vmem>>
        %gather3A_402 = tpu.memref_squeeze %gather3A_401 : memref<1x128x128xf32, #tpu.memory_space<vmem>> -> memref<128x128xf32, #tpu.memory_space<vmem>>
        %gather3A_403 = tpu.vector_load_idx %gather3A_402[%add3A_11, %add3A_350] : memref<128x128xf32, #tpu.memory_space<vmem>>[vector<16xi32>, vector<16xi32>], vector<16xf32>,
        %gather3A_404 = arith.constant 3 : i32
        %gather3A_405 = arith.constant 0 : i32
        %gather3A_406 = arith.constant 0 : i32
        %gather3A_407 = tpu.memref_slice %arg6[%gather3A_404, %gather3A_405, %gather3A_406] : memref<4x128x128xf32, #tpu.memory_space<vmem>> -> memref<1x128x128xf32, #tpu.memory_space<vmem>>
        %gather3A_408 = tpu.memref_squeeze %gather3A_407 : memref<1x128x128xf32, #tpu.memory_space<vmem>> -> memref<128x128xf32, #tpu.memory_space<vmem>>
        %gather3A_409 = tpu.vector_load_idx %gather3A_408[%add3A_14, %add3A_344] : memref<128x128xf32, #tpu.memory_space<vmem>>[vector<16xi32>, vector<16xi32>], vector<16xf32>,
        %gather3A_410 = arith.constant 3 : i32
        %gather3A_411 = arith.constant 0 : i32
        %gather3A_412 = arith.constant 0 : i32
        %gather3A_413 = tpu.memref_slice %arg6[%gather3A_410, %gather3A_411, %gather3A_412] : memref<4x128x128xf32, #tpu.memory_space<vmem>> -> memref<1x128x128xf32, #tpu.memory_space<vmem>>
        %gather3A_414 = tpu.memref_squeeze %gather3A_413 : memref<1x128x128xf32, #tpu.memory_space<vmem>> -> memref<128x128xf32, #tpu.memory_space<vmem>>
        %gather3A_415 = tpu.vector_load_idx %gather3A_414[%add3A_14, %add3A_347] : memref<128x128xf32, #tpu.memory_space<vmem>>[vector<16xi32>, vector<16xi32>], vector<16xf32>,
        %gather3A_416 = arith.constant 3 : i32
        %gather3A_417 = arith.constant 0 : i32
        %gather3A_418 = arith.constant 0 : i32
        %gather3A_419 = tpu.memref_slice %arg6[%gather3A_416, %gather3A_417, %gather3A_418] : memref<4x128x128xf32, #tpu.memory_space<vmem>> -> memref<1x128x128xf32, #tpu.memory_space<vmem>>
        %gather3A_420 = tpu.memref_squeeze %gather3A_419 : memref<1x128x128xf32, #tpu.memory_space<vmem>> -> memref<128x128xf32, #tpu.memory_space<vmem>>
        %gather3A_421 = tpu.vector_load_idx %gather3A_420[%add3A_14, %add3A_350] : memref<128x128xf32, #tpu.memory_space<vmem>>[vector<16xi32>, vector<16xi32>], vector<16xf32>,
        %gather3A_422 = arith.constant 3 : i32
        %gather3A_423 = arith.constant 0 : i32
        %gather3A_424 = arith.constant 0 : i32
        %gather3A_425 = tpu.memref_slice %arg6[%gather3A_422, %gather3A_423, %gather3A_424] : memref<4x128x128xf32, #tpu.memory_space<vmem>> -> memref<1x128x128xf32, #tpu.memory_space<vmem>>
        %gather3A_426 = tpu.memref_squeeze %gather3A_425 : memref<1x128x128xf32, #tpu.memory_space<vmem>> -> memref<128x128xf32, #tpu.memory_space<vmem>>
        %gather3A_427 = tpu.vector_load_idx %gather3A_426[%add3A_17, %add3A_344] : memref<128x128xf32, #tpu.memory_space<vmem>>[vector<16xi32>, vector<16xi32>], vector<16xf32>,
        %gather3A_428 = arith.constant 3 : i32
        %gather3A_429 = arith.constant 0 : i32
        %gather3A_430 = arith.constant 0 : i32
        %gather3A_431 = tpu.memref_slice %arg6[%gather3A_428, %gather3A_429, %gather3A_430] : memref<4x128x128xf32, #tpu.memory_space<vmem>> -> memref<1x128x128xf32, #tpu.memory_space<vmem>>
        %gather3A_432 = tpu.memref_squeeze %gather3A_431 : memref<1x128x128xf32, #tpu.memory_space<vmem>> -> memref<128x128xf32, #tpu.memory_space<vmem>>
        %gather3A_433 = tpu.vector_load_idx %gather3A_432[%add3A_17, %add3A_347] : memref<128x128xf32, #tpu.memory_space<vmem>>[vector<16xi32>, vector<16xi32>], vector<16xf32>,
        %gather3A_434 = arith.constant 3 : i32
        %gather3A_435 = arith.constant 0 : i32
        %gather3A_436 = arith.constant 0 : i32
        %gather3A_437 = tpu.memref_slice %arg6[%gather3A_434, %gather3A_435, %gather3A_436] : memref<4x128x128xf32, #tpu.memory_space<vmem>> -> memref<1x128x128xf32, #tpu.memory_space<vmem>>
        %gather3A_438 = tpu.memref_squeeze %gather3A_437 : memref<1x128x128xf32, #tpu.memory_space<vmem>> -> memref<128x128xf32, #tpu.memory_space<vmem>>
        %gather3A_439 = tpu.vector_load_idx %gather3A_438[%add3A_17, %add3A_350] : memref<128x128xf32, #tpu.memory_space<vmem>>[vector<16xi32>, vector<16xi32>], vector<16xf32>,
        %gather3A_440 = arith.constant 3 : i32
        %gather3A_441 = arith.constant 0 : i32
        %gather3A_442 = arith.constant 0 : i32
        %gather3A_443 = tpu.memref_slice %arg6[%gather3A_440, %gather3A_441, %gather3A_442] : memref<4x128x128xf32, #tpu.memory_space<vmem>> -> memref<1x128x128xf32, #tpu.memory_space<vmem>>
        %gather3A_444 = tpu.memref_squeeze %gather3A_443 : memref<1x128x128xf32, #tpu.memory_space<vmem>> -> memref<128x128xf32, #tpu.memory_space<vmem>>
        %gather3A_445 = tpu.vector_load_idx %gather3A_444[%add3A_20, %add3A_344] : memref<128x128xf32, #tpu.memory_space<vmem>>[vector<16xi32>, vector<16xi32>], vector<16xf32>,
        %gather3A_446 = arith.constant 3 : i32
        %gather3A_447 = arith.constant 0 : i32
        %gather3A_448 = arith.constant 0 : i32
        %gather3A_449 = tpu.memref_slice %arg6[%gather3A_446, %gather3A_447, %gather3A_448] : memref<4x128x128xf32, #tpu.memory_space<vmem>> -> memref<1x128x128xf32, #tpu.memory_space<vmem>>
        %gather3A_450 = tpu.memref_squeeze %gather3A_449 : memref<1x128x128xf32, #tpu.memory_space<vmem>> -> memref<128x128xf32, #tpu.memory_space<vmem>>
        %gather3A_451 = tpu.vector_load_idx %gather3A_450[%add3A_20, %add3A_347] : memref<128x128xf32, #tpu.memory_space<vmem>>[vector<16xi32>, vector<16xi32>], vector<16xf32>,
        %gather3A_452 = arith.constant 3 : i32
        %gather3A_453 = arith.constant 0 : i32
        %gather3A_454 = arith.constant 0 : i32
        %gather3A_455 = tpu.memref_slice %arg6[%gather3A_452, %gather3A_453, %gather3A_454] : memref<4x128x128xf32, #tpu.memory_space<vmem>> -> memref<1x128x128xf32, #tpu.memory_space<vmem>>
        %gather3A_456 = tpu.memref_squeeze %gather3A_455 : memref<1x128x128xf32, #tpu.memory_space<vmem>> -> memref<128x128xf32, #tpu.memory_space<vmem>>
        %gather3A_457 = tpu.vector_load_idx %gather3A_456[%add3A_20, %add3A_350] : memref<128x128xf32, #tpu.memory_space<vmem>>[vector<16xi32>, vector<16xi32>], vector<16xf32>,
        %gather3A_458 = arith.constant 3 : i32
        %gather3A_459 = arith.constant 0 : i32
        %gather3A_460 = arith.constant 0 : i32
        %gather3A_461 = tpu.memref_slice %arg6[%gather3A_458, %gather3A_459, %gather3A_460] : memref<4x128x128xf32, #tpu.memory_space<vmem>> -> memref<1x128x128xf32, #tpu.memory_space<vmem>>
        %gather3A_462 = tpu.memref_squeeze %gather3A_461 : memref<1x128x128xf32, #tpu.memory_space<vmem>> -> memref<128x128xf32, #tpu.memory_space<vmem>>
        %gather3A_463 = tpu.vector_load_idx %gather3A_462[%add3A_23, %add3A_344] : memref<128x128xf32, #tpu.memory_space<vmem>>[vector<16xi32>, vector<16xi32>], vector<16xf32>,
        %gather3A_464 = arith.constant 3 : i32
        %gather3A_465 = arith.constant 0 : i32
        %gather3A_466 = arith.constant 0 : i32
        %gather3A_467 = tpu.memref_slice %arg6[%gather3A_464, %gather3A_465, %gather3A_466] : memref<4x128x128xf32, #tpu.memory_space<vmem>> -> memref<1x128x128xf32, #tpu.memory_space<vmem>>
        %gather3A_468 = tpu.memref_squeeze %gather3A_467 : memref<1x128x128xf32, #tpu.memory_space<vmem>> -> memref<128x128xf32, #tpu.memory_space<vmem>>
        %gather3A_469 = tpu.vector_load_idx %gather3A_468[%add3A_23, %add3A_347] : memref<128x128xf32, #tpu.memory_space<vmem>>[vector<16xi32>, vector<16xi32>], vector<16xf32>,
        %gather3A_470 = arith.constant 3 : i32
        %gather3A_471 = arith.constant 0 : i32
        %gather3A_472 = arith.constant 0 : i32
        %gather3A_473 = tpu.memref_slice %arg6[%gather3A_470, %gather3A_471, %gather3A_472] : memref<4x128x128xf32, #tpu.memory_space<vmem>> -> memref<1x128x128xf32, #tpu.memory_space<vmem>>
        %gather3A_474 = tpu.memref_squeeze %gather3A_473 : memref<1x128x128xf32, #tpu.memory_space<vmem>> -> memref<128x128xf32, #tpu.memory_space<vmem>>
        %gather3A_475 = tpu.vector_load_idx %gather3A_474[%add3A_23, %add3A_350] : memref<128x128xf32, #tpu.memory_space<vmem>>[vector<16xi32>, vector<16xi32>], vector<16xf32>,
        %gather3A_476 = arith.constant 3 : i32
        %gather3A_477 = arith.constant 0 : i32
        %gather3A_478 = arith.constant 0 : i32
        %gather3A_479 = tpu.memref_slice %arg6[%gather3A_476, %gather3A_477, %gather3A_478] : memref<4x128x128xf32, #tpu.memory_space<vmem>> -> memref<1x128x128xf32, #tpu.memory_space<vmem>>
        %gather3A_480 = tpu.memref_squeeze %gather3A_479 : memref<1x128x128xf32, #tpu.memory_space<vmem>> -> memref<128x128xf32, #tpu.memory_space<vmem>>
        %gather3A_481 = tpu.vector_load_idx %gather3A_480[%add3A_26, %add3A_344] : memref<128x128xf32, #tpu.memory_space<vmem>>[vector<16xi32>, vector<16xi32>], vector<16xf32>,
        %gather3A_482 = arith.constant 3 : i32
        %gather3A_483 = arith.constant 0 : i32
        %gather3A_484 = arith.constant 0 : i32
        %gather3A_485 = tpu.memref_slice %arg6[%gather3A_482, %gather3A_483, %gather3A_484] : memref<4x128x128xf32, #tpu.memory_space<vmem>> -> memref<1x128x128xf32, #tpu.memory_space<vmem>>
        %gather3A_486 = tpu.memref_squeeze %gather3A_485 : memref<1x128x128xf32, #tpu.memory_space<vmem>> -> memref<128x128xf32, #tpu.memory_space<vmem>>
        %gather3A_487 = tpu.vector_load_idx %gather3A_486[%add3A_26, %add3A_347] : memref<128x128xf32, #tpu.memory_space<vmem>>[vector<16xi32>, vector<16xi32>], vector<16xf32>,
        %gather3A_488 = arith.constant 3 : i32
        %gather3A_489 = arith.constant 0 : i32
        %gather3A_490 = arith.constant 0 : i32
        %gather3A_491 = tpu.memref_slice %arg6[%gather3A_488, %gather3A_489, %gather3A_490] : memref<4x128x128xf32, #tpu.memory_space<vmem>> -> memref<1x128x128xf32, #tpu.memory_space<vmem>>
        %gather3A_492 = tpu.memref_squeeze %gather3A_491 : memref<1x128x128xf32, #tpu.memory_space<vmem>> -> memref<128x128xf32, #tpu.memory_space<vmem>>
        %gather3A_493 = tpu.vector_load_idx %gather3A_492[%add3A_26, %add3A_350] : memref<128x128xf32, #tpu.memory_space<vmem>>[vector<16xi32>, vector<16xi32>], vector<16xf32>,
        %scatter3A = arith.constant 3 : i32
        %scatter3A_494 = arith.constant 0 : i32
        %scatter3A_495 = arith.constant 0 : i32
        %scatter3A_496 = tpu.memref_slice %arg7[%scatter3A, %scatter3A_494, %scatter3A_495] : memref<4x48x128xf32, #tpu.memory_space<vmem>> -> memref<1x48x128xf32, #tpu.memory_space<vmem>>
        %scatter3A_497 = tpu.memref_squeeze %scatter3A_496 : memref<1x48x128xf32, #tpu.memory_space<vmem>> -> memref<48x128xf32, #tpu.memory_space<vmem>>
        tpu.vector_store_idx %scatter3A_497[%add3A_344, %add3A_5], %gather3A_355 : memref<48x128xf32, #tpu.memory_space<vmem>>[vector<16xi32>, vector<16xi32>], vector<16xf32>,
        %scatter3A_498 = arith.constant 3 : i32
        %scatter3A_499 = arith.constant 0 : i32
        %scatter3A_500 = arith.constant 0 : i32
        %scatter3A_501 = tpu.memref_slice %arg7[%scatter3A_498, %scatter3A_499, %scatter3A_500] : memref<4x48x128xf32, #tpu.memory_space<vmem>> -> memref<1x48x128xf32, #tpu.memory_space<vmem>>
        %scatter3A_502 = tpu.memref_squeeze %scatter3A_501 : memref<1x48x128xf32, #tpu.memory_space<vmem>> -> memref<48x128xf32, #tpu.memory_space<vmem>>
        tpu.vector_store_idx %scatter3A_502[%add3A_347, %add3A_5], %gather3A_361 : memref<48x128xf32, #tpu.memory_space<vmem>>[vector<16xi32>, vector<16xi32>], vector<16xf32>,
        %scatter3A_503 = arith.constant 3 : i32
        %scatter3A_504 = arith.constant 0 : i32
        %scatter3A_505 = arith.constant 0 : i32
        %scatter3A_506 = tpu.memref_slice %arg7[%scatter3A_503, %scatter3A_504, %scatter3A_505] : memref<4x48x128xf32, #tpu.memory_space<vmem>> -> memref<1x48x128xf32, #tpu.memory_space<vmem>>
        %scatter3A_507 = tpu.memref_squeeze %scatter3A_506 : memref<1x48x128xf32, #tpu.memory_space<vmem>> -> memref<48x128xf32, #tpu.memory_space<vmem>>
        tpu.vector_store_idx %scatter3A_507[%add3A_350, %add3A_5], %gather3A_367 : memref<48x128xf32, #tpu.memory_space<vmem>>[vector<16xi32>, vector<16xi32>], vector<16xf32>,
        %scatter3A_508 = arith.constant 3 : i32
        %scatter3A_509 = arith.constant 0 : i32
        %scatter3A_510 = arith.constant 0 : i32
        %scatter3A_511 = tpu.memref_slice %arg7[%scatter3A_508, %scatter3A_509, %scatter3A_510] : memref<4x48x128xf32, #tpu.memory_space<vmem>> -> memref<1x48x128xf32, #tpu.memory_space<vmem>>
        %scatter3A_512 = tpu.memref_squeeze %scatter3A_511 : memref<1x48x128xf32, #tpu.memory_space<vmem>> -> memref<48x128xf32, #tpu.memory_space<vmem>>
        tpu.vector_store_idx %scatter3A_512[%add3A_344, %add3A_8], %gather3A_373 : memref<48x128xf32, #tpu.memory_space<vmem>>[vector<16xi32>, vector<16xi32>], vector<16xf32>,
        %scatter3A_513 = arith.constant 3 : i32
        %scatter3A_514 = arith.constant 0 : i32
        %scatter3A_515 = arith.constant 0 : i32
        %scatter3A_516 = tpu.memref_slice %arg7[%scatter3A_513, %scatter3A_514, %scatter3A_515] : memref<4x48x128xf32, #tpu.memory_space<vmem>> -> memref<1x48x128xf32, #tpu.memory_space<vmem>>
        %scatter3A_517 = tpu.memref_squeeze %scatter3A_516 : memref<1x48x128xf32, #tpu.memory_space<vmem>> -> memref<48x128xf32, #tpu.memory_space<vmem>>
        tpu.vector_store_idx %scatter3A_517[%add3A_347, %add3A_8], %gather3A_379 : memref<48x128xf32, #tpu.memory_space<vmem>>[vector<16xi32>, vector<16xi32>], vector<16xf32>,
        %scatter3A_518 = arith.constant 3 : i32
        %scatter3A_519 = arith.constant 0 : i32
        %scatter3A_520 = arith.constant 0 : i32
        %scatter3A_521 = tpu.memref_slice %arg7[%scatter3A_518, %scatter3A_519, %scatter3A_520] : memref<4x48x128xf32, #tpu.memory_space<vmem>> -> memref<1x48x128xf32, #tpu.memory_space<vmem>>
        %scatter3A_522 = tpu.memref_squeeze %scatter3A_521 : memref<1x48x128xf32, #tpu.memory_space<vmem>> -> memref<48x128xf32, #tpu.memory_space<vmem>>
        tpu.vector_store_idx %scatter3A_522[%add3A_350, %add3A_8], %gather3A_385 : memref<48x128xf32, #tpu.memory_space<vmem>>[vector<16xi32>, vector<16xi32>], vector<16xf32>,
        %scatter3A_523 = arith.constant 3 : i32
        %scatter3A_524 = arith.constant 0 : i32
        %scatter3A_525 = arith.constant 0 : i32
        %scatter3A_526 = tpu.memref_slice %arg7[%scatter3A_523, %scatter3A_524, %scatter3A_525] : memref<4x48x128xf32, #tpu.memory_space<vmem>> -> memref<1x48x128xf32, #tpu.memory_space<vmem>>
        %scatter3A_527 = tpu.memref_squeeze %scatter3A_526 : memref<1x48x128xf32, #tpu.memory_space<vmem>> -> memref<48x128xf32, #tpu.memory_space<vmem>>
        tpu.vector_store_idx %scatter3A_527[%add3A_344, %add3A_11], %gather3A_391 : memref<48x128xf32, #tpu.memory_space<vmem>>[vector<16xi32>, vector<16xi32>], vector<16xf32>,
        %scatter3A_528 = arith.constant 3 : i32
        %scatter3A_529 = arith.constant 0 : i32
        %scatter3A_530 = arith.constant 0 : i32
        %scatter3A_531 = tpu.memref_slice %arg7[%scatter3A_528, %scatter3A_529, %scatter3A_530] : memref<4x48x128xf32, #tpu.memory_space<vmem>> -> memref<1x48x128xf32, #tpu.memory_space<vmem>>
        %scatter3A_532 = tpu.memref_squeeze %scatter3A_531 : memref<1x48x128xf32, #tpu.memory_space<vmem>> -> memref<48x128xf32, #tpu.memory_space<vmem>>
        tpu.vector_store_idx %scatter3A_532[%add3A_347, %add3A_11], %gather3A_397 : memref<48x128xf32, #tpu.memory_space<vmem>>[vector<16xi32>, vector<16xi32>], vector<16xf32>,
        %scatter3A_533 = arith.constant 3 : i32
        %scatter3A_534 = arith.constant 0 : i32
        %scatter3A_535 = arith.constant 0 : i32
        %scatter3A_536 = tpu.memref_slice %arg7[%scatter3A_533, %scatter3A_534, %scatter3A_535] : memref<4x48x128xf32, #tpu.memory_space<vmem>> -> memref<1x48x128xf32, #tpu.memory_space<vmem>>
        %scatter3A_537 = tpu.memref_squeeze %scatter3A_536 : memref<1x48x128xf32, #tpu.memory_space<vmem>> -> memref<48x128xf32, #tpu.memory_space<vmem>>
        tpu.vector_store_idx %scatter3A_537[%add3A_350, %add3A_11], %gather3A_403 : memref<48x128xf32, #tpu.memory_space<vmem>>[vector<16xi32>, vector<16xi32>], vector<16xf32>,
        %scatter3A_538 = arith.constant 3 : i32
        %scatter3A_539 = arith.constant 0 : i32
        %scatter3A_540 = arith.constant 0 : i32
        %scatter3A_541 = tpu.memref_slice %arg7[%scatter3A_538, %scatter3A_539, %scatter3A_540] : memref<4x48x128xf32, #tpu.memory_space<vmem>> -> memref<1x48x128xf32, #tpu.memory_space<vmem>>
        %scatter3A_542 = tpu.memref_squeeze %scatter3A_541 : memref<1x48x128xf32, #tpu.memory_space<vmem>> -> memref<48x128xf32, #tpu.memory_space<vmem>>
        tpu.vector_store_idx %scatter3A_542[%add3A_344, %add3A_14], %gather3A_409 : memref<48x128xf32, #tpu.memory_space<vmem>>[vector<16xi32>, vector<16xi32>], vector<16xf32>,
        %scatter3A_543 = arith.constant 3 : i32
        %scatter3A_544 = arith.constant 0 : i32
        %scatter3A_545 = arith.constant 0 : i32
        %scatter3A_546 = tpu.memref_slice %arg7[%scatter3A_543, %scatter3A_544, %scatter3A_545] : memref<4x48x128xf32, #tpu.memory_space<vmem>> -> memref<1x48x128xf32, #tpu.memory_space<vmem>>
        %scatter3A_547 = tpu.memref_squeeze %scatter3A_546 : memref<1x48x128xf32, #tpu.memory_space<vmem>> -> memref<48x128xf32, #tpu.memory_space<vmem>>
        tpu.vector_store_idx %scatter3A_547[%add3A_347, %add3A_14], %gather3A_415 : memref<48x128xf32, #tpu.memory_space<vmem>>[vector<16xi32>, vector<16xi32>], vector<16xf32>,
        %scatter3A_548 = arith.constant 3 : i32
        %scatter3A_549 = arith.constant 0 : i32
        %scatter3A_550 = arith.constant 0 : i32
        %scatter3A_551 = tpu.memref_slice %arg7[%scatter3A_548, %scatter3A_549, %scatter3A_550] : memref<4x48x128xf32, #tpu.memory_space<vmem>> -> memref<1x48x128xf32, #tpu.memory_space<vmem>>
        %scatter3A_552 = tpu.memref_squeeze %scatter3A_551 : memref<1x48x128xf32, #tpu.memory_space<vmem>> -> memref<48x128xf32, #tpu.memory_space<vmem>>
        tpu.vector_store_idx %scatter3A_552[%add3A_350, %add3A_14], %gather3A_421 : memref<48x128xf32, #tpu.memory_space<vmem>>[vector<16xi32>, vector<16xi32>], vector<16xf32>,
        %scatter3A_553 = arith.constant 3 : i32
        %scatter3A_554 = arith.constant 0 : i32
        %scatter3A_555 = arith.constant 0 : i32
        %scatter3A_556 = tpu.memref_slice %arg7[%scatter3A_553, %scatter3A_554, %scatter3A_555] : memref<4x48x128xf32, #tpu.memory_space<vmem>> -> memref<1x48x128xf32, #tpu.memory_space<vmem>>
        %scatter3A_557 = tpu.memref_squeeze %scatter3A_556 : memref<1x48x128xf32, #tpu.memory_space<vmem>> -> memref<48x128xf32, #tpu.memory_space<vmem>>
        tpu.vector_store_idx %scatter3A_557[%add3A_344, %add3A_17], %gather3A_427 : memref<48x128xf32, #tpu.memory_space<vmem>>[vector<16xi32>, vector<16xi32>], vector<16xf32>,
        %scatter3A_558 = arith.constant 3 : i32
        %scatter3A_559 = arith.constant 0 : i32
        %scatter3A_560 = arith.constant 0 : i32
        %scatter3A_561 = tpu.memref_slice %arg7[%scatter3A_558, %scatter3A_559, %scatter3A_560] : memref<4x48x128xf32, #tpu.memory_space<vmem>> -> memref<1x48x128xf32, #tpu.memory_space<vmem>>
        %scatter3A_562 = tpu.memref_squeeze %scatter3A_561 : memref<1x48x128xf32, #tpu.memory_space<vmem>> -> memref<48x128xf32, #tpu.memory_space<vmem>>
        tpu.vector_store_idx %scatter3A_562[%add3A_347, %add3A_17], %gather3A_433 : memref<48x128xf32, #tpu.memory_space<vmem>>[vector<16xi32>, vector<16xi32>], vector<16xf32>,
        %scatter3A_563 = arith.constant 3 : i32
        %scatter3A_564 = arith.constant 0 : i32
        %scatter3A_565 = arith.constant 0 : i32
        %scatter3A_566 = tpu.memref_slice %arg7[%scatter3A_563, %scatter3A_564, %scatter3A_565] : memref<4x48x128xf32, #tpu.memory_space<vmem>> -> memref<1x48x128xf32, #tpu.memory_space<vmem>>
        %scatter3A_567 = tpu.memref_squeeze %scatter3A_566 : memref<1x48x128xf32, #tpu.memory_space<vmem>> -> memref<48x128xf32, #tpu.memory_space<vmem>>
        tpu.vector_store_idx %scatter3A_567[%add3A_350, %add3A_17], %gather3A_439 : memref<48x128xf32, #tpu.memory_space<vmem>>[vector<16xi32>, vector<16xi32>], vector<16xf32>,
        %scatter3A_568 = arith.constant 3 : i32
        %scatter3A_569 = arith.constant 0 : i32
        %scatter3A_570 = arith.constant 0 : i32
        %scatter3A_571 = tpu.memref_slice %arg7[%scatter3A_568, %scatter3A_569, %scatter3A_570] : memref<4x48x128xf32, #tpu.memory_space<vmem>> -> memref<1x48x128xf32, #tpu.memory_space<vmem>>
        %scatter3A_572 = tpu.memref_squeeze %scatter3A_571 : memref<1x48x128xf32, #tpu.memory_space<vmem>> -> memref<48x128xf32, #tpu.memory_space<vmem>>
        tpu.vector_store_idx %scatter3A_572[%add3A_344, %add3A_20], %gather3A_445 : memref<48x128xf32, #tpu.memory_space<vmem>>[vector<16xi32>, vector<16xi32>], vector<16xf32>,
        %scatter3A_573 = arith.constant 3 : i32
        %scatter3A_574 = arith.constant 0 : i32
        %scatter3A_575 = arith.constant 0 : i32
        %scatter3A_576 = tpu.memref_slice %arg7[%scatter3A_573, %scatter3A_574, %scatter3A_575] : memref<4x48x128xf32, #tpu.memory_space<vmem>> -> memref<1x48x128xf32, #tpu.memory_space<vmem>>
        %scatter3A_577 = tpu.memref_squeeze %scatter3A_576 : memref<1x48x128xf32, #tpu.memory_space<vmem>> -> memref<48x128xf32, #tpu.memory_space<vmem>>
        tpu.vector_store_idx %scatter3A_577[%add3A_347, %add3A_20], %gather3A_451 : memref<48x128xf32, #tpu.memory_space<vmem>>[vector<16xi32>, vector<16xi32>], vector<16xf32>,
        %scatter3A_578 = arith.constant 3 : i32
        %scatter3A_579 = arith.constant 0 : i32
        %scatter3A_580 = arith.constant 0 : i32
        %scatter3A_581 = tpu.memref_slice %arg7[%scatter3A_578, %scatter3A_579, %scatter3A_580] : memref<4x48x128xf32, #tpu.memory_space<vmem>> -> memref<1x48x128xf32, #tpu.memory_space<vmem>>
        %scatter3A_582 = tpu.memref_squeeze %scatter3A_581 : memref<1x48x128xf32, #tpu.memory_space<vmem>> -> memref<48x128xf32, #tpu.memory_space<vmem>>
        tpu.vector_store_idx %scatter3A_582[%add3A_350, %add3A_20], %gather3A_457 : memref<48x128xf32, #tpu.memory_space<vmem>>[vector<16xi32>, vector<16xi32>], vector<16xf32>,
        %scatter3A_583 = arith.constant 3 : i32
        %scatter3A_584 = arith.constant 0 : i32
        %scatter3A_585 = arith.constant 0 : i32
        %scatter3A_586 = tpu.memref_slice %arg7[%scatter3A_583, %scatter3A_584, %scatter3A_585] : memref<4x48x128xf32, #tpu.memory_space<vmem>> -> memref<1x48x128xf32, #tpu.memory_space<vmem>>
        %scatter3A_587 = tpu.memref_squeeze %scatter3A_586 : memref<1x48x128xf32, #tpu.memory_space<vmem>> -> memref<48x128xf32, #tpu.memory_space<vmem>>
        tpu.vector_store_idx %scatter3A_587[%add3A_344, %add3A_23], %gather3A_463 : memref<48x128xf32, #tpu.memory_space<vmem>>[vector<16xi32>, vector<16xi32>], vector<16xf32>,
        %scatter3A_588 = arith.constant 3 : i32
        %scatter3A_589 = arith.constant 0 : i32
        %scatter3A_590 = arith.constant 0 : i32
        %scatter3A_591 = tpu.memref_slice %arg7[%scatter3A_588, %scatter3A_589, %scatter3A_590] : memref<4x48x128xf32, #tpu.memory_space<vmem>> -> memref<1x48x128xf32, #tpu.memory_space<vmem>>
        %scatter3A_592 = tpu.memref_squeeze %scatter3A_591 : memref<1x48x128xf32, #tpu.memory_space<vmem>> -> memref<48x128xf32, #tpu.memory_space<vmem>>
        tpu.vector_store_idx %scatter3A_592[%add3A_347, %add3A_23], %gather3A_469 : memref<48x128xf32, #tpu.memory_space<vmem>>[vector<16xi32>, vector<16xi32>], vector<16xf32>,
        %scatter3A_593 = arith.constant 3 : i32
        %scatter3A_594 = arith.constant 0 : i32
        %scatter3A_595 = arith.constant 0 : i32
        %scatter3A_596 = tpu.memref_slice %arg7[%scatter3A_593, %scatter3A_594, %scatter3A_595] : memref<4x48x128xf32, #tpu.memory_space<vmem>> -> memref<1x48x128xf32, #tpu.memory_space<vmem>>
        %scatter3A_597 = tpu.memref_squeeze %scatter3A_596 : memref<1x48x128xf32, #tpu.memory_space<vmem>> -> memref<48x128xf32, #tpu.memory_space<vmem>>
        tpu.vector_store_idx %scatter3A_597[%add3A_350, %add3A_23], %gather3A_475 : memref<48x128xf32, #tpu.memory_space<vmem>>[vector<16xi32>, vector<16xi32>], vector<16xf32>,
        %scatter3A_598 = arith.constant 3 : i32
        %scatter3A_599 = arith.constant 0 : i32
        %scatter3A_600 = arith.constant 0 : i32
        %scatter3A_601 = tpu.memref_slice %arg7[%scatter3A_598, %scatter3A_599, %scatter3A_600] : memref<4x48x128xf32, #tpu.memory_space<vmem>> -> memref<1x48x128xf32, #tpu.memory_space<vmem>>
        %scatter3A_602 = tpu.memref_squeeze %scatter3A_601 : memref<1x48x128xf32, #tpu.memory_space<vmem>> -> memref<48x128xf32, #tpu.memory_space<vmem>>
        tpu.vector_store_idx %scatter3A_602[%add3A_344, %add3A_26], %gather3A_481 : memref<48x128xf32, #tpu.memory_space<vmem>>[vector<16xi32>, vector<16xi32>], vector<16xf32>,
        %scatter3A_603 = arith.constant 3 : i32
        %scatter3A_604 = arith.constant 0 : i32
        %scatter3A_605 = arith.constant 0 : i32
        %scatter3A_606 = tpu.memref_slice %arg7[%scatter3A_603, %scatter3A_604, %scatter3A_605] : memref<4x48x128xf32, #tpu.memory_space<vmem>> -> memref<1x48x128xf32, #tpu.memory_space<vmem>>
        %scatter3A_607 = tpu.memref_squeeze %scatter3A_606 : memref<1x48x128xf32, #tpu.memory_space<vmem>> -> memref<48x128xf32, #tpu.memory_space<vmem>>
        tpu.vector_store_idx %scatter3A_607[%add3A_347, %add3A_26], %gather3A_487 : memref<48x128xf32, #tpu.memory_space<vmem>>[vector<16xi32>, vector<16xi32>], vector<16xf32>,
        %scatter3A_608 = arith.constant 3 : i32
        %scatter3A_609 = arith.constant 0 : i32
        %scatter3A_610 = arith.constant 0 : i32
        %scatter3A_611 = tpu.memref_slice %arg7[%scatter3A_608, %scatter3A_609, %scatter3A_610] : memref<4x48x128xf32, #tpu.memory_space<vmem>> -> memref<1x48x128xf32, #tpu.memory_space<vmem>>
        %scatter3A_612 = tpu.memref_squeeze %scatter3A_611 : memref<1x48x128xf32, #tpu.memory_space<vmem>> -> memref<48x128xf32, #tpu.memory_space<vmem>>
        tpu.vector_store_idx %scatter3A_612[%add3A_350, %add3A_26], %gather3A_493 : memref<48x128xf32, #tpu.memory_space<vmem>>[vector<16xi32>, vector<16xi32>], vector<16xf32>,
        %scan3A_613 = arith.constant 1 : i32
        %scan3A_614 = arith.addi %scan3A_334, %scan3A_613 : i32
        %mul3A_615 = arith.constant 1 : i32
        %mul3A_616 = arith.muli %scan3A_614, %mul3A_615 : i32
        %add3A_617 = arith.constant 0 : i32
        %add3A_618 = arith.addi %add3A_617, %mul3A_616 : i32
        %add3A_619 = vector.broadcast %add3A_618 : i32 to vector<16xi32>
        %add3A_620 = arith.addi %iota3A, %add3A_619 : vector<16xi32>
        %broadcast_in_dim3A_621 = arith.constant 15 : i32
        %broadcast_in_dim3A_622 = vector.broadcast %broadcast_in_dim3A_621 : i32 to vector<16xi32>
        %and3A_623 = arith.andi %add3A_620, %broadcast_in_dim3A_622 : vector<16xi32>
        %add3A_624 = arith.constant 0 : i32
        %add3A_625 = vector.broadcast %add3A_624 : i32 to vector<16xi32>
        %add3A_626 = arith.addi %and3A_623, %add3A_625 : vector<16xi32>
        %add3A_627 = arith.constant 16 : i32
        %add3A_628 = vector.broadcast %add3A_627 : i32 to vector<16xi32>
        %add3A_629 = arith.addi %and3A_623, %add3A_628 : vector<16xi32>
        %add3A_630 = arith.constant 32 : i32
        %add3A_631 = vector.broadcast %add3A_630 : i32 to vector<16xi32>
        %add3A_632 = arith.addi %and3A_623, %add3A_631 : vector<16xi32>
        %gather3A_633 = arith.constant 3 : i32
        %gather3A_634 = arith.constant 0 : i32
        %gather3A_635 = arith.constant 0 : i32
        %gather3A_636 = tpu.memref_slice %arg6[%gather3A_633, %gather3A_634, %gather3A_635] : memref<4x128x128xf32, #tpu.memory_space<vmem>> -> memref<1x128x128xf32, #tpu.memory_space<vmem>>
        %gather3A_637 = tpu.memref_squeeze %gather3A_636 : memref<1x128x128xf32, #tpu.memory_space<vmem>> -> memref<128x128xf32, #tpu.memory_space<vmem>>
        %gather3A_638 = tpu.vector_load_idx %gather3A_637[%add3A_5, %add3A_626] : memref<128x128xf32, #tpu.memory_space<vmem>>[vector<16xi32>, vector<16xi32>], vector<16xf32>,
        %gather3A_639 = arith.constant 3 : i32
        %gather3A_640 = arith.constant 0 : i32
        %gather3A_641 = arith.constant 0 : i32
        %gather3A_642 = tpu.memref_slice %arg6[%gather3A_639, %gather3A_640, %gather3A_641] : memref<4x128x128xf32, #tpu.memory_space<vmem>> -> memref<1x128x128xf32, #tpu.memory_space<vmem>>
        %gather3A_643 = tpu.memref_squeeze %gather3A_642 : memref<1x128x128xf32, #tpu.memory_space<vmem>> -> memref<128x128xf32, #tpu.memory_space<vmem>>
        %gather3A_644 = tpu.vector_load_idx %gather3A_643[%add3A_5, %add3A_629] : memref<128x128xf32, #tpu.memory_space<vmem>>[vector<16xi32>, vector<16xi32>], vector<16xf32>,
        %gather3A_645 = arith.constant 3 : i32
        %gather3A_646 = arith.constant 0 : i32
        %gather3A_647 = arith.constant 0 : i32
        %gather3A_648 = tpu.memref_slice %arg6[%gather3A_645, %gather3A_646, %gather3A_647] : memref<4x128x128xf32, #tpu.memory_space<vmem>> -> memref<1x128x128xf32, #tpu.memory_space<vmem>>
        %gather3A_649 = tpu.memref_squeeze %gather3A_648 : memref<1x128x128xf32, #tpu.memory_space<vmem>> -> memref<128x128xf32, #tpu.memory_space<vmem>>
        %gather3A_650 = tpu.vector_load_idx %gather3A_649[%add3A_5, %add3A_632] : memref<128x128xf32, #tpu.memory_space<vmem>>[vector<16xi32>, vector<16xi32>], vector<16xf32>,
        %gather3A_651 = arith.constant 3 : i32
        %gather3A_652 = arith.constant 0 : i32
        %gather3A_653 = arith.constant 0 : i32
        %gather3A_654 = tpu.memref_slice %arg6[%gather3A_651, %gather3A_652, %gather3A_653] : memref<4x128x128xf32, #tpu.memory_space<vmem>> -> memref<1x128x128xf32, #tpu.memory_space<vmem>>
        %gather3A_655 = tpu.memref_squeeze %gather3A_654 : memref<1x128x128xf32, #tpu.memory_space<vmem>> -> memref<128x128xf32, #tpu.memory_space<vmem>>
        %gather3A_656 = tpu.vector_load_idx %gather3A_655[%add3A_8, %add3A_626] : memref<128x128xf32, #tpu.memory_space<vmem>>[vector<16xi32>, vector<16xi32>], vector<16xf32>,
        %gather3A_657 = arith.constant 3 : i32
        %gather3A_658 = arith.constant 0 : i32
        %gather3A_659 = arith.constant 0 : i32
        %gather3A_660 = tpu.memref_slice %arg6[%gather3A_657, %gather3A_658, %gather3A_659] : memref<4x128x128xf32, #tpu.memory_space<vmem>> -> memref<1x128x128xf32, #tpu.memory_space<vmem>>
        %gather3A_661 = tpu.memref_squeeze %gather3A_660 : memref<1x128x128xf32, #tpu.memory_space<vmem>> -> memref<128x128xf32, #tpu.memory_space<vmem>>
        %gather3A_662 = tpu.vector_load_idx %gather3A_661[%add3A_8, %add3A_629] : memref<128x128xf32, #tpu.memory_space<vmem>>[vector<16xi32>, vector<16xi32>], vector<16xf32>,
        %gather3A_663 = arith.constant 3 : i32
        %gather3A_664 = arith.constant 0 : i32
        %gather3A_665 = arith.constant 0 : i32
        %gather3A_666 = tpu.memref_slice %arg6[%gather3A_663, %gather3A_664, %gather3A_665] : memref<4x128x128xf32, #tpu.memory_space<vmem>> -> memref<1x128x128xf32, #tpu.memory_space<vmem>>
        %gather3A_667 = tpu.memref_squeeze %gather3A_666 : memref<1x128x128xf32, #tpu.memory_space<vmem>> -> memref<128x128xf32, #tpu.memory_space<vmem>>
        %gather3A_668 = tpu.vector_load_idx %gather3A_667[%add3A_8, %add3A_632] : memref<128x128xf32, #tpu.memory_space<vmem>>[vector<16xi32>, vector<16xi32>], vector<16xf32>,
        %gather3A_669 = arith.constant 3 : i32
        %gather3A_670 = arith.constant 0 : i32
        %gather3A_671 = arith.constant 0 : i32
        %gather3A_672 = tpu.memref_slice %arg6[%gather3A_669, %gather3A_670, %gather3A_671] : memref<4x128x128xf32, #tpu.memory_space<vmem>> -> memref<1x128x128xf32, #tpu.memory_space<vmem>>
        %gather3A_673 = tpu.memref_squeeze %gather3A_672 : memref<1x128x128xf32, #tpu.memory_space<vmem>> -> memref<128x128xf32, #tpu.memory_space<vmem>>
        %gather3A_674 = tpu.vector_load_idx %gather3A_673[%add3A_11, %add3A_626] : memref<128x128xf32, #tpu.memory_space<vmem>>[vector<16xi32>, vector<16xi32>], vector<16xf32>,
        %gather3A_675 = arith.constant 3 : i32
        %gather3A_676 = arith.constant 0 : i32
        %gather3A_677 = arith.constant 0 : i32
        %gather3A_678 = tpu.memref_slice %arg6[%gather3A_675, %gather3A_676, %gather3A_677] : memref<4x128x128xf32, #tpu.memory_space<vmem>> -> memref<1x128x128xf32, #tpu.memory_space<vmem>>
        %gather3A_679 = tpu.memref_squeeze %gather3A_678 : memref<1x128x128xf32, #tpu.memory_space<vmem>> -> memref<128x128xf32, #tpu.memory_space<vmem>>
        %gather3A_680 = tpu.vector_load_idx %gather3A_679[%add3A_11, %add3A_629] : memref<128x128xf32, #tpu.memory_space<vmem>>[vector<16xi32>, vector<16xi32>], vector<16xf32>,
        %gather3A_681 = arith.constant 3 : i32
        %gather3A_682 = arith.constant 0 : i32
        %gather3A_683 = arith.constant 0 : i32
        %gather3A_684 = tpu.memref_slice %arg6[%gather3A_681, %gather3A_682, %gather3A_683] : memref<4x128x128xf32, #tpu.memory_space<vmem>> -> memref<1x128x128xf32, #tpu.memory_space<vmem>>
        %gather3A_685 = tpu.memref_squeeze %gather3A_684 : memref<1x128x128xf32, #tpu.memory_space<vmem>> -> memref<128x128xf32, #tpu.memory_space<vmem>>
        %gather3A_686 = tpu.vector_load_idx %gather3A_685[%add3A_11, %add3A_632] : memref<128x128xf32, #tpu.memory_space<vmem>>[vector<16xi32>, vector<16xi32>], vector<16xf32>,
        %gather3A_687 = arith.constant 3 : i32
        %gather3A_688 = arith.constant 0 : i32
        %gather3A_689 = arith.constant 0 : i32
        %gather3A_690 = tpu.memref_slice %arg6[%gather3A_687, %gather3A_688, %gather3A_689] : memref<4x128x128xf32, #tpu.memory_space<vmem>> -> memref<1x128x128xf32, #tpu.memory_space<vmem>>
        %gather3A_691 = tpu.memref_squeeze %gather3A_690 : memref<1x128x128xf32, #tpu.memory_space<vmem>> -> memref<128x128xf32, #tpu.memory_space<vmem>>
        %gather3A_692 = tpu.vector_load_idx %gather3A_691[%add3A_14, %add3A_626] : memref<128x128xf32, #tpu.memory_space<vmem>>[vector<16xi32>, vector<16xi32>], vector<16xf32>,
        %gather3A_693 = arith.constant 3 : i32
        %gather3A_694 = arith.constant 0 : i32
        %gather3A_695 = arith.constant 0 : i32
        %gather3A_696 = tpu.memref_slice %arg6[%gather3A_693, %gather3A_694, %gather3A_695] : memref<4x128x128xf32, #tpu.memory_space<vmem>> -> memref<1x128x128xf32, #tpu.memory_space<vmem>>
        %gather3A_697 = tpu.memref_squeeze %gather3A_696 : memref<1x128x128xf32, #tpu.memory_space<vmem>> -> memref<128x128xf32, #tpu.memory_space<vmem>>
        %gather3A_698 = tpu.vector_load_idx %gather3A_697[%add3A_14, %add3A_629] : memref<128x128xf32, #tpu.memory_space<vmem>>[vector<16xi32>, vector<16xi32>], vector<16xf32>,
        %gather3A_699 = arith.constant 3 : i32
        %gather3A_700 = arith.constant 0 : i32
        %gather3A_701 = arith.constant 0 : i32
        %gather3A_702 = tpu.memref_slice %arg6[%gather3A_699, %gather3A_700, %gather3A_701] : memref<4x128x128xf32, #tpu.memory_space<vmem>> -> memref<1x128x128xf32, #tpu.memory_space<vmem>>
        %gather3A_703 = tpu.memref_squeeze %gather3A_702 : memref<1x128x128xf32, #tpu.memory_space<vmem>> -> memref<128x128xf32, #tpu.memory_space<vmem>>
        %gather3A_704 = tpu.vector_load_idx %gather3A_703[%add3A_14, %add3A_632] : memref<128x128xf32, #tpu.memory_space<vmem>>[vector<16xi32>, vector<16xi32>], vector<16xf32>,
        %gather3A_705 = arith.constant 3 : i32
        %gather3A_706 = arith.constant 0 : i32
        %gather3A_707 = arith.constant 0 : i32
        %gather3A_708 = tpu.memref_slice %arg6[%gather3A_705, %gather3A_706, %gather3A_707] : memref<4x128x128xf32, #tpu.memory_space<vmem>> -> memref<1x128x128xf32, #tpu.memory_space<vmem>>
        %gather3A_709 = tpu.memref_squeeze %gather3A_708 : memref<1x128x128xf32, #tpu.memory_space<vmem>> -> memref<128x128xf32, #tpu.memory_space<vmem>>
        %gather3A_710 = tpu.vector_load_idx %gather3A_709[%add3A_17, %add3A_626] : memref<128x128xf32, #tpu.memory_space<vmem>>[vector<16xi32>, vector<16xi32>], vector<16xf32>,
        %gather3A_711 = arith.constant 3 : i32
        %gather3A_712 = arith.constant 0 : i32
        %gather3A_713 = arith.constant 0 : i32
        %gather3A_714 = tpu.memref_slice %arg6[%gather3A_711, %gather3A_712, %gather3A_713] : memref<4x128x128xf32, #tpu.memory_space<vmem>> -> memref<1x128x128xf32, #tpu.memory_space<vmem>>
        %gather3A_715 = tpu.memref_squeeze %gather3A_714 : memref<1x128x128xf32, #tpu.memory_space<vmem>> -> memref<128x128xf32, #tpu.memory_space<vmem>>
        %gather3A_716 = tpu.vector_load_idx %gather3A_715[%add3A_17, %add3A_629] : memref<128x128xf32, #tpu.memory_space<vmem>>[vector<16xi32>, vector<16xi32>], vector<16xf32>,
        %gather3A_717 = arith.constant 3 : i32
        %gather3A_718 = arith.constant 0 : i32
        %gather3A_719 = arith.constant 0 : i32
        %gather3A_720 = tpu.memref_slice %arg6[%gather3A_717, %gather3A_718, %gather3A_719] : memref<4x128x128xf32, #tpu.memory_space<vmem>> -> memref<1x128x128xf32, #tpu.memory_space<vmem>>
        %gather3A_721 = tpu.memref_squeeze %gather3A_720 : memref<1x128x128xf32, #tpu.memory_space<vmem>> -> memref<128x128xf32, #tpu.memory_space<vmem>>
        %gather3A_722 = tpu.vector_load_idx %gather3A_721[%add3A_17, %add3A_632] : memref<128x128xf32, #tpu.memory_space<vmem>>[vector<16xi32>, vector<16xi32>], vector<16xf32>,
        %gather3A_723 = arith.constant 3 : i32
        %gather3A_724 = arith.constant 0 : i32
        %gather3A_725 = arith.constant 0 : i32
        %gather3A_726 = tpu.memref_slice %arg6[%gather3A_723, %gather3A_724, %gather3A_725] : memref<4x128x128xf32, #tpu.memory_space<vmem>> -> memref<1x128x128xf32, #tpu.memory_space<vmem>>
        %gather3A_727 = tpu.memref_squeeze %gather3A_726 : memref<1x128x128xf32, #tpu.memory_space<vmem>> -> memref<128x128xf32, #tpu.memory_space<vmem>>
        %gather3A_728 = tpu.vector_load_idx %gather3A_727[%add3A_20, %add3A_626] : memref<128x128xf32, #tpu.memory_space<vmem>>[vector<16xi32>, vector<16xi32>], vector<16xf32>,
        %gather3A_729 = arith.constant 3 : i32
        %gather3A_730 = arith.constant 0 : i32
        %gather3A_731 = arith.constant 0 : i32
        %gather3A_732 = tpu.memref_slice %arg6[%gather3A_729, %gather3A_730, %gather3A_731] : memref<4x128x128xf32, #tpu.memory_space<vmem>> -> memref<1x128x128xf32, #tpu.memory_space<vmem>>
        %gather3A_733 = tpu.memref_squeeze %gather3A_732 : memref<1x128x128xf32, #tpu.memory_space<vmem>> -> memref<128x128xf32, #tpu.memory_space<vmem>>
        %gather3A_734 = tpu.vector_load_idx %gather3A_733[%add3A_20, %add3A_629] : memref<128x128xf32, #tpu.memory_space<vmem>>[vector<16xi32>, vector<16xi32>], vector<16xf32>,
        %gather3A_735 = arith.constant 3 : i32
        %gather3A_736 = arith.constant 0 : i32
        %gather3A_737 = arith.constant 0 : i32
        %gather3A_738 = tpu.memref_slice %arg6[%gather3A_735, %gather3A_736, %gather3A_737] : memref<4x128x128xf32, #tpu.memory_space<vmem>> -> memref<1x128x128xf32, #tpu.memory_space<vmem>>
        %gather3A_739 = tpu.memref_squeeze %gather3A_738 : memref<1x128x128xf32, #tpu.memory_space<vmem>> -> memref<128x128xf32, #tpu.memory_space<vmem>>
        %gather3A_740 = tpu.vector_load_idx %gather3A_739[%add3A_20, %add3A_632] : memref<128x128xf32, #tpu.memory_space<vmem>>[vector<16xi32>, vector<16xi32>], vector<16xf32>,
        %gather3A_741 = arith.constant 3 : i32
        %gather3A_742 = arith.constant 0 : i32
        %gather3A_743 = arith.constant 0 : i32
        %gather3A_744 = tpu.memref_slice %arg6[%gather3A_741, %gather3A_742, %gather3A_743] : memref<4x128x128xf32, #tpu.memory_space<vmem>> -> memref<1x128x128xf32, #tpu.memory_space<vmem>>
        %gather3A_745 = tpu.memref_squeeze %gather3A_744 : memref<1x128x128xf32, #tpu.memory_space<vmem>> -> memref<128x128xf32, #tpu.memory_space<vmem>>
        %gather3A_746 = tpu.vector_load_idx %gather3A_745[%add3A_23, %add3A_626] : memref<128x128xf32, #tpu.memory_space<vmem>>[vector<16xi32>, vector<16xi32>], vector<16xf32>,
        %gather3A_747 = arith.constant 3 : i32
        %gather3A_748 = arith.constant 0 : i32
        %gather3A_749 = arith.constant 0 : i32
        %gather3A_750 = tpu.memref_slice %arg6[%gather3A_747, %gather3A_748, %gather3A_749] : memref<4x128x128xf32, #tpu.memory_space<vmem>> -> memref<1x128x128xf32, #tpu.memory_space<vmem>>
        %gather3A_751 = tpu.memref_squeeze %gather3A_750 : memref<1x128x128xf32, #tpu.memory_space<vmem>> -> memref<128x128xf32, #tpu.memory_space<vmem>>
        %gather3A_752 = tpu.vector_load_idx %gather3A_751[%add3A_23, %add3A_629] : memref<128x128xf32, #tpu.memory_space<vmem>>[vector<16xi32>, vector<16xi32>], vector<16xf32>,
        %gather3A_753 = arith.constant 3 : i32
        %gather3A_754 = arith.constant 0 : i32
        %gather3A_755 = arith.constant 0 : i32
        %gather3A_756 = tpu.memref_slice %arg6[%gather3A_753, %gather3A_754, %gather3A_755] : memref<4x128x128xf32, #tpu.memory_space<vmem>> -> memref<1x128x128xf32, #tpu.memory_space<vmem>>
        %gather3A_757 = tpu.memref_squeeze %gather3A_756 : memref<1x128x128xf32, #tpu.memory_space<vmem>> -> memref<128x128xf32, #tpu.memory_space<vmem>>
        %gather3A_758 = tpu.vector_load_idx %gather3A_757[%add3A_23, %add3A_632] : memref<128x128xf32, #tpu.memory_space<vmem>>[vector<16xi32>, vector<16xi32>], vector<16xf32>,
        %gather3A_759 = arith.constant 3 : i32
        %gather3A_760 = arith.constant 0 : i32
        %gather3A_761 = arith.constant 0 : i32
        %gather3A_762 = tpu.memref_slice %arg6[%gather3A_759, %gather3A_760, %gather3A_761] : memref<4x128x128xf32, #tpu.memory_space<vmem>> -> memref<1x128x128xf32, #tpu.memory_space<vmem>>
        %gather3A_763 = tpu.memref_squeeze %gather3A_762 : memref<1x128x128xf32, #tpu.memory_space<vmem>> -> memref<128x128xf32, #tpu.memory_space<vmem>>
        %gather3A_764 = tpu.vector_load_idx %gather3A_763[%add3A_26, %add3A_626] : memref<128x128xf32, #tpu.memory_space<vmem>>[vector<16xi32>, vector<16xi32>], vector<16xf32>,
        %gather3A_765 = arith.constant 3 : i32
        %gather3A_766 = arith.constant 0 : i32
        %gather3A_767 = arith.constant 0 : i32
        %gather3A_768 = tpu.memref_slice %arg6[%gather3A_765, %gather3A_766, %gather3A_767] : memref<4x128x128xf32, #tpu.memory_space<vmem>> -> memref<1x128x128xf32, #tpu.memory_space<vmem>>
        %gather3A_769 = tpu.memref_squeeze %gather3A_768 : memref<1x128x128xf32, #tpu.memory_space<vmem>> -> memref<128x128xf32, #tpu.memory_space<vmem>>
        %gather3A_770 = tpu.vector_load_idx %gather3A_769[%add3A_26, %add3A_629] : memref<128x128xf32, #tpu.memory_space<vmem>>[vector<16xi32>, vector<16xi32>], vector<16xf32>,
        %gather3A_771 = arith.constant 3 : i32
        %gather3A_772 = arith.constant 0 : i32
        %gather3A_773 = arith.constant 0 : i32
        %gather3A_774 = tpu.memref_slice %arg6[%gather3A_771, %gather3A_772, %gather3A_773] : memref<4x128x128xf32, #tpu.memory_space<vmem>> -> memref<1x128x128xf32, #tpu.memory_space<vmem>>
        %gather3A_775 = tpu.memref_squeeze %gather3A_774 : memref<1x128x128xf32, #tpu.memory_space<vmem>> -> memref<128x128xf32, #tpu.memory_space<vmem>>
        %gather3A_776 = tpu.vector_load_idx %gather3A_775[%add3A_26, %add3A_632] : memref<128x128xf32, #tpu.memory_space<vmem>>[vector<16xi32>, vector<16xi32>], vector<16xf32>,
        %scatter3A_777 = arith.constant 3 : i32
        %scatter3A_778 = arith.constant 0 : i32
        %scatter3A_779 = arith.constant 0 : i32
        %scatter3A_780 = tpu.memref_slice %arg7[%scatter3A_777, %scatter3A_778, %scatter3A_779] : memref<4x48x128xf32, #tpu.memory_space<vmem>> -> memref<1x48x128xf32, #tpu.memory_space<vmem>>
        %scatter3A_781 = tpu.memref_squeeze %scatter3A_780 : memref<1x48x128xf32, #tpu.memory_space<vmem>> -> memref<48x128xf32, #tpu.memory_space<vmem>>
        tpu.vector_store_idx %scatter3A_781[%add3A_626, %add3A_5], %gather3A_638 : memref<48x128xf32, #tpu.memory_space<vmem>>[vector<16xi32>, vector<16xi32>], vector<16xf32>,
        %scatter3A_782 = arith.constant 3 : i32
        %scatter3A_783 = arith.constant 0 : i32
        %scatter3A_784 = arith.constant 0 : i32
        %scatter3A_785 = tpu.memref_slice %arg7[%scatter3A_782, %scatter3A_783, %scatter3A_784] : memref<4x48x128xf32, #tpu.memory_space<vmem>> -> memref<1x48x128xf32, #tpu.memory_space<vmem>>
        %scatter3A_786 = tpu.memref_squeeze %scatter3A_785 : memref<1x48x128xf32, #tpu.memory_space<vmem>> -> memref<48x128xf32, #tpu.memory_space<vmem>>
        tpu.vector_store_idx %scatter3A_786[%add3A_629, %add3A_5], %gather3A_644 : memref<48x128xf32, #tpu.memory_space<vmem>>[vector<16xi32>, vector<16xi32>], vector<16xf32>,
        %scatter3A_787 = arith.constant 3 : i32
        %scatter3A_788 = arith.constant 0 : i32
        %scatter3A_789 = arith.constant 0 : i32
        %scatter3A_790 = tpu.memref_slice %arg7[%scatter3A_787, %scatter3A_788, %scatter3A_789] : memref<4x48x128xf32, #tpu.memory_space<vmem>> -> memref<1x48x128xf32, #tpu.memory_space<vmem>>
        %scatter3A_791 = tpu.memref_squeeze %scatter3A_790 : memref<1x48x128xf32, #tpu.memory_space<vmem>> -> memref<48x128xf32, #tpu.memory_space<vmem>>
        tpu.vector_store_idx %scatter3A_791[%add3A_632, %add3A_5], %gather3A_650 : memref<48x128xf32, #tpu.memory_space<vmem>>[vector<16xi32>, vector<16xi32>], vector<16xf32>,
        %scatter3A_792 = arith.constant 3 : i32
        %scatter3A_793 = arith.constant 0 : i32
        %scatter3A_794 = arith.constant 0 : i32
        %scatter3A_795 = tpu.memref_slice %arg7[%scatter3A_792, %scatter3A_793, %scatter3A_794] : memref<4x48x128xf32, #tpu.memory_space<vmem>> -> memref<1x48x128xf32, #tpu.memory_space<vmem>>
        %scatter3A_796 = tpu.memref_squeeze %scatter3A_795 : memref<1x48x128xf32, #tpu.memory_space<vmem>> -> memref<48x128xf32, #tpu.memory_space<vmem>>
        tpu.vector_store_idx %scatter3A_796[%add3A_626, %add3A_8], %gather3A_656 : memref<48x128xf32, #tpu.memory_space<vmem>>[vector<16xi32>, vector<16xi32>], vector<16xf32>,
        %scatter3A_797 = arith.constant 3 : i32
        %scatter3A_798 = arith.constant 0 : i32
        %scatter3A_799 = arith.constant 0 : i32
        %scatter3A_800 = tpu.memref_slice %arg7[%scatter3A_797, %scatter3A_798, %scatter3A_799] : memref<4x48x128xf32, #tpu.memory_space<vmem>> -> memref<1x48x128xf32, #tpu.memory_space<vmem>>
        %scatter3A_801 = tpu.memref_squeeze %scatter3A_800 : memref<1x48x128xf32, #tpu.memory_space<vmem>> -> memref<48x128xf32, #tpu.memory_space<vmem>>
        tpu.vector_store_idx %scatter3A_801[%add3A_629, %add3A_8], %gather3A_662 : memref<48x128xf32, #tpu.memory_space<vmem>>[vector<16xi32>, vector<16xi32>], vector<16xf32>,
        %scatter3A_802 = arith.constant 3 : i32
        %scatter3A_803 = arith.constant 0 : i32
        %scatter3A_804 = arith.constant 0 : i32
        %scatter3A_805 = tpu.memref_slice %arg7[%scatter3A_802, %scatter3A_803, %scatter3A_804] : memref<4x48x128xf32, #tpu.memory_space<vmem>> -> memref<1x48x128xf32, #tpu.memory_space<vmem>>
        %scatter3A_806 = tpu.memref_squeeze %scatter3A_805 : memref<1x48x128xf32, #tpu.memory_space<vmem>> -> memref<48x128xf32, #tpu.memory_space<vmem>>
        tpu.vector_store_idx %scatter3A_806[%add3A_632, %add3A_8], %gather3A_668 : memref<48x128xf32, #tpu.memory_space<vmem>>[vector<16xi32>, vector<16xi32>], vector<16xf32>,
        %scatter3A_807 = arith.constant 3 : i32
        %scatter3A_808 = arith.constant 0 : i32
        %scatter3A_809 = arith.constant 0 : i32
        %scatter3A_810 = tpu.memref_slice %arg7[%scatter3A_807, %scatter3A_808, %scatter3A_809] : memref<4x48x128xf32, #tpu.memory_space<vmem>> -> memref<1x48x128xf32, #tpu.memory_space<vmem>>
        %scatter3A_811 = tpu.memref_squeeze %scatter3A_810 : memref<1x48x128xf32, #tpu.memory_space<vmem>> -> memref<48x128xf32, #tpu.memory_space<vmem>>
        tpu.vector_store_idx %scatter3A_811[%add3A_626, %add3A_11], %gather3A_674 : memref<48x128xf32, #tpu.memory_space<vmem>>[vector<16xi32>, vector<16xi32>], vector<16xf32>,
        %scatter3A_812 = arith.constant 3 : i32
        %scatter3A_813 = arith.constant 0 : i32
        %scatter3A_814 = arith.constant 0 : i32
        %scatter3A_815 = tpu.memref_slice %arg7[%scatter3A_812, %scatter3A_813, %scatter3A_814] : memref<4x48x128xf32, #tpu.memory_space<vmem>> -> memref<1x48x128xf32, #tpu.memory_space<vmem>>
        %scatter3A_816 = tpu.memref_squeeze %scatter3A_815 : memref<1x48x128xf32, #tpu.memory_space<vmem>> -> memref<48x128xf32, #tpu.memory_space<vmem>>
        tpu.vector_store_idx %scatter3A_816[%add3A_629, %add3A_11], %gather3A_680 : memref<48x128xf32, #tpu.memory_space<vmem>>[vector<16xi32>, vector<16xi32>], vector<16xf32>,
        %scatter3A_817 = arith.constant 3 : i32
        %scatter3A_818 = arith.constant 0 : i32
        %scatter3A_819 = arith.constant 0 : i32
        %scatter3A_820 = tpu.memref_slice %arg7[%scatter3A_817, %scatter3A_818, %scatter3A_819] : memref<4x48x128xf32, #tpu.memory_space<vmem>> -> memref<1x48x128xf32, #tpu.memory_space<vmem>>
        %scatter3A_821 = tpu.memref_squeeze %scatter3A_820 : memref<1x48x128xf32, #tpu.memory_space<vmem>> -> memref<48x128xf32, #tpu.memory_space<vmem>>
        tpu.vector_store_idx %scatter3A_821[%add3A_632, %add3A_11], %gather3A_686 : memref<48x128xf32, #tpu.memory_space<vmem>>[vector<16xi32>, vector<16xi32>], vector<16xf32>,
        %scatter3A_822 = arith.constant 3 : i32
        %scatter3A_823 = arith.constant 0 : i32
        %scatter3A_824 = arith.constant 0 : i32
        %scatter3A_825 = tpu.memref_slice %arg7[%scatter3A_822, %scatter3A_823, %scatter3A_824] : memref<4x48x128xf32, #tpu.memory_space<vmem>> -> memref<1x48x128xf32, #tpu.memory_space<vmem>>
        %scatter3A_826 = tpu.memref_squeeze %scatter3A_825 : memref<1x48x128xf32, #tpu.memory_space<vmem>> -> memref<48x128xf32, #tpu.memory_space<vmem>>
        tpu.vector_store_idx %scatter3A_826[%add3A_626, %add3A_14], %gather3A_692 : memref<48x128xf32, #tpu.memory_space<vmem>>[vector<16xi32>, vector<16xi32>], vector<16xf32>,
        %scatter3A_827 = arith.constant 3 : i32
        %scatter3A_828 = arith.constant 0 : i32
        %scatter3A_829 = arith.constant 0 : i32
        %scatter3A_830 = tpu.memref_slice %arg7[%scatter3A_827, %scatter3A_828, %scatter3A_829] : memref<4x48x128xf32, #tpu.memory_space<vmem>> -> memref<1x48x128xf32, #tpu.memory_space<vmem>>
        %scatter3A_831 = tpu.memref_squeeze %scatter3A_830 : memref<1x48x128xf32, #tpu.memory_space<vmem>> -> memref<48x128xf32, #tpu.memory_space<vmem>>
        tpu.vector_store_idx %scatter3A_831[%add3A_629, %add3A_14], %gather3A_698 : memref<48x128xf32, #tpu.memory_space<vmem>>[vector<16xi32>, vector<16xi32>], vector<16xf32>,
        %scatter3A_832 = arith.constant 3 : i32
        %scatter3A_833 = arith.constant 0 : i32
        %scatter3A_834 = arith.constant 0 : i32
        %scatter3A_835 = tpu.memref_slice %arg7[%scatter3A_832, %scatter3A_833, %scatter3A_834] : memref<4x48x128xf32, #tpu.memory_space<vmem>> -> memref<1x48x128xf32, #tpu.memory_space<vmem>>
        %scatter3A_836 = tpu.memref_squeeze %scatter3A_835 : memref<1x48x128xf32, #tpu.memory_space<vmem>> -> memref<48x128xf32, #tpu.memory_space<vmem>>
        tpu.vector_store_idx %scatter3A_836[%add3A_632, %add3A_14], %gather3A_704 : memref<48x128xf32, #tpu.memory_space<vmem>>[vector<16xi32>, vector<16xi32>], vector<16xf32>,
        %scatter3A_837 = arith.constant 3 : i32
        %scatter3A_838 = arith.constant 0 : i32
        %scatter3A_839 = arith.constant 0 : i32
        %scatter3A_840 = tpu.memref_slice %arg7[%scatter3A_837, %scatter3A_838, %scatter3A_839] : memref<4x48x128xf32, #tpu.memory_space<vmem>> -> memref<1x48x128xf32, #tpu.memory_space<vmem>>
        %scatter3A_841 = tpu.memref_squeeze %scatter3A_840 : memref<1x48x128xf32, #tpu.memory_space<vmem>> -> memref<48x128xf32, #tpu.memory_space<vmem>>
        tpu.vector_store_idx %scatter3A_841[%add3A_626, %add3A_17], %gather3A_710 : memref<48x128xf32, #tpu.memory_space<vmem>>[vector<16xi32>, vector<16xi32>], vector<16xf32>,
        %scatter3A_842 = arith.constant 3 : i32
        %scatter3A_843 = arith.constant 0 : i32
        %scatter3A_844 = arith.constant 0 : i32
        %scatter3A_845 = tpu.memref_slice %arg7[%scatter3A_842, %scatter3A_843, %scatter3A_844] : memref<4x48x128xf32, #tpu.memory_space<vmem>> -> memref<1x48x128xf32, #tpu.memory_space<vmem>>
        %scatter3A_846 = tpu.memref_squeeze %scatter3A_845 : memref<1x48x128xf32, #tpu.memory_space<vmem>> -> memref<48x128xf32, #tpu.memory_space<vmem>>
        tpu.vector_store_idx %scatter3A_846[%add3A_629, %add3A_17], %gather3A_716 : memref<48x128xf32, #tpu.memory_space<vmem>>[vector<16xi32>, vector<16xi32>], vector<16xf32>,
        %scatter3A_847 = arith.constant 3 : i32
        %scatter3A_848 = arith.constant 0 : i32
        %scatter3A_849 = arith.constant 0 : i32
        %scatter3A_850 = tpu.memref_slice %arg7[%scatter3A_847, %scatter3A_848, %scatter3A_849] : memref<4x48x128xf32, #tpu.memory_space<vmem>> -> memref<1x48x128xf32, #tpu.memory_space<vmem>>
        %scatter3A_851 = tpu.memref_squeeze %scatter3A_850 : memref<1x48x128xf32, #tpu.memory_space<vmem>> -> memref<48x128xf32, #tpu.memory_space<vmem>>
        tpu.vector_store_idx %scatter3A_851[%add3A_632, %add3A_17], %gather3A_722 : memref<48x128xf32, #tpu.memory_space<vmem>>[vector<16xi32>, vector<16xi32>], vector<16xf32>,
        %scatter3A_852 = arith.constant 3 : i32
        %scatter3A_853 = arith.constant 0 : i32
        %scatter3A_854 = arith.constant 0 : i32
        %scatter3A_855 = tpu.memref_slice %arg7[%scatter3A_852, %scatter3A_853, %scatter3A_854] : memref<4x48x128xf32, #tpu.memory_space<vmem>> -> memref<1x48x128xf32, #tpu.memory_space<vmem>>
        %scatter3A_856 = tpu.memref_squeeze %scatter3A_855 : memref<1x48x128xf32, #tpu.memory_space<vmem>> -> memref<48x128xf32, #tpu.memory_space<vmem>>
        tpu.vector_store_idx %scatter3A_856[%add3A_626, %add3A_20], %gather3A_728 : memref<48x128xf32, #tpu.memory_space<vmem>>[vector<16xi32>, vector<16xi32>], vector<16xf32>,
        %scatter3A_857 = arith.constant 3 : i32
        %scatter3A_858 = arith.constant 0 : i32
        %scatter3A_859 = arith.constant 0 : i32
        %scatter3A_860 = tpu.memref_slice %arg7[%scatter3A_857, %scatter3A_858, %scatter3A_859] : memref<4x48x128xf32, #tpu.memory_space<vmem>> -> memref<1x48x128xf32, #tpu.memory_space<vmem>>
        %scatter3A_861 = tpu.memref_squeeze %scatter3A_860 : memref<1x48x128xf32, #tpu.memory_space<vmem>> -> memref<48x128xf32, #tpu.memory_space<vmem>>
        tpu.vector_store_idx %scatter3A_861[%add3A_629, %add3A_20], %gather3A_734 : memref<48x128xf32, #tpu.memory_space<vmem>>[vector<16xi32>, vector<16xi32>], vector<16xf32>,
        %scatter3A_862 = arith.constant 3 : i32
        %scatter3A_863 = arith.constant 0 : i32
        %scatter3A_864 = arith.constant 0 : i32
        %scatter3A_865 = tpu.memref_slice %arg7[%scatter3A_862, %scatter3A_863, %scatter3A_864] : memref<4x48x128xf32, #tpu.memory_space<vmem>> -> memref<1x48x128xf32, #tpu.memory_space<vmem>>
        %scatter3A_866 = tpu.memref_squeeze %scatter3A_865 : memref<1x48x128xf32, #tpu.memory_space<vmem>> -> memref<48x128xf32, #tpu.memory_space<vmem>>
        tpu.vector_store_idx %scatter3A_866[%add3A_632, %add3A_20], %gather3A_740 : memref<48x128xf32, #tpu.memory_space<vmem>>[vector<16xi32>, vector<16xi32>], vector<16xf32>,
        %scatter3A_867 = arith.constant 3 : i32
        %scatter3A_868 = arith.constant 0 : i32
        %scatter3A_869 = arith.constant 0 : i32
        %scatter3A_870 = tpu.memref_slice %arg7[%scatter3A_867, %scatter3A_868, %scatter3A_869] : memref<4x48x128xf32, #tpu.memory_space<vmem>> -> memref<1x48x128xf32, #tpu.memory_space<vmem>>
        %scatter3A_871 = tpu.memref_squeeze %scatter3A_870 : memref<1x48x128xf32, #tpu.memory_space<vmem>> -> memref<48x128xf32, #tpu.memory_space<vmem>>
        tpu.vector_store_idx %scatter3A_871[%add3A_626, %add3A_23], %gather3A_746 : memref<48x128xf32, #tpu.memory_space<vmem>>[vector<16xi32>, vector<16xi32>], vector<16xf32>,
        %scatter3A_872 = arith.constant 3 : i32
        %scatter3A_873 = arith.constant 0 : i32
        %scatter3A_874 = arith.constant 0 : i32
        %scatter3A_875 = tpu.memref_slice %arg7[%scatter3A_872, %scatter3A_873, %scatter3A_874] : memref<4x48x128xf32, #tpu.memory_space<vmem>> -> memref<1x48x128xf32, #tpu.memory_space<vmem>>
        %scatter3A_876 = tpu.memref_squeeze %scatter3A_875 : memref<1x48x128xf32, #tpu.memory_space<vmem>> -> memref<48x128xf32, #tpu.memory_space<vmem>>
        tpu.vector_store_idx %scatter3A_876[%add3A_629, %add3A_23], %gather3A_752 : memref<48x128xf32, #tpu.memory_space<vmem>>[vector<16xi32>, vector<16xi32>], vector<16xf32>,
        %scatter3A_877 = arith.constant 3 : i32
        %scatter3A_878 = arith.constant 0 : i32
        %scatter3A_879 = arith.constant 0 : i32
        %scatter3A_880 = tpu.memref_slice %arg7[%scatter3A_877, %scatter3A_878, %scatter3A_879] : memref<4x48x128xf32, #tpu.memory_space<vmem>> -> memref<1x48x128xf32, #tpu.memory_space<vmem>>
        %scatter3A_881 = tpu.memref_squeeze %scatter3A_880 : memref<1x48x128xf32, #tpu.memory_space<vmem>> -> memref<48x128xf32, #tpu.memory_space<vmem>>
        tpu.vector_store_idx %scatter3A_881[%add3A_632, %add3A_23], %gather3A_758 : memref<48x128xf32, #tpu.memory_space<vmem>>[vector<16xi32>, vector<16xi32>], vector<16xf32>,
        %scatter3A_882 = arith.constant 3 : i32
        %scatter3A_883 = arith.constant 0 : i32
        %scatter3A_884 = arith.constant 0 : i32
        %scatter3A_885 = tpu.memref_slice %arg7[%scatter3A_882, %scatter3A_883, %scatter3A_884] : memref<4x48x128xf32, #tpu.memory_space<vmem>> -> memref<1x48x128xf32, #tpu.memory_space<vmem>>
        %scatter3A_886 = tpu.memref_squeeze %scatter3A_885 : memref<1x48x128xf32, #tpu.memory_space<vmem>> -> memref<48x128xf32, #tpu.memory_space<vmem>>
        tpu.vector_store_idx %scatter3A_886[%add3A_626, %add3A_26], %gather3A_764 : memref<48x128xf32, #tpu.memory_space<vmem>>[vector<16xi32>, vector<16xi32>], vector<16xf32>,
        %scatter3A_887 = arith.constant 3 : i32
        %scatter3A_888 = arith.constant 0 : i32
        %scatter3A_889 = arith.constant 0 : i32
        %scatter3A_890 = tpu.memref_slice %arg7[%scatter3A_887, %scatter3A_888, %scatter3A_889] : memref<4x48x128xf32, #tpu.memory_space<vmem>> -> memref<1x48x128xf32, #tpu.memory_space<vmem>>
        %scatter3A_891 = tpu.memref_squeeze %scatter3A_890 : memref<1x48x128xf32, #tpu.memory_space<vmem>> -> memref<48x128xf32, #tpu.memory_space<vmem>>
        tpu.vector_store_idx %scatter3A_891[%add3A_629, %add3A_26], %gather3A_770 : memref<48x128xf32, #tpu.memory_space<vmem>>[vector<16xi32>, vector<16xi32>], vector<16xf32>,
        %scatter3A_892 = arith.constant 3 : i32
        %scatter3A_893 = arith.constant 0 : i32
        %scatter3A_894 = arith.constant 0 : i32
        %scatter3A_895 = tpu.memref_slice %arg7[%scatter3A_892, %scatter3A_893, %scatter3A_894] : memref<4x48x128xf32, #tpu.memory_space<vmem>> -> memref<1x48x128xf32, #tpu.memory_space<vmem>>
        %scatter3A_896 = tpu.memref_squeeze %scatter3A_895 : memref<1x48x128xf32, #tpu.memory_space<vmem>> -> memref<48x128xf32, #tpu.memory_space<vmem>>
        tpu.vector_store_idx %scatter3A_896[%add3A_632, %add3A_26], %gather3A_776 : memref<48x128xf32, #tpu.memory_space<vmem>>[vector<16xi32>, vector<16xi32>], vector<16xf32>,
      }
      %scan3A_318 = arith.constant 16 : i32
      %dma_start3A_319 = arith.constant 3 : i32
      %dma_start3A_320 = arith.constant 0 : i32
      %dma_start3A_321 = arith.constant 0 : i32
      %dma_start3A_322 = tpu.memref_slice %arg7[%dma_start3A_319, %dma_start3A_320, %dma_start3A_321] : memref<4x48x128xf32, #tpu.memory_space<vmem>> -> memref<1x48x128xf32, #tpu.memory_space<vmem>>
      %dma_start3A_323 = tpu.memref_squeeze %dma_start3A_322 : memref<1x48x128xf32, #tpu.memory_space<vmem>> -> memref<48x128xf32, #tpu.memory_space<vmem>>
      %dma_start3A_324 = arith.constant 0 : i32
      %dma_start3A_325 = tpu.memref_slice %arg4[%add3A_286, %dma_start3A_324, %mul3A_2] : memref<192x48x4096xf32, #tpu.memory_space<hbm>> -> memref<1x48x128xf32, #tpu.memory_space<hbm>>
      %dma_start3A_326 = tpu.memref_squeeze %dma_start3A_325 : memref<1x48x128xf32, #tpu.memory_space<hbm>> -> memref<48x128xf32, #tpu.memory_space<hbm>>
      %dma_start3A_327 = arith.constant 0 : i32
      %dma_start3A_328 = tpu.memref_slice %arg4[%add3A_286, %dma_start3A_327, %mul3A_2] : memref<192x48x4096xf32, #tpu.memory_space<hbm>> -> memref<1x48x128xf32, #tpu.memory_space<hbm>>
      %dma_start3A_329 = tpu.memref_squeeze %dma_start3A_328 : memref<1x48x128xf32, #tpu.memory_space<hbm>> -> memref<48x128xf32, #tpu.memory_space<hbm>>
      %dma_start3A_330 = arith.constant 0 : i32
      %dma_start3A_331 = arith.constant 0 : i32
      %dma_start3A_332 = tpu.memref_slice %arg7[%dma_start3A_319, %dma_start3A_330, %dma_start3A_331] : memref<4x48x128xf32, #tpu.memory_space<vmem>> -> memref<1x48x128xf32, #tpu.memory_space<vmem>>
      %dma_start3A_333 = tpu.memref_squeeze %dma_start3A_332 : memref<1x48x128xf32, #tpu.memory_space<vmem>> -> memref<48x128xf32, #tpu.memory_space<vmem>>
      tpu.enqueue_dma source(%dma_start3A_333 : memref<48x128xf32, #tpu.memory_space<vmem>>) target(%dma_start3A_329 : memref<48x128xf32, #tpu.memory_space<hbm>>) target_semaphore(%arg9 : memref<!tpu.dma_semaphore, #tpu.memory_space<semaphore_mem>>)
    }
    %scan3A_65 = arith.constant 48 : i32
    %dma_wait3A = arith.constant 0 : i32
    %dma_wait3A_66 = arith.constant 0 : i32
    %dma_wait3A_67 = arith.constant 0 : i32
    %dma_wait3A_68 = arith.constant 0 : i32
    %dma_wait3A_69 = tpu.memref_slice %arg7[%dma_wait3A, %dma_wait3A_67, %dma_wait3A_68] : memref<4x48x128xf32, #tpu.memory_space<vmem>> -> memref<1x48x128xf32, #tpu.memory_space<vmem>>
    %dma_wait3A_70 = tpu.memref_squeeze %dma_wait3A_69 : memref<1x48x128xf32, #tpu.memory_space<vmem>> -> memref<48x128xf32, #tpu.memory_space<vmem>>
    %dma_wait3A_71 = arith.constant 0 : i32
    %dma_wait3A_72 = arith.constant 0 : i32
    %dma_wait3A_73 = tpu.memref_slice %arg4[%dma_wait3A_66, %dma_wait3A_71, %dma_wait3A_72] : memref<192x48x4096xf32, #tpu.memory_space<hbm>> -> memref<1x48x128xf32, #tpu.memory_space<hbm>>
    %dma_wait3A_74 = tpu.memref_squeeze %dma_wait3A_73 : memref<1x48x128xf32, #tpu.memory_space<hbm>> -> memref<48x128xf32, #tpu.memory_space<hbm>>
    %dma_wait3A_75 = arith.constant 0 : i32
    %dma_wait3A_76 = arith.constant 0 : i32
    %dma_wait3A_77 = tpu.memref_slice %arg4[%dma_wait3A_66, %dma_wait3A_75, %dma_wait3A_76] : memref<192x48x4096xf32, #tpu.memory_space<hbm>> -> memref<1x48x128xf32, #tpu.memory_space<hbm>>
    %dma_wait3A_78 = tpu.memref_squeeze %dma_wait3A_77 : memref<1x48x128xf32, #tpu.memory_space<hbm>> -> memref<48x128xf32, #tpu.memory_space<hbm>>
    %dma_wait3A_79 = arith.constant 0 : i32
    %dma_wait3A_80 = arith.constant 0 : i32
    %dma_wait3A_81 = tpu.memref_slice %arg7[%dma_wait3A, %dma_wait3A_79, %dma_wait3A_80] : memref<4x48x128xf32, #tpu.memory_space<vmem>> -> memref<1x48x128xf32, #tpu.memory_space<vmem>>
    %dma_wait3A_82 = tpu.memref_squeeze %dma_wait3A_81 : memref<1x48x128xf32, #tpu.memory_space<vmem>> -> memref<48x128xf32, #tpu.memory_space<vmem>>
    tpu.wait_dma2 semaphore(%arg9 : memref<!tpu.dma_semaphore, #tpu.memory_space<semaphore_mem>>) src(%dma_wait3A_82 : memref<48x128xf32, #tpu.memory_space<vmem>>) dst(%dma_wait3A_78 : memref<48x128xf32, #tpu.memory_space<hbm>>)
    %dma_wait3A_83 = arith.constant 0 : i32
    %dma_wait3A_84 = arith.constant 0 : i32
    %dma_wait3A_85 = arith.constant 0 : i32
    %dma_wait3A_86 = arith.constant 0 : i32
    %dma_wait3A_87 = tpu.memref_slice %arg7[%dma_wait3A_83, %dma_wait3A_85, %dma_wait3A_86] : memref<4x48x128xf32, #tpu.memory_space<vmem>> -> memref<1x48x128xf32, #tpu.memory_space<vmem>>
    %dma_wait3A_88 = tpu.memref_squeeze %dma_wait3A_87 : memref<1x48x128xf32, #tpu.memory_space<vmem>> -> memref<48x128xf32, #tpu.memory_space<vmem>>
    %dma_wait3A_89 = arith.constant 0 : i32
    %dma_wait3A_90 = arith.constant 0 : i32
    %dma_wait3A_91 = tpu.memref_slice %arg4[%dma_wait3A_84, %dma_wait3A_89, %dma_wait3A_90] : memref<192x48x4096xf32, #tpu.memory_space<hbm>> -> memref<1x48x128xf32, #tpu.memory_space<hbm>>
    %dma_wait3A_92 = tpu.memref_squeeze %dma_wait3A_91 : memref<1x48x128xf32, #tpu.memory_space<hbm>> -> memref<48x128xf32, #tpu.memory_space<hbm>>
    %dma_wait3A_93 = arith.constant 0 : i32
    %dma_wait3A_94 = arith.constant 0 : i32
    %dma_wait3A_95 = tpu.memref_slice %arg4[%dma_wait3A_84, %dma_wait3A_93, %dma_wait3A_94] : memref<192x48x4096xf32, #tpu.memory_space<hbm>> -> memref<1x48x128xf32, #tpu.memory_space<hbm>>
    %dma_wait3A_96 = tpu.memref_squeeze %dma_wait3A_95 : memref<1x48x128xf32, #tpu.memory_space<hbm>> -> memref<48x128xf32, #tpu.memory_space<hbm>>
    %dma_wait3A_97 = arith.constant 0 : i32
    %dma_wait3A_98 = arith.constant 0 : i32
    %dma_wait3A_99 = tpu.memref_slice %arg7[%dma_wait3A_83, %dma_wait3A_97, %dma_wait3A_98] : memref<4x48x128xf32, #tpu.memory_space<vmem>> -> memref<1x48x128xf32, #tpu.memory_space<vmem>>
    %dma_wait3A_100 = tpu.memref_squeeze %dma_wait3A_99 : memref<1x48x128xf32, #tpu.memory_space<vmem>> -> memref<48x128xf32, #tpu.memory_space<vmem>>
    tpu.wait_dma2 semaphore(%arg9 : memref<!tpu.dma_semaphore, #tpu.memory_space<semaphore_mem>>) src(%dma_wait3A_100 : memref<48x128xf32, #tpu.memory_space<vmem>>) dst(%dma_wait3A_96 : memref<48x128xf32, #tpu.memory_space<hbm>>)
    %dma_wait3A_101 = arith.constant 0 : i32
    %dma_wait3A_102 = arith.constant 0 : i32
    %dma_wait3A_103 = arith.constant 0 : i32
    %dma_wait3A_104 = arith.constant 0 : i32
    %dma_wait3A_105 = tpu.memref_slice %arg7[%dma_wait3A_101, %dma_wait3A_103, %dma_wait3A_104] : memref<4x48x128xf32, #tpu.memory_space<vmem>> -> memref<1x48x128xf32, #tpu.memory_space<vmem>>
    %dma_wait3A_106 = tpu.memref_squeeze %dma_wait3A_105 : memref<1x48x128xf32, #tpu.memory_space<vmem>> -> memref<48x128xf32, #tpu.memory_space<vmem>>
    %dma_wait3A_107 = arith.constant 0 : i32
    %dma_wait3A_108 = arith.constant 0 : i32
    %dma_wait3A_109 = tpu.memref_slice %arg4[%dma_wait3A_102, %dma_wait3A_107, %dma_wait3A_108] : memref<192x48x4096xf32, #tpu.memory_space<hbm>> -> memref<1x48x128xf32, #tpu.memory_space<hbm>>
    %dma_wait3A_110 = tpu.memref_squeeze %dma_wait3A_109 : memref<1x48x128xf32, #tpu.memory_space<hbm>> -> memref<48x128xf32, #tpu.memory_space<hbm>>
    %dma_wait3A_111 = arith.constant 0 : i32
    %dma_wait3A_112 = arith.constant 0 : i32
    %dma_wait3A_113 = tpu.memref_slice %arg4[%dma_wait3A_102, %dma_wait3A_111, %dma_wait3A_112] : memref<192x48x4096xf32, #tpu.memory_space<hbm>> -> memref<1x48x128xf32, #tpu.memory_space<hbm>>
    %dma_wait3A_114 = tpu.memref_squeeze %dma_wait3A_113 : memref<1x48x128xf32, #tpu.memory_space<hbm>> -> memref<48x128xf32, #tpu.memory_space<hbm>>
    %dma_wait3A_115 = arith.constant 0 : i32
    %dma_wait3A_116 = arith.constant 0 : i32
    %dma_wait3A_117 = tpu.memref_slice %arg7[%dma_wait3A_101, %dma_wait3A_115, %dma_wait3A_116] : memref<4x48x128xf32, #tpu.memory_space<vmem>> -> memref<1x48x128xf32, #tpu.memory_space<vmem>>
    %dma_wait3A_118 = tpu.memref_squeeze %dma_wait3A_117 : memref<1x48x128xf32, #tpu.memory_space<vmem>> -> memref<48x128xf32, #tpu.memory_space<vmem>>
    tpu.wait_dma2 semaphore(%arg9 : memref<!tpu.dma_semaphore, #tpu.memory_space<semaphore_mem>>) src(%dma_wait3A_118 : memref<48x128xf32, #tpu.memory_space<vmem>>) dst(%dma_wait3A_114 : memref<48x128xf32, #tpu.memory_space<hbm>>)
    %dma_wait3A_119 = arith.constant 0 : i32
    %dma_wait3A_120 = arith.constant 0 : i32
    %dma_wait3A_121 = arith.constant 0 : i32
    %dma_wait3A_122 = arith.constant 0 : i32
    %dma_wait3A_123 = tpu.memref_slice %arg7[%dma_wait3A_119, %dma_wait3A_121, %dma_wait3A_122] : memref<4x48x128xf32, #tpu.memory_space<vmem>> -> memref<1x48x128xf32, #tpu.memory_space<vmem>>
    %dma_wait3A_124 = tpu.memref_squeeze %dma_wait3A_123 : memref<1x48x128xf32, #tpu.memory_space<vmem>> -> memref<48x128xf32, #tpu.memory_space<vmem>>
    %dma_wait3A_125 = arith.constant 0 : i32
    %dma_wait3A_126 = arith.constant 0 : i32
    %dma_wait3A_127 = tpu.memref_slice %arg4[%dma_wait3A_120, %dma_wait3A_125, %dma_wait3A_126] : memref<192x48x4096xf32, #tpu.memory_space<hbm>> -> memref<1x48x128xf32, #tpu.memory_space<hbm>>
    %dma_wait3A_128 = tpu.memref_squeeze %dma_wait3A_127 : memref<1x48x128xf32, #tpu.memory_space<hbm>> -> memref<48x128xf32, #tpu.memory_space<hbm>>
    %dma_wait3A_129 = arith.constant 0 : i32
    %dma_wait3A_130 = arith.constant 0 : i32
    %dma_wait3A_131 = tpu.memref_slice %arg4[%dma_wait3A_120, %dma_wait3A_129, %dma_wait3A_130] : memref<192x48x4096xf32, #tpu.memory_space<hbm>> -> memref<1x48x128xf32, #tpu.memory_space<hbm>>
    %dma_wait3A_132 = tpu.memref_squeeze %dma_wait3A_131 : memref<1x48x128xf32, #tpu.memory_space<hbm>> -> memref<48x128xf32, #tpu.memory_space<hbm>>
    %dma_wait3A_133 = arith.constant 0 : i32
    %dma_wait3A_134 = arith.constant 0 : i32
    %dma_wait3A_135 = tpu.memref_slice %arg7[%dma_wait3A_119, %dma_wait3A_133, %dma_wait3A_134] : memref<4x48x128xf32, #tpu.memory_space<vmem>> -> memref<1x48x128xf32, #tpu.memory_space<vmem>>
    %dma_wait3A_136 = tpu.memref_squeeze %dma_wait3A_135 : memref<1x48x128xf32, #tpu.memory_space<vmem>> -> memref<48x128xf32, #tpu.memory_space<vmem>>
    tpu.wait_dma2 semaphore(%arg9 : memref<!tpu.dma_semaphore, #tpu.memory_space<semaphore_mem>>) src(%dma_wait3A_136 : memref<48x128xf32, #tpu.memory_space<vmem>>) dst(%dma_wait3A_132 : memref<48x128xf32, #tpu.memory_space<hbm>>)
    return
  }
}

</mosaic_0001>

<sc_bundles>
// kernel: kernel.3.cloned.1.call-start
scs
__scs_entry_jumppad:
0x0: {  	(pc) =	sbr.rel $0x88, $3  }
0x1: {  	(tag) =	ssettag $0x0;
	lr =	simm.s32 $0x1  }
0x2: {  	[smem:$0x3F9F] =	sst lr;
	_ =	strace $0xD0000000  }
0x3: {  	_ = 	snop  }
0x4: {  	_ = 	snop  }
0x5: {  	_ = 	snop  }
0x6: {  	_ = 	snop  }
0x7: {  	_ = 	snop  }
__scs_overlays_trampoline_lowered:
0x8: {  	[smem:$0x3FAE] =	sst s0  }
0x9: {  	[smem:$0x3FAF] =	sst s1  }
0xa: {  	[smem:$0x3FB0] =	sst s2  }
0xb: {  	[smem:$0x3FB1] =	sst s3  }
0xc: {  	[smem:$0x3FB2] =	sst s4  }
0xd: {  	[smem:$0x3FB3] =	sst s5  }
0xe: {  	[smem:$0x3FB4] =	sst s6  }
0xf: {  	[smem:$0x3FB5] =	sst s7  }
0x10: {  	[smem:$0x3FB6] =	sst s8  }
0x11: {  	[smem:$0x3FB7] =	sst s9;
	s0 =	simm.s32 @!p0 $0x0  }
0x12: {  	s1 =	sld [smem:$0x3F9D];
	s0 =	simm.s32 @p0 $0x1  }
0x13: {  	[smem:$0x3FB8] =	sst s0;
	s0 =	simm.s32 @!p1 $0x0  }
0x14: {  	s2 =	sld [smem:$0x3F9C];
	s0 =	simm.s32 @p1 $0x1  }
0x15: {  	[smem:$0x3FB9] =	sst s0;
	s0 =	simm.s32 @!p2 $0x0  }
0x16: {  	s3 =	sld [smem:$0x3FDB];
	s0 =	simm.s32 @p2 $0x1  }
0x17: {  	s4 =	simm.s32 $0x1BF5;
	[smem:$0x3FBB] =	sst s0  }
0x18: {  	s0 =	sld [smem:$0x3F9E];
	_ =	swait.ge [sflag:s4], $0x0  }
0x19: {  	s7 =	sld [smem:$0x3F9F]  }
0x1a: {  	s8 =	sadd.s32 $0xFFFFE003, lr  }
0x1b: {  	s9 =	sadd.s32 $0xFFFFFEF7, lr;
	s5 =	simm.s32 $0xFFFFFFFF;
	p2 =	slt.u32 s8, $0xFFFFF086  }
0x1c: {  	p1 =	slt.u32 s9, $0xF7A;
	s5 =	simm.s32 @!p2 $0x0  }
0x1d: {  	s5 =	simm.s32 @p1 $0x1;
	p0 =	seq.s32 s7, s2  }
0x1e: {  	s7 =	smul.u32 @!p0 $0xF7A, s2;
	p2 =	seq.s32 @!p0 s5, $0x0  }
0x1f: {  	s9 =	smul.u32 $0xF7A, s1;
	s8 =	simm.s32 @!p0 $0x1BF5;
	p2 =	por !p2, p0  }
0x20: {  	[sflag:s8] =	ssyncset.s32 @!p0 $0xFFFFF086;
	s6 =	sadd.s32 @!p0 s3, s7;
	s7 =	simm.s32 @!p0 $0x108  }
0x21: {  	s3 =	sadd.s32 s3, s9;
	s6 =	sadd.s32 @!p0 $0x88, s6;
	s7 =	simm.s32 @p2 $0x1082  }
0x22: {  	[simem:s7], [sflag:s8] =	dma.local @!p0 [hbm:s6], $0xF7A  }
0x23: {  	s9 =	sor.u32 $0xD0000000, s2;
	s6 =	simm.s32 $0x108;
	_ =	swait.ge @!p0 [sflag:s8], $0x0  }
0x24: {  	s3 =	sadd.s32 $0x88, s3;
	s6 =	simm.s32 @!p1 $0x1082;
	[sflag:s4] =	ssyncset.s32 $0xFFFFF086  }
0x25: {  	[simem:s6], [sflag:s4] =	dma.local [hbm:s3], $0xF7A  }
0x26: {  	[smem:$0x3F9F] =	sst s1;
	(tag) =	ssettag s2;
	_ =	strace s9  }
0x27: {  	s1 =	sld [smem:$0x3FAF]  }
0x28: {  	s2 =	sld [smem:$0x3FB0]  }
0x29: {  	s4 =	sld [smem:$0x3FB2]  }
0x2a: {  	p0 =	seq.s32 s5, $0x0;
	s5 =	sld [smem:$0x3FB3]  }
0x2b: {  	s6 =	sld [smem:$0x3FB4]  }
0x2c: {  	s7 =	sld [smem:$0x3FB5]  }
0x2d: {  	s3 =	simm.s32 $0x108;
	s8 =	sld [smem:$0x3FB6]  }
0x2e: {  	s3 =	simm.s32 @!p0 $0x1082;
	s9 =	sld [smem:$0x3FB7]  }
0x2f: {  	lr =	sadd.s32 s0, s3;
	s0 =	sld [smem:$0x3FAE]  }
0x30: {  	s3 =	sld [smem:$0x3FB1]  }
0x31: {  	[smem:$0x3FBA] =	sst s10  }
0x32: {  	s10 =	sld [smem:$0x3FB8];
	_ =	sdelay $0x3  }
0x33: {  	p0 =	seq.s32 s10, $0x1;
	s10 =	sld [smem:$0x3FBA];
	_ =	sdelay $0x3  }
0x34: {  	[smem:$0x3FBA] =	sst s10  }
0x35: {  	s10 =	sld [smem:$0x3FB9];
	_ =	sdelay $0x3  }
0x36: {  	p1 =	seq.s32 s10, $0x1;
	s10 =	sld [smem:$0x3FBA];
	_ =	sdelay $0x3  }
0x37: {  	[smem:$0x3FBA] =	sst s10  }
0x38: {  	s10 =	sld [smem:$0x3FBB]  }
0x39: {  	_ = 	snop;
	(pc) =	sbr.ind lr, $3  }
0x3a: {  	_ = 	snop  }
0x3b: {  	_ = 	snop  }
0x3c: {  	p2 =	seq.s32 s10, $0x1;
	s10 =	sld [smem:$0x3FBA]  }
0x3d: {  	_ =	shalt  }
0x3e: {  	_ =	shalt  }
0x3f: {  	_ =	shalt  }
0x40: {  	_ =	shalt  }
0x41: {  	_ =	shalt  }
0x42: {  	_ =	shalt  }
0x43: {  	_ =	shalt  }
0x44: {  	_ =	shalt  }
0x45: {  	_ =	shalt  }
0x46: {  	_ =	shalt  }
0x47: {  	_ =	shalt  }
0x48: {  	_ =	shalt  }
0x49: {  	_ =	shalt  }
0x4a: {  	_ =	shalt  }
0x4b: {  	_ =	shalt  }
0x4c: {  	_ =	shalt  }
0x4d: {  	_ =	shalt  }
0x4e: {  	_ =	shalt  }
0x4f: {  	_ =	shalt  }
0x50: {  	_ =	shalt  }
0x51: {  	_ =	shalt  }
0x52: {  	_ =	shalt  }
0x53: {  	_ =	shalt  }
0x54: {  	_ =	shalt  }
0x55: {  	_ =	shalt  }
0x56: {  	_ =	shalt  }
0x57: {  	_ =	shalt  }
0x58: {  	_ =	shalt  }
0x59: {  	_ =	shalt  }
0x5a: {  	_ =	shalt  }
0x5b: {  	_ =	shalt  }
0x5c: {  	_ =	shalt  }
0x5d: {  	_ =	shalt  }
0x5e: {  	_ =	shalt  }
0x5f: {  	_ =	shalt  }
0x60: {  	_ =	shalt  }
0x61: {  	_ =	shalt  }
0x62: {  	_ =	shalt  }
0x63: {  	_ =	shalt  }
0x64: {  	_ =	shalt  }
0x65: {  	_ =	shalt  }
0x66: {  	_ =	shalt  }
0x67: {  	_ =	shalt  }
0x68: {  	_ =	shalt  }
0x69: {  	_ =	shalt  }
0x6a: {  	_ =	shalt  }
0x6b: {  	_ =	shalt  }
0x6c: {  	_ =	shalt  }
0x6d: {  	_ =	shalt  }
0x6e: {  	_ =	shalt  }
0x6f: {  	_ =	shalt  }
0x70: {  	_ =	shalt  }
0x71: {  	_ =	shalt  }
0x72: {  	_ =	shalt  }
0x73: {  	_ =	shalt  }
0x74: {  	_ =	shalt  }
0x75: {  	_ =	shalt  }
0x76: {  	_ =	shalt  }
0x77: {  	_ =	shalt  }
0x78: {  	_ =	shalt  }
0x79: {  	_ =	shalt  }
0x7a: {  	_ =	shalt  }
0x7b: {  	_ =	shalt  }
0x7c: {  	_ =	shalt  }
0x7d: {  	_ =	shalt  }
0x7e: {  	_ =	shalt  }
0x7f: {  	_ =	shalt  }
0x80: {  	_ =	shalt  }
0x81: {  	_ =	shalt  }
0x82: {  	_ =	shalt  }
0x83: {  	_ =	shalt  }
0x84: {  	_ =	shalt  }
0x85: {  	_ =	shalt  }
0x86: {  	_ =	shalt  }
0x87: {  	_ =	shalt  }
.Lfunc_end0:
.L_simem_size_0:
called_computation_lowered:
.L_overlay_start_0:
0x88: {  	s2 =	sld [smem:$0x3FD9]  }
0x89: {  	s3 =	sld [smem:$0x3FFE];
	_ =	sdelay $0x1  }
0x8a: {  	s1 =	srdreg.scid  }
0x8b: {  	s0 =	sand.u32 $0x1, s1  }
0x8c: {  	s17 =	sshll.u32 s0, $0xA;
	s2 =	sadd.s32 s3, s2  }
0x8d: {  	s2 =	sadd.s32 s2, s17  }
0x8e: {  	[smem:$0x3FC6] =	sst s2  }
0x8f: {  	_ = 	snop  }
0x90: {  	s2 =	sld [smem:$0x3FD0];
	(tm) =	ssettm $0x1  }
0x91: {  	s18 =	sld [smem:$0x3FFB];
	_ =	sdelay $0x3  }
0x92: {  	_ =	strace s18  }
0x93: {  	s3 =	sld [smem:$0x3FFC];
	_ =	sdelay $0x3  }
0x94: {  	_ =	strace s3  }
0x95: {  	s3 =	sld [smem:$0x3FFD];
	_ =	sdelay $0x3  }
0x96: {  	_ =	strace s3  }
0x97: {  	_ =	strace $0x8FFFFFFF  }
0x98: {  	s19 =	sld [smem:$0x3FDB];
	_ =	sdelay $0x1  }
0x99: {  	s4 =	simm.s32 $_scs_section_size  }
0x9a: {  	s5 =	simm.s32 $_size__tile_overlayer_lowered;
	s6 =	simm.s32 $_tile_overlayer_lowered  }
0x9b: {  	s22 =	simm.s32 $0x1BFF;
	s21 =	sshll.u32 s6, $0x1;
	s3 =	sadd.s32 s4, s19  }
0x9c: {  	s7 =	simm.s32 $0x0;
	s20 =	sshll.u32 s5, $0x1;
	s5 =	sadd.s32 s21, s3  }
0x9d: {  	[timem:s7], [sflag:s22] =	dma.local [hbm:s5], s20  }
0x9e: {  	_ =	swait.ge [sflag:s22], s20  }
0x9f: {  	s4 =	ssub.s32 $0x0, s20;
	[sflag:s22] =	ssyncset.done $0x0  }
0xa0: {  	[sflag:s22] =	ssyncadd.s32 s4;
	_ =	sdelay $0x1  }
0xa1: {  	s23 =	simm.s32 $0x1B8B  }
0xa2: {  	_ =	swait.ge [sflag:s23], $0x1  }
0xa3: {  	[sflag:s23] =	ssyncset.done $0x0  }
0xa4: {  	s25 =	simm.s32 $0x1B8E;
	s24 =	sld [smem:$0x3FFE];
	[sflag:s23] =	ssyncadd.s32 $0xFFFFFFFF  }
0xa5: {  	s26 =	simm.s32 $execute0_lowered;
	[smem:$0x3FD2] =	sst s25  }
0xa6: {  	s5 =	sshll.u32 s26, $0x1;
	_ =	strace $0x80000046;
	[dreg:$0x1] =	wrdreg $0xFFFFFFFF  }
0xa7: {  	s28 =	simm.s32 $_size_execute0_lowered;
	s3 =	sadd.s32 s3, s5;
	[dreg:$0x0] =	wrdreg $0x0  }
0xa8: {  	s5 =	sshll.u32 s28, $0x1;
	[dreg:$0x2] =	wrdreg s3  }
0xa9: {  	[dreg:$0x3] =	wrdreg s5  }
0xaa: {  	[dreg:$0x4] =	wrdreg $0xC0  }
0xab: {  	_ =	task [dreg:s7], $0x5FFFF  }
0xac: {  	[dreg:$0x1] =	wrdreg $0xFFFFFFFF  }
0xad: {  	[dreg:$0x0] =	wrdreg $0x60  }
0xae: {  	[dreg:$0x2] =	wrdreg s24  }
0xaf: {  	[dreg:$0x3] =	wrdreg s2  }
0xb0: {  	[dreg:$0x4] =	wrdreg $0x9  }
0xb1: {  	_ =	task.clear_ibuf [dreg:s7], $0x5FFFF;
	_ =	strace $0x90000046  }
0xb2: {  	s29 =	simm.s32 $0x9;
	_ =	strace $0x80000048  }
0xb3: {  	_ =	swait.ge [sflag:s29], $0x1  }
0xb4: {  	[sflag:s29] =	ssyncadd.s32 $0xFFFFFFFF  }
0xb5: {  	_ =	strace $0x90000048  }
0xb6: {  	_ =	sfence  }
0xb7: {  	s30 =	sld [smem:$0x0];
	_ =	sdelay $0x2  }
0xb8: {  	s31 =	sshll.u32 s1, $0xD;
	s1 =	sshrl.u32 s1, $0x2  }
0xb9: {  	s3 =	sand.u32 $0x4000, s31;
	s1 =	sadd.s32 s1, s30  }
0xba: {  	s0 =	sor.u32 s3, s0;
	s1 =	sshll.u32 s1, $0x11  }
0xbb: {  	s0 =	sor.u32 s1, s0  }
0xbc: {  	s0 =	sadd.s32 $0x8F2B, s0  }
0xbd: {  	[sflag:s0] =	ssyncadd.remote.s32 $0x1  }
0xbe: {  	_ =	sfence.sel $0xFFFF  }
0xbf: {  	[dreg:$0x0] =	wrdreg $0xFFFFFFFF;
	(pc) =	sbr.abs _section_cstart, $3  }
0xc0: {  	[dreg:$0x1] =	wrdreg $0xFFFFFFFF  }
0xc1: {  	_ =	task.clear_ibuf [dreg:s7], $0x2FFFF;
	_ =	strace $0x9FFFFFFF  }
0xc2: {  	(tm) =	ssettm $0x7FFFFFFF  }
0xc3: {  	_ =	shalt  }
tec
execute0_lowered:
.L_overlay_start_1:
0x0: {  	(tag) =	ssettag $0x1  }
0x1: {  	v0 =	vlaneseq.u32;
	s3 =	stileid.u32  }
0x2: {  	s0 =	rddreg [dreg:$0x0];
	v1 =	vmul.u32 $0x80, v0;
	s4 =	sshll.u32 s3, $0x1;
	s3 =	simm.s32 $0x0  }
0x3: {  	[smem:$0x7FF] =	sst s3  }
0x4: {  	s2 =	rddreg [dreg:$0x1];
	v6 =	vor.u32 $0x830, v0;
	_ =	strace $0x80000047;
	[tilespmem:$0x1FD10] =	vst v1  }
0x5: {  	v22 =	vor.u32 $0x40, v0;
	[tilespmem:$0x1FE40] =	vst v6  }
0x6: {  	v23 =	vor.u32 $0x840, v0;
	[tilespmem:$0x1FE50] =	vst v22  }
0x7: {  	v17 =	vor.u32 $0x1040, v0;
	[tilespmem:$0x1FE60] =	vst v23  }
0x8: {  	v13 =	vor.u32 $0x50, v0;
	[tilespmem:$0x1FE70] =	vst v17  }
0x9: {  	v20 =	vor.u32 $0x850, v0;
	[tilespmem:$0x1FE80] =	vst v13  }
0xa: {  	v32 =	vor.u32 $0x1050, v0;
	[tilespmem:$0x1FE90] =	vst v20  }
0xb: {  	v30 =	vor.u32 $0x60, v0;
	[tilespmem:$0x1FEA0] =	vst v32  }
0xc: {  	v26 =	vor.u32 $0x860, v0;
	[tilespmem:$0x1FEB0] =	vst v30  }
0xd: {  	v28 =	vor.u32 $0x1060, v0;
	[tilespmem:$0x1FEC0] =	vst v26  }
0xe: {  	v27 =	vor.u32 $0x70, v0;
	[tilespmem:$0x1FED0] =	vst v28  }
0xf: {  	v29 =	vor.u32 $0x870, v0;
	[tilespmem:$0x1FEE0] =	vst v27  }
0x10: {  	v34 =	vor.u32 $0x1070, v0;
	[tilespmem:$0x1FEF0] =	vst v29  }
0x11: {  	v40 =	vor.u32 $0x800, v0;
	[tilespmem:$0x1FF00] =	vst v34  }
0x12: {  	v35 =	vor.u32 $0x1000, v0;
	[tilespmem:$0x1FF60] =	vst v40  }
0x13: {  	v42 =	vor.u32 $0x10, v0;
	[tilespmem:$0x1FF70] =	vst v35  }
0x14: {  	v37 =	vor.u32 $0x810, v0;
	[tilespmem:$0x1FF80] =	vst v42  }
0x15: {  	v44 =	vor.u32 $0x1010, v0;
	[tilespmem:$0x1FF90] =	vst v37  }
0x16: {  	v39 =	vor.u32 $0x20, v0;
	[tilespmem:$0x1FFA0] =	vst v44  }
0x17: {  	v46 =	vor.u32 $0x820, v0;
	[tilespmem:$0x1FFB0] =	vst v39  }
0x18: {  	v41 =	vor.u32 $0x1020, v0;
	[tilespmem:$0x1FFC0] =	vst v46  }
0x19: {  	v4 =	vor.u32 $0x30, v0;
	[tilespmem:$0x1FFD0] =	vst v41  }
0x1a: {  	v8 =	vor.u32 $0x1030, v0;
	[tilespmem:$0x1FFE0] =	vst v4  }
0x1b: {  	v51 =	vor.u32 $0x10, v1;
	[tilespmem:$0x1FFF0] =	vst v8  }
0x1c: {  	v5 =	vor.u32 $0x20, v1;
	[tilespmem:$0x1FD20] =	vst v51  }
0x1d: {  	v2 =	vor.u32 $0x800, v1;
	[tilespmem:$0x1FD30] =	vst v5  }
0x1e: {  	v24 =	vor.u32 $0x810, v1;
	[tilespmem:$0x1FD40] =	vst v2  }
0x1f: {  	v3 =	vor.u32 $0x820, v1;
	[tilespmem:$0x1FD50] =	vst v24  }
0x20: {  	v19 =	vor.u32 $0x1000, v1;
	[tilespmem:$0x1FD60] =	vst v3  }
0x21: {  	v48 =	vor.u32 $0x1010, v1;
	[tilespmem:$0x1FD70] =	vst v19  }
0x22: {  	v10 =	vor.u32 $0x1020, v1;
	[tilespmem:$0x1FD80] =	vst v48  }
0x23: {  	v12 =	vor.u32 $0x1800, v1;
	[tilespmem:$0x1FD90] =	vst v10  }
0x24: {  	v9 =	vor.u32 $0x1810, v1;
	[tilespmem:$0x1FDA0] =	vst v12  }
0x25: {  	v50 =	vor.u32 $0x1820, v1;
	[tilespmem:$0x1FDB0] =	vst v9  }
0x26: {  	v60 =	vor.u32 $0x2000, v1;
	[tilespmem:$0x1FDC0] =	vst v50  }
0x27: {  	v49 =	vor.u32 $0x2010, v1;
	[tilespmem:$0x1FDD0] =	vst v60  }
0x28: {  	v11 =	vor.u32 $0x2020, v1;
	[tilespmem:$0x1FDE0] =	vst v49  }
0x29: {  	s1 =	srdreg.scid;
	s10 =	simm.s32 $0x3;
	v31 =	vor.u32 $0x2800, v1;
	[tilespmem:$0x1FDF0] =	vst v11  }
0x2a: {  	s11 =	simm.s32 $0x80;
	s12 =	simm.s32 $0x6000;
	s13 =	simm.s32 $0xA000;
	v14 =	vor.u32 $0x2810, v1;
	[tilespmem:$0x1FE00] =	vst v31  }
0x2b: {  	s15 =	simm.s32 $0xE000;
	s16 =	simm.s32 $0x1;
	s17 =	simm.s32 $0x12000;
	v33 =	vor.u32 $0x2820, v1;
	[tilespmem:$0x1FE10] =	vst v14  }
0x2c: {  	s18 =	simm.s32 $0x16000;
	s19 =	simm.s32 $0x400;
	s20 =	simm.s32 $0x8000;
	v7 =	vor.u32 $0x3000, v1;
	[tilespmem:$0x1FE20] =	vst v33  }
0x2d: {  	s21 =	simm.s32 $0x17800;
	s22 =	simm.s32 $0x19000;
	s1 =	sand.u32 $0x1, s1;
	v16 =	vor.u32 $0x3010, v1;
	[tilespmem:$0x1FE30] =	vst v7  }
0x2e: {  	s23 =	simm.s32 $0x1A800;
	s24 =	simm.s32 $0x2;
	s6 =	sor.u32 s1, s4;
	v36 =	vor.u32 $0x3020, v1;
	[tilespmem:$0x1FF10] =	vst v16  }
0x2f: {  	s25 =	simm.s32 $0x0;
	s1 =	ssub.s32 $0x2, s1;
	s5 =	smul.u32 $0xC00, s6;
	v18 =	vor.u32 $0x3800, v1;
	[tilespmem:$0x1FF20] =	vst v36  }
0x30: {  	s4 =	sadd.s32 $0x18800, s0;
	s7 =	sshrl.u32 s1, $0x1;
	v38 =	vor.u32 $0x3810, v1;
	s6 =	sshll.u32 s6, $0xA;
	[tilespmem:$0x1FF30] =	vst v18  }
0x31: {  	v21 =	vor.u32 $0x3820, v1;
	s1 =	ssub.s32 s1, s7;
	s7 =	sadd.s32 $0x6000, s2;
	[tilespmem:$0x1FF40] =	vst v38;
	s0 =	sadd.s32 s5, s0  }
0x32: {  	s8 =	sor.u32 $0x60000, s6;
	[tilespmem:$0x1FF50] =	vst v21;
	s9 =	smax.u32 s1, $0x1;
	s5 =	sadd.s32 $0x800, s0  }
.LBB2_1:
0x33: {  	[tilespmem:s3], [sflag:$0x3] =	stream.linear.gather [hbm4b:s5+s3], $0x6000, $0x38;
	[tilespmem:$0x1C000] =	vst v63  }
0x34: {  	_ =	swait.ge [sflag:s10], $0x6000  }
0x35: {  	[sflag:s10] =	ssyncset.done $0x0  }
0x36: {  	[sflag:s10] =	ssyncadd.s32 $0xFFFFA000  }
0x37: {  	[tilespmem:s12], [sflag:$0x1] =	stream.indirect.gather [hbm4b:s4+s11], $0x80, s3, s11, $0xb8;
	[tilespmem:$0x1C000] =	vst v63  }
0x38: {  	_ = 	snop  }
0x39: {  	[tilespmem:s13], [sflag:$0x1] =	stream.indirect.gather [hbm4b:s4+s11], $0x80, s11, s11, $0xb8;
	[tilespmem:$0x1C000] =	vst v63  }
0x3a: {  	s0 =	simm.s32 $0x100;
	s26 =	simm.s32 $0x0  }
0x3b: {  	[tilespmem:s15], [sflag:$0x1] =	stream.indirect.gather [hbm4b:s4+s11], $0x80, s0, s11, $0xb8;
	[tilespmem:$0x1C000] =	vst v63  }
.LBB2_2:
0x3c: {  	_ =	swait.ge [sflag:s16], $0x4000;
	s28 =	sshllo.u32 s26, $0x2;
	s1 =	simm.s32 $0x0  }
0x3d: {  	[sflag:s16] =	ssyncset.done $0x0;
	s0 =	sshll.u32 s28, $0x7;
	v0 =	vadd.s32 s1, v0  }
0x3e: {  	v25 =	vmov v24;
	v24 =	vmov v1;
	p0 =	seq.s32 s26, $0x0;
	[sflag:s16] =	ssyncadd.s32 $0xFFFFC000;
	s0 =	sand.u32 $0x3FFFFF80, s0;
	v1 =	vand.u32 $0xF, v0  }
0x3f: {  	v57 =	vmovc v14;
	v14 =	vmov v11;
	v11 =	vmov v2;
	[tilespmem:s17], [sflag:$0x1] =	stream.indirect.gather [hbm4b:s4+s11], $0x80, s0, s11, $0xb8;
	v2 =	vor.u32 v3, v1;
	[tilespmem:$0x1C000] =	vst v63  }
0x40: {  	s0 =	simm.s32 @!p0 $0x2  }
0x41: {  	_ =	swait.ge @!p0 [sflag:s0], $0x1800  }
0x42: {  	[sflag:s0] =	ssyncset.done @!p0 $0x0  }
0x43: {  	[sflag:s0] =	ssyncadd.s32 @!p0 $0xFFFFE800  }
0x44: {  	v5 =	vor.u32 v5, v1;
	v2 =	vld.idx.msk [tilespmem:v2+s12+$0x0], $0xffff;
	_ =	sdelay $0x2  }
0x45: {  	v51 =	vor.u32 v51, v0  }
0x46: {  	v54 =	vor.u32 v38, v0  }
0x47: {  	v45 =	vor.u32 v25, v0;
	[tilespmem:$0x1FCF0] =	vst v2;
	v2 =	vld.idx.msk [tilespmem:v5+s12+$0x0], $0xffff  }
0x48: {  	v55 =	vor.u32 v16, v0  }
0x49: {  	v56 =	vor.u32 v57, v0  }
0x4a: {  	v43 =	vmov v48;
	v62 =	vmov v49;
	v59 =	vor.u32 v9, v0;
	v63 =	vld.idx.msk [tilespmem:v51+s12+$0x0], $0xffff  }
0x4b: {  	v15 =	vmovc v19;
	v52 =	vor.u32 v43, v0;
	v16 =	vmov v35;
	v0 =	vor.u32 v62, v0;
	v35 =	vld.idx.msk [tilespmem:v54+s12+$0x0], $0xffff  }
0x4c: {  	v47 =	vor.u32 v15, v1;
	[tilespmem:$0x1FCD0] =	vst v2;
	v2 =	vld.idx.msk [tilespmem:v45+s12+$0x0], $0xffff  }
0x4d: {  	v19 =	vmovc v33;
	v33 =	vmov v50;
	v53 =	vor.u32 v12, v1;
	v58 =	vor.u32 v36, v1;
	v36 =	vld.idx.msk [tilespmem:v55+s12+$0x0], $0xffff  }
0x4e: {  	v50 =	vmov v21;
	v43 =	vmov v37;
	v61 =	vor.u32 v33, v1;
	v37 =	vld.idx.msk [tilespmem:v56+s12+$0x0], $0xffff  }
0x4f: {  	v21 =	vmov v62;
	v62 =	vor.u32 v50, v1;
	v59 =	vld.idx.msk [tilespmem:v59+s12+$0x0], $0xffff  }
0x50: {  	v51 =	vor.u32 v14, v1;
	v56 =	vld.idx.msk [tilespmem:v0+s12+$0x0], $0xffff  }
0x51: {  	v54 =	vor.u32 v60, v1;
	[tilespmem:$0x1FCE0] =	vst v2;
	v2 =	vld.idx.msk [tilespmem:v47+s12+$0x0], $0xffff  }
0x52: {  	v12 =	vmov v40;
	v40 =	vld.idx.msk [tilespmem:v53+s12+$0x0], $0xffff  }
0x53: {  	v61 =	vld.idx.msk [tilespmem:v61+s12+$0x0], $0xffff;
	v53 =	vor.u32 v10, v1  }
0x54: {  	v62 =	vld.idx.msk [tilespmem:v62+s12+$0x0], $0xffff  }
0x55: {  	v45 =	vmov v39;
	v39 =	vld.idx.msk [tilespmem:v51+s12+$0x0], $0xffff;
	v51 =	vor.u32 v24, v1  }
0x56: {  	v38 =	vmovc v3;
	v3 =	vmov v18;
	v18 =	vmov v60;
	v60 =	vld.idx.msk [tilespmem:v54+s12+$0x0], $0xffff;
	[tilespmem:$0x1FD00] =	vst v2;
	v2 =	vor.u32 v11, v1  }
0x57: {  	v54 =	vor.u32 v31, v1;
	v5 =	vld.idx.msk [tilespmem:v58+s12+$0x0], $0xffff  }
0x58: {  	v58 =	vor.u32 v7, v1;
	v53 =	vld.idx.msk [tilespmem:v53+s12+$0x0], $0xffff  }
0x59: {  	v48 =	vlaneseq.u32;
	v0 =	vshll.u32 v1, $0x7;
	v24 =	vor.u32 v3, v1;
	v47 =	vmovc v41;
	v41 =	vld.idx.msk [tilespmem:v52+s12+$0x0], $0xffff  }
0x5a: {  	v52 =	vor.u32 v19, v1;
	v51 =	vld.idx.msk [tilespmem:v51+s12+$0x0], $0xffff;
	v1 =	vor.u32 v48, v0  }
0x5b: {  	v55 =	vld.idx.msk [tilespmem:v2+s12+$0x0], $0xffff;
	v2 =	vor.u32 v12, v0  }
0x5c: {  	v54 =	vld.idx.msk [tilespmem:v54+s12+$0x0], $0xffff  }
0x5d: {  	v58 =	vld.idx.msk [tilespmem:v58+s12+$0x0], $0xffff  }
0x5e: {  	v15 =	vmov v6;
	v6 =	vmov v28;
	v28 =	vmov v57;
	v57 =	vld.idx.msk [tilespmem:v24+s12+$0x0], $0xffff  }
0x5f: {  	v52 =	vld.idx.msk [tilespmem:v52+s12+$0x0], $0xffff;
	[tilespmem:v1+s18+$0x0] =	vst.idx.msk $0xffff, v51  }
0x60: {  	v24 =	vor.u32 v16, v0;
	[tilespmem:v2+s18+$0x0] =	vst.idx.msk $0xffff, v63;
	v2 =	vor.u32 v45, v0;
	v45 =	vld [tilespmem:$0x1FCD0]  }
0x61: {  	v42 =	vor.u32 v42, v0;
	_ =	sdelay $0x3  }
0x62: {  	[tilespmem:v24+s18+$0x0] =	vst.idx.msk $0xffff, v45  }
0x63: {  	v43 =	vor.u32 v43, v0;
	[tilespmem:v42+s18+$0x0] =	vst.idx.msk $0xffff, v55;
	v55 =	vld [tilespmem:$0x1FCE0]  }
0x64: {  	v1 =	vor.u32 v44, v0;
	v12 =	vld [tilespmem:$0x1FCF0]  }
0x65: {  	v16 =	vld [tilespmem:$0x1FD00]  }
0x66: {  	v46 =	vor.u32 v46, v0  }
0x67: {  	v47 =	vor.u32 v47, v0  }
0x68: {  	v63 =	vor.u32 v4, v0;
	[tilespmem:v43+s18+$0x0] =	vst.idx.msk $0xffff, v55  }
0x69: {  	[tilespmem:v1+s18+$0x0] =	vst.idx.msk $0xffff, v12;
	v1 =	vor.u32 v15, v0  }
0x6a: {  	[tilespmem:v2+s18+$0x0] =	vst.idx.msk $0xffff, v16;
	v2 =	vor.u32 v8, v0  }
0x6b: {  	v22 =	vor.u32 v22, v0;
	[tilespmem:v46+s18+$0x0] =	vst.idx.msk $0xffff, v41  }
0x6c: {  	v23 =	vor.u32 v23, v0;
	[tilespmem:v47+s18+$0x0] =	vst.idx.msk $0xffff, v53  }
0x6d: {  	v24 =	vor.u32 v17, v0;
	[tilespmem:v63+s18+$0x0] =	vst.idx.msk $0xffff, v40  }
0x6e: {  	[tilespmem:v1+s18+$0x0] =	vst.idx.msk $0xffff, v59;
	v1 =	vor.u32 v13, v0  }
0x6f: {  	[tilespmem:v2+s18+$0x0] =	vst.idx.msk $0xffff, v61;
	v2 =	vor.u32 v20, v0  }
0x70: {  	v32 =	vor.u32 v32, v0;
	[tilespmem:v22+s18+$0x0] =	vst.idx.msk $0xffff, v60  }
0x71: {  	v40 =	vor.u32 v30, v0;
	[tilespmem:v23+s18+$0x0] =	vst.idx.msk $0xffff, v56  }
0x72: {  	v41 =	vor.u32 v26, v0;
	[tilespmem:v24+s18+$0x0] =	vst.idx.msk $0xffff, v39  }
0x73: {  	[tilespmem:v1+s18+$0x0] =	vst.idx.msk $0xffff, v54;
	v1 =	vor.u32 v6, v0  }
0x74: {  	[tilespmem:v2+s18+$0x0] =	vst.idx.msk $0xffff, v37  }
0x75: {  	s31 =	simm.s32 $0x1;
	v3 =	vlaneseq.u32;
	v2 =	vor.u32 v27, v0;
	[tilespmem:v32+s18+$0x0] =	vst.idx.msk $0xffff, v52  }
0x76: {  	v42 =	vor.u32 v29, v0;
	[tilespmem:v40+s18+$0x0] =	vst.idx.msk $0xffff, v58;
	v58 =	vadd.s32 s31, v3  }
0x77: {  	v0 =	vor.u32 v34, v0;
	[tilespmem:v41+s18+$0x0] =	vst.idx.msk $0xffff, v36;
	v59 =	vand.u32 $0xF, v58  }
0x78: {  	[tilespmem:v1+s18+$0x0] =	vst.idx.msk $0xffff, v5;
	v1 =	vor.u32 v14, v59  }
0x79: {  	v3 =	vld [tilespmem:$0x1FD80]  }
0x7a: {  	v43 =	vor.u32 v9, v58;
	[tilespmem:v2+s18+$0x0] =	vst.idx.msk $0xffff, v57  }
0x7b: {  	v44 =	vor.u32 v38, v59;
	[tilespmem:v42+s18+$0x0] =	vst.idx.msk $0xffff, v35  }
0x7c: {  	v2 =	vor.u32 v25, v58;
	[tilespmem:v0+s18+$0x0] =	vst.idx.msk $0xffff, v62  }
0x7d: {  	v50 =	vld.idx.msk [tilespmem:v1+s12+$0x0], $0xffff;
	v1 =	vor.u32 v28, v58  }
0x7e: {  	v45 =	vor.u32 v3, v58;
	v3 =	vld [tilespmem:$0x1FD70]  }
0x7f: {  	v46 =	vor.u32 v33, v59;
	v53 =	vld.idx.msk [tilespmem:v43+s12+$0x0], $0xffff  }
0x80: {  	v0 =	vor.u32 v7, v59;
	v56 =	vld.idx.msk [tilespmem:v44+s12+$0x0], $0xffff  }
0x81: {  	v55 =	vld.idx.msk [tilespmem:v2+s12+$0x0], $0xffff  }
0x82: {  	v2 =	vor.u32 v19, v59;
	v52 =	vld.idx.msk [tilespmem:v1+s12+$0x0], $0xffff  }
0x83: {  	v47 =	vor.u32 v3, v59;
	v1 =	vld [tilespmem:$0x1FDA0]  }
0x84: {  	v54 =	vld.idx.msk [tilespmem:v46+s12+$0x0], $0xffff  }
0x85: {  	v49 =	vld.idx.msk [tilespmem:v0+s12+$0x0], $0xffff  }
0x86: {  	v61 =	vor.u32 v11, v59;
	v57 =	vld.idx.msk [tilespmem:v45+s12+$0x0], $0xffff  }
0x87: {  	v48 =	vshll.u32 v59, $0x7;
	v62 =	vor.u32 v21, v58;
	v0 =	vor.u32 v31, v59;
	v51 =	vld.idx.msk [tilespmem:v2+s12+$0x0], $0xffff  }
0x88: {  	s29 =	simm.s32 $0x2;
	v2 =	vor.u32 v10, v59;
	v60 =	vld.idx.msk [tilespmem:v47+s12+$0x0], $0xffff;
	v63 =	vor.u32 v1, v59;
	v1 =	vor.u32 v18, v59  }
.LBB2_3:
0x89: {  	_ =	sdelay $0x3  }
0x8a: {  	v2 =	vld.idx.msk [tilespmem:v2+s12+$0x0], $0xffff  }
0x8b: {  	v30 =	vld [tilespmem:$0x1FD30]  }
0x8c: {  	v62 =	vld.idx.msk [tilespmem:v62+s12+$0x0], $0xffff  }
0x8d: {  	v32 =	vld [tilespmem:$0x1FD20]  }
0x8e: {  	v0 =	vld.idx.msk [tilespmem:v0+s12+$0x0], $0xffff  }
0x8f: {  	v31 =	vld [tilespmem:$0x1FD10]  }
0x90: {  	v63 =	vld.idx.msk [tilespmem:v63+s12+$0x0], $0xffff  }
0x91: {  	v1 =	vld.idx.msk [tilespmem:v1+s12+$0x0], $0xffff  }
0x92: {  	v44 =	vld [tilespmem:$0x1FF50]  }
0x93: {  	v61 =	vld.idx.msk [tilespmem:v61+s12+$0x0], $0xffff  }
0x94: {  	v45 =	vld [tilespmem:$0x1FF40]  }
0x95: {  	v46 =	vld [tilespmem:$0x1FF30]  }
0x96: {  	v47 =	vld [tilespmem:$0x1FF20]  }
0x97: {  	v14 =	vld [tilespmem:$0x1FF10]  }
0x98: {  	v43 =	vld [tilespmem:$0x1FF60]  }
0x99: {  	v42 =	vld [tilespmem:$0x1FF70]  }
0x9a: {  	v41 =	vld [tilespmem:$0x1FF80]  }
0x9b: {  	v40 =	vld [tilespmem:$0x1FF90];
	v3 =	vor.u32 v30, v59  }
0x9c: {  	v39 =	vld [tilespmem:$0x1FFA0];
	v4 =	vor.u32 v32, v58  }
0x9d: {  	v37 =	vld [tilespmem:$0x1FFB0];
	v5 =	vor.u32 v31, v59  }
0x9e: {  	v36 =	vld [tilespmem:$0x1FFC0];
	v6 =	vor.u32 v44, v59  }
0x9f: {  	v38 =	vld [tilespmem:$0x1FFD0];
	v7 =	vor.u32 v45, v58  }
0xa0: {  	v8 =	vor.u32 v46, v59;
	v3 =	vld.idx.msk [tilespmem:v3+s12+$0x0], $0xffff  }
0xa1: {  	v9 =	vlaneseq.u32;
	v19 =	vor.u32 v47, v59;
	v4 =	vld.idx.msk [tilespmem:v4+s12+$0x0], $0xffff  }
0xa2: {  	v9 =	vor.u32 v9, v48;
	v20 =	vor.u32 v14, v58;
	v5 =	vld.idx.msk [tilespmem:v5+s12+$0x0], $0xffff  }
0xa3: {  	v10 =	vor.u32 v43, v48;
	v6 =	vld.idx.msk [tilespmem:v6+s12+$0x0], $0xffff  }
0xa4: {  	v11 =	vor.u32 v42, v48;
	v7 =	vld.idx.msk [tilespmem:v7+s12+$0x0], $0xffff  }
0xa5: {  	v12 =	vor.u32 v41, v48;
	v8 =	vld.idx.msk [tilespmem:v8+s12+$0x0], $0xffff  }
0xa6: {  	v13 =	vor.u32 v40, v48;
	v59 =	vld.idx.msk [tilespmem:v19+s12+$0x0], $0xffff  }
0xa7: {  	v21 =	vor.u32 v39, v48;
	v58 =	vld.idx.msk [tilespmem:v20+s12+$0x0], $0xffff;
	[tilespmem:v9+s18+$0x0] =	vst.idx.msk $0xffff, v5  }
0xa8: {  	v22 =	vor.u32 v37, v48;
	[tilespmem:v10+s18+$0x0] =	vst.idx.msk $0xffff, v4  }
0xa9: {  	[tilespmem:v11+s18+$0x0] =	vst.idx.msk $0xffff, v3;
	v3 =	vor.u32 v36, v48  }
0xaa: {  	v23 =	vor.u32 v38, v48;
	[tilespmem:v12+s18+$0x0] =	vst.idx.msk $0xffff, v61  }
0xab: {  	v35 =	vld [tilespmem:$0x1FFE0];
	[tilespmem:v13+s18+$0x0] =	vst.idx.msk $0xffff, v55  }
0xac: {  	v27 =	vld [tilespmem:$0x1FE40];
	[tilespmem:v21+s18+$0x0] =	vst.idx.msk $0xffff, v56  }
0xad: {  	v26 =	vld [tilespmem:$0x1FFF0];
	[tilespmem:v22+s18+$0x0] =	vst.idx.msk $0xffff, v60  }
0xae: {  	v24 =	vld [tilespmem:$0x1FE50];
	[tilespmem:v3+s18+$0x0] =	vst.idx.msk $0xffff, v57  }
0xaf: {  	[tilespmem:v23+s18+$0x0] =	vst.idx.msk $0xffff, v2;
	v23 =	vld [tilespmem:$0x1FE60]  }
0xb0: {  	v61 =	vor.u32 v35, v48;
	v22 =	vld [tilespmem:$0x1FE70]  }
0xb1: {  	v16 =	vor.u32 v27, v48;
	v20 =	vld [tilespmem:$0x1FE80]  }
0xb2: {  	v17 =	vor.u32 v26, v48;
	v19 =	vld [tilespmem:$0x1FE90]  }
0xb3: {  	v33 =	vld [tilespmem:$0x1FEA0];
	v3 =	vor.u32 v24, v48  }
0xb4: {  	v29 =	vld [tilespmem:$0x1FEB0];
	v2 =	vor.u32 v23, v48  }
0xb5: {  	v28 =	vld [tilespmem:$0x1FEC0];
	[tilespmem:v61+s18+$0x0] =	vst.idx.msk $0xffff, v63;
	v25 =	vor.u32 v22, v48  }
0xb6: {  	v34 =	vld [tilespmem:$0x1FF00];
	[tilespmem:v16+s18+$0x0] =	vst.idx.msk $0xffff, v53;
	v53 =	vor.u32 v20, v48  }
0xb7: {  	v18 =	vld [tilespmem:$0x1FEF0];
	[tilespmem:v17+s18+$0x0] =	vst.idx.msk $0xffff, v54;
	v54 =	vor.u32 v19, v48  }
0xb8: {  	v15 =	vld [tilespmem:$0x1FD70];
	[tilespmem:v3+s18+$0x0] =	vst.idx.msk $0xffff, v1;
	v1 =	vor.u32 v33, v48  }
0xb9: {  	v13 =	vld [tilespmem:$0x1FD50];
	[tilespmem:v2+s18+$0x0] =	vst.idx.msk $0xffff, v62;
	v2 =	vor.u32 v29, v48  }
0xba: {  	s1 =	smov.u32 s29;
	v60 =	vlaneseq.u32;
	[tilespmem:v25+s18+$0x0] =	vst.idx.msk $0xffff, v50;
	v25 =	vld [tilespmem:$0x1FED0]  }
0xbb: {  	v21 =	vld [tilespmem:$0x1FEE0];
	v9 =	vadd.s32 s1, v60;
	[tilespmem:v53+s18+$0x0] =	vst.idx.msk $0xffff, v0  }
0xbc: {  	v11 =	vand.u32 $0xF, v9;
	v12 =	vor.u32 v32, v9;
	v32 =	vld [tilespmem:$0x1FD40];
	[tilespmem:v54+s18+$0x0] =	vst.idx.msk $0xffff, v52  }
0xbd: {  	v57 =	vor.u32 v30, v11;
	v30 =	vld [tilespmem:$0x1FE30];
	[tilespmem:v1+s18+$0x0] =	vst.idx.msk $0xffff, v51  }
0xbe: {  	v3 =	vor.u32 v28, v48;
	[tilespmem:v2+s18+$0x0] =	vst.idx.msk $0xffff, v49;
	v2 =	vld [tilespmem:$0x1FD60]  }
0xbf: {  	v49 =	vor.u32 v15, v11;
	v15 =	vld [tilespmem:$0x1FDC0];
	v0 =	vor.u32 v25, v48  }
0xc0: {  	v63 =	vor.u32 v45, v9;
	v45 =	vld [tilespmem:$0x1FE10];
	v55 =	vor.u32 v21, v48  }
0xc1: {  	v56 =	vor.u32 v18, v48;
	v10 =	vor.u32 v44, v11;
	v44 =	vld [tilespmem:$0x1FDD0]  }
0xc2: {  	v5 =	vor.u32 v34, v48;
	v16 =	vld [tilespmem:$0x1FDF0]  }
0xc3: {  	v17 =	vld [tilespmem:$0x1FE20];
	[tilespmem:v3+s18+$0x0] =	vst.idx.msk $0xffff, v58;
	v2 =	vor.u32 v2, v11  }
0xc4: {  	v50 =	vor.u32 v15, v11;
	v15 =	vld [tilespmem:$0x1FE00];
	[tilespmem:v0+s18+$0x0] =	vst.idx.msk $0xffff, v59  }
0xc5: {  	v1 =	vor.u32 v31, v11;
	v31 =	vld [tilespmem:$0x1FDE0];
	[tilespmem:v55+s18+$0x0] =	vst.idx.msk $0xffff, v8  }
0xc6: {  	v13 =	vor.u32 v13, v9;
	v3 =	vld [tilespmem:$0x1FDA0];
	[tilespmem:v56+s18+$0x0] =	vst.idx.msk $0xffff, v7  }
0xc7: {  	v8 =	vor.u32 v47, v11;
	v47 =	vld [tilespmem:$0x1FD80];
	[tilespmem:v5+s18+$0x0] =	vst.idx.msk $0xffff, v6  }
0xc8: {  	v2 =	vld.idx.msk [tilespmem:v2+s12+$0x0], $0xffff  }
0xc9: {  	v51 =	vor.u32 v15, v11;
	v15 =	vld [tilespmem:$0x1FDB0]  }
0xca: {  	v62 =	vor.u32 v14, v9;
	v48 =	vld.idx.msk [tilespmem:v57+s12+$0x0], $0xffff  }
0xcb: {  	v13 =	vld.idx.msk [tilespmem:v13+s12+$0x0], $0xffff  }
0xcc: {  	v49 =	vld.idx.msk [tilespmem:v49+s12+$0x0], $0xffff  }
0xcd: {  	v12 =	vld.idx.msk [tilespmem:v12+s12+$0x0], $0xffff  }
0xce: {  	v4 =	vor.u32 v30, v11;
	v56 =	vld.idx.msk [tilespmem:v63+s12+$0x0], $0xffff  }
0xcf: {  	v55 =	vld.idx.msk [tilespmem:v62+s12+$0x0], $0xffff  }
0xd0: {  	v52 =	vshll.u32 v11, $0x7;
	v54 =	vor.u32 v32, v11;
	v50 =	vld.idx.msk [tilespmem:v50+s12+$0x0], $0xffff  }
0xd1: {  	v46 =	vor.u32 v46, v11;
	v62 =	vor.u32 v40, v52;
	v40 =	vld [tilespmem:$0x1FD90]  }
0xd2: {  	v53 =	vor.u32 v17, v11;
	v10 =	vld.idx.msk [tilespmem:v10+s12+$0x0], $0xffff  }
0xd3: {  	v3 =	vor.u32 v3, v11;
	v4 =	vld.idx.msk [tilespmem:v4+s12+$0x0], $0xffff  }
0xd4: {  	v0 =	vor.u32 v16, v11;
	v1 =	vld.idx.msk [tilespmem:v1+s12+$0x0], $0xffff  }
0xd5: {  	v54 =	vld.idx.msk [tilespmem:v54+s12+$0x0], $0xffff  }
0xd6: {  	v6 =	vor.u32 v31, v9;
	v63 =	vld.idx.msk [tilespmem:v46+s12+$0x0], $0xffff  }
0xd7: {  	v57 =	vor.u32 v44, v11;
	v53 =	vld.idx.msk [tilespmem:v53+s12+$0x0], $0xffff  }
0xd8: {  	v3 =	vld.idx.msk [tilespmem:v3+s12+$0x0], $0xffff  }
0xd9: {  	v0 =	vld.idx.msk [tilespmem:v0+s12+$0x0], $0xffff;
	v7 =	vor.u32 v47, v9  }
0xda: {  	v8 =	vld.idx.msk [tilespmem:v8+s12+$0x0], $0xffff;
	v61 =	vor.u32 v15, v9  }
0xdb: {  	v6 =	vld.idx.msk [tilespmem:v6+s12+$0x0], $0xffff;
	v9 =	vor.u32 v45, v9  }
0xdc: {  	v58 =	vor.u32 v60, v52;
	v57 =	vld.idx.msk [tilespmem:v57+s12+$0x0], $0xffff;
	v11 =	vor.u32 v40, v11  }
0xdd: {  	v59 =	vor.u32 v43, v52;
	v51 =	vld.idx.msk [tilespmem:v51+s12+$0x0], $0xffff  }
0xde: {  	v60 =	vor.u32 v42, v52;
	v7 =	vld.idx.msk [tilespmem:v7+s12+$0x0], $0xffff  }
0xdf: {  	v5 =	vld.idx.msk [tilespmem:v61+s12+$0x0], $0xffff;
	v61 =	vor.u32 v41, v52  }
0xe0: {  	v9 =	vld.idx.msk [tilespmem:v9+s12+$0x0], $0xffff  }
0xe1: {  	v14 =	vor.u32 v39, v52;
	v11 =	vld.idx.msk [tilespmem:v11+s12+$0x0], $0xffff;
	[tilespmem:v58+s18+$0x0] =	vst.idx.msk $0xffff, v1  }
0xe2: {  	v1 =	vor.u32 v37, v52;
	[tilespmem:v59+s18+$0x0] =	vst.idx.msk $0xffff, v12  }
0xe3: {  	v12 =	vor.u32 v36, v52;
	[tilespmem:v60+s18+$0x0] =	vst.idx.msk $0xffff, v48  }
0xe4: {  	v36 =	vor.u32 v38, v52;
	[tilespmem:v61+s18+$0x0] =	vst.idx.msk $0xffff, v54  }
0xe5: {  	[tilespmem:v62+s18+$0x0] =	vst.idx.msk $0xffff, v13;
	v13 =	vor.u32 v35, v52  }
0xe6: {  	[tilespmem:v14+s18+$0x0] =	vst.idx.msk $0xffff, v2;
	v2 =	vor.u32 v27, v52  }
0xe7: {  	[tilespmem:v1+s18+$0x0] =	vst.idx.msk $0xffff, v49;
	v1 =	vor.u32 v26, v52  }
0xe8: {  	v37 =	vor.u32 v24, v52;
	[tilespmem:v12+s18+$0x0] =	vst.idx.msk $0xffff, v7  }
0xe9: {  	v38 =	vor.u32 v23, v52;
	[tilespmem:v36+s18+$0x0] =	vst.idx.msk $0xffff, v11  }
0xea: {  	[tilespmem:v13+s18+$0x0] =	vst.idx.msk $0xffff, v3;
	v3 =	vor.u32 v22, v52  }
0xeb: {  	[tilespmem:v2+s18+$0x0] =	vst.idx.msk $0xffff, v5;
	v2 =	vor.u32 v20, v52  }
0xec: {  	[tilespmem:v1+s18+$0x0] =	vst.idx.msk $0xffff, v50;
	v1 =	vor.u32 v19, v52  }
0xed: {  	v39 =	vor.u32 v33, v52;
	[tilespmem:v37+s18+$0x0] =	vst.idx.msk $0xffff, v57  }
0xee: {  	v41 =	vor.u32 v29, v52;
	[tilespmem:v38+s18+$0x0] =	vst.idx.msk $0xffff, v6  }
0xef: {  	[tilespmem:v3+s18+$0x0] =	vst.idx.msk $0xffff, v0;
	v0 =	vor.u32 v28, v52  }
0xf0: {  	[tilespmem:v2+s18+$0x0] =	vst.idx.msk $0xffff, v51;
	v2 =	vor.u32 v25, v52  }
0xf1: {  	[tilespmem:v1+s18+$0x0] =	vst.idx.msk $0xffff, v9;
	v1 =	vor.u32 v21, v52  }
0xf2: {  	v3 =	vor.u32 v18, v52;
	[tilespmem:v39+s18+$0x0] =	vst.idx.msk $0xffff, v53  }
0xf3: {  	[tilespmem:v41+s18+$0x0] =	vst.idx.msk $0xffff, v4  }
0xf4: {  	s0 =	sadd.s32 $0x1, s1;
	v43 =	vlaneseq.u32;
	[tilespmem:v0+s18+$0x0] =	vst.idx.msk $0xffff, v55  }
0xf5: {  	v58 =	vadd.s32 s0, v43;
	[tilespmem:v2+s18+$0x0] =	vst.idx.msk $0xffff, v8  }
0xf6: {  	v42 =	vor.u32 v34, v52;
	v59 =	vand.u32 $0xF, v58;
	[tilespmem:v1+s18+$0x0] =	vst.idx.msk $0xffff, v63;
	v1 =	vld [tilespmem:$0x1FD50]  }
0xf7: {  	v2 =	vor.u32 v16, v59;
	[tilespmem:v3+s18+$0x0] =	vst.idx.msk $0xffff, v56;
	v3 =	vld [tilespmem:$0x1FD60];
	_ =	sdelay $0x2  }
0xf8: {  	v0 =	vor.u32 v15, v58  }
0xf9: {  	[tilespmem:v42+s18+$0x0] =	vst.idx.msk $0xffff, v10;
	v1 =	vor.u32 v1, v58  }
0xfa: {  	v50 =	vld.idx.msk [tilespmem:v2+s12+$0x0], $0xffff;
	v3 =	vor.u32 v3, v59  }
0xfb: {  	v2 =	vld [tilespmem:$0x1FDC0];
	_ =	sdelay $0x1  }
0xfc: {  	v53 =	vld.idx.msk [tilespmem:v0+s12+$0x0], $0xffff;
	v0 =	vor.u32 v45, v58  }
0xfd: {  	v55 =	vld.idx.msk [tilespmem:v1+s12+$0x0], $0xffff  }
0xfe: {  	v1 =	vor.u32 v17, v59;
	v56 =	vld.idx.msk [tilespmem:v3+s12+$0x0], $0xffff  }
0xff: {  	v3 =	vor.u32 v2, v59;
	v2 =	vld [tilespmem:$0x1FD70];
	_ =	sdelay $0x1  }
0x100: {  	v46 =	vor.u32 v30, v59;
	v52 =	vld.idx.msk [tilespmem:v0+s12+$0x0], $0xffff  }
0x101: {  	v5 =	vor.u32 v47, v58;
	v0 =	vld [tilespmem:$0x1FE00]  }
0x102: {  	v51 =	vld.idx.msk [tilespmem:v1+s12+$0x0], $0xffff  }
0x103: {  	p0 =	slt.u32 s29, $0xE;
	v1 =	vld [tilespmem:$0x1FDA0];
	v47 =	vor.u32 v2, v59  }
.Ltmp0:
0x104: {  	_ = 	snop;
	(pc) =	sbr.rel @p0 .LBB2_3-.Ltmp0, $4  }
0x105: {  	v49 =	vld.idx.msk [tilespmem:v46+s12+$0x0], $0xffff  }
0x106: {  	v48 =	vshll.u32 v59, $0x7;
	v61 =	vor.u32 v32, v59;
	v57 =	vld.idx.msk [tilespmem:v5+s12+$0x0], $0xffff  }
0x107: {  	v62 =	vor.u32 v31, v58;
	v14 =	vlaneseq.u32;
	v0 =	vor.u32 v0, v59;
	v54 =	vld.idx.msk [tilespmem:v3+s12+$0x0], $0xffff  }
0x108: {  	s29 =	sadd.s32 $0x2, s29;
	v2 =	vor.u32 v40, v59;
	v63 =	vor.u32 v1, v59;
	v1 =	vor.u32 v44, v59;
	v60 =	vld.idx.msk [tilespmem:v47+s12+$0x0], $0xffff  }
0x109: {  	_ =	sdelay $0x3  }
0x10a: {  	v2 =	vld.idx.msk [tilespmem:v2+s12+$0x0], $0xffff  }
0x10b: {  	v3 =	vld [tilespmem:$0x1FD30]  }
0x10c: {  	v4 =	vld.idx.msk [tilespmem:v62+s12+$0x0], $0xffff  }
0x10d: {  	v5 =	vld [tilespmem:$0x1FD20]  }
0x10e: {  	v0 =	vld.idx.msk [tilespmem:v0+s12+$0x0], $0xffff  }
0x10f: {  	v6 =	vld [tilespmem:$0x1FD10]  }
0x110: {  	v7 =	vld.idx.msk [tilespmem:v63+s12+$0x0], $0xffff  }
0x111: {  	v1 =	vld.idx.msk [tilespmem:v1+s12+$0x0], $0xffff  }
0x112: {  	v29 =	vld [tilespmem:$0x1FF50]  }
0x113: {  	v9 =	vld.idx.msk [tilespmem:v61+s12+$0x0], $0xffff  }
0x114: {  	v19 =	vld [tilespmem:$0x1FF40]  }
0x115: {  	v27 =	vld [tilespmem:$0x1FF30]  }
0x116: {  	v26 =	vld [tilespmem:$0x1FF20]  }
0x117: {  	v18 =	vld [tilespmem:$0x1FF10]  }
0x118: {  	v31 =	vld [tilespmem:$0x1FF60]  }
0x119: {  	v33 =	vld [tilespmem:$0x1FF70]  }
0x11a: {  	v36 =	vld [tilespmem:$0x1FF80];
	v3 =	vor.u32 v3, v59  }
0x11b: {  	v38 =	vld [tilespmem:$0x1FF90];
	v5 =	vor.u32 v5, v58  }
0x11c: {  	v39 =	vld [tilespmem:$0x1FFA0];
	v6 =	vor.u32 v6, v59  }
0x11d: {  	v41 =	vld [tilespmem:$0x1FFB0];
	v8 =	vor.u32 v29, v59  }
0x11e: {  	v43 =	vld [tilespmem:$0x1FFC0];
	v10 =	vor.u32 v19, v58  }
0x11f: {  	v11 =	vor.u32 v27, v59;
	v3 =	vld.idx.msk [tilespmem:v3+s12+$0x0], $0xffff  }
0x120: {  	v12 =	vor.u32 v26, v59;
	v5 =	vld.idx.msk [tilespmem:v5+s12+$0x0], $0xffff  }
0x121: {  	v14 =	vor.u32 v14, v48;
	v13 =	vor.u32 v18, v58;
	v6 =	vld.idx.msk [tilespmem:v6+s12+$0x0], $0xffff  }
0x122: {  	v16 =	vor.u32 v31, v48;
	v8 =	vld.idx.msk [tilespmem:v8+s12+$0x0], $0xffff  }
0x123: {  	v17 =	vor.u32 v33, v48;
	v10 =	vld.idx.msk [tilespmem:v10+s12+$0x0], $0xffff  }
0x124: {  	v20 =	vor.u32 v36, v48;
	v11 =	vld.idx.msk [tilespmem:v11+s12+$0x0], $0xffff  }
0x125: {  	v21 =	vor.u32 v38, v48;
	v12 =	vld.idx.msk [tilespmem:v12+s12+$0x0], $0xffff  }
0x126: {  	v22 =	vor.u32 v39, v48;
	v13 =	vld.idx.msk [tilespmem:v13+s12+$0x0], $0xffff;
	[tilespmem:v14+s18+$0x0] =	vst.idx.msk $0xffff, v6  }
0x127: {  	v23 =	vor.u32 v41, v48;
	[tilespmem:v16+s18+$0x0] =	vst.idx.msk $0xffff, v5  }
0x128: {  	v44 =	vld [tilespmem:$0x1FFD0];
	[tilespmem:v17+s18+$0x0] =	vst.idx.msk $0xffff, v3;
	v3 =	vor.u32 v43, v48  }
0x129: {  	[tilespmem:v20+s18+$0x0] =	vst.idx.msk $0xffff, v9  }
0x12a: {  	v63 =	vld [tilespmem:$0x1FFE0];
	[tilespmem:v21+s18+$0x0] =	vst.idx.msk $0xffff, v55  }
0x12b: {  	v28 =	vld [tilespmem:$0x1FE40];
	[tilespmem:v22+s18+$0x0] =	vst.idx.msk $0xffff, v56  }
0x12c: {  	v30 =	vld [tilespmem:$0x1FFF0];
	[tilespmem:v23+s18+$0x0] =	vst.idx.msk $0xffff, v60  }
0x12d: {  	v24 =	vor.u32 v44, v48;
	[tilespmem:v3+s18+$0x0] =	vst.idx.msk $0xffff, v57;
	v3 =	vld [tilespmem:$0x1FE50];
	_ =	sdelay $0x1  }
0x12e: {  	v25 =	vor.u32 v63, v48  }
0x12f: {  	v6 =	vor.u32 v28, v48  }
0x130: {  	v5 =	vor.u32 v30, v48  }
0x131: {  	[tilespmem:v24+s18+$0x0] =	vst.idx.msk $0xffff, v2;
	v2 =	vld [tilespmem:$0x1FE60];
	v3 =	vor.u32 v3, v48  }
0x132: {  	v37 =	vld [tilespmem:$0x1FE70]  }
0x133: {  	v40 =	vld [tilespmem:$0x1FE80];
	[tilespmem:v25+s18+$0x0] =	vst.idx.msk $0xffff, v7  }
0x134: {  	[tilespmem:v6+s18+$0x0] =	vst.idx.msk $0xffff, v53  }
0x135: {  	v42 =	vld [tilespmem:$0x1FE90];
	[tilespmem:v5+s18+$0x0] =	vst.idx.msk $0xffff, v54  }
0x136: {  	v2 =	vor.u32 v2, v48;
	[tilespmem:v3+s18+$0x0] =	vst.idx.msk $0xffff, v1;
	v1 =	vld [tilespmem:$0x1FEA0]  }
0x137: {  	v7 =	vor.u32 v37, v48  }
0x138: {  	v6 =	vor.u32 v40, v48;
	_ =	sdelay $0x1  }
0x139: {  	v5 =	vor.u32 v42, v48  }
0x13a: {  	[tilespmem:v2+s18+$0x0] =	vst.idx.msk $0xffff, v4;
	v2 =	vld [tilespmem:$0x1FEB0];
	v1 =	vor.u32 v1, v48  }
0x13b: {  	v3 =	vld [tilespmem:$0x1FEC0];
	[tilespmem:v7+s18+$0x0] =	vst.idx.msk $0xffff, v50  }
0x13c: {  	[tilespmem:v6+s18+$0x0] =	vst.idx.msk $0xffff, v0;
	v0 =	vld [tilespmem:$0x1FED0]  }
0x13d: {  	v45 =	vld [tilespmem:$0x1FEE0]  }
0x13e: {  	v46 =	vld [tilespmem:$0x1FEF0];
	[tilespmem:v5+s18+$0x0] =	vst.idx.msk $0xffff, v52  }
0x13f: {  	v2 =	vor.u32 v2, v48;
	[tilespmem:v1+s18+$0x0] =	vst.idx.msk $0xffff, v51;
	v1 =	vld [tilespmem:$0x1FF00]  }
0x140: {  	v3 =	vor.u32 v3, v48  }
0x141: {  	v0 =	vor.u32 v0, v48  }
0x142: {  	v4 =	vor.u32 v45, v48  }
0x143: {  	v5 =	vor.u32 v46, v48  }
0x144: {  	[tilespmem:v2+s18+$0x0] =	vst.idx.msk $0xffff, v49;
	v1 =	vor.u32 v1, v48  }
0x145: {  	s29 =	smul.u32 $0xC0000, s26;
	[tilespmem:v3+s18+$0x0] =	vst.idx.msk $0xffff, v13  }
0x146: {  	[tilespmem:v0+s18+$0x0] =	vst.idx.msk $0xffff, v12  }
0x147: {  	s0 =	sor.u32 s6, s29;
	[tilespmem:v4+s18+$0x0] =	vst.idx.msk $0xffff, v11  }
0x148: {  	p0 =	seq.s32 s26, $0x2F;
	s31 =	sshrl.u32 s0, $0x3;
	[tilespmem:v5+s18+$0x0] =	vst.idx.msk $0xffff, v10  }
0x149: {  	p1 =	seq.s32 @!p0 s26, $0x0;
	s0 =	sadd.s32 s2, s31;
	[tilespmem:v1+s18+$0x0] =	vst.idx.msk $0xffff, v8  }
0x14a: {  	[hbm4b:s0+s19] =	stream.strided.scatter [tilespmem:s18], [sflag:$0x2], $0x1800, s20, s19, $0x38;
	[tilespmem:$0x1C000] =	vst v63  }
0x14b: {  	s1 =	simm.s32 @!p0 $0x80;
	s0 =	sshll.u32 @!p0 s26, $0x9;
	_ =	swait.ge [sflag:s16], $0x4000  }
0x14c: {  	s14 =	simm.s32 @!p0 $0x6000;
	s30 =	sand.u32 @!p0 $0x3FFFFE00, s0;
	[sflag:s16] =	ssyncset.done $0x0  }
0x14d: {  	p1 =	por p0, !p1;
	s0 =	sadd.s32 @!p0 $0x200, s30;
	[sflag:s16] =	ssyncadd.s32 $0xFFFFC000  }
0x14e: {  	[tilespmem:s14], [sflag:$0x1] =	stream.indirect.gather @!p0 [hbm4b:s4+s1], $0x80, s0, s1, $0xb8;
	[tilespmem:$0x1C000] =	vst v63  }
0x14f: {  	_ =	swait.ge @p1 [sflag:s24], $0x1800  }
0x150: {  	v16 =	vld [tilespmem:$0x1FD60]  }
0x151: {  	v3 =	vld [tilespmem:$0x1FD30]  }
0x152: {  	v17 =	vld [tilespmem:$0x1FD50]  }
0x153: {  	v47 =	vmov v19;
	v19 =	vld [tilespmem:$0x1FD70]  }
0x154: {  	v50 =	vld [tilespmem:$0x1FD20]  }
0x155: {  	v20 =	vld [tilespmem:$0x1FD80]  }
0x156: {  	v21 =	vld [tilespmem:$0x1FDA0]  }
0x157: {  	v22 =	vld [tilespmem:$0x1FE10]  }
0x158: {  	v23 =	vld [tilespmem:$0x1FDF0]  }
0x159: {  	v25 =	vld [tilespmem:$0x1FDB0]  }
0x15a: {  	v28 =	vld [tilespmem:$0x1FDD0]  }
0x15b: {  	v15 =	vlaneseq.u32;
	v35 =	vmov v30;
	s1 =	simm.s32 $0x0;
	v30 =	vld [tilespmem:$0x1FDC0]  }
0x15c: {  	v0 =	vadd.s32 s1, v15;
	v32 =	vld [tilespmem:$0x1FDE0]  }
0x15d: {  	v9 =	vor.u32 v47, v0;
	v34 =	vld [tilespmem:$0x1FE30]  }
0x15e: {  	v53 =	vor.u32 v18, v0;
	v24 =	vld [tilespmem:$0x1FD10]  }
0x15f: {  	v1 =	vand.u32 $0xF, v0;
	v37 =	vld [tilespmem:$0x1FD90]  }
0x160: {  	[sflag:s24] =	ssyncset.done @p1 $0x0;
	v40 =	vld [tilespmem:$0x1FE00];
	v56 =	vor.u32 v26, v1  }
0x161: {  	v42 =	vld [tilespmem:$0x1FE20];
	[sflag:s24] =	ssyncadd.s32 @p1 $0xFFFFE800;
	v60 =	vor.u32 v29, v1  }
0x162: {  	v2 =	vor.u32 v16, v1;
	v9 =	vld.idx.msk [tilespmem:v9+s13+$0x0], $0xffff  }
0x163: {  	v3 =	vor.u32 v3, v1;
	v10 =	vld.idx.msk [tilespmem:v53+s13+$0x0], $0xffff  }
0x164: {  	v48 =	vor.u32 v17, v0;
	v62 =	vor.u32 v24, v1;
	v24 =	vld [tilespmem:$0x1FD40]  }
0x165: {  	v49 =	vor.u32 v19, v1;
	v13 =	vld.idx.msk [tilespmem:v56+s13+$0x0], $0xffff  }
0x166: {  	v6 =	vor.u32 v50, v0;
	v50 =	vld.idx.msk [tilespmem:v60+s13+$0x0], $0xffff  }
0x167: {  	v51 =	vor.u32 v20, v0;
	v2 =	vld.idx.msk [tilespmem:v2+s13+$0x0], $0xffff  }
0x168: {  	v52 =	vor.u32 v21, v1;
	v3 =	vld.idx.msk [tilespmem:v3+s13+$0x0], $0xffff  }
0x169: {  	v54 =	vor.u32 v22, v0;
	v4 =	vld.idx.msk [tilespmem:v48+s13+$0x0], $0xffff  }
0x16a: {  	v55 =	vor.u32 v23, v1;
	v5 =	vld.idx.msk [tilespmem:v49+s13+$0x0], $0xffff  }
0x16b: {  	v57 =	vor.u32 v25, v0;
	v6 =	vld.idx.msk [tilespmem:v6+s13+$0x0], $0xffff  }
0x16c: {  	v58 =	vor.u32 v28, v1;
	v7 =	vld.idx.msk [tilespmem:v51+s13+$0x0], $0xffff  }
0x16d: {  	v59 =	vor.u32 v30, v1;
	v8 =	vld.idx.msk [tilespmem:v52+s13+$0x0], $0xffff  }
0x16e: {  	v0 =	vor.u32 v32, v0;
	v11 =	vld.idx.msk [tilespmem:v54+s13+$0x0], $0xffff  }
0x16f: {  	v61 =	vor.u32 v34, v1;
	v12 =	vld.idx.msk [tilespmem:v55+s13+$0x0], $0xffff  }
0x170: {  	v14 =	vld.idx.msk [tilespmem:v57+s13+$0x0], $0xffff  }
0x171: {  	v26 =	vor.u32 v27, v1;
	v48 =	vld.idx.msk [tilespmem:v58+s13+$0x0], $0xffff  }
0x172: {  	v27 =	vor.u32 v37, v1;
	v49 =	vld.idx.msk [tilespmem:v59+s13+$0x0], $0xffff  }
0x173: {  	v18 =	vor.u32 v24, v1;
	v0 =	vld.idx.msk [tilespmem:v0+s13+$0x0], $0xffff  }
0x174: {  	v29 =	vor.u32 v40, v1;
	v51 =	vld.idx.msk [tilespmem:v61+s13+$0x0], $0xffff;
	v57 =	vshll.u32 v1, $0x7  }
0x175: {  	v1 =	vor.u32 v42, v1;
	v52 =	vld.idx.msk [tilespmem:v62+s13+$0x0], $0xffff;
	v45 =	vor.u32 v15, v57  }
0x176: {  	v54 =	vld.idx.msk [tilespmem:v26+s13+$0x0], $0xffff;
	v46 =	vor.u32 v31, v57  }
0x177: {  	v55 =	vld.idx.msk [tilespmem:v27+s13+$0x0], $0xffff;
	v47 =	vor.u32 v33, v57  }
0x178: {  	v53 =	vld.idx.msk [tilespmem:v18+s13+$0x0], $0xffff;
	v18 =	vor.u32 v36, v57  }
0x179: {  	v56 =	vld.idx.msk [tilespmem:v29+s13+$0x0], $0xffff;
	v26 =	vor.u32 v38, v57  }
0x17a: {  	v27 =	vor.u32 v39, v57;
	v1 =	vld.idx.msk [tilespmem:v1+s13+$0x0], $0xffff;
	[tilespmem:v45+s21+$0x0] =	vst.idx.msk $0xffff, v52  }
0x17b: {  	v29 =	vor.u32 v41, v57;
	[tilespmem:v46+s21+$0x0] =	vst.idx.msk $0xffff, v6  }
0x17c: {  	[tilespmem:v47+s21+$0x0] =	vst.idx.msk $0xffff, v3;
	v3 =	vor.u32 v43, v57  }
0x17d: {  	[tilespmem:v18+s21+$0x0] =	vst.idx.msk $0xffff, v53  }
0x17e: {  	[tilespmem:v26+s21+$0x0] =	vst.idx.msk $0xffff, v4  }
0x17f: {  	[tilespmem:v27+s21+$0x0] =	vst.idx.msk $0xffff, v2;
	v2 =	vld [tilespmem:$0x1FE40]  }
0x180: {  	[tilespmem:v29+s21+$0x0] =	vst.idx.msk $0xffff, v5  }
0x181: {  	[tilespmem:v3+s21+$0x0] =	vst.idx.msk $0xffff, v7;
	v3 =	vld [tilespmem:$0x1FE50]  }
0x182: {  	v31 =	vor.u32 v44, v57;
	v38 =	vld [tilespmem:$0x1FE60]  }
0x183: {  	v33 =	vor.u32 v63, v57  }
0x184: {  	v2 =	vor.u32 v2, v57  }
0x185: {  	v36 =	vor.u32 v35, v57  }
0x186: {  	v3 =	vor.u32 v3, v57  }
0x187: {  	v6 =	vor.u32 v38, v57;
	[tilespmem:v31+s21+$0x0] =	vst.idx.msk $0xffff, v55  }
0x188: {  	v39 =	vld [tilespmem:$0x1FE70];
	[tilespmem:v33+s21+$0x0] =	vst.idx.msk $0xffff, v8  }
0x189: {  	[tilespmem:v2+s21+$0x0] =	vst.idx.msk $0xffff, v14;
	v2 =	vld [tilespmem:$0x1FE80]  }
0x18a: {  	v41 =	vld [tilespmem:$0x1FE90];
	[tilespmem:v36+s21+$0x0] =	vst.idx.msk $0xffff, v49  }
0x18b: {  	[tilespmem:v3+s21+$0x0] =	vst.idx.msk $0xffff, v48;
	v3 =	vld [tilespmem:$0x1FEA0]  }
0x18c: {  	[tilespmem:v6+s21+$0x0] =	vst.idx.msk $0xffff, v0;
	v0 =	vld [tilespmem:$0x1FEB0]  }
0x18d: {  	v4 =	vor.u32 v39, v57  }
0x18e: {  	v2 =	vor.u32 v2, v57  }
0x18f: {  	v5 =	vor.u32 v41, v57  }
0x190: {  	v3 =	vor.u32 v3, v57  }
0x191: {  	v0 =	vor.u32 v0, v57  }
0x192: {  	v43 =	vld [tilespmem:$0x1FEC0];
	[tilespmem:v4+s21+$0x0] =	vst.idx.msk $0xffff, v12  }
0x193: {  	[tilespmem:v2+s21+$0x0] =	vst.idx.msk $0xffff, v56;
	v2 =	vld [tilespmem:$0x1FED0]  }
0x194: {  	v44 =	vld [tilespmem:$0x1FEE0];
	[tilespmem:v5+s21+$0x0] =	vst.idx.msk $0xffff, v11  }
0x195: {  	[tilespmem:v3+s21+$0x0] =	vst.idx.msk $0xffff, v1;
	v1 =	vld [tilespmem:$0x1FEF0]  }
0x196: {  	[tilespmem:v0+s21+$0x0] =	vst.idx.msk $0xffff, v51;
	v0 =	vld [tilespmem:$0x1FF00]  }
0x197: {  	v4 =	vor.u32 v43, v57  }
0x198: {  	v2 =	vor.u32 v2, v57  }
0x199: {  	v5 =	vor.u32 v44, v57  }
0x19a: {  	s14 =	simm.s32 $0x1;
	v1 =	vor.u32 v1, v57  }
0x19b: {  	v58 =	vadd.s32 s14, v15;
	v0 =	vor.u32 v0, v57  }
0x19c: {  	v3 =	vor.u32 v25, v58;
	[tilespmem:v4+s21+$0x0] =	vst.idx.msk $0xffff, v10  }
0x19d: {  	v45 =	vor.u32 v17, v58;
	[tilespmem:v2+s21+$0x0] =	vst.idx.msk $0xffff, v13  }
0x19e: {  	v59 =	vand.u32 $0xF, v58;
	v46 =	vor.u32 v20, v58;
	[tilespmem:v5+s21+$0x0] =	vst.idx.msk $0xffff, v54  }
0x19f: {  	v2 =	vor.u32 v23, v59;
	[tilespmem:v1+s21+$0x0] =	vst.idx.msk $0xffff, v9  }
0x1a0: {  	v1 =	vor.u32 v16, v59;
	[tilespmem:v0+s21+$0x0] =	vst.idx.msk $0xffff, v50  }
0x1a1: {  	v47 =	vor.u32 v19, v59;
	v53 =	vld.idx.msk [tilespmem:v3+s13+$0x0], $0xffff  }
0x1a2: {  	v0 =	vor.u32 v34, v59;
	v55 =	vld.idx.msk [tilespmem:v45+s13+$0x0], $0xffff  }
0x1a3: {  	v3 =	vor.u32 v42, v59;
	v57 =	vld.idx.msk [tilespmem:v46+s13+$0x0], $0xffff  }
0x1a4: {  	v50 =	vld.idx.msk [tilespmem:v2+s13+$0x0], $0xffff;
	v2 =	vor.u32 v22, v58  }
0x1a5: {  	v56 =	vld.idx.msk [tilespmem:v1+s13+$0x0], $0xffff;
	v1 =	vor.u32 v30, v59  }
0x1a6: {  	v60 =	vld.idx.msk [tilespmem:v47+s13+$0x0], $0xffff  }
0x1a7: {  	v49 =	vld.idx.msk [tilespmem:v0+s13+$0x0], $0xffff  }
0x1a8: {  	v62 =	vor.u32 v32, v58;
	v51 =	vld.idx.msk [tilespmem:v3+s13+$0x0], $0xffff  }
0x1a9: {  	v61 =	vor.u32 v24, v59;
	v63 =	vor.u32 v21, v59;
	v52 =	vld.idx.msk [tilespmem:v2+s13+$0x0], $0xffff;
	v2 =	vor.u32 v37, v59  }
0x1aa: {  	s1 =	simm.s32 $0x2;
	v48 =	vshll.u32 v59, $0x7;
	v0 =	vor.u32 v40, v59;
	v54 =	vld.idx.msk [tilespmem:v1+s13+$0x0], $0xffff;
	v1 =	vor.u32 v28, v59  }
.LBB2_5:
0x1ab: {  	_ =	sdelay $0x2  }
0x1ac: {  	v2 =	vld.idx.msk [tilespmem:v2+s13+$0x0], $0xffff  }
0x1ad: {  	v26 =	vld [tilespmem:$0x1FD30]  }
0x1ae: {  	v4 =	vld.idx.msk [tilespmem:v62+s13+$0x0], $0xffff  }
0x1af: {  	v27 =	vld [tilespmem:$0x1FD20]  }
0x1b0: {  	v0 =	vld.idx.msk [tilespmem:v0+s13+$0x0], $0xffff  }
0x1b1: {  	v18 =	vld [tilespmem:$0x1FD10]  }
0x1b2: {  	v7 =	vld.idx.msk [tilespmem:v63+s13+$0x0], $0xffff  }
0x1b3: {  	v1 =	vld.idx.msk [tilespmem:v1+s13+$0x0], $0xffff  }
0x1b4: {  	v39 =	vld [tilespmem:$0x1FF50]  }
0x1b5: {  	v9 =	vld.idx.msk [tilespmem:v61+s13+$0x0], $0xffff  }
0x1b6: {  	v36 =	vld [tilespmem:$0x1FF40]  }
0x1b7: {  	v42 =	vld [tilespmem:$0x1FF30]  }
0x1b8: {  	v15 =	vld [tilespmem:$0x1FF20]  }
0x1b9: {  	v35 =	vld [tilespmem:$0x1FF10]  }
0x1ba: {  	v63 =	vld [tilespmem:$0x1FF60]  }
0x1bb: {  	v45 =	vld [tilespmem:$0x1FF70]  }
0x1bc: {  	v46 =	vld [tilespmem:$0x1FF80]  }
0x1bd: {  	v47 =	vld [tilespmem:$0x1FF90]  }
0x1be: {  	v16 =	vld [tilespmem:$0x1FFA0]  }
0x1bf: {  	v31 =	vld [tilespmem:$0x1FFB0]  }
0x1c0: {  	v37 =	vld [tilespmem:$0x1FFC0]  }
0x1c1: {  	v43 =	vld [tilespmem:$0x1FFD0];
	v3 =	vor.u32 v26, v59  }
0x1c2: {  	v21 =	vld [tilespmem:$0x1FE40];
	v5 =	vor.u32 v27, v58  }
0x1c3: {  	v20 =	vld [tilespmem:$0x1FFF0];
	v6 =	vor.u32 v18, v59  }
0x1c4: {  	v17 =	vld [tilespmem:$0x1FE50];
	v8 =	vor.u32 v39, v59  }
0x1c5: {  	v32 =	vld [tilespmem:$0x1FE90];
	v10 =	vor.u32 v36, v58  }
0x1c6: {  	v11 =	vor.u32 v42, v59;
	v3 =	vld.idx.msk [tilespmem:v3+s13+$0x0], $0xffff  }
0x1c7: {  	v12 =	vor.u32 v15, v59;
	v5 =	vld.idx.msk [tilespmem:v5+s13+$0x0], $0xffff  }
0x1c8: {  	v14 =	vlaneseq.u32;
	v13 =	vor.u32 v35, v58;
	v6 =	vld.idx.msk [tilespmem:v6+s13+$0x0], $0xffff  }
0x1c9: {  	v14 =	vor.u32 v14, v48;
	v8 =	vld.idx.msk [tilespmem:v8+s13+$0x0], $0xffff  }
0x1ca: {  	v10 =	vld.idx.msk [tilespmem:v10+s13+$0x0], $0xffff  }
0x1cb: {  	v22 =	vor.u32 v63, v48;
	v11 =	vld.idx.msk [tilespmem:v11+s13+$0x0], $0xffff  }
0x1cc: {  	v23 =	vor.u32 v45, v48;
	v12 =	vld.idx.msk [tilespmem:v12+s13+$0x0], $0xffff  }
0x1cd: {  	v24 =	vor.u32 v46, v48;
	v13 =	vld.idx.msk [tilespmem:v13+s13+$0x0], $0xffff  }
0x1ce: {  	v25 =	vor.u32 v47, v48;
	[tilespmem:v14+s21+$0x0] =	vst.idx.msk $0xffff, v6;
	v14 =	vld [tilespmem:$0x1FFE0]  }
0x1cf: {  	v30 =	vld [tilespmem:$0x1FEA0];
	v33 =	vor.u32 v16, v48  }
0x1d0: {  	v28 =	vld [tilespmem:$0x1FEB0];
	v34 =	vor.u32 v31, v48;
	[tilespmem:v22+s21+$0x0] =	vst.idx.msk $0xffff, v5  }
0x1d1: {  	v29 =	vld [tilespmem:$0x1FED0];
	[tilespmem:v23+s21+$0x0] =	vst.idx.msk $0xffff, v3;
	v3 =	vor.u32 v37, v48  }
0x1d2: {  	v38 =	vor.u32 v43, v48;
	v22 =	vld [tilespmem:$0x1FE60];
	[tilespmem:v24+s21+$0x0] =	vst.idx.msk $0xffff, v9  }
0x1d3: {  	v23 =	vld [tilespmem:$0x1FE70];
	[tilespmem:v25+s21+$0x0] =	vst.idx.msk $0xffff, v55;
	v14 =	vor.u32 v14, v48  }
0x1d4: {  	v40 =	vor.u32 v21, v48;
	v25 =	vld [tilespmem:$0x1FE80];
	[tilespmem:v33+s21+$0x0] =	vst.idx.msk $0xffff, v56  }
0x1d5: {  	v19 =	vld [tilespmem:$0x1FEF0];
	v41 =	vor.u32 v20, v48;
	[tilespmem:v34+s21+$0x0] =	vst.idx.msk $0xffff, v60  }
0x1d6: {  	v58 =	vld [tilespmem:$0x1FF00];
	[tilespmem:v3+s21+$0x0] =	vst.idx.msk $0xffff, v57;
	v3 =	vor.u32 v17, v48  }
0x1d7: {  	v24 =	vld [tilespmem:$0x1FEC0];
	[tilespmem:v38+s21+$0x0] =	vst.idx.msk $0xffff, v2;
	v2 =	vor.u32 v22, v48  }
0x1d8: {  	v56 =	vld [tilespmem:$0x1FD70];
	v44 =	vor.u32 v23, v48;
	[tilespmem:v14+s21+$0x0] =	vst.idx.msk $0xffff, v7  }
0x1d9: {  	v33 =	vld [tilespmem:$0x1FD80];
	[tilespmem:v40+s21+$0x0] =	vst.idx.msk $0xffff, v53;
	v53 =	vor.u32 v25, v48  }
0x1da: {  	s0 =	smov.u32 s1;
	v55 =	vor.u32 v32, v48;
	v34 =	vld [tilespmem:$0x1FEE0];
	v57 =	vlaneseq.u32;
	[tilespmem:v41+s21+$0x0] =	vst.idx.msk $0xffff, v54  }
0x1db: {  	v6 =	vadd.s32 s0, v57;
	v38 =	vld [tilespmem:$0x1FDF0];
	[tilespmem:v3+s21+$0x0] =	vst.idx.msk $0xffff, v1;
	v1 =	vor.u32 v30, v48  }
0x1dc: {  	v9 =	vand.u32 $0xF, v6;
	v14 =	vor.u32 v27, v6;
	v27 =	vld [tilespmem:$0x1FD50];
	[tilespmem:v2+s21+$0x0] =	vst.idx.msk $0xffff, v4;
	v2 =	vor.u32 v28, v48  }
0x1dd: {  	v62 =	vor.u32 v26, v9;
	v26 =	vld [tilespmem:$0x1FD60];
	v3 =	vor.u32 v24, v48;
	[tilespmem:v44+s21+$0x0] =	vst.idx.msk $0xffff, v50  }
0x1de: {  	v40 =	vld [tilespmem:$0x1FE30];
	[tilespmem:v53+s21+$0x0] =	vst.idx.msk $0xffff, v0;
	v0 =	vor.u32 v29, v48  }
0x1df: {  	v59 =	vor.u32 v34, v48;
	v41 =	vld [tilespmem:$0x1FD40];
	[tilespmem:v55+s21+$0x0] =	vst.idx.msk $0xffff, v52  }
0x1e0: {  	v60 =	vor.u32 v19, v48;
	v44 =	vld [tilespmem:$0x1FE20];
	[tilespmem:v1+s21+$0x0] =	vst.idx.msk $0xffff, v51  }
0x1e1: {  	v4 =	vor.u32 v58, v48;
	v1 =	vor.u32 v18, v9;
	v18 =	vld [tilespmem:$0x1FDC0];
	[tilespmem:v2+s21+$0x0] =	vst.idx.msk $0xffff, v49  }
0x1e2: {  	v2 =	vor.u32 v26, v9;
	[tilespmem:v3+s21+$0x0] =	vst.idx.msk $0xffff, v13;
	v3 =	vld [tilespmem:$0x1FDA0]  }
0x1e3: {  	[tilespmem:v0+s21+$0x0] =	vst.idx.msk $0xffff, v12;
	v12 =	vld [tilespmem:$0x1FE00]  }
0x1e4: {  	v61 =	vor.u32 v27, v6;
	[tilespmem:v59+s21+$0x0] =	vst.idx.msk $0xffff, v11;
	v11 =	vor.u32 v15, v9;
	v15 =	vld [tilespmem:$0x1FDB0]  }
0x1e5: {  	v58 =	vor.u32 v56, v9;
	[tilespmem:v60+s21+$0x0] =	vst.idx.msk $0xffff, v10;
	v10 =	vor.u32 v39, v9;
	v39 =	vld [tilespmem:$0x1FDE0]  }
0x1e6: {  	v60 =	vor.u32 v35, v6;
	v35 =	vld [tilespmem:$0x1FE10];
	[tilespmem:v4+s21+$0x0] =	vst.idx.msk $0xffff, v8  }
0x1e7: {  	v2 =	vld.idx.msk [tilespmem:v2+s13+$0x0], $0xffff  }
0x1e8: {  	v5 =	vor.u32 v40, v9;
	v50 =	vld.idx.msk [tilespmem:v62+s13+$0x0], $0xffff  }
0x1e9: {  	v48 =	vld.idx.msk [tilespmem:v61+s13+$0x0], $0xffff  }
0x1ea: {  	v53 =	vor.u32 v41, v9;
	v49 =	vld.idx.msk [tilespmem:v58+s13+$0x0], $0xffff  }
0x1eb: {  	v52 =	vor.u32 v44, v9;
	v14 =	vld.idx.msk [tilespmem:v14+s13+$0x0], $0xffff  }
0x1ec: {  	v0 =	vor.u32 v38, v9;
	v61 =	vor.u32 v36, v6;
	v36 =	vld [tilespmem:$0x1FDD0]  }
0x1ed: {  	v59 =	vor.u32 v33, v6;
	v5 =	vld.idx.msk [tilespmem:v5+s13+$0x0], $0xffff  }
0x1ee: {  	v1 =	vld.idx.msk [tilespmem:v1+s13+$0x0], $0xffff  }
0x1ef: {  	v53 =	vld.idx.msk [tilespmem:v53+s13+$0x0], $0xffff  }
0x1f0: {  	v13 =	vor.u32 v18, v9;
	v52 =	vld.idx.msk [tilespmem:v52+s13+$0x0], $0xffff  }
0x1f1: {  	v0 =	vld.idx.msk [tilespmem:v0+s13+$0x0], $0xffff  }
0x1f2: {  	v7 =	vld.idx.msk [tilespmem:v59+s13+$0x0], $0xffff  }
0x1f3: {  	v3 =	vor.u32 v3, v9;
	v11 =	vld.idx.msk [tilespmem:v11+s13+$0x0], $0xffff  }
0x1f4: {  	v54 =	vld.idx.msk [tilespmem:v60+s13+$0x0], $0xffff  }
0x1f5: {  	v51 =	vshll.u32 v9, $0x7;
	v13 =	vld.idx.msk [tilespmem:v13+s13+$0x0], $0xffff  }
0x1f6: {  	v12 =	vor.u32 v12, v9;
	v60 =	vor.u32 v46, v51;
	v46 =	vor.u32 v42, v9;
	v42 =	vld [tilespmem:$0x1FD90]  }
0x1f7: {  	v4 =	vor.u32 v15, v6;
	v10 =	vld.idx.msk [tilespmem:v10+s13+$0x0], $0xffff  }
0x1f8: {  	v8 =	vor.u32 v39, v6;
	v6 =	vor.u32 v35, v6;
	v3 =	vld.idx.msk [tilespmem:v3+s13+$0x0], $0xffff  }
0x1f9: {  	v55 =	vld.idx.msk [tilespmem:v61+s13+$0x0], $0xffff  }
0x1fa: {  	v62 =	vor.u32 v36, v9;
	v61 =	vld [tilespmem:$0x1FFE0]  }
0x1fb: {  	v12 =	vld.idx.msk [tilespmem:v12+s13+$0x0], $0xffff  }
0x1fc: {  	v57 =	vor.u32 v57, v51;
	v4 =	vld.idx.msk [tilespmem:v4+s13+$0x0], $0xffff;
	v9 =	vor.u32 v42, v9  }
0x1fd: {  	v58 =	vor.u32 v63, v51;
	v6 =	vld.idx.msk [tilespmem:v6+s13+$0x0], $0xffff  }
0x1fe: {  	v59 =	vor.u32 v45, v51;
	v8 =	vld.idx.msk [tilespmem:v8+s13+$0x0], $0xffff  }
0x1ff: {  	v56 =	vld.idx.msk [tilespmem:v62+s13+$0x0], $0xffff  }
0x200: {  	v45 =	vor.u32 v47, v51;
	v62 =	vld.idx.msk [tilespmem:v46+s13+$0x0], $0xffff  }
0x201: {  	v47 =	vor.u32 v16, v51;
	v9 =	vld.idx.msk [tilespmem:v9+s13+$0x0], $0xffff;
	[tilespmem:v57+s21+$0x0] =	vst.idx.msk $0xffff, v1  }
0x202: {  	v1 =	vor.u32 v31, v51;
	[tilespmem:v58+s21+$0x0] =	vst.idx.msk $0xffff, v14  }
0x203: {  	v14 =	vor.u32 v37, v51;
	[tilespmem:v59+s21+$0x0] =	vst.idx.msk $0xffff, v50  }
0x204: {  	[tilespmem:v60+s21+$0x0] =	vst.idx.msk $0xffff, v53;
	v60 =	vor.u32 v43, v51  }
0x205: {  	v16 =	vor.u32 v61, v51;
	[tilespmem:v45+s21+$0x0] =	vst.idx.msk $0xffff, v48  }
0x206: {  	[tilespmem:v47+s21+$0x0] =	vst.idx.msk $0xffff, v2;
	v2 =	vor.u32 v21, v51  }
0x207: {  	[tilespmem:v1+s21+$0x0] =	vst.idx.msk $0xffff, v49;
	v1 =	vor.u32 v20, v51  }
0x208: {  	v21 =	vor.u32 v17, v51;
	[tilespmem:v14+s21+$0x0] =	vst.idx.msk $0xffff, v7  }
0x209: {  	v31 =	vor.u32 v22, v51;
	[tilespmem:v60+s21+$0x0] =	vst.idx.msk $0xffff, v9  }
0x20a: {  	[tilespmem:v16+s21+$0x0] =	vst.idx.msk $0xffff, v3;
	v3 =	vor.u32 v23, v51  }
0x20b: {  	[tilespmem:v2+s21+$0x0] =	vst.idx.msk $0xffff, v4;
	v2 =	vor.u32 v25, v51  }
0x20c: {  	[tilespmem:v1+s21+$0x0] =	vst.idx.msk $0xffff, v13;
	v1 =	vor.u32 v32, v51  }
0x20d: {  	v32 =	vor.u32 v30, v51;
	[tilespmem:v21+s21+$0x0] =	vst.idx.msk $0xffff, v56  }
0x20e: {  	v37 =	vor.u32 v28, v51;
	v43 =	vld [tilespmem:$0x1FF00];
	[tilespmem:v31+s21+$0x0] =	vst.idx.msk $0xffff, v8  }
0x20f: {  	[tilespmem:v3+s21+$0x0] =	vst.idx.msk $0xffff, v0;
	v0 =	vor.u32 v24, v51  }
0x210: {  	[tilespmem:v2+s21+$0x0] =	vst.idx.msk $0xffff, v12;
	v2 =	vor.u32 v29, v51  }
0x211: {  	[tilespmem:v1+s21+$0x0] =	vst.idx.msk $0xffff, v6;
	v1 =	vor.u32 v34, v51  }
0x212: {  	s0 =	sadd.s32 $0x1, s0;
	v45 =	vlaneseq.u32;
	v3 =	vor.u32 v19, v51;
	[tilespmem:v32+s21+$0x0] =	vst.idx.msk $0xffff, v52  }
0x213: {  	v58 =	vadd.s32 s0, v45;
	v4 =	vor.u32 v43, v51;
	[tilespmem:v37+s21+$0x0] =	vst.idx.msk $0xffff, v5  }
0x214: {  	v59 =	vand.u32 $0xF, v58;
	[tilespmem:v0+s21+$0x0] =	vst.idx.msk $0xffff, v54;
	v0 =	vor.u32 v15, v58  }
0x215: {  	[tilespmem:v2+s21+$0x0] =	vst.idx.msk $0xffff, v11;
	v2 =	vor.u32 v38, v59  }
0x216: {  	[tilespmem:v1+s21+$0x0] =	vst.idx.msk $0xffff, v62;
	v1 =	vor.u32 v27, v58  }
0x217: {  	[tilespmem:v3+s21+$0x0] =	vst.idx.msk $0xffff, v55  }
0x218: {  	v3 =	vor.u32 v26, v59;
	[tilespmem:v4+s21+$0x0] =	vst.idx.msk $0xffff, v10  }
0x219: {  	v53 =	vld.idx.msk [tilespmem:v0+s13+$0x0], $0xffff;
	v0 =	vor.u32 v35, v58  }
0x21a: {  	v50 =	vld.idx.msk [tilespmem:v2+s13+$0x0], $0xffff  }
0x21b: {  	v55 =	vld.idx.msk [tilespmem:v1+s13+$0x0], $0xffff;
	v1 =	vor.u32 v44, v59  }
0x21c: {  	v2 =	vld [tilespmem:$0x1FD70]  }
0x21d: {  	v56 =	vld.idx.msk [tilespmem:v3+s13+$0x0], $0xffff  }
0x21e: {  	v46 =	vor.u32 v40, v59;
	v52 =	vld.idx.msk [tilespmem:v0+s13+$0x0], $0xffff  }
0x21f: {  	v5 =	vor.u32 v33, v58;
	v0 =	vld [tilespmem:$0x1FE00]  }
0x220: {  	v3 =	vor.u32 v18, v59;
	v51 =	vld.idx.msk [tilespmem:v1+s13+$0x0], $0xffff  }
0x221: {  	p2 =	slt.u32 s1, $0xE;
	v47 =	vor.u32 v2, v59;
	v1 =	vld [tilespmem:$0x1FDA0]  }
.Ltmp1:
0x222: {  	_ = 	snop;
	(pc) =	sbr.rel @p2 .LBB2_5-.Ltmp1, $4  }
0x223: {  	v49 =	vld.idx.msk [tilespmem:v46+s13+$0x0], $0xffff  }
0x224: {  	v14 =	vlaneseq.u32;
	v61 =	vor.u32 v41, v59;
	v57 =	vld.idx.msk [tilespmem:v5+s13+$0x0], $0xffff  }
0x225: {  	v48 =	vshll.u32 v59, $0x7;
	v62 =	vor.u32 v39, v58;
	v2 =	vor.u32 v42, v59;
	v54 =	vld.idx.msk [tilespmem:v3+s13+$0x0], $0xffff  }
0x226: {  	s1 =	sadd.s32 $0x2, s1;
	v0 =	vor.u32 v0, v59;
	v60 =	vld.idx.msk [tilespmem:v47+s13+$0x0], $0xffff;
	v63 =	vor.u32 v1, v59;
	v1 =	vor.u32 v36, v59  }
0x227: {  	_ =	sdelay $0x3  }
0x228: {  	v2 =	vld.idx.msk [tilespmem:v2+s13+$0x0], $0xffff  }
0x229: {  	v3 =	vld [tilespmem:$0x1FD30]  }
0x22a: {  	v4 =	vld.idx.msk [tilespmem:v62+s13+$0x0], $0xffff  }
0x22b: {  	v5 =	vld [tilespmem:$0x1FD20]  }
0x22c: {  	v0 =	vld.idx.msk [tilespmem:v0+s13+$0x0], $0xffff  }
0x22d: {  	v6 =	vld [tilespmem:$0x1FD10]  }
0x22e: {  	v7 =	vld.idx.msk [tilespmem:v63+s13+$0x0], $0xffff  }
0x22f: {  	v1 =	vld.idx.msk [tilespmem:v1+s13+$0x0], $0xffff  }
0x230: {  	v29 =	vld [tilespmem:$0x1FF50]  }
0x231: {  	v9 =	vld.idx.msk [tilespmem:v61+s13+$0x0], $0xffff  }
0x232: {  	v38 =	vld [tilespmem:$0x1FF40]  }
0x233: {  	v37 =	vld [tilespmem:$0x1FF30]  }
0x234: {  	v36 =	vld [tilespmem:$0x1FF20]  }
0x235: {  	v39 =	vld [tilespmem:$0x1FF10]  }
0x236: {  	v40 =	vld [tilespmem:$0x1FF60]  }
0x237: {  	v41 =	vld [tilespmem:$0x1FF70]  }
0x238: {  	v42 =	vld [tilespmem:$0x1FF80];
	v3 =	vor.u32 v3, v59  }
0x239: {  	v43 =	vld [tilespmem:$0x1FF90];
	v5 =	vor.u32 v5, v58  }
0x23a: {  	v44 =	vld [tilespmem:$0x1FFA0];
	v6 =	vor.u32 v6, v59  }
0x23b: {  	v45 =	vld [tilespmem:$0x1FFB0];
	v8 =	vor.u32 v29, v59  }
0x23c: {  	v46 =	vld [tilespmem:$0x1FFC0];
	v10 =	vor.u32 v38, v58  }
0x23d: {  	v11 =	vor.u32 v37, v59;
	v3 =	vld.idx.msk [tilespmem:v3+s13+$0x0], $0xffff  }
0x23e: {  	v12 =	vor.u32 v36, v59;
	v5 =	vld.idx.msk [tilespmem:v5+s13+$0x0], $0xffff  }
0x23f: {  	v14 =	vor.u32 v14, v48;
	v13 =	vor.u32 v39, v58;
	v6 =	vld.idx.msk [tilespmem:v6+s13+$0x0], $0xffff  }
0x240: {  	v26 =	vor.u32 v40, v48;
	v8 =	vld.idx.msk [tilespmem:v8+s13+$0x0], $0xffff  }
0x241: {  	v27 =	vor.u32 v41, v48;
	v10 =	vld.idx.msk [tilespmem:v10+s13+$0x0], $0xffff  }
0x242: {  	v28 =	vor.u32 v42, v48;
	v11 =	vld.idx.msk [tilespmem:v11+s13+$0x0], $0xffff  }
0x243: {  	v30 =	vor.u32 v43, v48;
	v12 =	vld.idx.msk [tilespmem:v12+s13+$0x0], $0xffff  }
0x244: {  	v31 =	vor.u32 v44, v48;
	v13 =	vld.idx.msk [tilespmem:v13+s13+$0x0], $0xffff;
	[tilespmem:v14+s21+$0x0] =	vst.idx.msk $0xffff, v6  }
0x245: {  	v58 =	vor.u32 v45, v48;
	[tilespmem:v26+s21+$0x0] =	vst.idx.msk $0xffff, v5  }
0x246: {  	v47 =	vld [tilespmem:$0x1FFD0];
	[tilespmem:v27+s21+$0x0] =	vst.idx.msk $0xffff, v3;
	v3 =	vor.u32 v46, v48  }
0x247: {  	[tilespmem:v28+s21+$0x0] =	vst.idx.msk $0xffff, v9  }
0x248: {  	v35 =	vld [tilespmem:$0x1FFE0];
	[tilespmem:v30+s21+$0x0] =	vst.idx.msk $0xffff, v55  }
0x249: {  	v34 =	vld [tilespmem:$0x1FE40];
	[tilespmem:v31+s21+$0x0] =	vst.idx.msk $0xffff, v56  }
0x24a: {  	v21 =	vld [tilespmem:$0x1FFF0];
	[tilespmem:v58+s21+$0x0] =	vst.idx.msk $0xffff, v60  }
0x24b: {  	v61 =	vor.u32 v47, v48;
	[tilespmem:v3+s21+$0x0] =	vst.idx.msk $0xffff, v57;
	v3 =	vld [tilespmem:$0x1FE50];
	_ =	sdelay $0x1  }
0x24c: {  	v63 =	vor.u32 v35, v48  }
0x24d: {  	v15 =	vor.u32 v34, v48  }
0x24e: {  	v16 =	vor.u32 v21, v48  }
0x24f: {  	[tilespmem:v61+s21+$0x0] =	vst.idx.msk $0xffff, v2;
	v2 =	vld [tilespmem:$0x1FE60];
	v3 =	vor.u32 v3, v48  }
0x250: {  	v17 =	vld [tilespmem:$0x1FE70]  }
0x251: {  	v18 =	vld [tilespmem:$0x1FE80];
	[tilespmem:v63+s21+$0x0] =	vst.idx.msk $0xffff, v7  }
0x252: {  	[tilespmem:v15+s21+$0x0] =	vst.idx.msk $0xffff, v53  }
0x253: {  	v19 =	vld [tilespmem:$0x1FE90];
	[tilespmem:v16+s21+$0x0] =	vst.idx.msk $0xffff, v54  }
0x254: {  	v2 =	vor.u32 v2, v48;
	[tilespmem:v3+s21+$0x0] =	vst.idx.msk $0xffff, v1;
	v1 =	vld [tilespmem:$0x1FEA0]  }
0x255: {  	v7 =	vor.u32 v17, v48  }
0x256: {  	v6 =	vor.u32 v18, v48;
	_ =	sdelay $0x1  }
0x257: {  	v5 =	vor.u32 v19, v48  }
0x258: {  	[tilespmem:v2+s21+$0x0] =	vst.idx.msk $0xffff, v4;
	v2 =	vld [tilespmem:$0x1FEB0];
	v1 =	vor.u32 v1, v48  }
0x259: {  	v3 =	vld [tilespmem:$0x1FEC0];
	[tilespmem:v7+s21+$0x0] =	vst.idx.msk $0xffff, v50  }
0x25a: {  	[tilespmem:v6+s21+$0x0] =	vst.idx.msk $0xffff, v0;
	v0 =	vld [tilespmem:$0x1FED0]  }
0x25b: {  	v20 =	vld [tilespmem:$0x1FEE0]  }
0x25c: {  	v22 =	vld [tilespmem:$0x1FEF0];
	[tilespmem:v5+s21+$0x0] =	vst.idx.msk $0xffff, v52  }
0x25d: {  	v2 =	vor.u32 v2, v48;
	[tilespmem:v1+s21+$0x0] =	vst.idx.msk $0xffff, v51;
	v1 =	vld [tilespmem:$0x1FF00]  }
0x25e: {  	v3 =	vor.u32 v3, v48  }
0x25f: {  	v0 =	vor.u32 v0, v48  }
0x260: {  	v4 =	vor.u32 v20, v48  }
0x261: {  	v5 =	vor.u32 v22, v48  }
0x262: {  	[tilespmem:v2+s21+$0x0] =	vst.idx.msk $0xffff, v49;
	v1 =	vor.u32 v1, v48  }
0x263: {  	[tilespmem:v3+s21+$0x0] =	vst.idx.msk $0xffff, v13  }
0x264: {  	[tilespmem:v0+s21+$0x0] =	vst.idx.msk $0xffff, v12  }
0x265: {  	[tilespmem:v4+s21+$0x0] =	vst.idx.msk $0xffff, v11  }
0x266: {  	[tilespmem:v5+s21+$0x0] =	vst.idx.msk $0xffff, v10  }
0x267: {  	s0 =	sadd.s32 s31, s7;
	[tilespmem:v1+s21+$0x0] =	vst.idx.msk $0xffff, v8  }
0x268: {  	[hbm4b:s0+s19] =	stream.strided.scatter [tilespmem:s21], [sflag:$0x2], $0x1800, s20, s19, $0x38;
	[tilespmem:$0x1C000] =	vst v63  }
0x269: {  	_ =	swait.ge [sflag:s16], $0x4000  }
0x26a: {  	s1 =	simm.s32 @!p0 $0x80;
	[sflag:s16] =	ssyncset.done $0x0  }
0x26b: {  	s14 =	simm.s32 @!p0 $0xA000;
	s0 =	sadd.s32 @!p0 $0x280, s30;
	[sflag:s16] =	ssyncadd.s32 $0xFFFFC000  }
0x26c: {  	[tilespmem:s14], [sflag:$0x1] =	stream.indirect.gather @!p0 [hbm4b:s4+s1], $0x80, s0, s1, $0xb8;
	[tilespmem:$0x1C000] =	vst v63  }
0x26d: {  	_ =	swait.ge @p1 [sflag:s24], $0x1800  }
0x26e: {  	v17 =	vld [tilespmem:$0x1FD60]  }
0x26f: {  	v3 =	vld [tilespmem:$0x1FD30]  }
0x270: {  	v19 =	vld [tilespmem:$0x1FD50]  }
0x271: {  	v24 =	vld [tilespmem:$0x1FD70]  }
0x272: {  	v52 =	vld [tilespmem:$0x1FD20]  }
0x273: {  	v31 =	vld [tilespmem:$0x1FD80]  }
0x274: {  	v33 =	vld [tilespmem:$0x1FDA0]  }
0x275: {  	v15 =	vld [tilespmem:$0x1FE10]  }
0x276: {  	v0 =	vlaneseq.u32;
	s14 =	simm.s32 $0x0;
	v16 =	vld [tilespmem:$0x1FDF0]  }
0x277: {  	v0 =	vadd.s32 s14, v0;
	v18 =	vld [tilespmem:$0x1FDB0]  }
0x278: {  	v23 =	vmov v36;
	v36 =	vmov v21;
	v56 =	vor.u32 v38, v0;
	v21 =	vld [tilespmem:$0x1FDD0]  }
0x279: {  	v1 =	vand.u32 $0xF, v0;
	v57 =	vor.u32 v39, v0;
	v20 =	vld [tilespmem:$0x1FDC0]  }
0x27a: {  	v54 =	vmov v37;
	v22 =	vld [tilespmem:$0x1FDE0];
	v13 =	vor.u32 v23, v1  }
0x27b: {  	[sflag:s24] =	ssyncset.done @p1 $0x0;
	v38 =	vld [tilespmem:$0x1FD10];
	v54 =	vor.u32 v54, v1  }
0x27c: {  	[sflag:s24] =	ssyncadd.s32 @p1 $0xFFFFE800;
	v23 =	vld [tilespmem:$0x1FE30];
	v2 =	vor.u32 v17, v1  }
0x27d: {  	v3 =	vor.u32 v3, v1;
	v9 =	vld.idx.msk [tilespmem:v56+s15+$0x0], $0xffff  }
0x27e: {  	v50 =	vor.u32 v19, v0;
	v27 =	vld.idx.msk [tilespmem:v57+s15+$0x0], $0xffff  }
0x27f: {  	v51 =	vor.u32 v24, v1;
	v13 =	vld.idx.msk [tilespmem:v13+s15+$0x0], $0xffff  }
0x280: {  	v6 =	vor.u32 v52, v0;
	v54 =	vld.idx.msk [tilespmem:v54+s15+$0x0], $0xffff  }
0x281: {  	v53 =	vor.u32 v31, v0;
	v2 =	vld.idx.msk [tilespmem:v2+s15+$0x0], $0xffff  }
0x282: {  	v55 =	vor.u32 v33, v1;
	v3 =	vld.idx.msk [tilespmem:v3+s15+$0x0], $0xffff  }
0x283: {  	v25 =	vor.u32 v18, v0;
	v4 =	vld.idx.msk [tilespmem:v50+s15+$0x0], $0xffff  }
0x284: {  	v26 =	vor.u32 v21, v1;
	v5 =	vld.idx.msk [tilespmem:v51+s15+$0x0], $0xffff  }
0x285: {  	v6 =	vld.idx.msk [tilespmem:v6+s15+$0x0], $0xffff  }
0x286: {  	v28 =	vor.u32 v20, v1;
	v7 =	vld.idx.msk [tilespmem:v53+s15+$0x0], $0xffff  }
0x287: {  	v8 =	vld.idx.msk [tilespmem:v55+s15+$0x0], $0xffff  }
0x288: {  	v14 =	vld.idx.msk [tilespmem:v25+s15+$0x0], $0xffff  }
0x289: {  	v48 =	vld.idx.msk [tilespmem:v26+s15+$0x0], $0xffff  }
0x28a: {  	v58 =	vor.u32 v15, v0;
	v25 =	vld [tilespmem:$0x1FD40]  }
0x28b: {  	v63 =	vor.u32 v16, v1;
	v49 =	vld.idx.msk [tilespmem:v28+s15+$0x0], $0xffff  }
0x28c: {  	v0 =	vor.u32 v22, v0;
	v26 =	vld [tilespmem:$0x1FD90]  }
0x28d: {  	v29 =	vor.u32 v29, v1;
	[tilespmem:$0x1FCB0] =	vst v27;
	v27 =	vld [tilespmem:$0x1FE00]  }
0x28e: {  	v52 =	vor.u32 v38, v1;
	v28 =	vld [tilespmem:$0x1FE20]  }
0x28f: {  	v32 =	vor.u32 v23, v1;
	v11 =	vld.idx.msk [tilespmem:v58+s15+$0x0], $0xffff  }
0x290: {  	v12 =	vld.idx.msk [tilespmem:v63+s15+$0x0], $0xffff;
	v39 =	vor.u32 v25, v1  }
0x291: {  	v60 =	vmov v41;
	v0 =	vld.idx.msk [tilespmem:v0+s15+$0x0], $0xffff;
	v41 =	vor.u32 v26, v1  }
0x292: {  	v30 =	vlaneseq.u32;
	v61 =	vmovc v42;
	v57 =	vshll.u32 v1, $0x7;
	v50 =	vld.idx.msk [tilespmem:v29+s15+$0x0], $0xffff;
	v42 =	vor.u32 v27, v1  }
0x293: {  	v59 =	vmovc v40;
	v62 =	vmov v43;
	v43 =	vor.u32 v30, v57;
	v52 =	vld.idx.msk [tilespmem:v52+s15+$0x0], $0xffff;
	v1 =	vor.u32 v28, v1  }
0x294: {  	v59 =	vor.u32 v59, v57;
	v51 =	vld.idx.msk [tilespmem:v32+s15+$0x0], $0xffff  }
0x295: {  	v60 =	vor.u32 v60, v57;
	v53 =	vld.idx.msk [tilespmem:v39+s15+$0x0], $0xffff  }
0x296: {  	v61 =	vor.u32 v61, v57;
	v55 =	vld.idx.msk [tilespmem:v41+s15+$0x0], $0xffff  }
0x297: {  	v44 =	vmov v44;
	v62 =	vor.u32 v62, v57;
	v56 =	vld.idx.msk [tilespmem:v42+s15+$0x0], $0xffff  }
0x298: {  	v44 =	vor.u32 v44, v57;
	v1 =	vld.idx.msk [tilespmem:v1+s15+$0x0], $0xffff;
	[tilespmem:v43+s22+$0x0] =	vst.idx.msk $0xffff, v52  }
0x299: {  	v37 =	vmov v46;
	v46 =	vor.u32 v45, v57;
	[tilespmem:v59+s22+$0x0] =	vst.idx.msk $0xffff, v6  }
0x29a: {  	[tilespmem:v60+s22+$0x0] =	vst.idx.msk $0xffff, v3;
	v3 =	vor.u32 v37, v57  }
0x29b: {  	[tilespmem:v61+s22+$0x0] =	vst.idx.msk $0xffff, v53  }
0x29c: {  	[tilespmem:v62+s22+$0x0] =	vst.idx.msk $0xffff, v4  }
0x29d: {  	v61 =	vld [tilespmem:$0x1FE50];
	[tilespmem:v44+s22+$0x0] =	vst.idx.msk $0xffff, v2  }
0x29e: {  	v58 =	vor.u32 v47, v57;
	v62 =	vld [tilespmem:$0x1FE60];
	[tilespmem:v46+s22+$0x0] =	vst.idx.msk $0xffff, v5  }
0x29f: {  	v59 =	vor.u32 v35, v57;
	[tilespmem:v3+s22+$0x0] =	vst.idx.msk $0xffff, v7;
	v7 =	vld [tilespmem:$0x1FE70]  }
0x2a0: {  	v30 =	vld [tilespmem:$0x1FE80];
	v2 =	vor.u32 v34, v57  }
0x2a1: {  	v32 =	vld [tilespmem:$0x1FE90];
	v60 =	vor.u32 v36, v57  }
0x2a2: {  	v35 =	vld [tilespmem:$0x1FEA0];
	v3 =	vor.u32 v61, v57  }
0x2a3: {  	[tilespmem:v58+s22+$0x0] =	vst.idx.msk $0xffff, v55;
	v63 =	vor.u32 v62, v57  }
0x2a4: {  	[tilespmem:v59+s22+$0x0] =	vst.idx.msk $0xffff, v8;
	v29 =	vor.u32 v7, v57  }
0x2a5: {  	[tilespmem:v2+s22+$0x0] =	vst.idx.msk $0xffff, v14;
	v2 =	vor.u32 v30, v57  }
0x2a6: {  	v34 =	vor.u32 v32, v57;
	[tilespmem:v60+s22+$0x0] =	vst.idx.msk $0xffff, v49  }
0x2a7: {  	v36 =	vld [tilespmem:$0x1FEB0];
	[tilespmem:v3+s22+$0x0] =	vst.idx.msk $0xffff, v48;
	v3 =	vor.u32 v35, v57  }
0x2a8: {  	v37 =	vld [tilespmem:$0x1FEC0];
	[tilespmem:v63+s22+$0x0] =	vst.idx.msk $0xffff, v0  }
0x2a9: {  	v39 =	vld [tilespmem:$0x1FED0];
	[tilespmem:v29+s22+$0x0] =	vst.idx.msk $0xffff, v12  }
0x2aa: {  	v40 =	vld [tilespmem:$0x1FEE0];
	[tilespmem:v2+s22+$0x0] =	vst.idx.msk $0xffff, v56  }
0x2ab: {  	v42 =	vld [tilespmem:$0x1FEF0];
	[tilespmem:v34+s22+$0x0] =	vst.idx.msk $0xffff, v11  }
0x2ac: {  	s31 =	simm.s32 $0x1;
	v43 =	vld [tilespmem:$0x1FF00];
	v0 =	vor.u32 v36, v57;
	[tilespmem:v3+s22+$0x0] =	vst.idx.msk $0xffff, v1;
	v3 =	vlaneseq.u32  }
0x2ad: {  	v38 =	vor.u32 v37, v57;
	v58 =	vadd.s32 s31, v3;
	v3 =	vld [tilespmem:$0x1FCB0]  }
0x2ae: {  	v2 =	vor.u32 v39, v57  }
0x2af: {  	[tilespmem:$0x1FCC0] =	vst v9;
	v41 =	vor.u32 v40, v57  }
0x2b0: {  	v45 =	vld [tilespmem:$0x1FCC0];
	v1 =	vor.u32 v42, v57  }
0x2b1: {  	[tilespmem:v0+s22+$0x0] =	vst.idx.msk $0xffff, v51;
	v0 =	vor.u32 v43, v57  }
0x2b2: {  	[tilespmem:v38+s22+$0x0] =	vst.idx.msk $0xffff, v3;
	v3 =	vor.u32 v18, v58  }
0x2b3: {  	v44 =	vor.u32 v19, v58;
	[tilespmem:v2+s22+$0x0] =	vst.idx.msk $0xffff, v13  }
0x2b4: {  	v59 =	vand.u32 $0xF, v58;
	v46 =	vor.u32 v31, v58;
	[tilespmem:v41+s22+$0x0] =	vst.idx.msk $0xffff, v54  }
0x2b5: {  	v2 =	vor.u32 v16, v59;
	[tilespmem:v1+s22+$0x0] =	vst.idx.msk $0xffff, v45  }
0x2b6: {  	v1 =	vor.u32 v17, v59;
	[tilespmem:v0+s22+$0x0] =	vst.idx.msk $0xffff, v50  }
0x2b7: {  	v47 =	vor.u32 v24, v59;
	v53 =	vld.idx.msk [tilespmem:v3+s15+$0x0], $0xffff  }
0x2b8: {  	v0 =	vor.u32 v23, v59;
	v55 =	vld.idx.msk [tilespmem:v44+s15+$0x0], $0xffff  }
0x2b9: {  	v3 =	vor.u32 v28, v59;
	v57 =	vld.idx.msk [tilespmem:v46+s15+$0x0], $0xffff  }
0x2ba: {  	v50 =	vld.idx.msk [tilespmem:v2+s15+$0x0], $0xffff;
	v2 =	vor.u32 v15, v58  }
0x2bb: {  	v56 =	vld.idx.msk [tilespmem:v1+s15+$0x0], $0xffff;
	v1 =	vor.u32 v20, v59  }
0x2bc: {  	v60 =	vld.idx.msk [tilespmem:v47+s15+$0x0], $0xffff  }
0x2bd: {  	v49 =	vld.idx.msk [tilespmem:v0+s15+$0x0], $0xffff  }
0x2be: {  	v62 =	vor.u32 v22, v58;
	v51 =	vld.idx.msk [tilespmem:v3+s15+$0x0], $0xffff  }
0x2bf: {  	v61 =	vor.u32 v25, v59;
	v48 =	vshll.u32 v59, $0x7;
	v52 =	vld.idx.msk [tilespmem:v2+s15+$0x0], $0xffff;
	v2 =	vor.u32 v26, v59  }
0x2c0: {  	s1 =	simm.s32 $0x2;
	v63 =	vor.u32 v33, v59;
	v0 =	vor.u32 v27, v59;
	v54 =	vld.idx.msk [tilespmem:v1+s15+$0x0], $0xffff;
	v1 =	vor.u32 v21, v59  }
.LBB2_7:
0x2c1: {  	_ =	sdelay $0x2  }
0x2c2: {  	v2 =	vld.idx.msk [tilespmem:v2+s15+$0x0], $0xffff  }
0x2c3: {  	v19 =	vld [tilespmem:$0x1FD30]  }
0x2c4: {  	v4 =	vld.idx.msk [tilespmem:v62+s15+$0x0], $0xffff  }
0x2c5: {  	v24 =	vld [tilespmem:$0x1FD20]  }
0x2c6: {  	v0 =	vld.idx.msk [tilespmem:v0+s15+$0x0], $0xffff  }
0x2c7: {  	v17 =	vld [tilespmem:$0x1FD10]  }
0x2c8: {  	v7 =	vld.idx.msk [tilespmem:v63+s15+$0x0], $0xffff  }
0x2c9: {  	v1 =	vld.idx.msk [tilespmem:v1+s15+$0x0], $0xffff  }
0x2ca: {  	v37 =	vld [tilespmem:$0x1FF50]  }
0x2cb: {  	v9 =	vld.idx.msk [tilespmem:v61+s15+$0x0], $0xffff  }
0x2cc: {  	v35 =	vld [tilespmem:$0x1FF40]  }
0x2cd: {  	v40 =	vld [tilespmem:$0x1FF30]  }
0x2ce: {  	v21 =	vld [tilespmem:$0x1FF20]  }
0x2cf: {  	v34 =	vld [tilespmem:$0x1FF10]  }
0x2d0: {  	v63 =	vld [tilespmem:$0x1FF60]  }
0x2d1: {  	v43 =	vld [tilespmem:$0x1FF70]  }
0x2d2: {  	v44 =	vld [tilespmem:$0x1FF80]  }
0x2d3: {  	v45 =	vld [tilespmem:$0x1FF90]  }
0x2d4: {  	v46 =	vld [tilespmem:$0x1FFA0];
	v3 =	vor.u32 v19, v59  }
0x2d5: {  	v47 =	vld [tilespmem:$0x1FFB0];
	v5 =	vor.u32 v24, v58  }
0x2d6: {  	v16 =	vld [tilespmem:$0x1FFC0];
	v6 =	vor.u32 v17, v59  }
0x2d7: {  	v29 =	vld [tilespmem:$0x1FFD0];
	v8 =	vor.u32 v37, v59  }
0x2d8: {  	v27 =	vld [tilespmem:$0x1FFE0];
	v10 =	vor.u32 v35, v58  }
0x2d9: {  	v11 =	vor.u32 v40, v59;
	v3 =	vld.idx.msk [tilespmem:v3+s15+$0x0], $0xffff  }
0x2da: {  	v14 =	vlaneseq.u32;
	v12 =	vor.u32 v21, v59;
	v5 =	vld.idx.msk [tilespmem:v5+s15+$0x0], $0xffff  }
0x2db: {  	v14 =	vor.u32 v14, v48;
	v13 =	vor.u32 v34, v58;
	v6 =	vld.idx.msk [tilespmem:v6+s15+$0x0], $0xffff  }
0x2dc: {  	v38 =	vor.u32 v63, v48;
	v8 =	vld.idx.msk [tilespmem:v8+s15+$0x0], $0xffff  }
0x2dd: {  	v39 =	vor.u32 v43, v48;
	v10 =	vld.idx.msk [tilespmem:v10+s15+$0x0], $0xffff  }
0x2de: {  	v41 =	vor.u32 v44, v48;
	v11 =	vld.idx.msk [tilespmem:v11+s15+$0x0], $0xffff  }
0x2df: {  	v42 =	vor.u32 v45, v48;
	v12 =	vld.idx.msk [tilespmem:v12+s15+$0x0], $0xffff  }
0x2e0: {  	v20 =	vor.u32 v46, v48;
	v13 =	vld.idx.msk [tilespmem:v13+s15+$0x0], $0xffff;
	[tilespmem:v14+s22+$0x0] =	vst.idx.msk $0xffff, v6  }
0x2e1: {  	v28 =	vld [tilespmem:$0x1FE40];
	v22 =	vor.u32 v47, v48;
	[tilespmem:v38+s22+$0x0] =	vst.idx.msk $0xffff, v5  }
0x2e2: {  	v26 =	vld [tilespmem:$0x1FFF0];
	[tilespmem:v39+s22+$0x0] =	vst.idx.msk $0xffff, v3;
	v3 =	vor.u32 v16, v48  }
0x2e3: {  	v36 =	vld [tilespmem:$0x1FE70];
	[tilespmem:v41+s22+$0x0] =	vst.idx.msk $0xffff, v9  }
0x2e4: {  	v31 =	vld [tilespmem:$0x1FE80];
	[tilespmem:v42+s22+$0x0] =	vst.idx.msk $0xffff, v55  }
0x2e5: {  	v25 =	vld [tilespmem:$0x1FE90];
	[tilespmem:v20+s22+$0x0] =	vst.idx.msk $0xffff, v56  }
0x2e6: {  	v15 =	vld [tilespmem:$0x1FEA0];
	[tilespmem:v22+s22+$0x0] =	vst.idx.msk $0xffff, v60  }
0x2e7: {  	[tilespmem:v3+s22+$0x0] =	vst.idx.msk $0xffff, v57;
	v3 =	vld [tilespmem:$0x1FE50]  }
0x2e8: {  	v23 =	vor.u32 v29, v48;
	v41 =	vld [tilespmem:$0x1FE60]  }
0x2e9: {  	v30 =	vld [tilespmem:$0x1FEF0];
	v14 =	vor.u32 v27, v48  }
0x2ea: {  	v18 =	vld [tilespmem:$0x1FDF0];
	v32 =	vor.u32 v28, v48  }
0x2eb: {  	v33 =	vor.u32 v26, v48;
	v58 =	vld [tilespmem:$0x1FF00]  }
0x2ec: {  	v38 =	vld [tilespmem:$0x1FE30];
	v3 =	vor.u32 v3, v48  }
0x2ed: {  	v20 =	vld [tilespmem:$0x1FEB0];
	[tilespmem:v23+s22+$0x0] =	vst.idx.msk $0xffff, v2;
	v2 =	vor.u32 v41, v48  }
0x2ee: {  	v42 =	vor.u32 v36, v48;
	v22 =	vld [tilespmem:$0x1FEC0];
	[tilespmem:v14+s22+$0x0] =	vst.idx.msk $0xffff, v7  }
0x2ef: {  	v23 =	vld [tilespmem:$0x1FED0];
	[tilespmem:v32+s22+$0x0] =	vst.idx.msk $0xffff, v53;
	v53 =	vor.u32 v31, v48  }
0x2f0: {  	s0 =	smov.u32 s1;
	v55 =	vor.u32 v25, v48;
	v57 =	vlaneseq.u32;
	v32 =	vld [tilespmem:$0x1FEE0];
	[tilespmem:v33+s22+$0x0] =	vst.idx.msk $0xffff, v54  }
0x2f1: {  	v39 =	vld [tilespmem:$0x1FD40];
	v6 =	vadd.s32 s0, v57;
	[tilespmem:v3+s22+$0x0] =	vst.idx.msk $0xffff, v1;
	v1 =	vor.u32 v15, v48  }
0x2f2: {  	v56 =	vld [tilespmem:$0x1FD70];
	v9 =	vand.u32 $0xF, v6;
	[tilespmem:v2+s22+$0x0] =	vst.idx.msk $0xffff, v4;
	v2 =	vor.u32 v20, v48  }
0x2f3: {  	v62 =	vor.u32 v19, v9;
	v19 =	vld [tilespmem:$0x1FD60];
	v3 =	vor.u32 v22, v48;
	[tilespmem:v42+s22+$0x0] =	vst.idx.msk $0xffff, v50  }
0x2f4: {  	v14 =	vor.u32 v24, v6;
	v24 =	vld [tilespmem:$0x1FD50];
	[tilespmem:v53+s22+$0x0] =	vst.idx.msk $0xffff, v0;
	v0 =	vor.u32 v23, v48  }
0x2f5: {  	v33 =	vld [tilespmem:$0x1FD80];
	v59 =	vor.u32 v32, v48;
	[tilespmem:v55+s22+$0x0] =	vst.idx.msk $0xffff, v52  }
0x2f6: {  	v60 =	vor.u32 v30, v48;
	v42 =	vld [tilespmem:$0x1FE20];
	[tilespmem:v1+s22+$0x0] =	vst.idx.msk $0xffff, v51  }
0x2f7: {  	v4 =	vor.u32 v58, v48;
	v1 =	vor.u32 v17, v9;
	v17 =	vld [tilespmem:$0x1FDC0];
	[tilespmem:v2+s22+$0x0] =	vst.idx.msk $0xffff, v49  }
0x2f8: {  	v2 =	vor.u32 v19, v9;
	[tilespmem:v3+s22+$0x0] =	vst.idx.msk $0xffff, v13;
	v3 =	vld [tilespmem:$0x1FDA0]  }
0x2f9: {  	[tilespmem:v0+s22+$0x0] =	vst.idx.msk $0xffff, v12;
	v12 =	vld [tilespmem:$0x1FE00]  }
0x2fa: {  	v61 =	vor.u32 v24, v6;
	[tilespmem:v59+s22+$0x0] =	vst.idx.msk $0xffff, v11;
	v11 =	vor.u32 v21, v9;
	v21 =	vld [tilespmem:$0x1FDB0]  }
0x2fb: {  	v58 =	vor.u32 v56, v9;
	[tilespmem:v60+s22+$0x0] =	vst.idx.msk $0xffff, v10;
	v10 =	vor.u32 v37, v9;
	v37 =	vld [tilespmem:$0x1FDE0]  }
0x2fc: {  	v60 =	vor.u32 v34, v6;
	v34 =	vld [tilespmem:$0x1FE10];
	[tilespmem:v4+s22+$0x0] =	vst.idx.msk $0xffff, v8  }
0x2fd: {  	v2 =	vld.idx.msk [tilespmem:v2+s15+$0x0], $0xffff  }
0x2fe: {  	v5 =	vor.u32 v38, v9;
	v50 =	vld.idx.msk [tilespmem:v62+s15+$0x0], $0xffff  }
0x2ff: {  	v48 =	vld.idx.msk [tilespmem:v61+s15+$0x0], $0xffff  }
0x300: {  	v53 =	vor.u32 v39, v9;
	v49 =	vld.idx.msk [tilespmem:v58+s15+$0x0], $0xffff  }
0x301: {  	v52 =	vor.u32 v42, v9;
	v14 =	vld.idx.msk [tilespmem:v14+s15+$0x0], $0xffff  }
0x302: {  	v0 =	vor.u32 v18, v9;
	v61 =	vor.u32 v35, v6;
	v35 =	vld [tilespmem:$0x1FDD0]  }
0x303: {  	v59 =	vor.u32 v33, v6;
	v5 =	vld.idx.msk [tilespmem:v5+s15+$0x0], $0xffff  }
0x304: {  	v1 =	vld.idx.msk [tilespmem:v1+s15+$0x0], $0xffff  }
0x305: {  	v53 =	vld.idx.msk [tilespmem:v53+s15+$0x0], $0xffff  }
0x306: {  	v13 =	vor.u32 v17, v9;
	v52 =	vld.idx.msk [tilespmem:v52+s15+$0x0], $0xffff  }
0x307: {  	v0 =	vld.idx.msk [tilespmem:v0+s15+$0x0], $0xffff  }
0x308: {  	v7 =	vld.idx.msk [tilespmem:v59+s15+$0x0], $0xffff  }
0x309: {  	v3 =	vor.u32 v3, v9;
	v11 =	vld.idx.msk [tilespmem:v11+s15+$0x0], $0xffff  }
0x30a: {  	v54 =	vld.idx.msk [tilespmem:v60+s15+$0x0], $0xffff  }
0x30b: {  	v51 =	vshll.u32 v9, $0x7;
	v12 =	vor.u32 v12, v9;
	v4 =	vor.u32 v21, v6;
	v13 =	vld.idx.msk [tilespmem:v13+s15+$0x0], $0xffff  }
0x30c: {  	v60 =	vor.u32 v44, v51;
	v44 =	vor.u32 v45, v51;
	v45 =	vor.u32 v40, v9;
	v40 =	vld [tilespmem:$0x1FD90]  }
0x30d: {  	v8 =	vor.u32 v37, v6;
	v6 =	vor.u32 v34, v6;
	v10 =	vld.idx.msk [tilespmem:v10+s15+$0x0], $0xffff  }
0x30e: {  	v3 =	vld.idx.msk [tilespmem:v3+s15+$0x0], $0xffff  }
0x30f: {  	v62 =	vor.u32 v35, v9;
	v55 =	vld.idx.msk [tilespmem:v61+s15+$0x0], $0xffff  }
0x310: {  	v12 =	vld.idx.msk [tilespmem:v12+s15+$0x0], $0xffff  }
0x311: {  	v57 =	vor.u32 v57, v51;
	v4 =	vld.idx.msk [tilespmem:v4+s15+$0x0], $0xffff;
	v9 =	vor.u32 v40, v9  }
0x312: {  	v58 =	vor.u32 v63, v51;
	v6 =	vld.idx.msk [tilespmem:v6+s15+$0x0], $0xffff  }
0x313: {  	v59 =	vor.u32 v43, v51;
	v8 =	vld.idx.msk [tilespmem:v8+s15+$0x0], $0xffff  }
0x314: {  	v56 =	vld.idx.msk [tilespmem:v62+s15+$0x0], $0xffff  }
0x315: {  	v62 =	vld.idx.msk [tilespmem:v45+s15+$0x0], $0xffff  }
0x316: {  	v46 =	vor.u32 v46, v51;
	v9 =	vld.idx.msk [tilespmem:v9+s15+$0x0], $0xffff;
	[tilespmem:v57+s22+$0x0] =	vst.idx.msk $0xffff, v1  }
0x317: {  	[tilespmem:v58+s22+$0x0] =	vst.idx.msk $0xffff, v14  }
0x318: {  	[tilespmem:v59+s22+$0x0] =	vst.idx.msk $0xffff, v50  }
0x319: {  	[tilespmem:v60+s22+$0x0] =	vst.idx.msk $0xffff, v53  }
0x31a: {  	v1 =	vor.u32 v47, v51;
	[tilespmem:v44+s22+$0x0] =	vst.idx.msk $0xffff, v48  }
0x31b: {  	v14 =	vor.u32 v16, v51;
	[tilespmem:v46+s22+$0x0] =	vst.idx.msk $0xffff, v2;
	v2 =	vor.u32 v28, v51;
	v28 =	vld [tilespmem:$0x1FE50]  }
0x31c: {  	v16 =	vor.u32 v29, v51  }
0x31d: {  	v27 =	vor.u32 v27, v51;
	_ =	sdelay $0x1  }
0x31e: {  	[tilespmem:v1+s22+$0x0] =	vst.idx.msk $0xffff, v49;
	v1 =	vor.u32 v26, v51  }
0x31f: {  	[tilespmem:v14+s22+$0x0] =	vst.idx.msk $0xffff, v7;
	v7 =	vor.u32 v28, v51  }
0x320: {  	v29 =	vor.u32 v41, v51;
	[tilespmem:v16+s22+$0x0] =	vst.idx.msk $0xffff, v9  }
0x321: {  	[tilespmem:v27+s22+$0x0] =	vst.idx.msk $0xffff, v3;
	v3 =	vor.u32 v36, v51  }
0x322: {  	[tilespmem:v2+s22+$0x0] =	vst.idx.msk $0xffff, v4;
	v2 =	vor.u32 v31, v51  }
0x323: {  	[tilespmem:v1+s22+$0x0] =	vst.idx.msk $0xffff, v13;
	v1 =	vor.u32 v25, v51  }
0x324: {  	v41 =	vor.u32 v15, v51;
	[tilespmem:v7+s22+$0x0] =	vst.idx.msk $0xffff, v56  }
0x325: {  	v43 =	vor.u32 v20, v51;
	v44 =	vld [tilespmem:$0x1FF00];
	[tilespmem:v29+s22+$0x0] =	vst.idx.msk $0xffff, v8  }
0x326: {  	[tilespmem:v3+s22+$0x0] =	vst.idx.msk $0xffff, v0;
	v0 =	vor.u32 v22, v51  }
0x327: {  	[tilespmem:v2+s22+$0x0] =	vst.idx.msk $0xffff, v12;
	v2 =	vor.u32 v23, v51  }
0x328: {  	[tilespmem:v1+s22+$0x0] =	vst.idx.msk $0xffff, v6;
	v1 =	vor.u32 v32, v51  }
0x329: {  	s0 =	sadd.s32 $0x1, s0;
	v45 =	vlaneseq.u32;
	v3 =	vor.u32 v30, v51;
	[tilespmem:v41+s22+$0x0] =	vst.idx.msk $0xffff, v52  }
0x32a: {  	v58 =	vadd.s32 s0, v45;
	v4 =	vor.u32 v44, v51;
	[tilespmem:v43+s22+$0x0] =	vst.idx.msk $0xffff, v5  }
0x32b: {  	v59 =	vand.u32 $0xF, v58;
	[tilespmem:v0+s22+$0x0] =	vst.idx.msk $0xffff, v54;
	v0 =	vor.u32 v21, v58  }
0x32c: {  	[tilespmem:v2+s22+$0x0] =	vst.idx.msk $0xffff, v11;
	v2 =	vor.u32 v18, v59  }
0x32d: {  	[tilespmem:v1+s22+$0x0] =	vst.idx.msk $0xffff, v62;
	v1 =	vor.u32 v24, v58  }
0x32e: {  	[tilespmem:v3+s22+$0x0] =	vst.idx.msk $0xffff, v55  }
0x32f: {  	v3 =	vor.u32 v19, v59;
	[tilespmem:v4+s22+$0x0] =	vst.idx.msk $0xffff, v10  }
0x330: {  	v53 =	vld.idx.msk [tilespmem:v0+s15+$0x0], $0xffff;
	v0 =	vor.u32 v34, v58  }
0x331: {  	v50 =	vld.idx.msk [tilespmem:v2+s15+$0x0], $0xffff  }
0x332: {  	v55 =	vld.idx.msk [tilespmem:v1+s15+$0x0], $0xffff;
	v1 =	vor.u32 v42, v59  }
0x333: {  	v2 =	vld [tilespmem:$0x1FD70]  }
0x334: {  	v56 =	vld.idx.msk [tilespmem:v3+s15+$0x0], $0xffff  }
0x335: {  	v46 =	vor.u32 v38, v59;
	v52 =	vld.idx.msk [tilespmem:v0+s15+$0x0], $0xffff  }
0x336: {  	v5 =	vor.u32 v33, v58;
	v0 =	vld [tilespmem:$0x1FE00]  }
0x337: {  	v3 =	vor.u32 v17, v59;
	v51 =	vld.idx.msk [tilespmem:v1+s15+$0x0], $0xffff  }
0x338: {  	p2 =	slt.u32 s1, $0xE;
	v47 =	vor.u32 v2, v59;
	v1 =	vld [tilespmem:$0x1FDA0]  }
.Ltmp2:
0x339: {  	_ = 	snop;
	(pc) =	sbr.rel @p2 .LBB2_7-.Ltmp2, $4  }
0x33a: {  	v49 =	vld.idx.msk [tilespmem:v46+s15+$0x0], $0xffff  }
0x33b: {  	v61 =	vor.u32 v39, v59;
	v48 =	vshll.u32 v59, $0x7;
	v57 =	vld.idx.msk [tilespmem:v5+s15+$0x0], $0xffff  }
0x33c: {  	v14 =	vlaneseq.u32;
	v62 =	vor.u32 v37, v58;
	v2 =	vor.u32 v40, v59;
	v54 =	vld.idx.msk [tilespmem:v3+s15+$0x0], $0xffff  }
0x33d: {  	s1 =	sadd.s32 $0x2, s1;
	v0 =	vor.u32 v0, v59;
	v60 =	vld.idx.msk [tilespmem:v47+s15+$0x0], $0xffff;
	v63 =	vor.u32 v1, v59;
	v1 =	vor.u32 v35, v59  }
0x33e: {  	_ =	sdelay $0x3  }
0x33f: {  	v2 =	vld.idx.msk [tilespmem:v2+s15+$0x0], $0xffff  }
0x340: {  	v3 =	vld [tilespmem:$0x1FD30]  }
0x341: {  	v4 =	vld.idx.msk [tilespmem:v62+s15+$0x0], $0xffff  }
0x342: {  	v5 =	vld [tilespmem:$0x1FD20]  }
0x343: {  	v0 =	vld.idx.msk [tilespmem:v0+s15+$0x0], $0xffff  }
0x344: {  	v6 =	vld [tilespmem:$0x1FD10]  }
0x345: {  	v7 =	vld.idx.msk [tilespmem:v63+s15+$0x0], $0xffff  }
0x346: {  	v1 =	vld.idx.msk [tilespmem:v1+s15+$0x0], $0xffff  }
0x347: {  	v39 =	vld [tilespmem:$0x1FF50]  }
0x348: {  	v9 =	vld.idx.msk [tilespmem:v61+s15+$0x0], $0xffff  }
0x349: {  	v36 =	vld [tilespmem:$0x1FF40]  }
0x34a: {  	v37 =	vld [tilespmem:$0x1FF30]  }
0x34b: {  	v34 =	vld [tilespmem:$0x1FF20]  }
0x34c: {  	v35 =	vld [tilespmem:$0x1FF10]  }
0x34d: {  	v38 =	vld [tilespmem:$0x1FF60]  }
0x34e: {  	v41 =	vld [tilespmem:$0x1FF70]  }
0x34f: {  	v40 =	vld [tilespmem:$0x1FF80];
	v3 =	vor.u32 v3, v59  }
0x350: {  	v43 =	vld [tilespmem:$0x1FF90];
	v5 =	vor.u32 v5, v58  }
0x351: {  	v42 =	vld [tilespmem:$0x1FFA0];
	v6 =	vor.u32 v6, v59  }
0x352: {  	v45 =	vld [tilespmem:$0x1FFB0];
	v8 =	vor.u32 v39, v59  }
0x353: {  	v44 =	vld [tilespmem:$0x1FFC0];
	v10 =	vor.u32 v36, v58  }
0x354: {  	v11 =	vor.u32 v37, v59;
	v3 =	vld.idx.msk [tilespmem:v3+s15+$0x0], $0xffff  }
0x355: {  	v12 =	vor.u32 v34, v59;
	v5 =	vld.idx.msk [tilespmem:v5+s15+$0x0], $0xffff  }
0x356: {  	v14 =	vor.u32 v14, v48;
	v13 =	vor.u32 v35, v58;
	v6 =	vld.idx.msk [tilespmem:v6+s15+$0x0], $0xffff  }
0x357: {  	v29 =	vor.u32 v38, v48;
	v8 =	vld.idx.msk [tilespmem:v8+s15+$0x0], $0xffff  }
0x358: {  	v30 =	vor.u32 v41, v48;
	v10 =	vld.idx.msk [tilespmem:v10+s15+$0x0], $0xffff  }
0x359: {  	v31 =	vor.u32 v40, v48;
	v11 =	vld.idx.msk [tilespmem:v11+s15+$0x0], $0xffff  }
0x35a: {  	v32 =	vor.u32 v43, v48;
	v12 =	vld.idx.msk [tilespmem:v12+s15+$0x0], $0xffff  }
0x35b: {  	v33 =	vor.u32 v42, v48;
	v13 =	vld.idx.msk [tilespmem:v13+s15+$0x0], $0xffff;
	[tilespmem:v14+s22+$0x0] =	vst.idx.msk $0xffff, v6  }
0x35c: {  	v63 =	vor.u32 v45, v48;
	[tilespmem:v29+s22+$0x0] =	vst.idx.msk $0xffff, v5  }
0x35d: {  	v47 =	vld [tilespmem:$0x1FFD0];
	[tilespmem:v30+s22+$0x0] =	vst.idx.msk $0xffff, v3;
	v3 =	vor.u32 v44, v48  }
0x35e: {  	[tilespmem:v31+s22+$0x0] =	vst.idx.msk $0xffff, v9  }
0x35f: {  	v20 =	vld [tilespmem:$0x1FFE0];
	[tilespmem:v32+s22+$0x0] =	vst.idx.msk $0xffff, v55  }
0x360: {  	v18 =	vld [tilespmem:$0x1FE40];
	[tilespmem:v33+s22+$0x0] =	vst.idx.msk $0xffff, v56  }
0x361: {  	[tilespmem:v63+s22+$0x0] =	vst.idx.msk $0xffff, v60;
	v63 =	vld [tilespmem:$0x1FFF0]  }
0x362: {  	v24 =	vor.u32 v47, v48;
	[tilespmem:v3+s22+$0x0] =	vst.idx.msk $0xffff, v57;
	v3 =	vld [tilespmem:$0x1FE50];
	_ =	sdelay $0x1  }
0x363: {  	v25 =	vor.u32 v20, v48  }
0x364: {  	v26 =	vor.u32 v18, v48  }
0x365: {  	v27 =	vor.u32 v63, v48  }
0x366: {  	[tilespmem:v24+s22+$0x0] =	vst.idx.msk $0xffff, v2;
	v2 =	vld [tilespmem:$0x1FE60];
	v3 =	vor.u32 v3, v48  }
0x367: {  	v28 =	vld [tilespmem:$0x1FE70]  }
0x368: {  	v29 =	vld [tilespmem:$0x1FE80];
	[tilespmem:v25+s22+$0x0] =	vst.idx.msk $0xffff, v7  }
0x369: {  	[tilespmem:v26+s22+$0x0] =	vst.idx.msk $0xffff, v53  }
0x36a: {  	v30 =	vld [tilespmem:$0x1FE90];
	[tilespmem:v27+s22+$0x0] =	vst.idx.msk $0xffff, v54  }
0x36b: {  	v2 =	vor.u32 v2, v48;
	[tilespmem:v3+s22+$0x0] =	vst.idx.msk $0xffff, v1;
	v1 =	vld [tilespmem:$0x1FEA0]  }
0x36c: {  	v7 =	vor.u32 v28, v48  }
0x36d: {  	v6 =	vor.u32 v29, v48;
	_ =	sdelay $0x1  }
0x36e: {  	v5 =	vor.u32 v30, v48  }
0x36f: {  	[tilespmem:v2+s22+$0x0] =	vst.idx.msk $0xffff, v4;
	v2 =	vld [tilespmem:$0x1FEB0];
	v1 =	vor.u32 v1, v48  }
0x370: {  	v3 =	vld [tilespmem:$0x1FEC0];
	[tilespmem:v7+s22+$0x0] =	vst.idx.msk $0xffff, v50  }
0x371: {  	[tilespmem:v6+s22+$0x0] =	vst.idx.msk $0xffff, v0;
	v0 =	vld [tilespmem:$0x1FED0]  }
0x372: {  	v31 =	vld [tilespmem:$0x1FEE0]  }
0x373: {  	v32 =	vld [tilespmem:$0x1FEF0];
	[tilespmem:v5+s22+$0x0] =	vst.idx.msk $0xffff, v52  }
0x374: {  	v2 =	vor.u32 v2, v48;
	[tilespmem:v1+s22+$0x0] =	vst.idx.msk $0xffff, v51;
	v1 =	vld [tilespmem:$0x1FF00]  }
0x375: {  	v3 =	vor.u32 v3, v48  }
0x376: {  	v0 =	vor.u32 v0, v48  }
0x377: {  	v4 =	vor.u32 v31, v48  }
0x378: {  	v5 =	vor.u32 v32, v48  }
0x379: {  	[tilespmem:v2+s22+$0x0] =	vst.idx.msk $0xffff, v49;
	v1 =	vor.u32 v1, v48  }
0x37a: {  	[tilespmem:v3+s22+$0x0] =	vst.idx.msk $0xffff, v13  }
0x37b: {  	[tilespmem:v0+s22+$0x0] =	vst.idx.msk $0xffff, v12  }
0x37c: {  	s0 =	sadd.s32 s8, s29;
	[tilespmem:v4+s22+$0x0] =	vst.idx.msk $0xffff, v11  }
0x37d: {  	s0 =	sshrl.u32 s0, $0x3;
	[tilespmem:v5+s22+$0x0] =	vst.idx.msk $0xffff, v10  }
0x37e: {  	s0 =	sadd.s32 s2, s0;
	[tilespmem:v1+s22+$0x0] =	vst.idx.msk $0xffff, v8  }
0x37f: {  	[hbm4b:s0+s19] =	stream.strided.scatter [tilespmem:s22], [sflag:$0x2], $0x1800, s20, s19, $0x38;
	[tilespmem:$0x1C000] =	vst v63  }
0x380: {  	_ =	swait.ge [sflag:s16], $0x4000  }
0x381: {  	s1 =	simm.s32 @!p0 $0x80;
	[sflag:s16] =	ssyncset.done $0x0  }
0x382: {  	s14 =	simm.s32 @!p0 $0xE000;
	s0 =	sadd.s32 @!p0 $0x300, s30;
	[sflag:s16] =	ssyncadd.s32 $0xFFFFC000  }
0x383: {  	[tilespmem:s14], [sflag:$0x1] =	stream.indirect.gather @!p0 [hbm4b:s4+s1], $0x80, s0, s1, $0xb8;
	[tilespmem:$0x1C000] =	vst v63  }
0x384: {  	_ =	swait.ge @p1 [sflag:s24], $0x1800  }
0x385: {  	v19 =	vld [tilespmem:$0x1FD60]  }
0x386: {  	v3 =	vld [tilespmem:$0x1FD30]  }
0x387: {  	v21 =	vld [tilespmem:$0x1FD50]  }
0x388: {  	v24 =	vld [tilespmem:$0x1FD70]  }
0x389: {  	v48 =	vld [tilespmem:$0x1FD20]  }
0x38a: {  	v31 =	vld [tilespmem:$0x1FD80]  }
0x38b: {  	v22 =	vld [tilespmem:$0x1FDA0]  }
0x38c: {  	v23 =	vld [tilespmem:$0x1FE10]  }
0x38d: {  	v17 =	vld [tilespmem:$0x1FDF0]  }
0x38e: {  	v16 =	vld [tilespmem:$0x1FDD0]  }
0x38f: {  	v15 =	vlaneseq.u32;
	s30 =	simm.s32 $0x0;
	v25 =	vld [tilespmem:$0x1FDC0]  }
0x390: {  	v0 =	vadd.s32 s30, v15;
	v30 =	vld [tilespmem:$0x1FDE0]  }
0x391: {  	v51 =	vor.u32 v36, v0;
	v26 =	vld [tilespmem:$0x1FE30]  }
0x392: {  	v1 =	vand.u32 $0xF, v0;
	v52 =	vor.u32 v35, v0;
	v27 =	vld [tilespmem:$0x1FD10]  }
0x393: {  	v55 =	vor.u32 v34, v1;
	v32 =	vld [tilespmem:$0x1FD40]  }
0x394: {  	[sflag:s24] =	ssyncset.done @p1 $0x0;
	v28 =	vld [tilespmem:$0x1FD90]  }
0x395: {  	v29 =	vld [tilespmem:$0x1FE20];
	[sflag:s24] =	ssyncadd.s32 @p1 $0xFFFFE800;
	v2 =	vor.u32 v19, v1  }
0x396: {  	v9 =	vld.idx.msk [tilespmem:v51+s17+$0x0], $0xffff;
	v3 =	vor.u32 v3, v1  }
0x397: {  	v10 =	vld.idx.msk [tilespmem:v52+s17+$0x0], $0xffff;
	v33 =	vor.u32 v21, v0  }
0x398: {  	v13 =	vld.idx.msk [tilespmem:v55+s17+$0x0], $0xffff;
	v46 =	vor.u32 v24, v1  }
0x399: {  	v6 =	vor.u32 v48, v0;
	v61 =	vor.u32 v27, v1;
	v27 =	vld [tilespmem:$0x1FE00]  }
0x39a: {  	v49 =	vor.u32 v31, v0;
	v2 =	vld.idx.msk [tilespmem:v2+s17+$0x0], $0xffff  }
0x39b: {  	v50 =	vor.u32 v22, v1;
	v3 =	vld.idx.msk [tilespmem:v3+s17+$0x0], $0xffff  }
0x39c: {  	v4 =	vld.idx.msk [tilespmem:v33+s17+$0x0], $0xffff  }
0x39d: {  	v53 =	vor.u32 v23, v0;
	v5 =	vld.idx.msk [tilespmem:v46+s17+$0x0], $0xffff  }
0x39e: {  	v54 =	vor.u32 v17, v1;
	v6 =	vld.idx.msk [tilespmem:v6+s17+$0x0], $0xffff  }
0x39f: {  	v57 =	vor.u32 v16, v1;
	v7 =	vld.idx.msk [tilespmem:v49+s17+$0x0], $0xffff  }
0x3a0: {  	v58 =	vor.u32 v25, v1;
	v8 =	vld.idx.msk [tilespmem:v50+s17+$0x0], $0xffff  }
0x3a1: {  	v59 =	vor.u32 v39, v1;
	v33 =	vld [tilespmem:$0x1FDB0]  }
0x3a2: {  	v60 =	vor.u32 v26, v1;
	v11 =	vld.idx.msk [tilespmem:v53+s17+$0x0], $0xffff  }
0x3a3: {  	v12 =	vld.idx.msk [tilespmem:v54+s17+$0x0], $0xffff  }
0x3a4: {  	v62 =	vor.u32 v32, v1;
	v48 =	vld.idx.msk [tilespmem:v57+s17+$0x0], $0xffff  }
0x3a5: {  	v34 =	vor.u32 v37, v1;
	v49 =	vld.idx.msk [tilespmem:v58+s17+$0x0], $0xffff  }
0x3a6: {  	v35 =	vor.u32 v28, v1;
	v50 =	vld.idx.msk [tilespmem:v59+s17+$0x0], $0xffff  }
0x3a7: {  	v36 =	vor.u32 v27, v1;
	v51 =	vld.idx.msk [tilespmem:v60+s17+$0x0], $0xffff;
	v57 =	vshll.u32 v1, $0x7;
	v1 =	vor.u32 v29, v1  }
0x3a8: {  	v52 =	vld.idx.msk [tilespmem:v61+s17+$0x0], $0xffff;
	v56 =	vor.u32 v33, v0  }
0x3a9: {  	v53 =	vld.idx.msk [tilespmem:v62+s17+$0x0], $0xffff;
	v0 =	vor.u32 v30, v0  }
0x3aa: {  	v54 =	vld.idx.msk [tilespmem:v34+s17+$0x0], $0xffff;
	v37 =	vor.u32 v15, v57  }
0x3ab: {  	v55 =	vld.idx.msk [tilespmem:v35+s17+$0x0], $0xffff;
	v39 =	vor.u32 v38, v57  }
0x3ac: {  	v41 =	vor.u32 v41, v57;
	v1 =	vld.idx.msk [tilespmem:v1+s17+$0x0], $0xffff  }
0x3ad: {  	v46 =	vor.u32 v40, v57;
	v14 =	vld.idx.msk [tilespmem:v56+s17+$0x0], $0xffff  }
0x3ae: {  	v34 =	vor.u32 v43, v57;
	v0 =	vld.idx.msk [tilespmem:v0+s17+$0x0], $0xffff  }
0x3af: {  	v35 =	vor.u32 v42, v57;
	v56 =	vld.idx.msk [tilespmem:v36+s17+$0x0], $0xffff;
	[tilespmem:v37+s23+$0x0] =	vst.idx.msk $0xffff, v52  }
0x3b0: {  	v36 =	vor.u32 v45, v57;
	[tilespmem:v39+s23+$0x0] =	vst.idx.msk $0xffff, v6  }
0x3b1: {  	[tilespmem:v41+s23+$0x0] =	vst.idx.msk $0xffff, v3;
	v3 =	vor.u32 v44, v57  }
0x3b2: {  	[tilespmem:v46+s23+$0x0] =	vst.idx.msk $0xffff, v53  }
0x3b3: {  	[tilespmem:v34+s23+$0x0] =	vst.idx.msk $0xffff, v4  }
0x3b4: {  	[tilespmem:v35+s23+$0x0] =	vst.idx.msk $0xffff, v2  }
0x3b5: {  	[tilespmem:v36+s23+$0x0] =	vst.idx.msk $0xffff, v5  }
0x3b6: {  	[tilespmem:v3+s23+$0x0] =	vst.idx.msk $0xffff, v7;
	v3 =	vld [tilespmem:$0x1FE50]  }
0x3b7: {  	v40 =	vld [tilespmem:$0x1FE60];
	v37 =	vor.u32 v47, v57  }
0x3b8: {  	v38 =	vor.u32 v20, v57  }
0x3b9: {  	v2 =	vor.u32 v18, v57  }
0x3ba: {  	v39 =	vor.u32 v63, v57  }
0x3bb: {  	v3 =	vor.u32 v3, v57  }
0x3bc: {  	v6 =	vor.u32 v40, v57;
	[tilespmem:v37+s23+$0x0] =	vst.idx.msk $0xffff, v55  }
0x3bd: {  	v41 =	vld [tilespmem:$0x1FE70];
	[tilespmem:v38+s23+$0x0] =	vst.idx.msk $0xffff, v8  }
0x3be: {  	[tilespmem:v2+s23+$0x0] =	vst.idx.msk $0xffff, v14;
	v2 =	vld [tilespmem:$0x1FE80]  }
0x3bf: {  	v42 =	vld [tilespmem:$0x1FE90];
	[tilespmem:v39+s23+$0x0] =	vst.idx.msk $0xffff, v49  }
0x3c0: {  	[tilespmem:v3+s23+$0x0] =	vst.idx.msk $0xffff, v48;
	v3 =	vld [tilespmem:$0x1FEA0]  }
0x3c1: {  	[tilespmem:v6+s23+$0x0] =	vst.idx.msk $0xffff, v0;
	v0 =	vld [tilespmem:$0x1FEB0]  }
0x3c2: {  	v4 =	vor.u32 v41, v57  }
0x3c3: {  	v2 =	vor.u32 v2, v57  }
0x3c4: {  	v5 =	vor.u32 v42, v57  }
0x3c5: {  	v3 =	vor.u32 v3, v57  }
0x3c6: {  	v0 =	vor.u32 v0, v57  }
0x3c7: {  	v43 =	vld [tilespmem:$0x1FEC0];
	[tilespmem:v4+s23+$0x0] =	vst.idx.msk $0xffff, v12  }
0x3c8: {  	[tilespmem:v2+s23+$0x0] =	vst.idx.msk $0xffff, v56;
	v2 =	vld [tilespmem:$0x1FED0]  }
0x3c9: {  	v44 =	vld [tilespmem:$0x1FEE0];
	[tilespmem:v5+s23+$0x0] =	vst.idx.msk $0xffff, v11  }
0x3ca: {  	[tilespmem:v3+s23+$0x0] =	vst.idx.msk $0xffff, v1;
	v1 =	vld [tilespmem:$0x1FEF0]  }
0x3cb: {  	[tilespmem:v0+s23+$0x0] =	vst.idx.msk $0xffff, v51;
	v0 =	vld [tilespmem:$0x1FF00]  }
0x3cc: {  	v4 =	vor.u32 v43, v57  }
0x3cd: {  	v2 =	vor.u32 v2, v57  }
0x3ce: {  	v5 =	vor.u32 v44, v57  }
0x3cf: {  	s31 =	simm.s32 $0x1;
	v1 =	vor.u32 v1, v57  }
0x3d0: {  	v58 =	vadd.s32 s31, v15;
	v0 =	vor.u32 v0, v57  }
0x3d1: {  	v59 =	vand.u32 $0xF, v58;
	v3 =	vor.u32 v33, v58;
	[tilespmem:v4+s23+$0x0] =	vst.idx.msk $0xffff, v10  }
0x3d2: {  	[tilespmem:v2+s23+$0x0] =	vst.idx.msk $0xffff, v13;
	v2 =	vor.u32 v17, v59  }
0x3d3: {  	v45 =	vor.u32 v21, v58;
	[tilespmem:v5+s23+$0x0] =	vst.idx.msk $0xffff, v54  }
0x3d4: {  	v46 =	vor.u32 v31, v58;
	[tilespmem:v1+s23+$0x0] =	vst.idx.msk $0xffff, v9  }
0x3d5: {  	v1 =	vor.u32 v19, v59;
	[tilespmem:v0+s23+$0x0] =	vst.idx.msk $0xffff, v50  }
0x3d6: {  	v47 =	vor.u32 v24, v59;
	v53 =	vld.idx.msk [tilespmem:v3+s17+$0x0], $0xffff  }
0x3d7: {  	v0 =	vor.u32 v26, v59;
	v50 =	vld.idx.msk [tilespmem:v2+s17+$0x0], $0xffff  }
0x3d8: {  	v2 =	vor.u32 v23, v58;
	v55 =	vld.idx.msk [tilespmem:v45+s17+$0x0], $0xffff  }
0x3d9: {  	v3 =	vor.u32 v29, v59;
	v57 =	vld.idx.msk [tilespmem:v46+s17+$0x0], $0xffff  }
0x3da: {  	v56 =	vld.idx.msk [tilespmem:v1+s17+$0x0], $0xffff;
	v1 =	vor.u32 v25, v59  }
0x3db: {  	v60 =	vld.idx.msk [tilespmem:v47+s17+$0x0], $0xffff  }
0x3dc: {  	v49 =	vld.idx.msk [tilespmem:v0+s17+$0x0], $0xffff  }
0x3dd: {  	v62 =	vor.u32 v30, v58;
	v52 =	vld.idx.msk [tilespmem:v2+s17+$0x0], $0xffff  }
0x3de: {  	v61 =	vor.u32 v32, v59;
	v63 =	vor.u32 v22, v59;
	v48 =	vshll.u32 v59, $0x7;
	v51 =	vld.idx.msk [tilespmem:v3+s17+$0x0], $0xffff  }
0x3df: {  	s1 =	simm.s32 $0x2;
	v0 =	vor.u32 v27, v59;
	v2 =	vor.u32 v28, v59;
	v54 =	vld.idx.msk [tilespmem:v1+s17+$0x0], $0xffff;
	v1 =	vor.u32 v16, v59  }
.LBB2_9:
0x3e0: {  	_ =	sdelay $0x3  }
0x3e1: {  	v2 =	vld.idx.msk [tilespmem:v2+s17+$0x0], $0xffff  }
0x3e2: {  	v19 =	vld [tilespmem:$0x1FD30]  }
0x3e3: {  	v4 =	vld.idx.msk [tilespmem:v62+s17+$0x0], $0xffff  }
0x3e4: {  	v22 =	vld [tilespmem:$0x1FD20]  }
0x3e5: {  	v0 =	vld.idx.msk [tilespmem:v0+s17+$0x0], $0xffff  }
0x3e6: {  	v16 =	vld [tilespmem:$0x1FD10]  }
0x3e7: {  	v7 =	vld.idx.msk [tilespmem:v63+s17+$0x0], $0xffff  }
0x3e8: {  	v1 =	vld.idx.msk [tilespmem:v1+s17+$0x0], $0xffff  }
0x3e9: {  	v25 =	vld [tilespmem:$0x1FF50]  }
0x3ea: {  	v9 =	vld.idx.msk [tilespmem:v61+s17+$0x0], $0xffff  }
0x3eb: {  	v46 =	vld [tilespmem:$0x1FF40]  }
0x3ec: {  	v29 =	vld [tilespmem:$0x1FF30]  }
0x3ed: {  	v28 =	vld [tilespmem:$0x1FF20]  }
0x3ee: {  	v23 =	vld [tilespmem:$0x1FF10]  }
0x3ef: {  	v15 =	vld [tilespmem:$0x1FF60]  }
0x3f0: {  	v63 =	vld [tilespmem:$0x1FF70]  }
0x3f1: {  	v17 =	vld [tilespmem:$0x1FF80]  }
0x3f2: {  	v38 =	vld [tilespmem:$0x1FF90]  }
0x3f3: {  	v18 =	vld [tilespmem:$0x1FFA0]  }
0x3f4: {  	v40 =	vld [tilespmem:$0x1FFB0]  }
0x3f5: {  	v30 =	vld [tilespmem:$0x1FFC0];
	v3 =	vor.u32 v19, v59  }
0x3f6: {  	v42 =	vld [tilespmem:$0x1FFD0];
	v5 =	vor.u32 v22, v58  }
0x3f7: {  	v31 =	vld [tilespmem:$0x1FFE0];
	v6 =	vor.u32 v16, v59  }
0x3f8: {  	v44 =	vld [tilespmem:$0x1FE40];
	v8 =	vor.u32 v25, v59  }
0x3f9: {  	v32 =	vld [tilespmem:$0x1FFF0];
	v10 =	vor.u32 v46, v58  }
0x3fa: {  	v11 =	vor.u32 v29, v59;
	v3 =	vld.idx.msk [tilespmem:v3+s17+$0x0], $0xffff  }
0x3fb: {  	v14 =	vlaneseq.u32;
	v12 =	vor.u32 v28, v59;
	v5 =	vld.idx.msk [tilespmem:v5+s17+$0x0], $0xffff  }
0x3fc: {  	v14 =	vor.u32 v14, v48;
	v13 =	vor.u32 v23, v58;
	v6 =	vld.idx.msk [tilespmem:v6+s17+$0x0], $0xffff  }
0x3fd: {  	v33 =	vor.u32 v15, v48;
	v8 =	vld.idx.msk [tilespmem:v8+s17+$0x0], $0xffff  }
0x3fe: {  	v34 =	vor.u32 v63, v48;
	v10 =	vld.idx.msk [tilespmem:v10+s17+$0x0], $0xffff  }
0x3ff: {  	v35 =	vor.u32 v17, v48;
	v11 =	vld.idx.msk [tilespmem:v11+s17+$0x0], $0xffff  }
0x400: {  	v36 =	vor.u32 v38, v48;
	v12 =	vld.idx.msk [tilespmem:v12+s17+$0x0], $0xffff  }
0x401: {  	v37 =	vor.u32 v18, v48;
	v13 =	vld.idx.msk [tilespmem:v13+s17+$0x0], $0xffff;
	[tilespmem:v14+s23+$0x0] =	vst.idx.msk $0xffff, v6  }
0x402: {  	v20 =	vld [tilespmem:$0x1FE50];
	v39 =	vor.u32 v40, v48;
	[tilespmem:v33+s23+$0x0] =	vst.idx.msk $0xffff, v5  }
0x403: {  	v27 =	vld [tilespmem:$0x1FE60];
	[tilespmem:v34+s23+$0x0] =	vst.idx.msk $0xffff, v3;
	v3 =	vor.u32 v30, v48  }
0x404: {  	v21 =	vld [tilespmem:$0x1FE70];
	v41 =	vor.u32 v42, v48;
	[tilespmem:v35+s23+$0x0] =	vst.idx.msk $0xffff, v9  }
0x405: {  	v24 =	vld [tilespmem:$0x1FEF0];
	v14 =	vor.u32 v31, v48;
	[tilespmem:v36+s23+$0x0] =	vst.idx.msk $0xffff, v55  }
0x406: {  	v61 =	vld [tilespmem:$0x1FD70];
	v43 =	vor.u32 v44, v48;
	[tilespmem:v37+s23+$0x0] =	vst.idx.msk $0xffff, v56  }
0x407: {  	v26 =	vld [tilespmem:$0x1FE30];
	v45 =	vor.u32 v32, v48;
	[tilespmem:v39+s23+$0x0] =	vst.idx.msk $0xffff, v60  }
0x408: {  	v59 =	vld [tilespmem:$0x1FD50];
	[tilespmem:v3+s23+$0x0] =	vst.idx.msk $0xffff, v57;
	v3 =	vor.u32 v20, v48  }
0x409: {  	v35 =	vld [tilespmem:$0x1FE80];
	[tilespmem:v41+s23+$0x0] =	vst.idx.msk $0xffff, v2;
	v2 =	vor.u32 v27, v48  }
0x40a: {  	v47 =	vor.u32 v21, v48;
	v37 =	vld [tilespmem:$0x1FE90];
	[tilespmem:v14+s23+$0x0] =	vst.idx.msk $0xffff, v7  }
0x40b: {  	v39 =	vld [tilespmem:$0x1FEA0];
	[tilespmem:v43+s23+$0x0] =	vst.idx.msk $0xffff, v53  }
0x40c: {  	v41 =	vld [tilespmem:$0x1FEB0];
	[tilespmem:v45+s23+$0x0] =	vst.idx.msk $0xffff, v54  }
0x40d: {  	v43 =	vld [tilespmem:$0x1FEC0];
	[tilespmem:v3+s23+$0x0] =	vst.idx.msk $0xffff, v1  }
0x40e: {  	v53 =	vor.u32 v35, v48;
	v45 =	vld [tilespmem:$0x1FED0];
	[tilespmem:v2+s23+$0x0] =	vst.idx.msk $0xffff, v4  }
0x40f: {  	v54 =	vor.u32 v37, v48;
	[tilespmem:v47+s23+$0x0] =	vst.idx.msk $0xffff, v50;
	v47 =	vld [tilespmem:$0x1FEE0]  }
0x410: {  	s0 =	smov.u32 s1;
	v33 =	vld [tilespmem:$0x1FD80];
	v57 =	vlaneseq.u32;
	v1 =	vor.u32 v39, v48  }
0x411: {  	v36 =	vld [tilespmem:$0x1FF00];
	v6 =	vadd.s32 s0, v57;
	v2 =	vor.u32 v41, v48  }
0x412: {  	v14 =	vor.u32 v22, v6;
	v22 =	vld [tilespmem:$0x1FD60];
	v3 =	vor.u32 v43, v48  }
0x413: {  	v34 =	vld [tilespmem:$0x1FE20];
	v9 =	vand.u32 $0xF, v6;
	[tilespmem:v53+s23+$0x0] =	vst.idx.msk $0xffff, v0;
	v0 =	vor.u32 v45, v48  }
0x414: {  	v60 =	vor.u32 v19, v9;
	v19 =	vld [tilespmem:$0x1FDF0];
	[tilespmem:v54+s23+$0x0] =	vst.idx.msk $0xffff, v52;
	v56 =	vor.u32 v47, v48  }
0x415: {  	v58 =	vor.u32 v24, v48;
	[tilespmem:v1+s23+$0x0] =	vst.idx.msk $0xffff, v51;
	v1 =	vor.u32 v16, v9;
	v16 =	vld [tilespmem:$0x1FDB0]  }
0x416: {  	v55 =	vor.u32 v36, v48;
	[tilespmem:v2+s23+$0x0] =	vst.idx.msk $0xffff, v49;
	v48 =	vor.u32 v59, v6;
	v59 =	vld [tilespmem:$0x1FDE0]  }
0x417: {  	v2 =	vor.u32 v22, v9;
	[tilespmem:v3+s23+$0x0] =	vst.idx.msk $0xffff, v13;
	v3 =	vld [tilespmem:$0x1FDA0]  }
0x418: {  	v13 =	vld [tilespmem:$0x1FDC0];
	[tilespmem:v0+s23+$0x0] =	vst.idx.msk $0xffff, v12  }
0x419: {  	v12 =	vld [tilespmem:$0x1FE00];
	[tilespmem:v56+s23+$0x0] =	vst.idx.msk $0xffff, v11  }
0x41a: {  	v62 =	vor.u32 v61, v9;
	v11 =	vor.u32 v28, v9;
	v28 =	vld [tilespmem:$0x1FD40];
	[tilespmem:v58+s23+$0x0] =	vst.idx.msk $0xffff, v10  }
0x41b: {  	v10 =	vor.u32 v25, v9;
	v25 =	vld [tilespmem:$0x1FDD0];
	[tilespmem:v55+s23+$0x0] =	vst.idx.msk $0xffff, v8  }
0x41c: {  	v2 =	vld.idx.msk [tilespmem:v2+s17+$0x0], $0xffff  }
0x41d: {  	v61 =	vor.u32 v46, v6;
	v50 =	vld.idx.msk [tilespmem:v60+s17+$0x0], $0xffff  }
0x41e: {  	v0 =	vor.u32 v19, v9;
	v48 =	vld.idx.msk [tilespmem:v48+s17+$0x0], $0xffff  }
0x41f: {  	v4 =	vor.u32 v16, v6;
	v49 =	vld.idx.msk [tilespmem:v62+s17+$0x0], $0xffff  }
0x420: {  	v5 =	vor.u32 v26, v9;
	v14 =	vld.idx.msk [tilespmem:v14+s17+$0x0], $0xffff  }
0x421: {  	v60 =	vor.u32 v23, v6;
	v23 =	vld [tilespmem:$0x1FE10]  }
0x422: {  	v52 =	vor.u32 v34, v9;
	v55 =	vld.idx.msk [tilespmem:v61+s17+$0x0], $0xffff  }
0x423: {  	v0 =	vld.idx.msk [tilespmem:v0+s17+$0x0], $0xffff  }
0x424: {  	v58 =	vor.u32 v33, v6;
	v4 =	vld.idx.msk [tilespmem:v4+s17+$0x0], $0xffff  }
0x425: {  	v5 =	vld.idx.msk [tilespmem:v5+s17+$0x0], $0xffff  }
0x426: {  	v1 =	vld.idx.msk [tilespmem:v1+s17+$0x0], $0xffff  }
0x427: {  	v3 =	vor.u32 v3, v9;
	v52 =	vld.idx.msk [tilespmem:v52+s17+$0x0], $0xffff  }
0x428: {  	v13 =	vor.u32 v13, v9;
	v11 =	vld.idx.msk [tilespmem:v11+s17+$0x0], $0xffff  }
0x429: {  	v7 =	vld.idx.msk [tilespmem:v58+s17+$0x0], $0xffff  }
0x42a: {  	v51 =	vshll.u32 v9, $0x7;
	v8 =	vor.u32 v59, v6;
	v54 =	vld.idx.msk [tilespmem:v60+s17+$0x0], $0xffff  }
0x42b: {  	v12 =	vor.u32 v12, v9;
	v60 =	vor.u32 v17, v51;
	v17 =	vld [tilespmem:$0x1FD90]  }
0x42c: {  	v53 =	vor.u32 v28, v9;
	v3 =	vld.idx.msk [tilespmem:v3+s17+$0x0], $0xffff  }
0x42d: {  	v62 =	vor.u32 v25, v9;
	v13 =	vld.idx.msk [tilespmem:v13+s17+$0x0], $0xffff  }
0x42e: {  	v61 =	vor.u32 v38, v51;
	v38 =	vor.u32 v29, v9;
	v10 =	vld.idx.msk [tilespmem:v10+s17+$0x0], $0xffff  }
0x42f: {  	v8 =	vld.idx.msk [tilespmem:v8+s17+$0x0], $0xffff;
	v6 =	vor.u32 v23, v6  }
0x430: {  	v57 =	vor.u32 v57, v51;
	v12 =	vld.idx.msk [tilespmem:v12+s17+$0x0], $0xffff;
	v9 =	vor.u32 v17, v9  }
0x431: {  	v58 =	vor.u32 v15, v51;
	v53 =	vld.idx.msk [tilespmem:v53+s17+$0x0], $0xffff  }
0x432: {  	v59 =	vor.u32 v63, v51;
	v56 =	vld.idx.msk [tilespmem:v62+s17+$0x0], $0xffff  }
0x433: {  	v62 =	vld.idx.msk [tilespmem:v38+s17+$0x0], $0xffff  }
0x434: {  	v6 =	vld.idx.msk [tilespmem:v6+s17+$0x0], $0xffff  }
0x435: {  	v18 =	vor.u32 v18, v51;
	v9 =	vld.idx.msk [tilespmem:v9+s17+$0x0], $0xffff;
	[tilespmem:v57+s23+$0x0] =	vst.idx.msk $0xffff, v1  }
0x436: {  	v1 =	vor.u32 v40, v51;
	[tilespmem:v58+s23+$0x0] =	vst.idx.msk $0xffff, v14  }
0x437: {  	v14 =	vor.u32 v30, v51;
	[tilespmem:v59+s23+$0x0] =	vst.idx.msk $0xffff, v50  }
0x438: {  	v30 =	vor.u32 v42, v51;
	[tilespmem:v60+s23+$0x0] =	vst.idx.msk $0xffff, v53  }
0x439: {  	v31 =	vor.u32 v31, v51;
	[tilespmem:v61+s23+$0x0] =	vst.idx.msk $0xffff, v48  }
0x43a: {  	[tilespmem:v18+s23+$0x0] =	vst.idx.msk $0xffff, v2;
	v2 =	vor.u32 v44, v51  }
0x43b: {  	[tilespmem:v1+s23+$0x0] =	vst.idx.msk $0xffff, v49;
	v1 =	vor.u32 v32, v51  }
0x43c: {  	v32 =	vor.u32 v20, v51;
	[tilespmem:v14+s23+$0x0] =	vst.idx.msk $0xffff, v7  }
0x43d: {  	v38 =	vor.u32 v27, v51;
	[tilespmem:v30+s23+$0x0] =	vst.idx.msk $0xffff, v9  }
0x43e: {  	[tilespmem:v31+s23+$0x0] =	vst.idx.msk $0xffff, v3;
	v3 =	vor.u32 v21, v51  }
0x43f: {  	[tilespmem:v2+s23+$0x0] =	vst.idx.msk $0xffff, v4;
	v2 =	vor.u32 v35, v51  }
0x440: {  	[tilespmem:v1+s23+$0x0] =	vst.idx.msk $0xffff, v13;
	v1 =	vor.u32 v37, v51  }
0x441: {  	v40 =	vor.u32 v39, v51;
	[tilespmem:v32+s23+$0x0] =	vst.idx.msk $0xffff, v56  }
0x442: {  	v42 =	vor.u32 v41, v51;
	[tilespmem:v38+s23+$0x0] =	vst.idx.msk $0xffff, v8  }
0x443: {  	[tilespmem:v3+s23+$0x0] =	vst.idx.msk $0xffff, v0;
	v0 =	vor.u32 v43, v51  }
0x444: {  	[tilespmem:v2+s23+$0x0] =	vst.idx.msk $0xffff, v12;
	v2 =	vor.u32 v45, v51  }
0x445: {  	[tilespmem:v1+s23+$0x0] =	vst.idx.msk $0xffff, v6;
	v1 =	vor.u32 v47, v51  }
0x446: {  	[tilespmem:v40+s23+$0x0] =	vst.idx.msk $0xffff, v52  }
0x447: {  	s0 =	sadd.s32 $0x1, s0;
	v46 =	vlaneseq.u32;
	[tilespmem:v42+s23+$0x0] =	vst.idx.msk $0xffff, v5  }
0x448: {  	v58 =	vadd.s32 s0, v46;
	v3 =	vor.u32 v24, v51;
	[tilespmem:v0+s23+$0x0] =	vst.idx.msk $0xffff, v54  }
0x449: {  	v59 =	vand.u32 $0xF, v58;
	v44 =	vor.u32 v36, v51;
	[tilespmem:v2+s23+$0x0] =	vst.idx.msk $0xffff, v11  }
0x44a: {  	v2 =	vor.u32 v19, v59;
	[tilespmem:v1+s23+$0x0] =	vst.idx.msk $0xffff, v62;
	v1 =	vld [tilespmem:$0x1FD50];
	_ =	sdelay $0x2  }
0x44b: {  	v0 =	vor.u32 v16, v58;
	[tilespmem:v3+s23+$0x0] =	vst.idx.msk $0xffff, v55  }
0x44c: {  	v3 =	vor.u32 v22, v59;
	[tilespmem:v44+s23+$0x0] =	vst.idx.msk $0xffff, v10  }
0x44d: {  	v50 =	vld.idx.msk [tilespmem:v2+s17+$0x0], $0xffff;
	v1 =	vor.u32 v1, v58  }
0x44e: {  	v2 =	vld [tilespmem:$0x1FDC0];
	_ =	sdelay $0x1  }
0x44f: {  	v53 =	vld.idx.msk [tilespmem:v0+s17+$0x0], $0xffff;
	v0 =	vor.u32 v23, v58  }
0x450: {  	v56 =	vld.idx.msk [tilespmem:v3+s17+$0x0], $0xffff  }
0x451: {  	v55 =	vld.idx.msk [tilespmem:v1+s17+$0x0], $0xffff;
	v1 =	vor.u32 v34, v59  }
0x452: {  	v3 =	vor.u32 v2, v59;
	v2 =	vld [tilespmem:$0x1FD70]  }
0x453: {  	v63 =	vld [tilespmem:$0x1FDE0]  }
0x454: {  	v45 =	vor.u32 v26, v59;
	v52 =	vld.idx.msk [tilespmem:v0+s17+$0x0], $0xffff  }
0x455: {  	v46 =	vor.u32 v33, v58;
	v0 =	vld [tilespmem:$0x1FE00]  }
0x456: {  	v51 =	vld.idx.msk [tilespmem:v1+s17+$0x0], $0xffff  }
0x457: {  	p0 =	slt.u32 s1, $0xE;
	v47 =	vor.u32 v2, v59;
	v1 =	vld [tilespmem:$0x1FDA0]  }
.Ltmp3:
0x458: {  	_ = 	snop;
	(pc) =	sbr.rel @p0 .LBB2_9-.Ltmp3, $4  }
0x459: {  	v49 =	vld.idx.msk [tilespmem:v45+s17+$0x0], $0xffff  }
0x45a: {  	v61 =	vor.u32 v28, v59;
	v48 =	vshll.u32 v59, $0x7;
	v57 =	vld.idx.msk [tilespmem:v46+s17+$0x0], $0xffff  }
0x45b: {  	v14 =	vlaneseq.u32;
	v62 =	vor.u32 v63, v58;
	v0 =	vor.u32 v0, v59;
	v54 =	vld.idx.msk [tilespmem:v3+s17+$0x0], $0xffff  }
0x45c: {  	s1 =	sadd.s32 $0x2, s1;
	v2 =	vor.u32 v17, v59;
	v60 =	vld.idx.msk [tilespmem:v47+s17+$0x0], $0xffff;
	v63 =	vor.u32 v1, v59;
	v1 =	vor.u32 v25, v59  }
0x45d: {  	_ =	sdelay $0x3  }
0x45e: {  	v2 =	vld.idx.msk [tilespmem:v2+s17+$0x0], $0xffff  }
0x45f: {  	v19 =	vld [tilespmem:$0x1FD30]  }
0x460: {  	v4 =	vld.idx.msk [tilespmem:v62+s17+$0x0], $0xffff  }
0x461: {  	v22 =	vld [tilespmem:$0x1FD20]  }
0x462: {  	v0 =	vld.idx.msk [tilespmem:v0+s17+$0x0], $0xffff  }
0x463: {  	v16 =	vld [tilespmem:$0x1FD10]  }
0x464: {  	v7 =	vld.idx.msk [tilespmem:v63+s17+$0x0], $0xffff  }
0x465: {  	v1 =	vld.idx.msk [tilespmem:v1+s17+$0x0], $0xffff  }
0x466: {  	v35 =	vld [tilespmem:$0x1FF50]  }
0x467: {  	v9 =	vld.idx.msk [tilespmem:v61+s17+$0x0], $0xffff  }
0x468: {  	v38 =	vld [tilespmem:$0x1FF40]  }
0x469: {  	v21 =	vld [tilespmem:$0x1FF30]  }
0x46a: {  	v36 =	vld [tilespmem:$0x1FF20]  }
0x46b: {  	v18 =	vld [tilespmem:$0x1FF10]  }
0x46c: {  	v40 =	vld [tilespmem:$0x1FF60]  }
0x46d: {  	v37 =	vld [tilespmem:$0x1FF70]  }
0x46e: {  	v42 =	vld [tilespmem:$0x1FF80]  }
0x46f: {  	v39 =	vld [tilespmem:$0x1FF90]  }
0x470: {  	v44 =	vld [tilespmem:$0x1FFA0]  }
0x471: {  	v41 =	vld [tilespmem:$0x1FFB0]  }
0x472: {  	v46 =	vld [tilespmem:$0x1FFC0]  }
0x473: {  	v43 =	vld [tilespmem:$0x1FFD0]  }
0x474: {  	v47 =	vld [tilespmem:$0x1FFE0]  }
0x475: {  	v45 =	vld [tilespmem:$0x1FE40]  }
0x476: {  	v15 =	vld [tilespmem:$0x1FE50];
	v3 =	vor.u32 v19, v59  }
0x477: {  	v23 =	vld [tilespmem:$0x1FE60];
	v5 =	vor.u32 v22, v58  }
0x478: {  	v17 =	vld [tilespmem:$0x1FE70];
	v6 =	vor.u32 v16, v59  }
0x479: {  	v20 =	vld [tilespmem:$0x1FE80];
	v8 =	vor.u32 v35, v59  }
0x47a: {  	v25 =	vld [tilespmem:$0x1FE90];
	v10 =	vor.u32 v38, v58  }
0x47b: {  	v11 =	vor.u32 v21, v59;
	v3 =	vld.idx.msk [tilespmem:v3+s17+$0x0], $0xffff  }
0x47c: {  	v12 =	vor.u32 v36, v59;
	v5 =	vld.idx.msk [tilespmem:v5+s17+$0x0], $0xffff  }
0x47d: {  	v14 =	vor.u32 v14, v48;
	v13 =	vor.u32 v18, v58;
	v6 =	vld.idx.msk [tilespmem:v6+s17+$0x0], $0xffff  }
0x47e: {  	v58 =	vor.u32 v40, v48;
	v8 =	vld.idx.msk [tilespmem:v8+s17+$0x0], $0xffff  }
0x47f: {  	v32 =	vor.u32 v37, v48;
	v10 =	vld.idx.msk [tilespmem:v10+s17+$0x0], $0xffff  }
0x480: {  	v33 =	vor.u32 v42, v48;
	v11 =	vld.idx.msk [tilespmem:v11+s17+$0x0], $0xffff  }
0x481: {  	v34 =	vor.u32 v39, v48;
	v12 =	vld.idx.msk [tilespmem:v12+s17+$0x0], $0xffff  }
0x482: {  	v13 =	vld.idx.msk [tilespmem:v13+s17+$0x0], $0xffff;
	[tilespmem:v14+s23+$0x0] =	vst.idx.msk $0xffff, v6;
	v6 =	vor.u32 v44, v48  }
0x483: {  	v59 =	vld [tilespmem:$0x1FFF0];
	[tilespmem:v58+s23+$0x0] =	vst.idx.msk $0xffff, v5;
	v5 =	vor.u32 v41, v48  }
0x484: {  	v30 =	vld [tilespmem:$0x1FEB0];
	[tilespmem:v32+s23+$0x0] =	vst.idx.msk $0xffff, v3;
	v3 =	vor.u32 v46, v48  }
0x485: {  	v26 =	vld [tilespmem:$0x1FEC0];
	[tilespmem:v33+s23+$0x0] =	vst.idx.msk $0xffff, v9;
	v9 =	vor.u32 v43, v48  }
0x486: {  	v28 =	vld [tilespmem:$0x1FED0];
	v14 =	vor.u32 v47, v48;
	[tilespmem:v34+s23+$0x0] =	vst.idx.msk $0xffff, v55  }
0x487: {  	v27 =	vld [tilespmem:$0x1FEE0];
	[tilespmem:v6+s23+$0x0] =	vst.idx.msk $0xffff, v56;
	v6 =	vor.u32 v45, v48  }
0x488: {  	v29 =	vld [tilespmem:$0x1FEF0];
	[tilespmem:v5+s23+$0x0] =	vst.idx.msk $0xffff, v60;
	v5 =	vor.u32 v59, v48  }
0x489: {  	v32 =	vld [tilespmem:$0x1FEA0];
	[tilespmem:v3+s23+$0x0] =	vst.idx.msk $0xffff, v57;
	v3 =	vor.u32 v15, v48  }
0x48a: {  	v24 =	vld [tilespmem:$0x1FD50];
	[tilespmem:v9+s23+$0x0] =	vst.idx.msk $0xffff, v2;
	v2 =	vor.u32 v23, v48  }
0x48b: {  	v31 =	vld [tilespmem:$0x1FE00];
	[tilespmem:v14+s23+$0x0] =	vst.idx.msk $0xffff, v7;
	v7 =	vor.u32 v17, v48  }
0x48c: {  	v33 =	vld [tilespmem:$0x1FE20];
	[tilespmem:v6+s23+$0x0] =	vst.idx.msk $0xffff, v53;
	v6 =	vor.u32 v20, v48  }
0x48d: {  	v34 =	vld [tilespmem:$0x1FF00];
	[tilespmem:v5+s23+$0x0] =	vst.idx.msk $0xffff, v54;
	v5 =	vor.u32 v25, v48  }
0x48e: {  	v60 =	vld [tilespmem:$0x1FDD0];
	[tilespmem:v3+s23+$0x0] =	vst.idx.msk $0xffff, v1;
	v1 =	vor.u32 v32, v48  }
0x48f: {  	v9 =	vld [tilespmem:$0x1FDB0];
	[tilespmem:v2+s23+$0x0] =	vst.idx.msk $0xffff, v4;
	v2 =	vor.u32 v30, v48  }
0x490: {  	v14 =	vld [tilespmem:$0x1FE10];
	v3 =	vor.u32 v26, v48;
	[tilespmem:v7+s23+$0x0] =	vst.idx.msk $0xffff, v50  }
0x491: {  	v50 =	vld [tilespmem:$0x1FDC0];
	[tilespmem:v6+s23+$0x0] =	vst.idx.msk $0xffff, v0;
	v0 =	vor.u32 v28, v48  }
0x492: {  	v4 =	vor.u32 v27, v48;
	v7 =	vld [tilespmem:$0x1FE30];
	[tilespmem:v5+s23+$0x0] =	vst.idx.msk $0xffff, v52  }
0x493: {  	v5 =	vor.u32 v29, v48;
	[tilespmem:v1+s23+$0x0] =	vst.idx.msk $0xffff, v51;
	v1 =	vor.u32 v34, v48;
	v48 =	vld [tilespmem:$0x1FD80]  }
0x494: {  	s26 =	sadd.s32 $0x1, s26;
	[tilespmem:v2+s23+$0x0] =	vst.idx.msk $0xffff, v49;
	v2 =	vld [tilespmem:$0x1FD40]  }
0x495: {  	s0 =	smul.u32 $0x30000, s28;
	p0 =	sne.s32 s26, $0x30;
	v49 =	vld [tilespmem:$0x1FDE0];
	[tilespmem:v3+s23+$0x0] =	vst.idx.msk $0xffff, v13  }
.Ltmp4:
0x496: {  	v3 =	vld [tilespmem:$0x1FD60];
	[tilespmem:v0+s23+$0x0] =	vst.idx.msk $0xffff, v12;
	(pc) =	sbr.rel @p0 .LBB2_2-.Ltmp4, $4  }
0x497: {  	s0 =	sor.u32 s6, s0;
	v6 =	vmov v45;
	v51 =	vmov v22;
	v12 =	vld [tilespmem:$0x1FDA0];
	[tilespmem:v4+s23+$0x0] =	vst.idx.msk $0xffff, v11  }
0x498: {  	s0 =	sshrl.u32 s0, $0x3;
	v22 =	vmovc v15;
	v13 =	vmovc v20;
	v20 =	vmov v25;
	v0 =	vlaneseq.u32;
	v11 =	vld [tilespmem:$0x1FDF0];
	v4 =	vmov v47;
	[tilespmem:v5+s23+$0x0] =	vst.idx.msk $0xffff, v10  }
0x499: {  	s0 =	sadd.s32 s2, s0;
	v5 =	vmovc v19;
	v19 =	vld [tilespmem:$0x1FD70];
	[tilespmem:v1+s23+$0x0] =	vst.idx.msk $0xffff, v8;
	v1 =	vmovc v16;
	v16 =	vmov v18;
	v18 =	vmov v21;
	v21 =	vmov v35  }
0x49a: {  	v10 =	vld [tilespmem:$0x1FD90];
	v35 =	vmovc v37;
	v37 =	vmovc v39;
	v39 =	vmov v41;
	v41 =	vmov v43;
	v8 =	vmov v59;
	[hbm4b:s0+s19] =	stream.strided.scatter [tilespmem:s23], [sflag:$0x2], $0x1800, s20, s19, $0x38  }
0x49b: {  	_ =	swait.ge [sflag:s24], $0x1800  }
0x49c: {  	[sflag:s24] =	ssyncset.done $0x0  }
0x49d: {  	[sflag:s24] =	ssyncadd.s32 $0xFFFFE800  }
0x49e: {  	_ =	swait.ge [sflag:s24], $0x1800  }
0x49f: {  	[sflag:s24] =	ssyncset.done $0x0  }
0x4a0: {  	s25 =	sadd.s32 $0x1, s25;
	[sflag:s24] =	ssyncadd.s32 $0xFFFFE800  }
0x4a1: {  	p0 =	sne.s32 s25, s9;
	_ =	swait.ge [sflag:s24], $0x1800  }
.Ltmp5:
0x4a2: {  	[sflag:s24] =	ssyncset.done $0x0;
	(pc) =	sbr.rel @p0 .LBB2_1-.Ltmp5, $4  }
0x4a3: {  	[sflag:s24] =	ssyncadd.s32 $0xFFFFE800  }
0x4a4: {  	_ =	swait.ge [sflag:s24], $0x1800  }
0x4a5: {  	[sflag:s24] =	ssyncset.done $0x0  }
0x4a6: {  	[sflag:s24] =	ssyncadd.s32 $0xFFFFE800  }
0x4a7: {  	_ =	sfence.sel $0x180000  }
0x4a8: {  	[bflag:$0x0] =	sbarrier.arrive $0xFFFF  }
0x4a9: {  	_ =	strace $0x90000047  }
0x4aa: {  	s0 =	stileid.u32;
	[bflag:$0x2] =	sbarrier.arrive $0xFFFF  }
0x4ab: {  	p0 =	sne.s32 s0, $0x0;
	s0 =	rddreg [dreg:$0x2]  }
0x4ac: {  	s0 =	sadd.s32 @!p0 $0x100000, s0  }
0x4ad: {  	[sflag:s0] =	ssyncadd.tile.s32 @!p0 $0x1;
	_ =	shalt  }
.Lfunc_end2:
_tile_overlayer_lowered:
.L_overlay_start_2:
0x4ae: {  	(tag) =	ssettag $0x2  }
0x4af: {  	s0 =	rddreg [dreg:$0x0];
	s2 =	stileid.u32  }
0x4b0: {  	s1 =	rddreg [dreg:$0x1];
	p0 =	sne.s32 s2, $0x0  }
0x4b1: {  	s3 =	rddreg [dreg:$0x2];
	[bflag:$0x3] =	sbarrier.arrive $0xFFFF;
	s2 =	simm.s32 @!p0 $0x1C03  }
0x4b2: {  	[timem:s3], [sflag:s2] =	dma.local @!p0 [hbm:s0], s1  }
0x4b3: {  	s0 =	simm.s32 @!p0 $0x3  }
0x4b4: {  	_ =	swait.ge @!p0 [sflag:s0], s1  }
0x4b5: {  	s1 =	ssub.s32 @!p0 $0x0, s1;
	[sflag:s0] =	ssyncset.done @!p0 $0x0  }
0x4b6: {  	[sflag:s0] =	ssyncadd.s32 @!p0 s1  }
0x4b7: {  	[bflag:$0x3] =	sbarrier.arrive $0xFFFF  }
0x4b8: {  	_ =	shalt  }

</sc_bundles>
